<compile_context>
chip_gen: v7x
topology: tpu7x:2x2x1
jax: 0.10.2.dev20260603
libtpu: 0.0.44.dev20260713+nightly
codegen_flags: <defaults>
</compile_context>

<pallas_src>
import jax
import jax.numpy as jnp
from jax import lax
from jax.experimental import pallas as pl
from jax.experimental.pallas import tpu as pltpu
from jax.experimental.pallas import tpu_sc as plsc

BATCH = 16384
DIM = 64
HIDDEN = 20
NC = 2
NS = 16
NW = NC * NS
LANES = 16
V = 1000000
CH = 640
NCHUNK = 1562
TAIL = NCHUNK * CH
SLOTS = 64
TAILN = V - TAIL


def _sc_sweep(user_hbm, item_hbm, utabT_hbm, itabT_hbm, uo_hbm, vo_hbm,
              idxall, hpos, chunk, staging, mb, semo, semA, semB):
    wid = lax.axis_index("s") * NC + lax.axis_index("c")
    start = 48 * wid + jnp.minimum(wid, 26)
    nch = 48 + jnp.where(wid < 26, 1, 0)
    lo = CH * start
    hi = jnp.minimum(lo + CH * nch, TAIL)
    iota = lax.iota(jnp.int32, LANES)

    def phase(idx_src_hbm, tab_hbm, out_hbm):
        pltpu.sync_copy(idx_src_hbm, idxall)

        def scan_g(g, cnt):
            v = idxall[pl.ds(g * LANES, LANES)]
            m = (v >= lo) & (v < hi)
            key = jnp.where(m, 0, 1).astype(jnp.int32)
            _, pv = plsc.sort_key_val(key, iota + g * LANES)
            hpos[pl.ds(cnt, LANES)] = pv
            return cnt + plsc.all_reduce_population_count(m)[0]

        cnt = lax.fori_loop(0, BATCH // LANES, scan_g, 0, unroll=4)
        hpos[pl.ds(cnt, LANES)] = jnp.zeros((LANES,), jnp.int32)
        hpos[pl.ds(cnt + LANES, LANES)] = jnp.zeros((LANES,), jnp.int32)
        n_hg2 = (cnt + 2 * LANES - 1) // (2 * LANES)

        def fire(k):
            ch_lo = pl.multiple_of(lo + k * CH, 128)

            @pl.when((k & 1) == 0)
            def _():
                pltpu.async_copy(tab_hbm.at[:, pl.ds(ch_lo, CH)],
                                 chunk.at[0], semA)

            @pl.when((k & 1) == 1)
            def _():
                pltpu.async_copy(tab_hbm.at[:, pl.ds(ch_lo, CH)],
                                 chunk.at[1], semB)

        def wait_chunk(k):
            @pl.when((k & 1) == 0)
            def _():
                pltpu.make_async_copy(tab_hbm.at[:, pl.ds(0, CH)],
                                      chunk.at[0], semA).wait()

            @pl.when((k & 1) == 1)
            def _():
                pltpu.make_async_copy(tab_hbm.at[:, pl.ds(0, CH)],
                                      chunk.at[1], semB).wait()

        fire(0)

        def do_chunk(k, carry):
            ch_lo = pl.multiple_of(lo + k * CH, 128)
            wait_chunk(k)

            @pl.when(k + 1 < nch)
            def _():
                fire(k + 1)

            cbuf = chunk.at[k & 1]

            def group_one(hg, mglob):
                hp = hpos[pl.ds(hg * LANES, LANES)]
                hv = plsc.load_gather(idxall, [hp])
                m2 = (hv >= ch_lo) & (hv < ch_lo + CH)
                pcnt = plsc.all_reduce_population_count(m2)[0]

                @pl.when(pcnt > 0)
                def _():
                    packed = hp * CH + (hv - ch_lo)
                    key = jnp.where(m2, 0, 1).astype(jnp.int32)
                    _, pk = plsc.sort_key_val(key, packed)
                    mb[pl.ds(0, LANES)] = pk

                def match(h, mg):
                    q = mb[pl.ds(h, LANES)][0]
                    l = lax.rem(q, CH)
                    p = lax.div(q, CH)
                    slot = mg & (SLOTS - 1)

                    @pl.when(mg >= SLOTS)
                    def _():
                        pltpu.make_async_copy(
                            out_hbm.at[pl.ds(0, DIM)],
                            staging.at[pl.ds(0, DIM)], semo).wait()

                    cols = jnp.full((LANES,), l, jnp.int32)
                    for gg in range(DIM // LANES):
                        vals = plsc.load_gather(
                            cbuf, [iota + gg * LANES, cols])
                        staging[pl.ds(slot * DIM + gg * LANES, LANES)] = vals
                    po = pl.multiple_of(p * DIM, 8)
                    pltpu.async_copy(staging.at[pl.ds(slot * DIM, DIM)],
                                     out_hbm.at[pl.ds(po, DIM)], semo)
                    return mg + 1

                return lax.fori_loop(0, pcnt, match, mglob)

            def group2(hg2, mglob):
                mglob = group_one(2 * hg2, mglob)
                return group_one(2 * hg2 + 1, mglob)

            mglob = lax.fori_loop(0, n_hg2, group2, 0)

            def drain(_, c):
                pltpu.make_async_copy(out_hbm.at[pl.ds(0, DIM)],
                                      staging.at[pl.ds(0, DIM)], semo).wait()
                return c

            lax.fori_loop(0, jnp.minimum(mglob, SLOTS), drain, 0)
            return carry

        lax.fori_loop(0, nch, do_chunk, 0)

    phase(user_hbm, utabT_hbm, uo_hbm)
    phase(item_hbm, itabT_hbm, vo_hbm)


@jax.jit
def _sc_stage(user, item, utabT, itabT):
    mesh = plsc.VectorSubcoreMesh(core_axis_name="c", subcore_axis_name="s")
    fn = pl.kernel(
        _sc_sweep,
        out_type=(jax.ShapeDtypeStruct((BATCH * DIM,), jnp.float32),
                  jax.ShapeDtypeStruct((BATCH * DIM,), jnp.float32)),
        mesh=mesh,
        scratch_types=[
            pltpu.VMEM((BATCH,), jnp.int32),
            pltpu.VMEM((BATCH + 2 * LANES,), jnp.int32),
            pltpu.VMEM((2, DIM, CH), jnp.float32),
            pltpu.VMEM((SLOTS * DIM,), jnp.float32),
            pltpu.VMEM((2 * LANES,), jnp.int32),
            pltpu.SemaphoreType.DMA,
            pltpu.SemaphoreType.DMA,
            pltpu.SemaphoreType.DMA,
        ],
        compiler_params=pltpu.CompilerParams(needs_layout_passes=False),
    )
    return fn(user, item, utabT, itabT)


def _tc_mlp_body(u_ref, v_ref, ui_ref, vi_ref, tu_ref, tv_ref,
                 w1t_ref, b1_ref, w2t_ref, b2_ref, o_ref):
    blk = u_ref.shape[0]
    tiota = lax.broadcasted_iota(jnp.int32, (blk, TAILN), 1)
    ui = ui_ref[...]
    vi = vi_ref[...]
    uoh = (ui - TAIL == tiota).astype(jnp.float32)
    voh = (vi - TAIL == tiota).astype(jnp.float32)
    um = ui >= TAIL
    vm = vi >= TAIL
    u = u_ref[...]
    v = v_ref[...]
    u = jnp.where(um,
                  jnp.dot(uoh, tu_ref[...], preferred_element_type=jnp.float32), u)
    v = jnp.where(vm,
                  jnp.dot(voh, tv_ref[...], preferred_element_type=jnp.float32), v)
    x = u * v
    h = jnp.dot(x, w1t_ref[...], preferred_element_type=jnp.float32)
    h = jnp.maximum(h + b1_ref[...], 0.0)
    z = jnp.dot(h, w2t_ref[...], preferred_element_type=jnp.float32)
    z = z + b2_ref[0, 0]
    o_ref[...] = 1.0 / (1.0 + jnp.exp(-z[:, 0]))


def _tc_mlp(u2d, v2d, ui, vi, tail_u, tail_v, W1T, b1r, W2T, b2r):
    blk = 2048
    grid = (BATCH // blk,)
    return pl.pallas_call(
        _tc_mlp_body,
        grid=grid,
        in_specs=[
            pl.BlockSpec((blk, DIM), lambda i: (i, 0)),
            pl.BlockSpec((blk, DIM), lambda i: (i, 0)),
            pl.BlockSpec((blk, 1), lambda i: (i, 0)),
            pl.BlockSpec((blk, 1), lambda i: (i, 0)),
            pl.BlockSpec((TAILN, DIM), lambda i: (0, 0)),
            pl.BlockSpec((TAILN, DIM), lambda i: (0, 0)),
            pl.BlockSpec((DIM, HIDDEN), lambda i: (0, 0)),
            pl.BlockSpec((1, HIDDEN), lambda i: (0, 0)),
            pl.BlockSpec((HIDDEN, 1), lambda i: (0, 0)),
            pl.BlockSpec((1, 1), lambda i: (0, 0), memory_space=pltpu.SMEM),
        ],
        out_specs=pl.BlockSpec((blk,), lambda i: (i,)),
        out_shape=jax.ShapeDtypeStruct((BATCH,), jnp.float32),
    )(u2d, v2d, ui, vi, tail_u, tail_v, W1T, b1r, W2T, b2r)


def kernel(user, item, user_table, item_table, W1, b1, W2, b2):
    user = user.astype(jnp.int32)
    item = item.astype(jnp.int32)
    user_c = jnp.minimum(user, TAIL - 1)
    item_c = jnp.minimum(item, TAIL - 1)
    u_flat, v_flat = _sc_stage(user_c, item_c, user_table.T, item_table.T)
    u2d = u_flat.reshape(BATCH, DIM)
    v2d = v_flat.reshape(BATCH, DIM)
    tail_u = user_table[TAIL:, :]
    tail_v = item_table[TAIL:, :]
    W1T = W1.T
    b1r = b1.reshape(1, HIDDEN)
    W2T = W2.T
    b2r = b2.reshape(1, 1)
    return _tc_mlp(u2d, v2d, user.reshape(BATCH, 1), item.reshape(BATCH, 1),
                   tail_u, tail_v, W1T, b1r, W2T, b2r)

# --- scband reference (transcript-rebuilt; emitter-appended) ---
"""Pipeline reference for scband-recommender-net-584115552841 (READ-ONLY COPY).

The authoritative reference and input builder live on the scoring server;
editing this copy changes nothing except your own understanding.
"""

import jax, jax.numpy as jnp
import numpy as np

N_USERS = 1000000
N_ITEMS = 1000000
DIM = 64
BATCH = 16384
HIDDEN = 20

def setup_inputs(seed: int = 0) -> dict:
    key = jax.random.key(seed)
    k1, k2, k3, k4, k5, k6, k7, k8 = jax.random.split(key, 8)
    bound = DIM ** (-0.5)
    user = jax.random.randint(k1, (BATCH,), 0, N_USERS)
    item = jax.random.randint(k2, (BATCH,), 0, N_ITEMS)
    user_table = jax.random.uniform(k3, (N_USERS, DIM), dtype=jnp.float32, minval=-bound, maxval=bound)
    item_table = jax.random.uniform(k4, (N_ITEMS, DIM), dtype=jnp.float32, minval=-bound, maxval=bound)
    # MLP params (torch Linear default init: U(-1/sqrt(fan_in), 1/sqrt(fan_in)))
    b1v = DIM ** (-0.5)
    W1 = jax.random.uniform(k5, (HIDDEN, DIM), dtype=jnp.float32, minval=-b1v, maxval=b1v)
    b1 = jax.random.uniform(k6, (HIDDEN,), dtype=jnp.float32, minval=-b1v, maxval=b1v)
    b2v = HIDDEN ** (-0.5)
    W2 = jax.random.uniform(k7, (1, HIDDEN), dtype=jnp.float32, minval=-b2v, maxval=b2v)
    b2 = jax.random.uniform(k8, (1,), dtype=jnp.float32, minval=-b2v, maxval=b2v)
    return {"user": user, "item": item, "user_table": user_table, "item_table": item_table, "W1": W1, "b1": b1, "W2": W2, "b2": b2}

def reference(user, item, user_table, item_table, W1, b1, W2, b2):
    user_emb = jnp.take(user_table, user, axis=0)
    item_emb = jnp.take(item_table, item, axis=0)
    x = user_emb * item_emb
    h = jax.nn.relu(x @ W1.T + b1)
    out = jax.nn.sigmoid(h @ W2.T + b2)
    return out.reshape(-1)

if __name__ == "__main__":
    import jax
    _d = setup_inputs()
    print(jax.jit(kernel)(*tuple(_d.values())))

</pallas_src>

<mosaic_0001>
#map = affine_map<(d0, d1) -> (0)>
#map1 = affine_map<(d0, d1) -> (0, 0)>
module attributes {stable_mosaic.version = 14 : i64} {
  func.func @_sc_sweep(%arg0: i32, %arg1: i32, %arg2: memref<16384xi32, #tpu.memory_space<hbm>>, %arg3: memref<16384xi32, #tpu.memory_space<hbm>>, %arg4: memref<64x1000000xf32, #tpu.memory_space<hbm>>, %arg5: memref<64x1000000xf32, #tpu.memory_space<hbm>>, %arg6: memref<1048576xf32, #tpu.memory_space<hbm>>, %arg7: memref<1048576xf32, #tpu.memory_space<hbm>>, %arg8: memref<16384xi32, #tpu.memory_space<vmem>>, %arg9: memref<16416xi32, #tpu.memory_space<vmem>>, %arg10: memref<2x64x640xf32, #tpu.memory_space<vmem>>, %arg11: memref<4096xf32, #tpu.memory_space<vmem>>, %arg12: memref<32xi32, #tpu.memory_space<vmem>>, %arg13: memref<!tpu.dma_semaphore, #tpu.memory_space<semaphore_mem>>, %arg14: memref<!tpu.dma_semaphore, #tpu.memory_space<semaphore_mem>>, %arg15: memref<!tpu.dma_semaphore, #tpu.memory_space<semaphore_mem>>) attributes {dimension_semantics = [#tpu.dimension_semantics<core_parallel>, #tpu.dimension_semantics<subcore_parallel>], iteration_bounds = array<i64: 2, 16>, scalar_prefetch = 0 : i64, scratch_operands = 8 : i64, tpu.core_type = #tpu.core_type<sc_vector_subcore>, window_params = [{transform_indices = #map}, {transform_indices = #map}, {transform_indices = #map1}, {transform_indices = #map1}, {transform_indices = #map}, {transform_indices = #map}]} {
    %mul3A = arith.constant 2 : i32
    %mul3A_0 = arith.muli %arg1, %mul3A : i32
    %add3A = arith.addi %mul3A_0, %arg0 : i32
    %mul3A_1 = arith.constant 48 : i32
    %mul3A_2 = arith.muli %mul3A_1, %add3A : i32
    %min3A = arith.constant 26 : i32
    %min3A_3 = arith.minsi %add3A, %min3A : i32
    %add3A_4 = arith.addi %mul3A_2, %min3A_3 : i32
    %lt3A = arith.constant 26 : i32
    %lt3A_5 = arith.cmpi slt, %add3A, %lt3A : i32
    %jit3A = arith.constant 1 : i32
    %jit3A_6 = arith.constant 0 : i32
    %select_n3A = arith.select %lt3A_5, %jit3A, %jit3A_6 : i32
    %add3A_7 = arith.constant 48 : i32
    %add3A_8 = arith.addi %add3A_7, %select_n3A : i32
    %mul3A_9 = arith.constant 640 : i32
    %mul3A_10 = arith.muli %mul3A_9, %add3A_4 : i32
    %mul3A_11 = arith.constant 640 : i32
    %mul3A_12 = arith.muli %mul3A_11, %add3A_8 : i32
    %add3A_13 = arith.addi %mul3A_10, %mul3A_12 : i32
    %min3A_14 = arith.constant 999680 : i32
    %min3A_15 = arith.minsi %add3A_13, %min3A_14 : i32
    %iota3A = tpu.iota {dimensions = array<i32: 0>} : vector<16xi32>
    "tpu.region"() ({
      %run_scoped3A = tpu.sem_alloc : memref<!tpu.dma_semaphore, #tpu.memory_space<semaphore_mem>>
      tpu.enqueue_dma source(%arg2 : memref<16384xi32, #tpu.memory_space<hbm>>) target(%arg8 : memref<16384xi32, #tpu.memory_space<vmem>>) target_semaphore(%run_scoped3A : memref<!tpu.dma_semaphore, #tpu.memory_space<semaphore_mem>>)
      tpu.wait_dma2 semaphore(%run_scoped3A : memref<!tpu.dma_semaphore, #tpu.memory_space<semaphore_mem>>) src(%arg2 : memref<16384xi32, #tpu.memory_space<hbm>>) dst(%arg8 : memref<16384xi32, #tpu.memory_space<vmem>>)
      tpu.yield
    }) : () -> ()
    %scan3A = arith.constant 0 : i32
    %scan3A_16 = arith.constant 0 : i32
    %scan3A_17 = arith.constant 1024 : i32
    %scan3A_18 = arith.addi %scan3A_16, %scan3A_17 : i32
    %scan3A_19 = arith.constant 4 : i32
    %scan3A_20 = scf.for %scan3A_146 = %scan3A_16 to %scan3A_18 step %scan3A_19 iter_args(%scan3A_147 = %scan3A) -> (i32)  : i32 {
      %mul3A_148 = arith.constant 16 : i32
      %mul3A_149 = arith.muli %scan3A_146, %mul3A_148 : i32
      %get3A = arith.index_cast %mul3A_149 : i32 to index
      %get3A_150 = tpu.vector_load %arg8[%get3A] {strides = array<i32>} : memref<16384xi32, #tpu.memory_space<vmem>>, vector<16xi32>,
      %ge3A = vector.broadcast %mul3A_10 : i32 to vector<16xi32>
      %ge3A_151 = arith.cmpi sge, %get3A_150, %ge3A : vector<16xi32>
      %lt3A_152 = vector.broadcast %min3A_15 : i32 to vector<16xi32>
      %lt3A_153 = arith.cmpi slt, %get3A_150, %lt3A_152 : vector<16xi32>
      %and3A_154 = arith.andi %ge3A_151, %lt3A_153 : vector<16xi1>
      %jit3A_155 = arith.constant 0 : i32
      %jit3A_156 = arith.constant 1 : i32
      %broadcast_in_dim3A_157 = vector.broadcast %jit3A_155 : i32 to vector<16xi32>
      %broadcast_in_dim3A_158 = vector.broadcast %jit3A_156 : i32 to vector<16xi32>
      %select_n3A_159 = arith.select %and3A_154, %broadcast_in_dim3A_157, %broadcast_in_dim3A_158 : vector<16xi1>, vector<16xi32>
      %mul3A_160 = arith.constant 16 : i32
      %mul3A_161 = arith.muli %scan3A_146, %mul3A_160 : i32
      %add3A_162 = vector.broadcast %mul3A_161 : i32 to vector<16xi32>
      %add3A_163 = arith.addi %iota3A, %add3A_162 : vector<16xi32>
      %masked_sort3A = arith.constant dense<true> : vector<16xi1>
      %masked_sort3A_164 = arith.constant -2147483648 : i32
      %masked_sort3A_165 = vector.broadcast %masked_sort3A_164 : i32 to vector<16xi32>
      %masked_sort3A_166 = arith.xori %select_n3A_159, %masked_sort3A_165 : vector<16xi32>
      %masked_sort3A_167, %masked_sort3A_168, %masked_sort3A_169 = tpu.sort %masked_sort3A_166, %add3A_163 masked %masked_sort3A : (vector<16xi32>, vector<16xi32>, vector<16xi1>) -> (vector<16xi1>, vector<16xi32>, vector<16xi32>)
      %masked_sort3A_170 = arith.xori %masked_sort3A_168, %masked_sort3A_165 : vector<16xi32>
      %swap3A_171 = arith.index_cast %scan3A_147 : i32 to index
      %swap3A_172 = tpu.vector_load %arg9[%swap3A_171] {strides = array<i32>} : memref<16416xi32, #tpu.memory_space<vmem>>, vector<16xi32>,
      tpu.vector_store %arg9[%swap3A_171], %masked_sort3A_169 {strides = array<i32>} : memref<16416xi32, #tpu.memory_space<vmem>>, vector<16xi32>,
      %all_reduce_population_count3A = tpu.all_reduce %and3A_154 {dim = 0 : i64, kind = #tpu.reduction_kind<sum>} : vector<16xi1> -> vector<16xi32>
      %slice3A = vector.extract_strided_slice %all_reduce_population_count3A {offsets = [0], sizes = [1], strides = [1]} : vector<16xi32> to vector<1xi32>
      %squeeze3A = vector.extract %slice3A[0] : i32 from vector<1xi32>
      %add3A_173 = arith.addi %scan3A_147, %squeeze3A : i32
      %scan3A_174 = arith.constant 1 : i32
      %scan3A_175 = arith.addi %scan3A_146, %scan3A_174 : i32
      %mul3A_176 = arith.constant 16 : i32
      %mul3A_177 = arith.muli %scan3A_175, %mul3A_176 : i32
      %get3A_178 = arith.index_cast %mul3A_177 : i32 to index
      %get3A_179 = tpu.vector_load %arg8[%get3A_178] {strides = array<i32>} : memref<16384xi32, #tpu.memory_space<vmem>>, vector<16xi32>,
      %ge3A_180 = vector.broadcast %mul3A_10 : i32 to vector<16xi32>
      %ge3A_181 = arith.cmpi sge, %get3A_179, %ge3A_180 : vector<16xi32>
      %lt3A_182 = vector.broadcast %min3A_15 : i32 to vector<16xi32>
      %lt3A_183 = arith.cmpi slt, %get3A_179, %lt3A_182 : vector<16xi32>
      %and3A_184 = arith.andi %ge3A_181, %lt3A_183 : vector<16xi1>
      %jit3A_185 = arith.constant 0 : i32
      %jit3A_186 = arith.constant 1 : i32
      %broadcast_in_dim3A_187 = vector.broadcast %jit3A_185 : i32 to vector<16xi32>
      %broadcast_in_dim3A_188 = vector.broadcast %jit3A_186 : i32 to vector<16xi32>
      %select_n3A_189 = arith.select %and3A_184, %broadcast_in_dim3A_187, %broadcast_in_dim3A_188 : vector<16xi1>, vector<16xi32>
      %mul3A_190 = arith.constant 16 : i32
      %mul3A_191 = arith.muli %scan3A_175, %mul3A_190 : i32
      %add3A_192 = vector.broadcast %mul3A_191 : i32 to vector<16xi32>
      %add3A_193 = arith.addi %iota3A, %add3A_192 : vector<16xi32>
      %masked_sort3A_194 = arith.constant dense<true> : vector<16xi1>
      %masked_sort3A_195 = arith.constant -2147483648 : i32
      %masked_sort3A_196 = vector.broadcast %masked_sort3A_195 : i32 to vector<16xi32>
      %masked_sort3A_197 = arith.xori %select_n3A_189, %masked_sort3A_196 : vector<16xi32>
      %masked_sort3A_198, %masked_sort3A_199, %masked_sort3A_200 = tpu.sort %masked_sort3A_197, %add3A_193 masked %masked_sort3A_194 : (vector<16xi32>, vector<16xi32>, vector<16xi1>) -> (vector<16xi1>, vector<16xi32>, vector<16xi32>)
      %masked_sort3A_201 = arith.xori %masked_sort3A_199, %masked_sort3A_196 : vector<16xi32>
      %swap3A_202 = arith.index_cast %add3A_173 : i32 to index
      %swap3A_203 = tpu.vector_load %arg9[%swap3A_202] {strides = array<i32>} : memref<16416xi32, #tpu.memory_space<vmem>>, vector<16xi32>,
      tpu.vector_store %arg9[%swap3A_202], %masked_sort3A_200 {strides = array<i32>} : memref<16416xi32, #tpu.memory_space<vmem>>, vector<16xi32>,
      %all_reduce_population_count3A_204 = tpu.all_reduce %and3A_184 {dim = 0 : i64, kind = #tpu.reduction_kind<sum>} : vector<16xi1> -> vector<16xi32>
      %slice3A_205 = vector.extract_strided_slice %all_reduce_population_count3A_204 {offsets = [0], sizes = [1], strides = [1]} : vector<16xi32> to vector<1xi32>
      %squeeze3A_206 = vector.extract %slice3A_205[0] : i32 from vector<1xi32>
      %add3A_207 = arith.addi %add3A_173, %squeeze3A_206 : i32
      %scan3A_208 = arith.constant 2 : i32
      %scan3A_209 = arith.addi %scan3A_146, %scan3A_208 : i32
      %mul3A_210 = arith.constant 16 : i32
      %mul3A_211 = arith.muli %scan3A_209, %mul3A_210 : i32
      %get3A_212 = arith.index_cast %mul3A_211 : i32 to index
      %get3A_213 = tpu.vector_load %arg8[%get3A_212] {strides = array<i32>} : memref<16384xi32, #tpu.memory_space<vmem>>, vector<16xi32>,
      %ge3A_214 = vector.broadcast %mul3A_10 : i32 to vector<16xi32>
      %ge3A_215 = arith.cmpi sge, %get3A_213, %ge3A_214 : vector<16xi32>
      %lt3A_216 = vector.broadcast %min3A_15 : i32 to vector<16xi32>
      %lt3A_217 = arith.cmpi slt, %get3A_213, %lt3A_216 : vector<16xi32>
      %and3A_218 = arith.andi %ge3A_215, %lt3A_217 : vector<16xi1>
      %jit3A_219 = arith.constant 0 : i32
      %jit3A_220 = arith.constant 1 : i32
      %broadcast_in_dim3A_221 = vector.broadcast %jit3A_219 : i32 to vector<16xi32>
      %broadcast_in_dim3A_222 = vector.broadcast %jit3A_220 : i32 to vector<16xi32>
      %select_n3A_223 = arith.select %and3A_218, %broadcast_in_dim3A_221, %broadcast_in_dim3A_222 : vector<16xi1>, vector<16xi32>
      %mul3A_224 = arith.constant 16 : i32
      %mul3A_225 = arith.muli %scan3A_209, %mul3A_224 : i32
      %add3A_226 = vector.broadcast %mul3A_225 : i32 to vector<16xi32>
      %add3A_227 = arith.addi %iota3A, %add3A_226 : vector<16xi32>
      %masked_sort3A_228 = arith.constant dense<true> : vector<16xi1>
      %masked_sort3A_229 = arith.constant -2147483648 : i32
      %masked_sort3A_230 = vector.broadcast %masked_sort3A_229 : i32 to vector<16xi32>
      %masked_sort3A_231 = arith.xori %select_n3A_223, %masked_sort3A_230 : vector<16xi32>
      %masked_sort3A_232, %masked_sort3A_233, %masked_sort3A_234 = tpu.sort %masked_sort3A_231, %add3A_227 masked %masked_sort3A_228 : (vector<16xi32>, vector<16xi32>, vector<16xi1>) -> (vector<16xi1>, vector<16xi32>, vector<16xi32>)
      %masked_sort3A_235 = arith.xori %masked_sort3A_233, %masked_sort3A_230 : vector<16xi32>
      %swap3A_236 = arith.index_cast %add3A_207 : i32 to index
      %swap3A_237 = tpu.vector_load %arg9[%swap3A_236] {strides = array<i32>} : memref<16416xi32, #tpu.memory_space<vmem>>, vector<16xi32>,
      tpu.vector_store %arg9[%swap3A_236], %masked_sort3A_234 {strides = array<i32>} : memref<16416xi32, #tpu.memory_space<vmem>>, vector<16xi32>,
      %all_reduce_population_count3A_238 = tpu.all_reduce %and3A_218 {dim = 0 : i64, kind = #tpu.reduction_kind<sum>} : vector<16xi1> -> vector<16xi32>
      %slice3A_239 = vector.extract_strided_slice %all_reduce_population_count3A_238 {offsets = [0], sizes = [1], strides = [1]} : vector<16xi32> to vector<1xi32>
      %squeeze3A_240 = vector.extract %slice3A_239[0] : i32 from vector<1xi32>
      %add3A_241 = arith.addi %add3A_207, %squeeze3A_240 : i32
      %scan3A_242 = arith.constant 3 : i32
      %scan3A_243 = arith.addi %scan3A_146, %scan3A_242 : i32
      %mul3A_244 = arith.constant 16 : i32
      %mul3A_245 = arith.muli %scan3A_243, %mul3A_244 : i32
      %get3A_246 = arith.index_cast %mul3A_245 : i32 to index
      %get3A_247 = tpu.vector_load %arg8[%get3A_246] {strides = array<i32>} : memref<16384xi32, #tpu.memory_space<vmem>>, vector<16xi32>,
      %ge3A_248 = vector.broadcast %mul3A_10 : i32 to vector<16xi32>
      %ge3A_249 = arith.cmpi sge, %get3A_247, %ge3A_248 : vector<16xi32>
      %lt3A_250 = vector.broadcast %min3A_15 : i32 to vector<16xi32>
      %lt3A_251 = arith.cmpi slt, %get3A_247, %lt3A_250 : vector<16xi32>
      %and3A_252 = arith.andi %ge3A_249, %lt3A_251 : vector<16xi1>
      %jit3A_253 = arith.constant 0 : i32
      %jit3A_254 = arith.constant 1 : i32
      %broadcast_in_dim3A_255 = vector.broadcast %jit3A_253 : i32 to vector<16xi32>
      %broadcast_in_dim3A_256 = vector.broadcast %jit3A_254 : i32 to vector<16xi32>
      %select_n3A_257 = arith.select %and3A_252, %broadcast_in_dim3A_255, %broadcast_in_dim3A_256 : vector<16xi1>, vector<16xi32>
      %mul3A_258 = arith.constant 16 : i32
      %mul3A_259 = arith.muli %scan3A_243, %mul3A_258 : i32
      %add3A_260 = vector.broadcast %mul3A_259 : i32 to vector<16xi32>
      %add3A_261 = arith.addi %iota3A, %add3A_260 : vector<16xi32>
      %masked_sort3A_262 = arith.constant dense<true> : vector<16xi1>
      %masked_sort3A_263 = arith.constant -2147483648 : i32
      %masked_sort3A_264 = vector.broadcast %masked_sort3A_263 : i32 to vector<16xi32>
      %masked_sort3A_265 = arith.xori %select_n3A_257, %masked_sort3A_264 : vector<16xi32>
      %masked_sort3A_266, %masked_sort3A_267, %masked_sort3A_268 = tpu.sort %masked_sort3A_265, %add3A_261 masked %masked_sort3A_262 : (vector<16xi32>, vector<16xi32>, vector<16xi1>) -> (vector<16xi1>, vector<16xi32>, vector<16xi32>)
      %masked_sort3A_269 = arith.xori %masked_sort3A_267, %masked_sort3A_264 : vector<16xi32>
      %swap3A_270 = arith.index_cast %add3A_241 : i32 to index
      %swap3A_271 = tpu.vector_load %arg9[%swap3A_270] {strides = array<i32>} : memref<16416xi32, #tpu.memory_space<vmem>>, vector<16xi32>,
      tpu.vector_store %arg9[%swap3A_270], %masked_sort3A_268 {strides = array<i32>} : memref<16416xi32, #tpu.memory_space<vmem>>, vector<16xi32>,
      %all_reduce_population_count3A_272 = tpu.all_reduce %and3A_252 {dim = 0 : i64, kind = #tpu.reduction_kind<sum>} : vector<16xi1> -> vector<16xi32>
      %slice3A_273 = vector.extract_strided_slice %all_reduce_population_count3A_272 {offsets = [0], sizes = [1], strides = [1]} : vector<16xi32> to vector<1xi32>
      %squeeze3A_274 = vector.extract %slice3A_273[0] : i32 from vector<1xi32>
      %add3A_275 = arith.addi %add3A_241, %squeeze3A_274 : i32
      scf.yield %add3A_275 : i32
    }
    %scan3A_21 = arith.constant 1024 : i32
    %broadcast_in_dim3A = arith.constant 0 : i32
    %broadcast_in_dim3A_22 = vector.broadcast %broadcast_in_dim3A : i32 to vector<16xi32>
    %swap3A = arith.index_cast %scan3A_20 : i32 to index
    %swap3A_23 = tpu.vector_load %arg9[%swap3A] {strides = array<i32>} : memref<16416xi32, #tpu.memory_space<vmem>>, vector<16xi32>,
    tpu.vector_store %arg9[%swap3A], %broadcast_in_dim3A_22 {strides = array<i32>} : memref<16416xi32, #tpu.memory_space<vmem>>, vector<16xi32>,
    %broadcast_in_dim3A_24 = arith.constant 0 : i32
    %broadcast_in_dim3A_25 = vector.broadcast %broadcast_in_dim3A_24 : i32 to vector<16xi32>
    %add3A_26 = arith.constant 16 : i32
    %add3A_27 = arith.addi %scan3A_20, %add3A_26 : i32
    %swap3A_28 = arith.index_cast %add3A_27 : i32 to index
    %swap3A_29 = tpu.vector_load %arg9[%swap3A_28] {strides = array<i32>} : memref<16416xi32, #tpu.memory_space<vmem>>, vector<16xi32>,
    tpu.vector_store %arg9[%swap3A_28], %broadcast_in_dim3A_25 {strides = array<i32>} : memref<16416xi32, #tpu.memory_space<vmem>>, vector<16xi32>,
    %add3A_30 = arith.constant 32 : i32
    %add3A_31 = arith.addi %scan3A_20, %add3A_30 : i32
    %sub3A = arith.constant 1 : i32
    %sub3A_32 = arith.subi %add3A_31, %sub3A : i32
    %jit3A_33 = arith.constant 32 : i32
    %div3A = arith.divsi %sub3A_32, %jit3A_33 : i32
    %sign3A = arith.constant 0 : i32
    %sign3A_34 = arith.cmpi sgt, %sub3A_32, %sign3A : i32
    %sign3A_35 = arith.extui %sign3A_34 : i1 to i32
    %sign3A_36 = arith.constant 0 : i32
    %sign3A_37 = arith.cmpi slt, %sub3A_32, %sign3A_36 : i32
    %sign3A_38 = arith.extui %sign3A_37 : i1 to i32
    %sign3A_39 = arith.subi %sign3A_35, %sign3A_38 : i32
    %sign3A_40 = arith.constant 0 : i32
    %sign3A_41 = arith.cmpi sgt, %jit3A_33, %sign3A_40 : i32
    %sign3A_42 = arith.extui %sign3A_41 : i1 to i32
    %sign3A_43 = arith.constant 0 : i32
    %sign3A_44 = arith.cmpi slt, %jit3A_33, %sign3A_43 : i32
    %sign3A_45 = arith.extui %sign3A_44 : i1 to i32
    %sign3A_46 = arith.subi %sign3A_42, %sign3A_45 : i32
    %ne3A = arith.cmpi ne, %sign3A_39, %sign3A_46 : i32
    %rem3A = arith.remsi %sub3A_32, %jit3A_33 : i32
    %ne3A_47 = arith.constant 0 : i32
    %ne3A_48 = arith.cmpi ne, %rem3A, %ne3A_47 : i32
    %and3A = arith.andi %ne3A, %ne3A_48 : i1
    %sub3A_49 = arith.constant 1 : i32
    %sub3A_50 = arith.subi %div3A, %sub3A_49 : i32
    %select_n3A_51 = arith.select %and3A, %sub3A_50, %div3A : i32
    %add3A_52 = arith.constant 0 : i32
    %add3A_53 = arith.addi %mul3A_10, %add3A_52 : i32
    %multiple_of3A = tpu.assume_multiple %add3A_53, 128 : i32
    %dma_start3A = arith.constant 0 : i32
    %dma_start3A_54 = arith.constant 0 : i32
    %dma_start3A_55 = arith.constant 0 : i32
    %dma_start3A_56 = tpu.memref_slice %arg10[%dma_start3A, %dma_start3A_54, %dma_start3A_55] : memref<2x64x640xf32, #tpu.memory_space<vmem>> -> memref<1x64x640xf32, #tpu.memory_space<vmem>>
    %dma_start3A_57 = tpu.memref_squeeze %dma_start3A_56 : memref<1x64x640xf32, #tpu.memory_space<vmem>> -> memref<64x640xf32, #tpu.memory_space<vmem>>
    %dma_start3A_58 = arith.constant 0 : i32
    %dma_start3A_59 = tpu.memref_slice %arg4[%dma_start3A_58, %multiple_of3A] : memref<64x1000000xf32, #tpu.memory_space<hbm>> -> memref<64x640xf32, #tpu.memory_space<hbm>>
    %dma_start3A_60 = arith.constant 0 : i32
    %dma_start3A_61 = arith.constant 0 : i32
    %dma_start3A_62 = tpu.memref_slice %arg10[%dma_start3A, %dma_start3A_60, %dma_start3A_61] : memref<2x64x640xf32, #tpu.memory_space<vmem>> -> memref<1x64x640xf32, #tpu.memory_space<vmem>>
    %dma_start3A_63 = tpu.memref_squeeze %dma_start3A_62 : memref<1x64x640xf32, #tpu.memory_space<vmem>> -> memref<64x640xf32, #tpu.memory_space<vmem>>
    %dma_start3A_64 = arith.constant 0 : i32
    %dma_start3A_65 = tpu.memref_slice %arg4[%dma_start3A_64, %multiple_of3A] : memref<64x1000000xf32, #tpu.memory_space<hbm>> -> memref<64x640xf32, #tpu.memory_space<hbm>>
    tpu.enqueue_dma source(%dma_start3A_65 : memref<64x640xf32, #tpu.memory_space<hbm>>) target(%dma_start3A_63 : memref<64x640xf32, #tpu.memory_space<vmem>>) target_semaphore(%arg14 : memref<!tpu.dma_semaphore, #tpu.memory_space<semaphore_mem>>)
    %while3A = arith.constant 0 : i32
    %while3A_66 = arith.constant 0 : i32
    %while3A_67 = arith.subi %add3A_8, %while3A_66 : i32
    %while3A_68 = arith.addi %while3A_66, %while3A_67 : i32
    %while3A_69 = arith.constant 1 : i32
    %while3A_70 = arith.divsi %while3A_67, %while3A_69 : i32
    %while3A_71 = arith.muli %while3A_70, %while3A_69 : i32
    %while3A_72 = arith.addi %while3A_66, %while3A_71 : i32
    %while3A_73 = arith.constant 1 : i32
    scf.for %while3A_146 = %while3A_66 to %while3A_72 step %while3A_73  : i32 {
      %mul3A_147 = arith.constant 640 : i32
      %mul3A_148 = arith.muli %while3A_146, %mul3A_147 : i32
      %add3A_149 = arith.addi %mul3A_10, %mul3A_148 : i32
      %multiple_of3A_150 = tpu.assume_multiple %add3A_149, 128 : i32
      %and3A_151 = arith.constant 1 : i32
      %and3A_152 = arith.andi %while3A_146, %and3A_151 : i32
      %eq3A = arith.constant 0 : i32
      %eq3A_153 = arith.cmpi eq, %and3A_152, %eq3A : i32
      %convert_element_type3A = arith.extui %eq3A_153 : i1 to i32
      %cond3A = arith.constant 0 : i32
      %cond3A_154 = arith.cmpi ne, %convert_element_type3A, %cond3A : i32
      scf.if %cond3A_154 {
        %dma_wait3A = arith.constant 0 : i32
        %dma_wait3A_194 = arith.constant 0 : i32
        %dma_wait3A_195 = arith.constant 0 : i32
        %dma_wait3A_196 = tpu.memref_slice %arg10[%dma_wait3A, %dma_wait3A_194, %dma_wait3A_195] : memref<2x64x640xf32, #tpu.memory_space<vmem>> -> memref<1x64x640xf32, #tpu.memory_space<vmem>>
        %dma_wait3A_197 = tpu.memref_squeeze %dma_wait3A_196 : memref<1x64x640xf32, #tpu.memory_space<vmem>> -> memref<64x640xf32, #tpu.memory_space<vmem>>
        %dma_wait3A_198 = arith.constant 0 : i32
        %dma_wait3A_199 = arith.constant 0 : i32
        %dma_wait3A_200 = tpu.memref_slice %arg4[%dma_wait3A_198, %dma_wait3A_199] : memref<64x1000000xf32, #tpu.memory_space<hbm>> -> memref<64x640xf32, #tpu.memory_space<hbm>>
        %dma_wait3A_201 = arith.constant 0 : i32
        %dma_wait3A_202 = arith.constant 0 : i32
        %dma_wait3A_203 = tpu.memref_slice %arg10[%dma_wait3A, %dma_wait3A_201, %dma_wait3A_202] : memref<2x64x640xf32, #tpu.memory_space<vmem>> -> memref<1x64x640xf32, #tpu.memory_space<vmem>>
        %dma_wait3A_204 = tpu.memref_squeeze %dma_wait3A_203 : memref<1x64x640xf32, #tpu.memory_space<vmem>> -> memref<64x640xf32, #tpu.memory_space<vmem>>
        %dma_wait3A_205 = arith.constant 0 : i32
        %dma_wait3A_206 = arith.constant 0 : i32
        %dma_wait3A_207 = tpu.memref_slice %arg4[%dma_wait3A_205, %dma_wait3A_206] : memref<64x1000000xf32, #tpu.memory_space<hbm>> -> memref<64x640xf32, #tpu.memory_space<hbm>>
        tpu.wait_dma2 semaphore(%arg14 : memref<!tpu.dma_semaphore, #tpu.memory_space<semaphore_mem>>) src(%dma_wait3A_207 : memref<64x640xf32, #tpu.memory_space<hbm>>) dst(%dma_wait3A_204 : memref<64x640xf32, #tpu.memory_space<vmem>>)
      } else {
      }
      %and3A_155 = arith.constant 1 : i32
      %and3A_156 = arith.andi %while3A_146, %and3A_155 : i32
      %eq3A_157 = arith.constant 1 : i32
      %eq3A_158 = arith.cmpi eq, %and3A_156, %eq3A_157 : i32
      %convert_element_type3A_159 = arith.extui %eq3A_158 : i1 to i32
      %cond3A_160 = arith.constant 0 : i32
      %cond3A_161 = arith.cmpi ne, %convert_element_type3A_159, %cond3A_160 : i32
      scf.if %cond3A_161 {
        %dma_wait3A = arith.constant 1 : i32
        %dma_wait3A_194 = arith.constant 0 : i32
        %dma_wait3A_195 = arith.constant 0 : i32
        %dma_wait3A_196 = tpu.memref_slice %arg10[%dma_wait3A, %dma_wait3A_194, %dma_wait3A_195] : memref<2x64x640xf32, #tpu.memory_space<vmem>> -> memref<1x64x640xf32, #tpu.memory_space<vmem>>
        %dma_wait3A_197 = tpu.memref_squeeze %dma_wait3A_196 : memref<1x64x640xf32, #tpu.memory_space<vmem>> -> memref<64x640xf32, #tpu.memory_space<vmem>>
        %dma_wait3A_198 = arith.constant 0 : i32
        %dma_wait3A_199 = arith.constant 0 : i32
        %dma_wait3A_200 = tpu.memref_slice %arg4[%dma_wait3A_198, %dma_wait3A_199] : memref<64x1000000xf32, #tpu.memory_space<hbm>> -> memref<64x640xf32, #tpu.memory_space<hbm>>
        %dma_wait3A_201 = arith.constant 0 : i32
        %dma_wait3A_202 = arith.constant 0 : i32
        %dma_wait3A_203 = tpu.memref_slice %arg10[%dma_wait3A, %dma_wait3A_201, %dma_wait3A_202] : memref<2x64x640xf32, #tpu.memory_space<vmem>> -> memref<1x64x640xf32, #tpu.memory_space<vmem>>
        %dma_wait3A_204 = tpu.memref_squeeze %dma_wait3A_203 : memref<1x64x640xf32, #tpu.memory_space<vmem>> -> memref<64x640xf32, #tpu.memory_space<vmem>>
        %dma_wait3A_205 = arith.constant 0 : i32
        %dma_wait3A_206 = arith.constant 0 : i32
        %dma_wait3A_207 = tpu.memref_slice %arg4[%dma_wait3A_205, %dma_wait3A_206] : memref<64x1000000xf32, #tpu.memory_space<hbm>> -> memref<64x640xf32, #tpu.memory_space<hbm>>
        tpu.wait_dma2 semaphore(%arg15 : memref<!tpu.dma_semaphore, #tpu.memory_space<semaphore_mem>>) src(%dma_wait3A_207 : memref<64x640xf32, #tpu.memory_space<hbm>>) dst(%dma_wait3A_204 : memref<64x640xf32, #tpu.memory_space<vmem>>)
      } else {
      }
      %add3A_162 = arith.constant 1 : i32
      %add3A_163 = arith.addi %while3A_146, %add3A_162 : i32
      %lt3A_164 = arith.cmpi slt, %add3A_163, %add3A_8 : i32
      %convert_element_type3A_165 = arith.extui %lt3A_164 : i1 to i32
      %cond3A_166 = arith.constant 0 : i32
      %cond3A_167 = arith.cmpi ne, %convert_element_type3A_165, %cond3A_166 : i32
      scf.if %cond3A_167 {
        %add3A_194 = arith.constant 1 : i32
        %add3A_195 = arith.addi %while3A_146, %add3A_194 : i32
        %mul3A_196 = arith.constant 640 : i32
        %mul3A_197 = arith.muli %add3A_195, %mul3A_196 : i32
        %add3A_198 = arith.addi %mul3A_10, %mul3A_197 : i32
        %multiple_of3A_199 = tpu.assume_multiple %add3A_198, 128 : i32
        %and3A_200 = arith.constant 1 : i32
        %and3A_201 = arith.andi %add3A_195, %and3A_200 : i32
        %eq3A_202 = arith.constant 0 : i32
        %eq3A_203 = arith.cmpi eq, %and3A_201, %eq3A_202 : i32
        %convert_element_type3A_204 = arith.extui %eq3A_203 : i1 to i32
        %cond3A_205 = arith.constant 0 : i32
        %cond3A_206 = arith.cmpi ne, %convert_element_type3A_204, %cond3A_205 : i32
        scf.if %cond3A_206 {
          %dma_start3A_214 = arith.constant 0 : i32
          %dma_start3A_215 = arith.constant 0 : i32
          %dma_start3A_216 = arith.constant 0 : i32
          %dma_start3A_217 = tpu.memref_slice %arg10[%dma_start3A_214, %dma_start3A_215, %dma_start3A_216] : memref<2x64x640xf32, #tpu.memory_space<vmem>> -> memref<1x64x640xf32, #tpu.memory_space<vmem>>
          %dma_start3A_218 = tpu.memref_squeeze %dma_start3A_217 : memref<1x64x640xf32, #tpu.memory_space<vmem>> -> memref<64x640xf32, #tpu.memory_space<vmem>>
          %dma_start3A_219 = arith.constant 0 : i32
          %dma_start3A_220 = tpu.memref_slice %arg4[%dma_start3A_219, %multiple_of3A_199] : memref<64x1000000xf32, #tpu.memory_space<hbm>> -> memref<64x640xf32, #tpu.memory_space<hbm>>
          %dma_start3A_221 = arith.constant 0 : i32
          %dma_start3A_222 = arith.constant 0 : i32
          %dma_start3A_223 = tpu.memref_slice %arg10[%dma_start3A_214, %dma_start3A_221, %dma_start3A_222] : memref<2x64x640xf32, #tpu.memory_space<vmem>> -> memref<1x64x640xf32, #tpu.memory_space<vmem>>
          %dma_start3A_224 = tpu.memref_squeeze %dma_start3A_223 : memref<1x64x640xf32, #tpu.memory_space<vmem>> -> memref<64x640xf32, #tpu.memory_space<vmem>>
          %dma_start3A_225 = arith.constant 0 : i32
          %dma_start3A_226 = tpu.memref_slice %arg4[%dma_start3A_225, %multiple_of3A_199] : memref<64x1000000xf32, #tpu.memory_space<hbm>> -> memref<64x640xf32, #tpu.memory_space<hbm>>
          tpu.enqueue_dma source(%dma_start3A_226 : memref<64x640xf32, #tpu.memory_space<hbm>>) target(%dma_start3A_224 : memref<64x640xf32, #tpu.memory_space<vmem>>) target_semaphore(%arg14 : memref<!tpu.dma_semaphore, #tpu.memory_space<semaphore_mem>>)
        } else {
        }
        %and3A_207 = arith.constant 1 : i32
        %and3A_208 = arith.andi %add3A_195, %and3A_207 : i32
        %eq3A_209 = arith.constant 1 : i32
        %eq3A_210 = arith.cmpi eq, %and3A_208, %eq3A_209 : i32
        %convert_element_type3A_211 = arith.extui %eq3A_210 : i1 to i32
        %cond3A_212 = arith.constant 0 : i32
        %cond3A_213 = arith.cmpi ne, %convert_element_type3A_211, %cond3A_212 : i32
        scf.if %cond3A_213 {
          %dma_start3A_214 = arith.constant 1 : i32
          %dma_start3A_215 = arith.constant 0 : i32
          %dma_start3A_216 = arith.constant 0 : i32
          %dma_start3A_217 = tpu.memref_slice %arg10[%dma_start3A_214, %dma_start3A_215, %dma_start3A_216] : memref<2x64x640xf32, #tpu.memory_space<vmem>> -> memref<1x64x640xf32, #tpu.memory_space<vmem>>
          %dma_start3A_218 = tpu.memref_squeeze %dma_start3A_217 : memref<1x64x640xf32, #tpu.memory_space<vmem>> -> memref<64x640xf32, #tpu.memory_space<vmem>>
          %dma_start3A_219 = arith.constant 0 : i32
          %dma_start3A_220 = tpu.memref_slice %arg4[%dma_start3A_219, %multiple_of3A_199] : memref<64x1000000xf32, #tpu.memory_space<hbm>> -> memref<64x640xf32, #tpu.memory_space<hbm>>
          %dma_start3A_221 = arith.constant 0 : i32
          %dma_start3A_222 = arith.constant 0 : i32
          %dma_start3A_223 = tpu.memref_slice %arg10[%dma_start3A_214, %dma_start3A_221, %dma_start3A_222] : memref<2x64x640xf32, #tpu.memory_space<vmem>> -> memref<1x64x640xf32, #tpu.memory_space<vmem>>
          %dma_start3A_224 = tpu.memref_squeeze %dma_start3A_223 : memref<1x64x640xf32, #tpu.memory_space<vmem>> -> memref<64x640xf32, #tpu.memory_space<vmem>>
          %dma_start3A_225 = arith.constant 0 : i32
          %dma_start3A_226 = tpu.memref_slice %arg4[%dma_start3A_225, %multiple_of3A_199] : memref<64x1000000xf32, #tpu.memory_space<hbm>> -> memref<64x640xf32, #tpu.memory_space<hbm>>
          tpu.enqueue_dma source(%dma_start3A_226 : memref<64x640xf32, #tpu.memory_space<hbm>>) target(%dma_start3A_224 : memref<64x640xf32, #tpu.memory_space<vmem>>) target_semaphore(%arg15 : memref<!tpu.dma_semaphore, #tpu.memory_space<semaphore_mem>>)
        } else {
        }
      } else {
      }
      %and3A_168 = arith.constant 1 : i32
      %and3A_169 = arith.andi %while3A_146, %and3A_168 : i32
      %while3A_170 = arith.constant 0 : i32
      %while3A_171 = arith.constant 0 : i32
      %while3A_172 = arith.subi %select_n3A_51, %while3A_170 : i32
      %while3A_173 = arith.addi %while3A_170, %while3A_172 : i32
      %while3A_174 = arith.constant 1 : i32
      %while3A_175 = arith.divsi %while3A_172, %while3A_174 : i32
      %while3A_176 = arith.muli %while3A_175, %while3A_174 : i32
      %while3A_177 = arith.addi %while3A_170, %while3A_176 : i32
      %while3A_178 = arith.constant 1 : i32
      %while3A_179 = scf.for %while3A_194 = %while3A_170 to %while3A_177 step %while3A_178 iter_args(%while3A_195 = %while3A_171) -> (i32)  : i32 {
        %mul3A_196 = arith.constant 2 : i32
        %mul3A_197 = arith.muli %mul3A_196, %while3A_194 : i32
        %mul3A_198 = arith.constant 16 : i32
        %mul3A_199 = arith.muli %mul3A_197, %mul3A_198 : i32
        %get3A = arith.index_cast %mul3A_199 : i32 to index
        %get3A_200 = tpu.vector_load %arg9[%get3A] {strides = array<i32>} : memref<16416xi32, #tpu.memory_space<vmem>>, vector<16xi32>,
        %gather3A = tpu.vector_load_idx %arg8[%get3A_200] : memref<16384xi32, #tpu.memory_space<vmem>>[vector<16xi32>], vector<16xi32>,
        %ge3A = vector.broadcast %multiple_of3A_150 : i32 to vector<16xi32>
        %ge3A_201 = arith.cmpi sge, %gather3A, %ge3A : vector<16xi32>
        %add3A_202 = arith.constant 640 : i32
        %add3A_203 = arith.addi %multiple_of3A_150, %add3A_202 : i32
        %lt3A_204 = vector.broadcast %add3A_203 : i32 to vector<16xi32>
        %lt3A_205 = arith.cmpi slt, %gather3A, %lt3A_204 : vector<16xi32>
        %and3A_206 = arith.andi %ge3A_201, %lt3A_205 : vector<16xi1>
        %all_reduce_population_count3A = tpu.all_reduce %and3A_206 {dim = 0 : i64, kind = #tpu.reduction_kind<sum>} : vector<16xi1> -> vector<16xi32>
        %slice3A = vector.extract_strided_slice %all_reduce_population_count3A {offsets = [0], sizes = [1], strides = [1]} : vector<16xi32> to vector<1xi32>
        %squeeze3A = vector.extract %slice3A[0] : i32 from vector<1xi32>
        %gt3A = arith.constant 0 : i32
        %gt3A_207 = arith.cmpi sgt, %squeeze3A, %gt3A : i32
        %convert_element_type3A_208 = arith.extui %gt3A_207 : i1 to i32
        %cond3A_209 = arith.constant 0 : i32
        %cond3A_210 = arith.cmpi ne, %convert_element_type3A_208, %cond3A_209 : i32
        scf.if %cond3A_210 {
          %mul3A_257 = arith.constant 640 : i32
          %mul3A_258 = vector.broadcast %mul3A_257 : i32 to vector<16xi32>
          %mul3A_259 = arith.muli %get3A_200, %mul3A_258 : vector<16xi32>
          %sub3A_260 = vector.broadcast %multiple_of3A_150 : i32 to vector<16xi32>
          %sub3A_261 = arith.subi %gather3A, %sub3A_260 : vector<16xi32>
          %add3A_262 = arith.addi %mul3A_259, %sub3A_261 : vector<16xi32>
          %jit3A_263 = arith.constant 0 : i32
          %jit3A_264 = arith.constant 1 : i32
          %broadcast_in_dim3A_265 = vector.broadcast %jit3A_263 : i32 to vector<16xi32>
          %broadcast_in_dim3A_266 = vector.broadcast %jit3A_264 : i32 to vector<16xi32>
          %select_n3A_267 = arith.select %and3A_206, %broadcast_in_dim3A_265, %broadcast_in_dim3A_266 : vector<16xi1>, vector<16xi32>
          %masked_sort3A = arith.constant dense<true> : vector<16xi1>
          %masked_sort3A_268 = arith.constant -2147483648 : i32
          %masked_sort3A_269 = vector.broadcast %masked_sort3A_268 : i32 to vector<16xi32>
          %masked_sort3A_270 = arith.xori %select_n3A_267, %masked_sort3A_269 : vector<16xi32>
          %masked_sort3A_271, %masked_sort3A_272, %masked_sort3A_273 = tpu.sort %masked_sort3A_270, %add3A_262 masked %masked_sort3A : (vector<16xi32>, vector<16xi32>, vector<16xi1>) -> (vector<16xi1>, vector<16xi32>, vector<16xi32>)
          %masked_sort3A_274 = arith.xori %masked_sort3A_272, %masked_sort3A_269 : vector<16xi32>
          %swap3A_275 = arith.constant 0 : index
          %swap3A_276 = tpu.vector_load %arg12[%swap3A_275] {strides = array<i32>} : memref<32xi32, #tpu.memory_space<vmem>>, vector<16xi32>,
          tpu.vector_store %arg12[%swap3A_275], %masked_sort3A_273 {strides = array<i32>} : memref<32xi32, #tpu.memory_space<vmem>>, vector<16xi32>,
        } else {
        }
        %while3A_211 = arith.constant 0 : i32
        %while3A_212 = arith.subi %squeeze3A, %while3A_211 : i32
        %while3A_213 = arith.addi %while3A_211, %while3A_212 : i32
        %while3A_214 = arith.constant 1 : i32
        %while3A_215 = arith.divsi %while3A_212, %while3A_214 : i32
        %while3A_216 = arith.muli %while3A_215, %while3A_214 : i32
        %while3A_217 = arith.addi %while3A_211, %while3A_216 : i32
        %while3A_218 = arith.constant 1 : i32
        %while3A_219 = scf.for %while3A_257 = %while3A_211 to %while3A_217 step %while3A_218 iter_args(%while3A_258 = %while3A_195) -> (i32)  : i32 {
          %get3A_259 = arith.index_cast %while3A_257 : i32 to index
          %get3A_260 = tpu.vector_load %arg12[%get3A_259] {strides = array<i32>} : memref<32xi32, #tpu.memory_space<vmem>>, vector<16xi32>,
          %slice3A_261 = vector.extract_strided_slice %get3A_260 {offsets = [0], sizes = [1], strides = [1]} : vector<16xi32> to vector<1xi32>
          %squeeze3A_262 = vector.extract %slice3A_261[0] : i32 from vector<1xi32>
          %rem3A_263 = arith.constant 640 : i32
          %rem3A_264 = arith.remsi %squeeze3A_262, %rem3A_263 : i32
          %div3A_265 = arith.constant 640 : i32
          %div3A_266 = arith.divsi %squeeze3A_262, %div3A_265 : i32
          %and3A_267 = arith.constant 63 : i32
          %and3A_268 = arith.andi %while3A_258, %and3A_267 : i32
          %ge3A_269 = arith.constant 64 : i32
          %ge3A_270 = arith.cmpi sge, %while3A_258, %ge3A_269 : i32
          %convert_element_type3A_271 = arith.extui %ge3A_270 : i1 to i32
          %cond3A_272 = arith.constant 0 : i32
          %cond3A_273 = arith.cmpi ne, %convert_element_type3A_271, %cond3A_272 : i32
          scf.if %cond3A_273 {
            %dma_wait3A = arith.constant 0 : i32
            %dma_wait3A_342 = tpu.memref_slice %arg11[%dma_wait3A] : memref<4096xf32, #tpu.memory_space<vmem>> -> memref<64xf32, #tpu.memory_space<vmem>>
            %dma_wait3A_343 = arith.constant 0 : i32
            %dma_wait3A_344 = tpu.memref_slice %arg6[%dma_wait3A_343] : memref<1048576xf32, #tpu.memory_space<hbm>> -> memref<64xf32, #tpu.memory_space<hbm>>
            %dma_wait3A_345 = arith.constant 0 : i32
            %dma_wait3A_346 = tpu.memref_slice %arg11[%dma_wait3A_345] : memref<4096xf32, #tpu.memory_space<vmem>> -> memref<64xf32, #tpu.memory_space<vmem>>
            %dma_wait3A_347 = arith.constant 0 : i32
            %dma_wait3A_348 = tpu.memref_slice %arg6[%dma_wait3A_347] : memref<1048576xf32, #tpu.memory_space<hbm>> -> memref<64xf32, #tpu.memory_space<hbm>>
            tpu.wait_dma2 semaphore(%arg13 : memref<!tpu.dma_semaphore, #tpu.memory_space<semaphore_mem>>) src(%dma_wait3A_348 : memref<64xf32, #tpu.memory_space<hbm>>) dst(%dma_wait3A_346 : memref<64xf32, #tpu.memory_space<vmem>>)
          } else {
          }
          %broadcast_in_dim3A_274 = vector.broadcast %rem3A_264 : i32 to vector<16xi32>
          %add3A_275 = arith.constant 0 : i32
          %add3A_276 = vector.broadcast %add3A_275 : i32 to vector<16xi32>
          %add3A_277 = arith.addi %iota3A, %add3A_276 : vector<16xi32>
          %gather3A_278 = arith.constant 0 : i32
          %gather3A_279 = arith.constant 0 : i32
          %gather3A_280 = tpu.memref_slice %arg10[%and3A_169, %gather3A_278, %gather3A_279] : memref<2x64x640xf32, #tpu.memory_space<vmem>> -> memref<1x64x640xf32, #tpu.memory_space<vmem>>
          %gather3A_281 = tpu.memref_squeeze %gather3A_280 : memref<1x64x640xf32, #tpu.memory_space<vmem>> -> memref<64x640xf32, #tpu.memory_space<vmem>>
          %gather3A_282 = tpu.vector_load_idx %gather3A_281[%add3A_277, %broadcast_in_dim3A_274] : memref<64x640xf32, #tpu.memory_space<vmem>>[vector<16xi32>, vector<16xi32>], vector<16xf32>,
          %mul3A_283 = arith.constant 64 : i32
          %mul3A_284 = arith.muli %and3A_268, %mul3A_283 : i32
          %add3A_285 = arith.constant 0 : i32
          %add3A_286 = arith.addi %mul3A_284, %add3A_285 : i32
          %swap3A_287 = arith.index_cast %add3A_286 : i32 to index
          %swap3A_288 = tpu.vector_load %arg11[%swap3A_287] {strides = array<i32>} : memref<4096xf32, #tpu.memory_space<vmem>>, vector<16xf32>,
          tpu.vector_store %arg11[%swap3A_287], %gather3A_282 {strides = array<i32>} : memref<4096xf32, #tpu.memory_space<vmem>>, vector<16xf32>,
          %add3A_289 = arith.constant 16 : i32
          %add3A_290 = vector.broadcast %add3A_289 : i32 to vector<16xi32>
          %add3A_291 = arith.addi %iota3A, %add3A_290 : vector<16xi32>
          %gather3A_292 = arith.constant 0 : i32
          %gather3A_293 = arith.constant 0 : i32
          %gather3A_294 = tpu.memref_slice %arg10[%and3A_169, %gather3A_292, %gather3A_293] : memref<2x64x640xf32, #tpu.memory_space<vmem>> -> memref<1x64x640xf32, #tpu.memory_space<vmem>>
          %gather3A_295 = tpu.memref_squeeze %gather3A_294 : memref<1x64x640xf32, #tpu.memory_space<vmem>> -> memref<64x640xf32, #tpu.memory_space<vmem>>
          %gather3A_296 = tpu.vector_load_idx %gather3A_295[%add3A_291, %broadcast_in_dim3A_274] : memref<64x640xf32, #tpu.memory_space<vmem>>[vector<16xi32>, vector<16xi32>], vector<16xf32>,
          %mul3A_297 = arith.constant 64 : i32
          %mul3A_298 = arith.muli %and3A_268, %mul3A_297 : i32
          %add3A_299 = arith.constant 16 : i32
          %add3A_300 = arith.addi %mul3A_298, %add3A_299 : i32
          %swap3A_301 = arith.index_cast %add3A_300 : i32 to index
          %swap3A_302 = tpu.vector_load %arg11[%swap3A_301] {strides = array<i32>} : memref<4096xf32, #tpu.memory_space<vmem>>, vector<16xf32>,
          tpu.vector_store %arg11[%swap3A_301], %gather3A_296 {strides = array<i32>} : memref<4096xf32, #tpu.memory_space<vmem>>, vector<16xf32>,
          %add3A_303 = arith.constant 32 : i32
          %add3A_304 = vector.broadcast %add3A_303 : i32 to vector<16xi32>
          %add3A_305 = arith.addi %iota3A, %add3A_304 : vector<16xi32>
          %gather3A_306 = arith.constant 0 : i32
          %gather3A_307 = arith.constant 0 : i32
          %gather3A_308 = tpu.memref_slice %arg10[%and3A_169, %gather3A_306, %gather3A_307] : memref<2x64x640xf32, #tpu.memory_space<vmem>> -> memref<1x64x640xf32, #tpu.memory_space<vmem>>
          %gather3A_309 = tpu.memref_squeeze %gather3A_308 : memref<1x64x640xf32, #tpu.memory_space<vmem>> -> memref<64x640xf32, #tpu.memory_space<vmem>>
          %gather3A_310 = tpu.vector_load_idx %gather3A_309[%add3A_305, %broadcast_in_dim3A_274] : memref<64x640xf32, #tpu.memory_space<vmem>>[vector<16xi32>, vector<16xi32>], vector<16xf32>,
          %mul3A_311 = arith.constant 64 : i32
          %mul3A_312 = arith.muli %and3A_268, %mul3A_311 : i32
          %add3A_313 = arith.constant 32 : i32
          %add3A_314 = arith.addi %mul3A_312, %add3A_313 : i32
          %swap3A_315 = arith.index_cast %add3A_314 : i32 to index
          %swap3A_316 = tpu.vector_load %arg11[%swap3A_315] {strides = array<i32>} : memref<4096xf32, #tpu.memory_space<vmem>>, vector<16xf32>,
          tpu.vector_store %arg11[%swap3A_315], %gather3A_310 {strides = array<i32>} : memref<4096xf32, #tpu.memory_space<vmem>>, vector<16xf32>,
          %add3A_317 = arith.constant 48 : i32
          %add3A_318 = vector.broadcast %add3A_317 : i32 to vector<16xi32>
          %add3A_319 = arith.addi %iota3A, %add3A_318 : vector<16xi32>
          %gather3A_320 = arith.constant 0 : i32
          %gather3A_321 = arith.constant 0 : i32
          %gather3A_322 = tpu.memref_slice %arg10[%and3A_169, %gather3A_320, %gather3A_321] : memref<2x64x640xf32, #tpu.memory_space<vmem>> -> memref<1x64x640xf32, #tpu.memory_space<vmem>>
          %gather3A_323 = tpu.memref_squeeze %gather3A_322 : memref<1x64x640xf32, #tpu.memory_space<vmem>> -> memref<64x640xf32, #tpu.memory_space<vmem>>
          %gather3A_324 = tpu.vector_load_idx %gather3A_323[%add3A_319, %broadcast_in_dim3A_274] : memref<64x640xf32, #tpu.memory_space<vmem>>[vector<16xi32>, vector<16xi32>], vector<16xf32>,
          %mul3A_325 = arith.constant 64 : i32
          %mul3A_326 = arith.muli %and3A_268, %mul3A_325 : i32
          %add3A_327 = arith.constant 48 : i32
          %add3A_328 = arith.addi %mul3A_326, %add3A_327 : i32
          %swap3A_329 = arith.index_cast %add3A_328 : i32 to index
          %swap3A_330 = tpu.vector_load %arg11[%swap3A_329] {strides = array<i32>} : memref<4096xf32, #tpu.memory_space<vmem>>, vector<16xf32>,
          tpu.vector_store %arg11[%swap3A_329], %gather3A_324 {strides = array<i32>} : memref<4096xf32, #tpu.memory_space<vmem>>, vector<16xf32>,
          %mul3A_331 = arith.constant 64 : i32
          %mul3A_332 = arith.muli %div3A_266, %mul3A_331 : i32
          %multiple_of3A_333 = tpu.assume_multiple %mul3A_332, 8 : i32
          %mul3A_334 = arith.constant 64 : i32
          %mul3A_335 = arith.muli %and3A_268, %mul3A_334 : i32
          %dma_start3A_336 = tpu.memref_slice %arg11[%mul3A_335] : memref<4096xf32, #tpu.memory_space<vmem>> -> memref<64xf32, #tpu.memory_space<vmem>>
          %dma_start3A_337 = tpu.memref_slice %arg6[%multiple_of3A_333] : memref<1048576xf32, #tpu.memory_space<hbm>> -> memref<64xf32, #tpu.memory_space<hbm>>
          %dma_start3A_338 = tpu.memref_slice %arg6[%multiple_of3A_333] : memref<1048576xf32, #tpu.memory_space<hbm>> -> memref<64xf32, #tpu.memory_space<hbm>>
          %dma_start3A_339 = tpu.memref_slice %arg11[%mul3A_335] : memref<4096xf32, #tpu.memory_space<vmem>> -> memref<64xf32, #tpu.memory_space<vmem>>
          tpu.enqueue_dma source(%dma_start3A_339 : memref<64xf32, #tpu.memory_space<vmem>>) target(%dma_start3A_338 : memref<64xf32, #tpu.memory_space<hbm>>) target_semaphore(%arg13 : memref<!tpu.dma_semaphore, #tpu.memory_space<semaphore_mem>>)
          %add3A_340 = arith.constant 1 : i32
          %add3A_341 = arith.addi %while3A_258, %add3A_340 : i32
          scf.yield %add3A_341 : i32
        }
        %while3A_220 = arith.constant 1 : i32
        %while3A_221 = scf.for %while3A_257 = %while3A_217 to %while3A_213 step %while3A_220 iter_args(%while3A_258 = %while3A_219) -> (i32)  : i32 {
          %get3A_259 = arith.index_cast %while3A_257 : i32 to index
          %get3A_260 = tpu.vector_load %arg12[%get3A_259] {strides = array<i32>} : memref<32xi32, #tpu.memory_space<vmem>>, vector<16xi32>,
          %slice3A_261 = vector.extract_strided_slice %get3A_260 {offsets = [0], sizes = [1], strides = [1]} : vector<16xi32> to vector<1xi32>
          %squeeze3A_262 = vector.extract %slice3A_261[0] : i32 from vector<1xi32>
          %rem3A_263 = arith.constant 640 : i32
          %rem3A_264 = arith.remsi %squeeze3A_262, %rem3A_263 : i32
          %div3A_265 = arith.constant 640 : i32
          %div3A_266 = arith.divsi %squeeze3A_262, %div3A_265 : i32
          %and3A_267 = arith.constant 63 : i32
          %and3A_268 = arith.andi %while3A_258, %and3A_267 : i32
          %ge3A_269 = arith.constant 64 : i32
          %ge3A_270 = arith.cmpi sge, %while3A_258, %ge3A_269 : i32
          %convert_element_type3A_271 = arith.extui %ge3A_270 : i1 to i32
          %cond3A_272 = arith.constant 0 : i32
          %cond3A_273 = arith.cmpi ne, %convert_element_type3A_271, %cond3A_272 : i32
          scf.if %cond3A_273 {
            %dma_wait3A = arith.constant 0 : i32
            %dma_wait3A_342 = tpu.memref_slice %arg11[%dma_wait3A] : memref<4096xf32, #tpu.memory_space<vmem>> -> memref<64xf32, #tpu.memory_space<vmem>>
            %dma_wait3A_343 = arith.constant 0 : i32
            %dma_wait3A_344 = tpu.memref_slice %arg6[%dma_wait3A_343] : memref<1048576xf32, #tpu.memory_space<hbm>> -> memref<64xf32, #tpu.memory_space<hbm>>
            %dma_wait3A_345 = arith.constant 0 : i32
            %dma_wait3A_346 = tpu.memref_slice %arg11[%dma_wait3A_345] : memref<4096xf32, #tpu.memory_space<vmem>> -> memref<64xf32, #tpu.memory_space<vmem>>
            %dma_wait3A_347 = arith.constant 0 : i32
            %dma_wait3A_348 = tpu.memref_slice %arg6[%dma_wait3A_347] : memref<1048576xf32, #tpu.memory_space<hbm>> -> memref<64xf32, #tpu.memory_space<hbm>>
            tpu.wait_dma2 semaphore(%arg13 : memref<!tpu.dma_semaphore, #tpu.memory_space<semaphore_mem>>) src(%dma_wait3A_348 : memref<64xf32, #tpu.memory_space<hbm>>) dst(%dma_wait3A_346 : memref<64xf32, #tpu.memory_space<vmem>>)
          } else {
          }
          %broadcast_in_dim3A_274 = vector.broadcast %rem3A_264 : i32 to vector<16xi32>
          %add3A_275 = arith.constant 0 : i32
          %add3A_276 = vector.broadcast %add3A_275 : i32 to vector<16xi32>
          %add3A_277 = arith.addi %iota3A, %add3A_276 : vector<16xi32>
          %gather3A_278 = arith.constant 0 : i32
          %gather3A_279 = arith.constant 0 : i32
          %gather3A_280 = tpu.memref_slice %arg10[%and3A_169, %gather3A_278, %gather3A_279] : memref<2x64x640xf32, #tpu.memory_space<vmem>> -> memref<1x64x640xf32, #tpu.memory_space<vmem>>
          %gather3A_281 = tpu.memref_squeeze %gather3A_280 : memref<1x64x640xf32, #tpu.memory_space<vmem>> -> memref<64x640xf32, #tpu.memory_space<vmem>>
          %gather3A_282 = tpu.vector_load_idx %gather3A_281[%add3A_277, %broadcast_in_dim3A_274] : memref<64x640xf32, #tpu.memory_space<vmem>>[vector<16xi32>, vector<16xi32>], vector<16xf32>,
          %mul3A_283 = arith.constant 64 : i32
          %mul3A_284 = arith.muli %and3A_268, %mul3A_283 : i32
          %add3A_285 = arith.constant 0 : i32
          %add3A_286 = arith.addi %mul3A_284, %add3A_285 : i32
          %swap3A_287 = arith.index_cast %add3A_286 : i32 to index
          %swap3A_288 = tpu.vector_load %arg11[%swap3A_287] {strides = array<i32>} : memref<4096xf32, #tpu.memory_space<vmem>>, vector<16xf32>,
          tpu.vector_store %arg11[%swap3A_287], %gather3A_282 {strides = array<i32>} : memref<4096xf32, #tpu.memory_space<vmem>>, vector<16xf32>,
          %add3A_289 = arith.constant 16 : i32
          %add3A_290 = vector.broadcast %add3A_289 : i32 to vector<16xi32>
          %add3A_291 = arith.addi %iota3A, %add3A_290 : vector<16xi32>
          %gather3A_292 = arith.constant 0 : i32
          %gather3A_293 = arith.constant 0 : i32
          %gather3A_294 = tpu.memref_slice %arg10[%and3A_169, %gather3A_292, %gather3A_293] : memref<2x64x640xf32, #tpu.memory_space<vmem>> -> memref<1x64x640xf32, #tpu.memory_space<vmem>>
          %gather3A_295 = tpu.memref_squeeze %gather3A_294 : memref<1x64x640xf32, #tpu.memory_space<vmem>> -> memref<64x640xf32, #tpu.memory_space<vmem>>
          %gather3A_296 = tpu.vector_load_idx %gather3A_295[%add3A_291, %broadcast_in_dim3A_274] : memref<64x640xf32, #tpu.memory_space<vmem>>[vector<16xi32>, vector<16xi32>], vector<16xf32>,
          %mul3A_297 = arith.constant 64 : i32
          %mul3A_298 = arith.muli %and3A_268, %mul3A_297 : i32
          %add3A_299 = arith.constant 16 : i32
          %add3A_300 = arith.addi %mul3A_298, %add3A_299 : i32
          %swap3A_301 = arith.index_cast %add3A_300 : i32 to index
          %swap3A_302 = tpu.vector_load %arg11[%swap3A_301] {strides = array<i32>} : memref<4096xf32, #tpu.memory_space<vmem>>, vector<16xf32>,
          tpu.vector_store %arg11[%swap3A_301], %gather3A_296 {strides = array<i32>} : memref<4096xf32, #tpu.memory_space<vmem>>, vector<16xf32>,
          %add3A_303 = arith.constant 32 : i32
          %add3A_304 = vector.broadcast %add3A_303 : i32 to vector<16xi32>
          %add3A_305 = arith.addi %iota3A, %add3A_304 : vector<16xi32>
          %gather3A_306 = arith.constant 0 : i32
          %gather3A_307 = arith.constant 0 : i32
          %gather3A_308 = tpu.memref_slice %arg10[%and3A_169, %gather3A_306, %gather3A_307] : memref<2x64x640xf32, #tpu.memory_space<vmem>> -> memref<1x64x640xf32, #tpu.memory_space<vmem>>
          %gather3A_309 = tpu.memref_squeeze %gather3A_308 : memref<1x64x640xf32, #tpu.memory_space<vmem>> -> memref<64x640xf32, #tpu.memory_space<vmem>>
          %gather3A_310 = tpu.vector_load_idx %gather3A_309[%add3A_305, %broadcast_in_dim3A_274] : memref<64x640xf32, #tpu.memory_space<vmem>>[vector<16xi32>, vector<16xi32>], vector<16xf32>,
          %mul3A_311 = arith.constant 64 : i32
          %mul3A_312 = arith.muli %and3A_268, %mul3A_311 : i32
          %add3A_313 = arith.constant 32 : i32
          %add3A_314 = arith.addi %mul3A_312, %add3A_313 : i32
          %swap3A_315 = arith.index_cast %add3A_314 : i32 to index
          %swap3A_316 = tpu.vector_load %arg11[%swap3A_315] {strides = array<i32>} : memref<4096xf32, #tpu.memory_space<vmem>>, vector<16xf32>,
          tpu.vector_store %arg11[%swap3A_315], %gather3A_310 {strides = array<i32>} : memref<4096xf32, #tpu.memory_space<vmem>>, vector<16xf32>,
          %add3A_317 = arith.constant 48 : i32
          %add3A_318 = vector.broadcast %add3A_317 : i32 to vector<16xi32>
          %add3A_319 = arith.addi %iota3A, %add3A_318 : vector<16xi32>
          %gather3A_320 = arith.constant 0 : i32
          %gather3A_321 = arith.constant 0 : i32
          %gather3A_322 = tpu.memref_slice %arg10[%and3A_169, %gather3A_320, %gather3A_321] : memref<2x64x640xf32, #tpu.memory_space<vmem>> -> memref<1x64x640xf32, #tpu.memory_space<vmem>>
          %gather3A_323 = tpu.memref_squeeze %gather3A_322 : memref<1x64x640xf32, #tpu.memory_space<vmem>> -> memref<64x640xf32, #tpu.memory_space<vmem>>
          %gather3A_324 = tpu.vector_load_idx %gather3A_323[%add3A_319, %broadcast_in_dim3A_274] : memref<64x640xf32, #tpu.memory_space<vmem>>[vector<16xi32>, vector<16xi32>], vector<16xf32>,
          %mul3A_325 = arith.constant 64 : i32
          %mul3A_326 = arith.muli %and3A_268, %mul3A_325 : i32
          %add3A_327 = arith.constant 48 : i32
          %add3A_328 = arith.addi %mul3A_326, %add3A_327 : i32
          %swap3A_329 = arith.index_cast %add3A_328 : i32 to index
          %swap3A_330 = tpu.vector_load %arg11[%swap3A_329] {strides = array<i32>} : memref<4096xf32, #tpu.memory_space<vmem>>, vector<16xf32>,
          tpu.vector_store %arg11[%swap3A_329], %gather3A_324 {strides = array<i32>} : memref<4096xf32, #tpu.memory_space<vmem>>, vector<16xf32>,
          %mul3A_331 = arith.constant 64 : i32
          %mul3A_332 = arith.muli %div3A_266, %mul3A_331 : i32
          %multiple_of3A_333 = tpu.assume_multiple %mul3A_332, 8 : i32
          %mul3A_334 = arith.constant 64 : i32
          %mul3A_335 = arith.muli %and3A_268, %mul3A_334 : i32
          %dma_start3A_336 = tpu.memref_slice %arg11[%mul3A_335] : memref<4096xf32, #tpu.memory_space<vmem>> -> memref<64xf32, #tpu.memory_space<vmem>>
          %dma_start3A_337 = tpu.memref_slice %arg6[%multiple_of3A_333] : memref<1048576xf32, #tpu.memory_space<hbm>> -> memref<64xf32, #tpu.memory_space<hbm>>
          %dma_start3A_338 = tpu.memref_slice %arg6[%multiple_of3A_333] : memref<1048576xf32, #tpu.memory_space<hbm>> -> memref<64xf32, #tpu.memory_space<hbm>>
          %dma_start3A_339 = tpu.memref_slice %arg11[%mul3A_335] : memref<4096xf32, #tpu.memory_space<vmem>> -> memref<64xf32, #tpu.memory_space<vmem>>
          tpu.enqueue_dma source(%dma_start3A_339 : memref<64xf32, #tpu.memory_space<vmem>>) target(%dma_start3A_338 : memref<64xf32, #tpu.memory_space<hbm>>) target_semaphore(%arg13 : memref<!tpu.dma_semaphore, #tpu.memory_space<semaphore_mem>>)
          %add3A_340 = arith.constant 1 : i32
          %add3A_341 = arith.addi %while3A_258, %add3A_340 : i32
          scf.yield %add3A_341 : i32
        }
        %mul3A_222 = arith.constant 2 : i32
        %mul3A_223 = arith.muli %mul3A_222, %while3A_194 : i32
        %add3A_224 = arith.constant 1 : i32
        %add3A_225 = arith.addi %mul3A_223, %add3A_224 : i32
        %mul3A_226 = arith.constant 16 : i32
        %mul3A_227 = arith.muli %add3A_225, %mul3A_226 : i32
        %get3A_228 = arith.index_cast %mul3A_227 : i32 to index
        %get3A_229 = tpu.vector_load %arg9[%get3A_228] {strides = array<i32>} : memref<16416xi32, #tpu.memory_space<vmem>>, vector<16xi32>,
        %gather3A_230 = tpu.vector_load_idx %arg8[%get3A_229] : memref<16384xi32, #tpu.memory_space<vmem>>[vector<16xi32>], vector<16xi32>,
        %ge3A_231 = vector.broadcast %multiple_of3A_150 : i32 to vector<16xi32>
        %ge3A_232 = arith.cmpi sge, %gather3A_230, %ge3A_231 : vector<16xi32>
        %add3A_233 = arith.constant 640 : i32
        %add3A_234 = arith.addi %multiple_of3A_150, %add3A_233 : i32
        %lt3A_235 = vector.broadcast %add3A_234 : i32 to vector<16xi32>
        %lt3A_236 = arith.cmpi slt, %gather3A_230, %lt3A_235 : vector<16xi32>
        %and3A_237 = arith.andi %ge3A_232, %lt3A_236 : vector<16xi1>
        %all_reduce_population_count3A_238 = tpu.all_reduce %and3A_237 {dim = 0 : i64, kind = #tpu.reduction_kind<sum>} : vector<16xi1> -> vector<16xi32>
        %slice3A_239 = vector.extract_strided_slice %all_reduce_population_count3A_238 {offsets = [0], sizes = [1], strides = [1]} : vector<16xi32> to vector<1xi32>
        %squeeze3A_240 = vector.extract %slice3A_239[0] : i32 from vector<1xi32>
        %gt3A_241 = arith.constant 0 : i32
        %gt3A_242 = arith.cmpi sgt, %squeeze3A_240, %gt3A_241 : i32
        %convert_element_type3A_243 = arith.extui %gt3A_242 : i1 to i32
        %cond3A_244 = arith.constant 0 : i32
        %cond3A_245 = arith.cmpi ne, %convert_element_type3A_243, %cond3A_244 : i32
        scf.if %cond3A_245 {
          %mul3A_257 = arith.constant 640 : i32
          %mul3A_258 = vector.broadcast %mul3A_257 : i32 to vector<16xi32>
          %mul3A_259 = arith.muli %get3A_229, %mul3A_258 : vector<16xi32>
          %sub3A_260 = vector.broadcast %multiple_of3A_150 : i32 to vector<16xi32>
          %sub3A_261 = arith.subi %gather3A_230, %sub3A_260 : vector<16xi32>
          %add3A_262 = arith.addi %mul3A_259, %sub3A_261 : vector<16xi32>
          %jit3A_263 = arith.constant 0 : i32
          %jit3A_264 = arith.constant 1 : i32
          %broadcast_in_dim3A_265 = vector.broadcast %jit3A_263 : i32 to vector<16xi32>
          %broadcast_in_dim3A_266 = vector.broadcast %jit3A_264 : i32 to vector<16xi32>
          %select_n3A_267 = arith.select %and3A_237, %broadcast_in_dim3A_265, %broadcast_in_dim3A_266 : vector<16xi1>, vector<16xi32>
          %masked_sort3A = arith.constant dense<true> : vector<16xi1>
          %masked_sort3A_268 = arith.constant -2147483648 : i32
          %masked_sort3A_269 = vector.broadcast %masked_sort3A_268 : i32 to vector<16xi32>
          %masked_sort3A_270 = arith.xori %select_n3A_267, %masked_sort3A_269 : vector<16xi32>
          %masked_sort3A_271, %masked_sort3A_272, %masked_sort3A_273 = tpu.sort %masked_sort3A_270, %add3A_262 masked %masked_sort3A : (vector<16xi32>, vector<16xi32>, vector<16xi1>) -> (vector<16xi1>, vector<16xi32>, vector<16xi32>)
          %masked_sort3A_274 = arith.xori %masked_sort3A_272, %masked_sort3A_269 : vector<16xi32>
          %swap3A_275 = arith.constant 0 : index
          %swap3A_276 = tpu.vector_load %arg12[%swap3A_275] {strides = array<i32>} : memref<32xi32, #tpu.memory_space<vmem>>, vector<16xi32>,
          tpu.vector_store %arg12[%swap3A_275], %masked_sort3A_273 {strides = array<i32>} : memref<32xi32, #tpu.memory_space<vmem>>, vector<16xi32>,
        } else {
        }
        %while3A_246 = arith.constant 0 : i32
        %while3A_247 = arith.subi %squeeze3A_240, %while3A_246 : i32
        %while3A_248 = arith.addi %while3A_246, %while3A_247 : i32
        %while3A_249 = arith.constant 1 : i32
        %while3A_250 = arith.divsi %while3A_247, %while3A_249 : i32
        %while3A_251 = arith.muli %while3A_250, %while3A_249 : i32
        %while3A_252 = arith.addi %while3A_246, %while3A_251 : i32
        %while3A_253 = arith.constant 1 : i32
        %while3A_254 = scf.for %while3A_257 = %while3A_246 to %while3A_252 step %while3A_253 iter_args(%while3A_258 = %while3A_221) -> (i32)  : i32 {
          %get3A_259 = arith.index_cast %while3A_257 : i32 to index
          %get3A_260 = tpu.vector_load %arg12[%get3A_259] {strides = array<i32>} : memref<32xi32, #tpu.memory_space<vmem>>, vector<16xi32>,
          %slice3A_261 = vector.extract_strided_slice %get3A_260 {offsets = [0], sizes = [1], strides = [1]} : vector<16xi32> to vector<1xi32>
          %squeeze3A_262 = vector.extract %slice3A_261[0] : i32 from vector<1xi32>
          %rem3A_263 = arith.constant 640 : i32
          %rem3A_264 = arith.remsi %squeeze3A_262, %rem3A_263 : i32
          %div3A_265 = arith.constant 640 : i32
          %div3A_266 = arith.divsi %squeeze3A_262, %div3A_265 : i32
          %and3A_267 = arith.constant 63 : i32
          %and3A_268 = arith.andi %while3A_258, %and3A_267 : i32
          %ge3A_269 = arith.constant 64 : i32
          %ge3A_270 = arith.cmpi sge, %while3A_258, %ge3A_269 : i32
          %convert_element_type3A_271 = arith.extui %ge3A_270 : i1 to i32
          %cond3A_272 = arith.constant 0 : i32
          %cond3A_273 = arith.cmpi ne, %convert_element_type3A_271, %cond3A_272 : i32
          scf.if %cond3A_273 {
            %dma_wait3A = arith.constant 0 : i32
            %dma_wait3A_342 = tpu.memref_slice %arg11[%dma_wait3A] : memref<4096xf32, #tpu.memory_space<vmem>> -> memref<64xf32, #tpu.memory_space<vmem>>
            %dma_wait3A_343 = arith.constant 0 : i32
            %dma_wait3A_344 = tpu.memref_slice %arg6[%dma_wait3A_343] : memref<1048576xf32, #tpu.memory_space<hbm>> -> memref<64xf32, #tpu.memory_space<hbm>>
            %dma_wait3A_345 = arith.constant 0 : i32
            %dma_wait3A_346 = tpu.memref_slice %arg11[%dma_wait3A_345] : memref<4096xf32, #tpu.memory_space<vmem>> -> memref<64xf32, #tpu.memory_space<vmem>>
            %dma_wait3A_347 = arith.constant 0 : i32
            %dma_wait3A_348 = tpu.memref_slice %arg6[%dma_wait3A_347] : memref<1048576xf32, #tpu.memory_space<hbm>> -> memref<64xf32, #tpu.memory_space<hbm>>
            tpu.wait_dma2 semaphore(%arg13 : memref<!tpu.dma_semaphore, #tpu.memory_space<semaphore_mem>>) src(%dma_wait3A_348 : memref<64xf32, #tpu.memory_space<hbm>>) dst(%dma_wait3A_346 : memref<64xf32, #tpu.memory_space<vmem>>)
          } else {
          }
          %broadcast_in_dim3A_274 = vector.broadcast %rem3A_264 : i32 to vector<16xi32>
          %add3A_275 = arith.constant 0 : i32
          %add3A_276 = vector.broadcast %add3A_275 : i32 to vector<16xi32>
          %add3A_277 = arith.addi %iota3A, %add3A_276 : vector<16xi32>
          %gather3A_278 = arith.constant 0 : i32
          %gather3A_279 = arith.constant 0 : i32
          %gather3A_280 = tpu.memref_slice %arg10[%and3A_169, %gather3A_278, %gather3A_279] : memref<2x64x640xf32, #tpu.memory_space<vmem>> -> memref<1x64x640xf32, #tpu.memory_space<vmem>>
          %gather3A_281 = tpu.memref_squeeze %gather3A_280 : memref<1x64x640xf32, #tpu.memory_space<vmem>> -> memref<64x640xf32, #tpu.memory_space<vmem>>
          %gather3A_282 = tpu.vector_load_idx %gather3A_281[%add3A_277, %broadcast_in_dim3A_274] : memref<64x640xf32, #tpu.memory_space<vmem>>[vector<16xi32>, vector<16xi32>], vector<16xf32>,
          %mul3A_283 = arith.constant 64 : i32
          %mul3A_284 = arith.muli %and3A_268, %mul3A_283 : i32
          %add3A_285 = arith.constant 0 : i32
          %add3A_286 = arith.addi %mul3A_284, %add3A_285 : i32
          %swap3A_287 = arith.index_cast %add3A_286 : i32 to index
          %swap3A_288 = tpu.vector_load %arg11[%swap3A_287] {strides = array<i32>} : memref<4096xf32, #tpu.memory_space<vmem>>, vector<16xf32>,
          tpu.vector_store %arg11[%swap3A_287], %gather3A_282 {strides = array<i32>} : memref<4096xf32, #tpu.memory_space<vmem>>, vector<16xf32>,
          %add3A_289 = arith.constant 16 : i32
          %add3A_290 = vector.broadcast %add3A_289 : i32 to vector<16xi32>
          %add3A_291 = arith.addi %iota3A, %add3A_290 : vector<16xi32>
          %gather3A_292 = arith.constant 0 : i32
          %gather3A_293 = arith.constant 0 : i32
          %gather3A_294 = tpu.memref_slice %arg10[%and3A_169, %gather3A_292, %gather3A_293] : memref<2x64x640xf32, #tpu.memory_space<vmem>> -> memref<1x64x640xf32, #tpu.memory_space<vmem>>
          %gather3A_295 = tpu.memref_squeeze %gather3A_294 : memref<1x64x640xf32, #tpu.memory_space<vmem>> -> memref<64x640xf32, #tpu.memory_space<vmem>>
          %gather3A_296 = tpu.vector_load_idx %gather3A_295[%add3A_291, %broadcast_in_dim3A_274] : memref<64x640xf32, #tpu.memory_space<vmem>>[vector<16xi32>, vector<16xi32>], vector<16xf32>,
          %mul3A_297 = arith.constant 64 : i32
          %mul3A_298 = arith.muli %and3A_268, %mul3A_297 : i32
          %add3A_299 = arith.constant 16 : i32
          %add3A_300 = arith.addi %mul3A_298, %add3A_299 : i32
          %swap3A_301 = arith.index_cast %add3A_300 : i32 to index
          %swap3A_302 = tpu.vector_load %arg11[%swap3A_301] {strides = array<i32>} : memref<4096xf32, #tpu.memory_space<vmem>>, vector<16xf32>,
          tpu.vector_store %arg11[%swap3A_301], %gather3A_296 {strides = array<i32>} : memref<4096xf32, #tpu.memory_space<vmem>>, vector<16xf32>,
          %add3A_303 = arith.constant 32 : i32
          %add3A_304 = vector.broadcast %add3A_303 : i32 to vector<16xi32>
          %add3A_305 = arith.addi %iota3A, %add3A_304 : vector<16xi32>
          %gather3A_306 = arith.constant 0 : i32
          %gather3A_307 = arith.constant 0 : i32
          %gather3A_308 = tpu.memref_slice %arg10[%and3A_169, %gather3A_306, %gather3A_307] : memref<2x64x640xf32, #tpu.memory_space<vmem>> -> memref<1x64x640xf32, #tpu.memory_space<vmem>>
          %gather3A_309 = tpu.memref_squeeze %gather3A_308 : memref<1x64x640xf32, #tpu.memory_space<vmem>> -> memref<64x640xf32, #tpu.memory_space<vmem>>
          %gather3A_310 = tpu.vector_load_idx %gather3A_309[%add3A_305, %broadcast_in_dim3A_274] : memref<64x640xf32, #tpu.memory_space<vmem>>[vector<16xi32>, vector<16xi32>], vector<16xf32>,
          %mul3A_311 = arith.constant 64 : i32
          %mul3A_312 = arith.muli %and3A_268, %mul3A_311 : i32
          %add3A_313 = arith.constant 32 : i32
          %add3A_314 = arith.addi %mul3A_312, %add3A_313 : i32
          %swap3A_315 = arith.index_cast %add3A_314 : i32 to index
          %swap3A_316 = tpu.vector_load %arg11[%swap3A_315] {strides = array<i32>} : memref<4096xf32, #tpu.memory_space<vmem>>, vector<16xf32>,
          tpu.vector_store %arg11[%swap3A_315], %gather3A_310 {strides = array<i32>} : memref<4096xf32, #tpu.memory_space<vmem>>, vector<16xf32>,
          %add3A_317 = arith.constant 48 : i32
          %add3A_318 = vector.broadcast %add3A_317 : i32 to vector<16xi32>
          %add3A_319 = arith.addi %iota3A, %add3A_318 : vector<16xi32>
          %gather3A_320 = arith.constant 0 : i32
          %gather3A_321 = arith.constant 0 : i32
          %gather3A_322 = tpu.memref_slice %arg10[%and3A_169, %gather3A_320, %gather3A_321] : memref<2x64x640xf32, #tpu.memory_space<vmem>> -> memref<1x64x640xf32, #tpu.memory_space<vmem>>
          %gather3A_323 = tpu.memref_squeeze %gather3A_322 : memref<1x64x640xf32, #tpu.memory_space<vmem>> -> memref<64x640xf32, #tpu.memory_space<vmem>>
          %gather3A_324 = tpu.vector_load_idx %gather3A_323[%add3A_319, %broadcast_in_dim3A_274] : memref<64x640xf32, #tpu.memory_space<vmem>>[vector<16xi32>, vector<16xi32>], vector<16xf32>,
          %mul3A_325 = arith.constant 64 : i32
          %mul3A_326 = arith.muli %and3A_268, %mul3A_325 : i32
          %add3A_327 = arith.constant 48 : i32
          %add3A_328 = arith.addi %mul3A_326, %add3A_327 : i32
          %swap3A_329 = arith.index_cast %add3A_328 : i32 to index
          %swap3A_330 = tpu.vector_load %arg11[%swap3A_329] {strides = array<i32>} : memref<4096xf32, #tpu.memory_space<vmem>>, vector<16xf32>,
          tpu.vector_store %arg11[%swap3A_329], %gather3A_324 {strides = array<i32>} : memref<4096xf32, #tpu.memory_space<vmem>>, vector<16xf32>,
          %mul3A_331 = arith.constant 64 : i32
          %mul3A_332 = arith.muli %div3A_266, %mul3A_331 : i32
          %multiple_of3A_333 = tpu.assume_multiple %mul3A_332, 8 : i32
          %mul3A_334 = arith.constant 64 : i32
          %mul3A_335 = arith.muli %and3A_268, %mul3A_334 : i32
          %dma_start3A_336 = tpu.memref_slice %arg11[%mul3A_335] : memref<4096xf32, #tpu.memory_space<vmem>> -> memref<64xf32, #tpu.memory_space<vmem>>
          %dma_start3A_337 = tpu.memref_slice %arg6[%multiple_of3A_333] : memref<1048576xf32, #tpu.memory_space<hbm>> -> memref<64xf32, #tpu.memory_space<hbm>>
          %dma_start3A_338 = tpu.memref_slice %arg6[%multiple_of3A_333] : memref<1048576xf32, #tpu.memory_space<hbm>> -> memref<64xf32, #tpu.memory_space<hbm>>
          %dma_start3A_339 = tpu.memref_slice %arg11[%mul3A_335] : memref<4096xf32, #tpu.memory_space<vmem>> -> memref<64xf32, #tpu.memory_space<vmem>>
          tpu.enqueue_dma source(%dma_start3A_339 : memref<64xf32, #tpu.memory_space<vmem>>) target(%dma_start3A_338 : memref<64xf32, #tpu.memory_space<hbm>>) target_semaphore(%arg13 : memref<!tpu.dma_semaphore, #tpu.memory_space<semaphore_mem>>)
          %add3A_340 = arith.constant 1 : i32
          %add3A_341 = arith.addi %while3A_258, %add3A_340 : i32
          scf.yield %add3A_341 : i32
        }
        %while3A_255 = arith.constant 1 : i32
        %while3A_256 = scf.for %while3A_257 = %while3A_252 to %while3A_248 step %while3A_255 iter_args(%while3A_258 = %while3A_254) -> (i32)  : i32 {
          %get3A_259 = arith.index_cast %while3A_257 : i32 to index
          %get3A_260 = tpu.vector_load %arg12[%get3A_259] {strides = array<i32>} : memref<32xi32, #tpu.memory_space<vmem>>, vector<16xi32>,
          %slice3A_261 = vector.extract_strided_slice %get3A_260 {offsets = [0], sizes = [1], strides = [1]} : vector<16xi32> to vector<1xi32>
          %squeeze3A_262 = vector.extract %slice3A_261[0] : i32 from vector<1xi32>
          %rem3A_263 = arith.constant 640 : i32
          %rem3A_264 = arith.remsi %squeeze3A_262, %rem3A_263 : i32
          %div3A_265 = arith.constant 640 : i32
          %div3A_266 = arith.divsi %squeeze3A_262, %div3A_265 : i32
          %and3A_267 = arith.constant 63 : i32
          %and3A_268 = arith.andi %while3A_258, %and3A_267 : i32
          %ge3A_269 = arith.constant 64 : i32
          %ge3A_270 = arith.cmpi sge, %while3A_258, %ge3A_269 : i32
          %convert_element_type3A_271 = arith.extui %ge3A_270 : i1 to i32
          %cond3A_272 = arith.constant 0 : i32
          %cond3A_273 = arith.cmpi ne, %convert_element_type3A_271, %cond3A_272 : i32
          scf.if %cond3A_273 {
            %dma_wait3A = arith.constant 0 : i32
            %dma_wait3A_342 = tpu.memref_slice %arg11[%dma_wait3A] : memref<4096xf32, #tpu.memory_space<vmem>> -> memref<64xf32, #tpu.memory_space<vmem>>
            %dma_wait3A_343 = arith.constant 0 : i32
            %dma_wait3A_344 = tpu.memref_slice %arg6[%dma_wait3A_343] : memref<1048576xf32, #tpu.memory_space<hbm>> -> memref<64xf32, #tpu.memory_space<hbm>>
            %dma_wait3A_345 = arith.constant 0 : i32
            %dma_wait3A_346 = tpu.memref_slice %arg11[%dma_wait3A_345] : memref<4096xf32, #tpu.memory_space<vmem>> -> memref<64xf32, #tpu.memory_space<vmem>>
            %dma_wait3A_347 = arith.constant 0 : i32
            %dma_wait3A_348 = tpu.memref_slice %arg6[%dma_wait3A_347] : memref<1048576xf32, #tpu.memory_space<hbm>> -> memref<64xf32, #tpu.memory_space<hbm>>
            tpu.wait_dma2 semaphore(%arg13 : memref<!tpu.dma_semaphore, #tpu.memory_space<semaphore_mem>>) src(%dma_wait3A_348 : memref<64xf32, #tpu.memory_space<hbm>>) dst(%dma_wait3A_346 : memref<64xf32, #tpu.memory_space<vmem>>)
          } else {
          }
          %broadcast_in_dim3A_274 = vector.broadcast %rem3A_264 : i32 to vector<16xi32>
          %add3A_275 = arith.constant 0 : i32
          %add3A_276 = vector.broadcast %add3A_275 : i32 to vector<16xi32>
          %add3A_277 = arith.addi %iota3A, %add3A_276 : vector<16xi32>
          %gather3A_278 = arith.constant 0 : i32
          %gather3A_279 = arith.constant 0 : i32
          %gather3A_280 = tpu.memref_slice %arg10[%and3A_169, %gather3A_278, %gather3A_279] : memref<2x64x640xf32, #tpu.memory_space<vmem>> -> memref<1x64x640xf32, #tpu.memory_space<vmem>>
          %gather3A_281 = tpu.memref_squeeze %gather3A_280 : memref<1x64x640xf32, #tpu.memory_space<vmem>> -> memref<64x640xf32, #tpu.memory_space<vmem>>
          %gather3A_282 = tpu.vector_load_idx %gather3A_281[%add3A_277, %broadcast_in_dim3A_274] : memref<64x640xf32, #tpu.memory_space<vmem>>[vector<16xi32>, vector<16xi32>], vector<16xf32>,
          %mul3A_283 = arith.constant 64 : i32
          %mul3A_284 = arith.muli %and3A_268, %mul3A_283 : i32
          %add3A_285 = arith.constant 0 : i32
          %add3A_286 = arith.addi %mul3A_284, %add3A_285 : i32
          %swap3A_287 = arith.index_cast %add3A_286 : i32 to index
          %swap3A_288 = tpu.vector_load %arg11[%swap3A_287] {strides = array<i32>} : memref<4096xf32, #tpu.memory_space<vmem>>, vector<16xf32>,
          tpu.vector_store %arg11[%swap3A_287], %gather3A_282 {strides = array<i32>} : memref<4096xf32, #tpu.memory_space<vmem>>, vector<16xf32>,
          %add3A_289 = arith.constant 16 : i32
          %add3A_290 = vector.broadcast %add3A_289 : i32 to vector<16xi32>
          %add3A_291 = arith.addi %iota3A, %add3A_290 : vector<16xi32>
          %gather3A_292 = arith.constant 0 : i32
          %gather3A_293 = arith.constant 0 : i32
          %gather3A_294 = tpu.memref_slice %arg10[%and3A_169, %gather3A_292, %gather3A_293] : memref<2x64x640xf32, #tpu.memory_space<vmem>> -> memref<1x64x640xf32, #tpu.memory_space<vmem>>
          %gather3A_295 = tpu.memref_squeeze %gather3A_294 : memref<1x64x640xf32, #tpu.memory_space<vmem>> -> memref<64x640xf32, #tpu.memory_space<vmem>>
          %gather3A_296 = tpu.vector_load_idx %gather3A_295[%add3A_291, %broadcast_in_dim3A_274] : memref<64x640xf32, #tpu.memory_space<vmem>>[vector<16xi32>, vector<16xi32>], vector<16xf32>,
          %mul3A_297 = arith.constant 64 : i32
          %mul3A_298 = arith.muli %and3A_268, %mul3A_297 : i32
          %add3A_299 = arith.constant 16 : i32
          %add3A_300 = arith.addi %mul3A_298, %add3A_299 : i32
          %swap3A_301 = arith.index_cast %add3A_300 : i32 to index
          %swap3A_302 = tpu.vector_load %arg11[%swap3A_301] {strides = array<i32>} : memref<4096xf32, #tpu.memory_space<vmem>>, vector<16xf32>,
          tpu.vector_store %arg11[%swap3A_301], %gather3A_296 {strides = array<i32>} : memref<4096xf32, #tpu.memory_space<vmem>>, vector<16xf32>,
          %add3A_303 = arith.constant 32 : i32
          %add3A_304 = vector.broadcast %add3A_303 : i32 to vector<16xi32>
          %add3A_305 = arith.addi %iota3A, %add3A_304 : vector<16xi32>
          %gather3A_306 = arith.constant 0 : i32
          %gather3A_307 = arith.constant 0 : i32
          %gather3A_308 = tpu.memref_slice %arg10[%and3A_169, %gather3A_306, %gather3A_307] : memref<2x64x640xf32, #tpu.memory_space<vmem>> -> memref<1x64x640xf32, #tpu.memory_space<vmem>>
          %gather3A_309 = tpu.memref_squeeze %gather3A_308 : memref<1x64x640xf32, #tpu.memory_space<vmem>> -> memref<64x640xf32, #tpu.memory_space<vmem>>
          %gather3A_310 = tpu.vector_load_idx %gather3A_309[%add3A_305, %broadcast_in_dim3A_274] : memref<64x640xf32, #tpu.memory_space<vmem>>[vector<16xi32>, vector<16xi32>], vector<16xf32>,
          %mul3A_311 = arith.constant 64 : i32
          %mul3A_312 = arith.muli %and3A_268, %mul3A_311 : i32
          %add3A_313 = arith.constant 32 : i32
          %add3A_314 = arith.addi %mul3A_312, %add3A_313 : i32
          %swap3A_315 = arith.index_cast %add3A_314 : i32 to index
          %swap3A_316 = tpu.vector_load %arg11[%swap3A_315] {strides = array<i32>} : memref<4096xf32, #tpu.memory_space<vmem>>, vector<16xf32>,
          tpu.vector_store %arg11[%swap3A_315], %gather3A_310 {strides = array<i32>} : memref<4096xf32, #tpu.memory_space<vmem>>, vector<16xf32>,
          %add3A_317 = arith.constant 48 : i32
          %add3A_318 = vector.broadcast %add3A_317 : i32 to vector<16xi32>
          %add3A_319 = arith.addi %iota3A, %add3A_318 : vector<16xi32>
          %gather3A_320 = arith.constant 0 : i32
          %gather3A_321 = arith.constant 0 : i32
          %gather3A_322 = tpu.memref_slice %arg10[%and3A_169, %gather3A_320, %gather3A_321] : memref<2x64x640xf32, #tpu.memory_space<vmem>> -> memref<1x64x640xf32, #tpu.memory_space<vmem>>
          %gather3A_323 = tpu.memref_squeeze %gather3A_322 : memref<1x64x640xf32, #tpu.memory_space<vmem>> -> memref<64x640xf32, #tpu.memory_space<vmem>>
          %gather3A_324 = tpu.vector_load_idx %gather3A_323[%add3A_319, %broadcast_in_dim3A_274] : memref<64x640xf32, #tpu.memory_space<vmem>>[vector<16xi32>, vector<16xi32>], vector<16xf32>,
          %mul3A_325 = arith.constant 64 : i32
          %mul3A_326 = arith.muli %and3A_268, %mul3A_325 : i32
          %add3A_327 = arith.constant 48 : i32
          %add3A_328 = arith.addi %mul3A_326, %add3A_327 : i32
          %swap3A_329 = arith.index_cast %add3A_328 : i32 to index
          %swap3A_330 = tpu.vector_load %arg11[%swap3A_329] {strides = array<i32>} : memref<4096xf32, #tpu.memory_space<vmem>>, vector<16xf32>,
          tpu.vector_store %arg11[%swap3A_329], %gather3A_324 {strides = array<i32>} : memref<4096xf32, #tpu.memory_space<vmem>>, vector<16xf32>,
          %mul3A_331 = arith.constant 64 : i32
          %mul3A_332 = arith.muli %div3A_266, %mul3A_331 : i32
          %multiple_of3A_333 = tpu.assume_multiple %mul3A_332, 8 : i32
          %mul3A_334 = arith.constant 64 : i32
          %mul3A_335 = arith.muli %and3A_268, %mul3A_334 : i32
          %dma_start3A_336 = tpu.memref_slice %arg11[%mul3A_335] : memref<4096xf32, #tpu.memory_space<vmem>> -> memref<64xf32, #tpu.memory_space<vmem>>
          %dma_start3A_337 = tpu.memref_slice %arg6[%multiple_of3A_333] : memref<1048576xf32, #tpu.memory_space<hbm>> -> memref<64xf32, #tpu.memory_space<hbm>>
          %dma_start3A_338 = tpu.memref_slice %arg6[%multiple_of3A_333] : memref<1048576xf32, #tpu.memory_space<hbm>> -> memref<64xf32, #tpu.memory_space<hbm>>
          %dma_start3A_339 = tpu.memref_slice %arg11[%mul3A_335] : memref<4096xf32, #tpu.memory_space<vmem>> -> memref<64xf32, #tpu.memory_space<vmem>>
          tpu.enqueue_dma source(%dma_start3A_339 : memref<64xf32, #tpu.memory_space<vmem>>) target(%dma_start3A_338 : memref<64xf32, #tpu.memory_space<hbm>>) target_semaphore(%arg13 : memref<!tpu.dma_semaphore, #tpu.memory_space<semaphore_mem>>)
          %add3A_340 = arith.constant 1 : i32
          %add3A_341 = arith.addi %while3A_258, %add3A_340 : i32
          scf.yield %add3A_341 : i32
        }
        scf.yield %while3A_256 : i32
      }
      %while3A_180 = arith.constant 1 : i32
      %while3A_181 = scf.for %while3A_194 = %while3A_177 to %while3A_173 step %while3A_180 iter_args(%while3A_195 = %while3A_179) -> (i32)  : i32 {
        %mul3A_196 = arith.constant 2 : i32
        %mul3A_197 = arith.muli %mul3A_196, %while3A_194 : i32
        %mul3A_198 = arith.constant 16 : i32
        %mul3A_199 = arith.muli %mul3A_197, %mul3A_198 : i32
        %get3A = arith.index_cast %mul3A_199 : i32 to index
        %get3A_200 = tpu.vector_load %arg9[%get3A] {strides = array<i32>} : memref<16416xi32, #tpu.memory_space<vmem>>, vector<16xi32>,
        %gather3A = tpu.vector_load_idx %arg8[%get3A_200] : memref<16384xi32, #tpu.memory_space<vmem>>[vector<16xi32>], vector<16xi32>,
        %ge3A = vector.broadcast %multiple_of3A_150 : i32 to vector<16xi32>
        %ge3A_201 = arith.cmpi sge, %gather3A, %ge3A : vector<16xi32>
        %add3A_202 = arith.constant 640 : i32
        %add3A_203 = arith.addi %multiple_of3A_150, %add3A_202 : i32
        %lt3A_204 = vector.broadcast %add3A_203 : i32 to vector<16xi32>
        %lt3A_205 = arith.cmpi slt, %gather3A, %lt3A_204 : vector<16xi32>
        %and3A_206 = arith.andi %ge3A_201, %lt3A_205 : vector<16xi1>
        %all_reduce_population_count3A = tpu.all_reduce %and3A_206 {dim = 0 : i64, kind = #tpu.reduction_kind<sum>} : vector<16xi1> -> vector<16xi32>
        %slice3A = vector.extract_strided_slice %all_reduce_population_count3A {offsets = [0], sizes = [1], strides = [1]} : vector<16xi32> to vector<1xi32>
        %squeeze3A = vector.extract %slice3A[0] : i32 from vector<1xi32>
        %gt3A = arith.constant 0 : i32
        %gt3A_207 = arith.cmpi sgt, %squeeze3A, %gt3A : i32
        %convert_element_type3A_208 = arith.extui %gt3A_207 : i1 to i32
        %cond3A_209 = arith.constant 0 : i32
        %cond3A_210 = arith.cmpi ne, %convert_element_type3A_208, %cond3A_209 : i32
        scf.if %cond3A_210 {
          %mul3A_257 = arith.constant 640 : i32
          %mul3A_258 = vector.broadcast %mul3A_257 : i32 to vector<16xi32>
          %mul3A_259 = arith.muli %get3A_200, %mul3A_258 : vector<16xi32>
          %sub3A_260 = vector.broadcast %multiple_of3A_150 : i32 to vector<16xi32>
          %sub3A_261 = arith.subi %gather3A, %sub3A_260 : vector<16xi32>
          %add3A_262 = arith.addi %mul3A_259, %sub3A_261 : vector<16xi32>
          %jit3A_263 = arith.constant 0 : i32
          %jit3A_264 = arith.constant 1 : i32
          %broadcast_in_dim3A_265 = vector.broadcast %jit3A_263 : i32 to vector<16xi32>
          %broadcast_in_dim3A_266 = vector.broadcast %jit3A_264 : i32 to vector<16xi32>
          %select_n3A_267 = arith.select %and3A_206, %broadcast_in_dim3A_265, %broadcast_in_dim3A_266 : vector<16xi1>, vector<16xi32>
          %masked_sort3A = arith.constant dense<true> : vector<16xi1>
          %masked_sort3A_268 = arith.constant -2147483648 : i32
          %masked_sort3A_269 = vector.broadcast %masked_sort3A_268 : i32 to vector<16xi32>
          %masked_sort3A_270 = arith.xori %select_n3A_267, %masked_sort3A_269 : vector<16xi32>
          %masked_sort3A_271, %masked_sort3A_272, %masked_sort3A_273 = tpu.sort %masked_sort3A_270, %add3A_262 masked %masked_sort3A : (vector<16xi32>, vector<16xi32>, vector<16xi1>) -> (vector<16xi1>, vector<16xi32>, vector<16xi32>)
          %masked_sort3A_274 = arith.xori %masked_sort3A_272, %masked_sort3A_269 : vector<16xi32>
          %swap3A_275 = arith.constant 0 : index
          %swap3A_276 = tpu.vector_load %arg12[%swap3A_275] {strides = array<i32>} : memref<32xi32, #tpu.memory_space<vmem>>, vector<16xi32>,
          tpu.vector_store %arg12[%swap3A_275], %masked_sort3A_273 {strides = array<i32>} : memref<32xi32, #tpu.memory_space<vmem>>, vector<16xi32>,
        } else {
        }
        %while3A_211 = arith.constant 0 : i32
        %while3A_212 = arith.subi %squeeze3A, %while3A_211 : i32
        %while3A_213 = arith.addi %while3A_211, %while3A_212 : i32
        %while3A_214 = arith.constant 1 : i32
        %while3A_215 = arith.divsi %while3A_212, %while3A_214 : i32
        %while3A_216 = arith.muli %while3A_215, %while3A_214 : i32
        %while3A_217 = arith.addi %while3A_211, %while3A_216 : i32
        %while3A_218 = arith.constant 1 : i32
        %while3A_219 = scf.for %while3A_257 = %while3A_211 to %while3A_217 step %while3A_218 iter_args(%while3A_258 = %while3A_195) -> (i32)  : i32 {
          %get3A_259 = arith.index_cast %while3A_257 : i32 to index
          %get3A_260 = tpu.vector_load %arg12[%get3A_259] {strides = array<i32>} : memref<32xi32, #tpu.memory_space<vmem>>, vector<16xi32>,
          %slice3A_261 = vector.extract_strided_slice %get3A_260 {offsets = [0], sizes = [1], strides = [1]} : vector<16xi32> to vector<1xi32>
          %squeeze3A_262 = vector.extract %slice3A_261[0] : i32 from vector<1xi32>
          %rem3A_263 = arith.constant 640 : i32
          %rem3A_264 = arith.remsi %squeeze3A_262, %rem3A_263 : i32
          %div3A_265 = arith.constant 640 : i32
          %div3A_266 = arith.divsi %squeeze3A_262, %div3A_265 : i32
          %and3A_267 = arith.constant 63 : i32
          %and3A_268 = arith.andi %while3A_258, %and3A_267 : i32
          %ge3A_269 = arith.constant 64 : i32
          %ge3A_270 = arith.cmpi sge, %while3A_258, %ge3A_269 : i32
          %convert_element_type3A_271 = arith.extui %ge3A_270 : i1 to i32
          %cond3A_272 = arith.constant 0 : i32
          %cond3A_273 = arith.cmpi ne, %convert_element_type3A_271, %cond3A_272 : i32
          scf.if %cond3A_273 {
            %dma_wait3A = arith.constant 0 : i32
            %dma_wait3A_342 = tpu.memref_slice %arg11[%dma_wait3A] : memref<4096xf32, #tpu.memory_space<vmem>> -> memref<64xf32, #tpu.memory_space<vmem>>
            %dma_wait3A_343 = arith.constant 0 : i32
            %dma_wait3A_344 = tpu.memref_slice %arg6[%dma_wait3A_343] : memref<1048576xf32, #tpu.memory_space<hbm>> -> memref<64xf32, #tpu.memory_space<hbm>>
            %dma_wait3A_345 = arith.constant 0 : i32
            %dma_wait3A_346 = tpu.memref_slice %arg11[%dma_wait3A_345] : memref<4096xf32, #tpu.memory_space<vmem>> -> memref<64xf32, #tpu.memory_space<vmem>>
            %dma_wait3A_347 = arith.constant 0 : i32
            %dma_wait3A_348 = tpu.memref_slice %arg6[%dma_wait3A_347] : memref<1048576xf32, #tpu.memory_space<hbm>> -> memref<64xf32, #tpu.memory_space<hbm>>
            tpu.wait_dma2 semaphore(%arg13 : memref<!tpu.dma_semaphore, #tpu.memory_space<semaphore_mem>>) src(%dma_wait3A_348 : memref<64xf32, #tpu.memory_space<hbm>>) dst(%dma_wait3A_346 : memref<64xf32, #tpu.memory_space<vmem>>)
          } else {
          }
          %broadcast_in_dim3A_274 = vector.broadcast %rem3A_264 : i32 to vector<16xi32>
          %add3A_275 = arith.constant 0 : i32
          %add3A_276 = vector.broadcast %add3A_275 : i32 to vector<16xi32>
          %add3A_277 = arith.addi %iota3A, %add3A_276 : vector<16xi32>
          %gather3A_278 = arith.constant 0 : i32
          %gather3A_279 = arith.constant 0 : i32
          %gather3A_280 = tpu.memref_slice %arg10[%and3A_169, %gather3A_278, %gather3A_279] : memref<2x64x640xf32, #tpu.memory_space<vmem>> -> memref<1x64x640xf32, #tpu.memory_space<vmem>>
          %gather3A_281 = tpu.memref_squeeze %gather3A_280 : memref<1x64x640xf32, #tpu.memory_space<vmem>> -> memref<64x640xf32, #tpu.memory_space<vmem>>
          %gather3A_282 = tpu.vector_load_idx %gather3A_281[%add3A_277, %broadcast_in_dim3A_274] : memref<64x640xf32, #tpu.memory_space<vmem>>[vector<16xi32>, vector<16xi32>], vector<16xf32>,
          %mul3A_283 = arith.constant 64 : i32
          %mul3A_284 = arith.muli %and3A_268, %mul3A_283 : i32
          %add3A_285 = arith.constant 0 : i32
          %add3A_286 = arith.addi %mul3A_284, %add3A_285 : i32
          %swap3A_287 = arith.index_cast %add3A_286 : i32 to index
          %swap3A_288 = tpu.vector_load %arg11[%swap3A_287] {strides = array<i32>} : memref<4096xf32, #tpu.memory_space<vmem>>, vector<16xf32>,
          tpu.vector_store %arg11[%swap3A_287], %gather3A_282 {strides = array<i32>} : memref<4096xf32, #tpu.memory_space<vmem>>, vector<16xf32>,
          %add3A_289 = arith.constant 16 : i32
          %add3A_290 = vector.broadcast %add3A_289 : i32 to vector<16xi32>
          %add3A_291 = arith.addi %iota3A, %add3A_290 : vector<16xi32>
          %gather3A_292 = arith.constant 0 : i32
          %gather3A_293 = arith.constant 0 : i32
          %gather3A_294 = tpu.memref_slice %arg10[%and3A_169, %gather3A_292, %gather3A_293] : memref<2x64x640xf32, #tpu.memory_space<vmem>> -> memref<1x64x640xf32, #tpu.memory_space<vmem>>
          %gather3A_295 = tpu.memref_squeeze %gather3A_294 : memref<1x64x640xf32, #tpu.memory_space<vmem>> -> memref<64x640xf32, #tpu.memory_space<vmem>>
          %gather3A_296 = tpu.vector_load_idx %gather3A_295[%add3A_291, %broadcast_in_dim3A_274] : memref<64x640xf32, #tpu.memory_space<vmem>>[vector<16xi32>, vector<16xi32>], vector<16xf32>,
          %mul3A_297 = arith.constant 64 : i32
          %mul3A_298 = arith.muli %and3A_268, %mul3A_297 : i32
          %add3A_299 = arith.constant 16 : i32
          %add3A_300 = arith.addi %mul3A_298, %add3A_299 : i32
          %swap3A_301 = arith.index_cast %add3A_300 : i32 to index
          %swap3A_302 = tpu.vector_load %arg11[%swap3A_301] {strides = array<i32>} : memref<4096xf32, #tpu.memory_space<vmem>>, vector<16xf32>,
          tpu.vector_store %arg11[%swap3A_301], %gather3A_296 {strides = array<i32>} : memref<4096xf32, #tpu.memory_space<vmem>>, vector<16xf32>,
          %add3A_303 = arith.constant 32 : i32
          %add3A_304 = vector.broadcast %add3A_303 : i32 to vector<16xi32>
          %add3A_305 = arith.addi %iota3A, %add3A_304 : vector<16xi32>
          %gather3A_306 = arith.constant 0 : i32
          %gather3A_307 = arith.constant 0 : i32
          %gather3A_308 = tpu.memref_slice %arg10[%and3A_169, %gather3A_306, %gather3A_307] : memref<2x64x640xf32, #tpu.memory_space<vmem>> -> memref<1x64x640xf32, #tpu.memory_space<vmem>>
          %gather3A_309 = tpu.memref_squeeze %gather3A_308 : memref<1x64x640xf32, #tpu.memory_space<vmem>> -> memref<64x640xf32, #tpu.memory_space<vmem>>
          %gather3A_310 = tpu.vector_load_idx %gather3A_309[%add3A_305, %broadcast_in_dim3A_274] : memref<64x640xf32, #tpu.memory_space<vmem>>[vector<16xi32>, vector<16xi32>], vector<16xf32>,
          %mul3A_311 = arith.constant 64 : i32
          %mul3A_312 = arith.muli %and3A_268, %mul3A_311 : i32
          %add3A_313 = arith.constant 32 : i32
          %add3A_314 = arith.addi %mul3A_312, %add3A_313 : i32
          %swap3A_315 = arith.index_cast %add3A_314 : i32 to index
          %swap3A_316 = tpu.vector_load %arg11[%swap3A_315] {strides = array<i32>} : memref<4096xf32, #tpu.memory_space<vmem>>, vector<16xf32>,
          tpu.vector_store %arg11[%swap3A_315], %gather3A_310 {strides = array<i32>} : memref<4096xf32, #tpu.memory_space<vmem>>, vector<16xf32>,
          %add3A_317 = arith.constant 48 : i32
          %add3A_318 = vector.broadcast %add3A_317 : i32 to vector<16xi32>
          %add3A_319 = arith.addi %iota3A, %add3A_318 : vector<16xi32>
          %gather3A_320 = arith.constant 0 : i32
          %gather3A_321 = arith.constant 0 : i32
          %gather3A_322 = tpu.memref_slice %arg10[%and3A_169, %gather3A_320, %gather3A_321] : memref<2x64x640xf32, #tpu.memory_space<vmem>> -> memref<1x64x640xf32, #tpu.memory_space<vmem>>
          %gather3A_323 = tpu.memref_squeeze %gather3A_322 : memref<1x64x640xf32, #tpu.memory_space<vmem>> -> memref<64x640xf32, #tpu.memory_space<vmem>>
          %gather3A_324 = tpu.vector_load_idx %gather3A_323[%add3A_319, %broadcast_in_dim3A_274] : memref<64x640xf32, #tpu.memory_space<vmem>>[vector<16xi32>, vector<16xi32>], vector<16xf32>,
          %mul3A_325 = arith.constant 64 : i32
          %mul3A_326 = arith.muli %and3A_268, %mul3A_325 : i32
          %add3A_327 = arith.constant 48 : i32
          %add3A_328 = arith.addi %mul3A_326, %add3A_327 : i32
          %swap3A_329 = arith.index_cast %add3A_328 : i32 to index
          %swap3A_330 = tpu.vector_load %arg11[%swap3A_329] {strides = array<i32>} : memref<4096xf32, #tpu.memory_space<vmem>>, vector<16xf32>,
          tpu.vector_store %arg11[%swap3A_329], %gather3A_324 {strides = array<i32>} : memref<4096xf32, #tpu.memory_space<vmem>>, vector<16xf32>,
          %mul3A_331 = arith.constant 64 : i32
          %mul3A_332 = arith.muli %div3A_266, %mul3A_331 : i32
          %multiple_of3A_333 = tpu.assume_multiple %mul3A_332, 8 : i32
          %mul3A_334 = arith.constant 64 : i32
          %mul3A_335 = arith.muli %and3A_268, %mul3A_334 : i32
          %dma_start3A_336 = tpu.memref_slice %arg11[%mul3A_335] : memref<4096xf32, #tpu.memory_space<vmem>> -> memref<64xf32, #tpu.memory_space<vmem>>
          %dma_start3A_337 = tpu.memref_slice %arg6[%multiple_of3A_333] : memref<1048576xf32, #tpu.memory_space<hbm>> -> memref<64xf32, #tpu.memory_space<hbm>>
          %dma_start3A_338 = tpu.memref_slice %arg6[%multiple_of3A_333] : memref<1048576xf32, #tpu.memory_space<hbm>> -> memref<64xf32, #tpu.memory_space<hbm>>
          %dma_start3A_339 = tpu.memref_slice %arg11[%mul3A_335] : memref<4096xf32, #tpu.memory_space<vmem>> -> memref<64xf32, #tpu.memory_space<vmem>>
          tpu.enqueue_dma source(%dma_start3A_339 : memref<64xf32, #tpu.memory_space<vmem>>) target(%dma_start3A_338 : memref<64xf32, #tpu.memory_space<hbm>>) target_semaphore(%arg13 : memref<!tpu.dma_semaphore, #tpu.memory_space<semaphore_mem>>)
          %add3A_340 = arith.constant 1 : i32
          %add3A_341 = arith.addi %while3A_258, %add3A_340 : i32
          scf.yield %add3A_341 : i32
        }
        %while3A_220 = arith.constant 1 : i32
        %while3A_221 = scf.for %while3A_257 = %while3A_217 to %while3A_213 step %while3A_220 iter_args(%while3A_258 = %while3A_219) -> (i32)  : i32 {
          %get3A_259 = arith.index_cast %while3A_257 : i32 to index
          %get3A_260 = tpu.vector_load %arg12[%get3A_259] {strides = array<i32>} : memref<32xi32, #tpu.memory_space<vmem>>, vector<16xi32>,
          %slice3A_261 = vector.extract_strided_slice %get3A_260 {offsets = [0], sizes = [1], strides = [1]} : vector<16xi32> to vector<1xi32>
          %squeeze3A_262 = vector.extract %slice3A_261[0] : i32 from vector<1xi32>
          %rem3A_263 = arith.constant 640 : i32
          %rem3A_264 = arith.remsi %squeeze3A_262, %rem3A_263 : i32
          %div3A_265 = arith.constant 640 : i32
          %div3A_266 = arith.divsi %squeeze3A_262, %div3A_265 : i32
          %and3A_267 = arith.constant 63 : i32
          %and3A_268 = arith.andi %while3A_258, %and3A_267 : i32
          %ge3A_269 = arith.constant 64 : i32
          %ge3A_270 = arith.cmpi sge, %while3A_258, %ge3A_269 : i32
          %convert_element_type3A_271 = arith.extui %ge3A_270 : i1 to i32
          %cond3A_272 = arith.constant 0 : i32
          %cond3A_273 = arith.cmpi ne, %convert_element_type3A_271, %cond3A_272 : i32
          scf.if %cond3A_273 {
            %dma_wait3A = arith.constant 0 : i32
            %dma_wait3A_342 = tpu.memref_slice %arg11[%dma_wait3A] : memref<4096xf32, #tpu.memory_space<vmem>> -> memref<64xf32, #tpu.memory_space<vmem>>
            %dma_wait3A_343 = arith.constant 0 : i32
            %dma_wait3A_344 = tpu.memref_slice %arg6[%dma_wait3A_343] : memref<1048576xf32, #tpu.memory_space<hbm>> -> memref<64xf32, #tpu.memory_space<hbm>>
            %dma_wait3A_345 = arith.constant 0 : i32
            %dma_wait3A_346 = tpu.memref_slice %arg11[%dma_wait3A_345] : memref<4096xf32, #tpu.memory_space<vmem>> -> memref<64xf32, #tpu.memory_space<vmem>>
            %dma_wait3A_347 = arith.constant 0 : i32
            %dma_wait3A_348 = tpu.memref_slice %arg6[%dma_wait3A_347] : memref<1048576xf32, #tpu.memory_space<hbm>> -> memref<64xf32, #tpu.memory_space<hbm>>
            tpu.wait_dma2 semaphore(%arg13 : memref<!tpu.dma_semaphore, #tpu.memory_space<semaphore_mem>>) src(%dma_wait3A_348 : memref<64xf32, #tpu.memory_space<hbm>>) dst(%dma_wait3A_346 : memref<64xf32, #tpu.memory_space<vmem>>)
          } else {
          }
          %broadcast_in_dim3A_274 = vector.broadcast %rem3A_264 : i32 to vector<16xi32>
          %add3A_275 = arith.constant 0 : i32
          %add3A_276 = vector.broadcast %add3A_275 : i32 to vector<16xi32>
          %add3A_277 = arith.addi %iota3A, %add3A_276 : vector<16xi32>
          %gather3A_278 = arith.constant 0 : i32
          %gather3A_279 = arith.constant 0 : i32
          %gather3A_280 = tpu.memref_slice %arg10[%and3A_169, %gather3A_278, %gather3A_279] : memref<2x64x640xf32, #tpu.memory_space<vmem>> -> memref<1x64x640xf32, #tpu.memory_space<vmem>>
          %gather3A_281 = tpu.memref_squeeze %gather3A_280 : memref<1x64x640xf32, #tpu.memory_space<vmem>> -> memref<64x640xf32, #tpu.memory_space<vmem>>
          %gather3A_282 = tpu.vector_load_idx %gather3A_281[%add3A_277, %broadcast_in_dim3A_274] : memref<64x640xf32, #tpu.memory_space<vmem>>[vector<16xi32>, vector<16xi32>], vector<16xf32>,
          %mul3A_283 = arith.constant 64 : i32
          %mul3A_284 = arith.muli %and3A_268, %mul3A_283 : i32
          %add3A_285 = arith.constant 0 : i32
          %add3A_286 = arith.addi %mul3A_284, %add3A_285 : i32
          %swap3A_287 = arith.index_cast %add3A_286 : i32 to index
          %swap3A_288 = tpu.vector_load %arg11[%swap3A_287] {strides = array<i32>} : memref<4096xf32, #tpu.memory_space<vmem>>, vector<16xf32>,
          tpu.vector_store %arg11[%swap3A_287], %gather3A_282 {strides = array<i32>} : memref<4096xf32, #tpu.memory_space<vmem>>, vector<16xf32>,
          %add3A_289 = arith.constant 16 : i32
          %add3A_290 = vector.broadcast %add3A_289 : i32 to vector<16xi32>
          %add3A_291 = arith.addi %iota3A, %add3A_290 : vector<16xi32>
          %gather3A_292 = arith.constant 0 : i32
          %gather3A_293 = arith.constant 0 : i32
          %gather3A_294 = tpu.memref_slice %arg10[%and3A_169, %gather3A_292, %gather3A_293] : memref<2x64x640xf32, #tpu.memory_space<vmem>> -> memref<1x64x640xf32, #tpu.memory_space<vmem>>
          %gather3A_295 = tpu.memref_squeeze %gather3A_294 : memref<1x64x640xf32, #tpu.memory_space<vmem>> -> memref<64x640xf32, #tpu.memory_space<vmem>>
          %gather3A_296 = tpu.vector_load_idx %gather3A_295[%add3A_291, %broadcast_in_dim3A_274] : memref<64x640xf32, #tpu.memory_space<vmem>>[vector<16xi32>, vector<16xi32>], vector<16xf32>,
          %mul3A_297 = arith.constant 64 : i32
          %mul3A_298 = arith.muli %and3A_268, %mul3A_297 : i32
          %add3A_299 = arith.constant 16 : i32
          %add3A_300 = arith.addi %mul3A_298, %add3A_299 : i32
          %swap3A_301 = arith.index_cast %add3A_300 : i32 to index
          %swap3A_302 = tpu.vector_load %arg11[%swap3A_301] {strides = array<i32>} : memref<4096xf32, #tpu.memory_space<vmem>>, vector<16xf32>,
          tpu.vector_store %arg11[%swap3A_301], %gather3A_296 {strides = array<i32>} : memref<4096xf32, #tpu.memory_space<vmem>>, vector<16xf32>,
          %add3A_303 = arith.constant 32 : i32
          %add3A_304 = vector.broadcast %add3A_303 : i32 to vector<16xi32>
          %add3A_305 = arith.addi %iota3A, %add3A_304 : vector<16xi32>
          %gather3A_306 = arith.constant 0 : i32
          %gather3A_307 = arith.constant 0 : i32
          %gather3A_308 = tpu.memref_slice %arg10[%and3A_169, %gather3A_306, %gather3A_307] : memref<2x64x640xf32, #tpu.memory_space<vmem>> -> memref<1x64x640xf32, #tpu.memory_space<vmem>>
          %gather3A_309 = tpu.memref_squeeze %gather3A_308 : memref<1x64x640xf32, #tpu.memory_space<vmem>> -> memref<64x640xf32, #tpu.memory_space<vmem>>
          %gather3A_310 = tpu.vector_load_idx %gather3A_309[%add3A_305, %broadcast_in_dim3A_274] : memref<64x640xf32, #tpu.memory_space<vmem>>[vector<16xi32>, vector<16xi32>], vector<16xf32>,
          %mul3A_311 = arith.constant 64 : i32
          %mul3A_312 = arith.muli %and3A_268, %mul3A_311 : i32
          %add3A_313 = arith.constant 32 : i32
          %add3A_314 = arith.addi %mul3A_312, %add3A_313 : i32
          %swap3A_315 = arith.index_cast %add3A_314 : i32 to index
          %swap3A_316 = tpu.vector_load %arg11[%swap3A_315] {strides = array<i32>} : memref<4096xf32, #tpu.memory_space<vmem>>, vector<16xf32>,
          tpu.vector_store %arg11[%swap3A_315], %gather3A_310 {strides = array<i32>} : memref<4096xf32, #tpu.memory_space<vmem>>, vector<16xf32>,
          %add3A_317 = arith.constant 48 : i32
          %add3A_318 = vector.broadcast %add3A_317 : i32 to vector<16xi32>
          %add3A_319 = arith.addi %iota3A, %add3A_318 : vector<16xi32>
          %gather3A_320 = arith.constant 0 : i32
          %gather3A_321 = arith.constant 0 : i32
          %gather3A_322 = tpu.memref_slice %arg10[%and3A_169, %gather3A_320, %gather3A_321] : memref<2x64x640xf32, #tpu.memory_space<vmem>> -> memref<1x64x640xf32, #tpu.memory_space<vmem>>
          %gather3A_323 = tpu.memref_squeeze %gather3A_322 : memref<1x64x640xf32, #tpu.memory_space<vmem>> -> memref<64x640xf32, #tpu.memory_space<vmem>>
          %gather3A_324 = tpu.vector_load_idx %gather3A_323[%add3A_319, %broadcast_in_dim3A_274] : memref<64x640xf32, #tpu.memory_space<vmem>>[vector<16xi32>, vector<16xi32>], vector<16xf32>,
          %mul3A_325 = arith.constant 64 : i32
          %mul3A_326 = arith.muli %and3A_268, %mul3A_325 : i32
          %add3A_327 = arith.constant 48 : i32
          %add3A_328 = arith.addi %mul3A_326, %add3A_327 : i32
          %swap3A_329 = arith.index_cast %add3A_328 : i32 to index
          %swap3A_330 = tpu.vector_load %arg11[%swap3A_329] {strides = array<i32>} : memref<4096xf32, #tpu.memory_space<vmem>>, vector<16xf32>,
          tpu.vector_store %arg11[%swap3A_329], %gather3A_324 {strides = array<i32>} : memref<4096xf32, #tpu.memory_space<vmem>>, vector<16xf32>,
          %mul3A_331 = arith.constant 64 : i32
          %mul3A_332 = arith.muli %div3A_266, %mul3A_331 : i32
          %multiple_of3A_333 = tpu.assume_multiple %mul3A_332, 8 : i32
          %mul3A_334 = arith.constant 64 : i32
          %mul3A_335 = arith.muli %and3A_268, %mul3A_334 : i32
          %dma_start3A_336 = tpu.memref_slice %arg11[%mul3A_335] : memref<4096xf32, #tpu.memory_space<vmem>> -> memref<64xf32, #tpu.memory_space<vmem>>
          %dma_start3A_337 = tpu.memref_slice %arg6[%multiple_of3A_333] : memref<1048576xf32, #tpu.memory_space<hbm>> -> memref<64xf32, #tpu.memory_space<hbm>>
          %dma_start3A_338 = tpu.memref_slice %arg6[%multiple_of3A_333] : memref<1048576xf32, #tpu.memory_space<hbm>> -> memref<64xf32, #tpu.memory_space<hbm>>
          %dma_start3A_339 = tpu.memref_slice %arg11[%mul3A_335] : memref<4096xf32, #tpu.memory_space<vmem>> -> memref<64xf32, #tpu.memory_space<vmem>>
          tpu.enqueue_dma source(%dma_start3A_339 : memref<64xf32, #tpu.memory_space<vmem>>) target(%dma_start3A_338 : memref<64xf32, #tpu.memory_space<hbm>>) target_semaphore(%arg13 : memref<!tpu.dma_semaphore, #tpu.memory_space<semaphore_mem>>)
          %add3A_340 = arith.constant 1 : i32
          %add3A_341 = arith.addi %while3A_258, %add3A_340 : i32
          scf.yield %add3A_341 : i32
        }
        %mul3A_222 = arith.constant 2 : i32
        %mul3A_223 = arith.muli %mul3A_222, %while3A_194 : i32
        %add3A_224 = arith.constant 1 : i32
        %add3A_225 = arith.addi %mul3A_223, %add3A_224 : i32
        %mul3A_226 = arith.constant 16 : i32
        %mul3A_227 = arith.muli %add3A_225, %mul3A_226 : i32
        %get3A_228 = arith.index_cast %mul3A_227 : i32 to index
        %get3A_229 = tpu.vector_load %arg9[%get3A_228] {strides = array<i32>} : memref<16416xi32, #tpu.memory_space<vmem>>, vector<16xi32>,
        %gather3A_230 = tpu.vector_load_idx %arg8[%get3A_229] : memref<16384xi32, #tpu.memory_space<vmem>>[vector<16xi32>], vector<16xi32>,
        %ge3A_231 = vector.broadcast %multiple_of3A_150 : i32 to vector<16xi32>
        %ge3A_232 = arith.cmpi sge, %gather3A_230, %ge3A_231 : vector<16xi32>
        %add3A_233 = arith.constant 640 : i32
        %add3A_234 = arith.addi %multiple_of3A_150, %add3A_233 : i32
        %lt3A_235 = vector.broadcast %add3A_234 : i32 to vector<16xi32>
        %lt3A_236 = arith.cmpi slt, %gather3A_230, %lt3A_235 : vector<16xi32>
        %and3A_237 = arith.andi %ge3A_232, %lt3A_236 : vector<16xi1>
        %all_reduce_population_count3A_238 = tpu.all_reduce %and3A_237 {dim = 0 : i64, kind = #tpu.reduction_kind<sum>} : vector<16xi1> -> vector<16xi32>
        %slice3A_239 = vector.extract_strided_slice %all_reduce_population_count3A_238 {offsets = [0], sizes = [1], strides = [1]} : vector<16xi32> to vector<1xi32>
        %squeeze3A_240 = vector.extract %slice3A_239[0] : i32 from vector<1xi32>
        %gt3A_241 = arith.constant 0 : i32
        %gt3A_242 = arith.cmpi sgt, %squeeze3A_240, %gt3A_241 : i32
        %convert_element_type3A_243 = arith.extui %gt3A_242 : i1 to i32
        %cond3A_244 = arith.constant 0 : i32
        %cond3A_245 = arith.cmpi ne, %convert_element_type3A_243, %cond3A_244 : i32
        scf.if %cond3A_245 {
          %mul3A_257 = arith.constant 640 : i32
          %mul3A_258 = vector.broadcast %mul3A_257 : i32 to vector<16xi32>
          %mul3A_259 = arith.muli %get3A_229, %mul3A_258 : vector<16xi32>
          %sub3A_260 = vector.broadcast %multiple_of3A_150 : i32 to vector<16xi32>
          %sub3A_261 = arith.subi %gather3A_230, %sub3A_260 : vector<16xi32>
          %add3A_262 = arith.addi %mul3A_259, %sub3A_261 : vector<16xi32>
          %jit3A_263 = arith.constant 0 : i32
          %jit3A_264 = arith.constant 1 : i32
          %broadcast_in_dim3A_265 = vector.broadcast %jit3A_263 : i32 to vector<16xi32>
          %broadcast_in_dim3A_266 = vector.broadcast %jit3A_264 : i32 to vector<16xi32>
          %select_n3A_267 = arith.select %and3A_237, %broadcast_in_dim3A_265, %broadcast_in_dim3A_266 : vector<16xi1>, vector<16xi32>
          %masked_sort3A = arith.constant dense<true> : vector<16xi1>
          %masked_sort3A_268 = arith.constant -2147483648 : i32
          %masked_sort3A_269 = vector.broadcast %masked_sort3A_268 : i32 to vector<16xi32>
          %masked_sort3A_270 = arith.xori %select_n3A_267, %masked_sort3A_269 : vector<16xi32>
          %masked_sort3A_271, %masked_sort3A_272, %masked_sort3A_273 = tpu.sort %masked_sort3A_270, %add3A_262 masked %masked_sort3A : (vector<16xi32>, vector<16xi32>, vector<16xi1>) -> (vector<16xi1>, vector<16xi32>, vector<16xi32>)
          %masked_sort3A_274 = arith.xori %masked_sort3A_272, %masked_sort3A_269 : vector<16xi32>
          %swap3A_275 = arith.constant 0 : index
          %swap3A_276 = tpu.vector_load %arg12[%swap3A_275] {strides = array<i32>} : memref<32xi32, #tpu.memory_space<vmem>>, vector<16xi32>,
          tpu.vector_store %arg12[%swap3A_275], %masked_sort3A_273 {strides = array<i32>} : memref<32xi32, #tpu.memory_space<vmem>>, vector<16xi32>,
        } else {
        }
        %while3A_246 = arith.constant 0 : i32
        %while3A_247 = arith.subi %squeeze3A_240, %while3A_246 : i32
        %while3A_248 = arith.addi %while3A_246, %while3A_247 : i32
        %while3A_249 = arith.constant 1 : i32
        %while3A_250 = arith.divsi %while3A_247, %while3A_249 : i32
        %while3A_251 = arith.muli %while3A_250, %while3A_249 : i32
        %while3A_252 = arith.addi %while3A_246, %while3A_251 : i32
        %while3A_253 = arith.constant 1 : i32
        %while3A_254 = scf.for %while3A_257 = %while3A_246 to %while3A_252 step %while3A_253 iter_args(%while3A_258 = %while3A_221) -> (i32)  : i32 {
          %get3A_259 = arith.index_cast %while3A_257 : i32 to index
          %get3A_260 = tpu.vector_load %arg12[%get3A_259] {strides = array<i32>} : memref<32xi32, #tpu.memory_space<vmem>>, vector<16xi32>,
          %slice3A_261 = vector.extract_strided_slice %get3A_260 {offsets = [0], sizes = [1], strides = [1]} : vector<16xi32> to vector<1xi32>
          %squeeze3A_262 = vector.extract %slice3A_261[0] : i32 from vector<1xi32>
          %rem3A_263 = arith.constant 640 : i32
          %rem3A_264 = arith.remsi %squeeze3A_262, %rem3A_263 : i32
          %div3A_265 = arith.constant 640 : i32
          %div3A_266 = arith.divsi %squeeze3A_262, %div3A_265 : i32
          %and3A_267 = arith.constant 63 : i32
          %and3A_268 = arith.andi %while3A_258, %and3A_267 : i32
          %ge3A_269 = arith.constant 64 : i32
          %ge3A_270 = arith.cmpi sge, %while3A_258, %ge3A_269 : i32
          %convert_element_type3A_271 = arith.extui %ge3A_270 : i1 to i32
          %cond3A_272 = arith.constant 0 : i32
          %cond3A_273 = arith.cmpi ne, %convert_element_type3A_271, %cond3A_272 : i32
          scf.if %cond3A_273 {
            %dma_wait3A = arith.constant 0 : i32
            %dma_wait3A_342 = tpu.memref_slice %arg11[%dma_wait3A] : memref<4096xf32, #tpu.memory_space<vmem>> -> memref<64xf32, #tpu.memory_space<vmem>>
            %dma_wait3A_343 = arith.constant 0 : i32
            %dma_wait3A_344 = tpu.memref_slice %arg6[%dma_wait3A_343] : memref<1048576xf32, #tpu.memory_space<hbm>> -> memref<64xf32, #tpu.memory_space<hbm>>
            %dma_wait3A_345 = arith.constant 0 : i32
            %dma_wait3A_346 = tpu.memref_slice %arg11[%dma_wait3A_345] : memref<4096xf32, #tpu.memory_space<vmem>> -> memref<64xf32, #tpu.memory_space<vmem>>
            %dma_wait3A_347 = arith.constant 0 : i32
            %dma_wait3A_348 = tpu.memref_slice %arg6[%dma_wait3A_347] : memref<1048576xf32, #tpu.memory_space<hbm>> -> memref<64xf32, #tpu.memory_space<hbm>>
            tpu.wait_dma2 semaphore(%arg13 : memref<!tpu.dma_semaphore, #tpu.memory_space<semaphore_mem>>) src(%dma_wait3A_348 : memref<64xf32, #tpu.memory_space<hbm>>) dst(%dma_wait3A_346 : memref<64xf32, #tpu.memory_space<vmem>>)
          } else {
          }
          %broadcast_in_dim3A_274 = vector.broadcast %rem3A_264 : i32 to vector<16xi32>
          %add3A_275 = arith.constant 0 : i32
          %add3A_276 = vector.broadcast %add3A_275 : i32 to vector<16xi32>
          %add3A_277 = arith.addi %iota3A, %add3A_276 : vector<16xi32>
          %gather3A_278 = arith.constant 0 : i32
          %gather3A_279 = arith.constant 0 : i32
          %gather3A_280 = tpu.memref_slice %arg10[%and3A_169, %gather3A_278, %gather3A_279] : memref<2x64x640xf32, #tpu.memory_space<vmem>> -> memref<1x64x640xf32, #tpu.memory_space<vmem>>
          %gather3A_281 = tpu.memref_squeeze %gather3A_280 : memref<1x64x640xf32, #tpu.memory_space<vmem>> -> memref<64x640xf32, #tpu.memory_space<vmem>>
          %gather3A_282 = tpu.vector_load_idx %gather3A_281[%add3A_277, %broadcast_in_dim3A_274] : memref<64x640xf32, #tpu.memory_space<vmem>>[vector<16xi32>, vector<16xi32>], vector<16xf32>,
          %mul3A_283 = arith.constant 64 : i32
          %mul3A_284 = arith.muli %and3A_268, %mul3A_283 : i32
          %add3A_285 = arith.constant 0 : i32
          %add3A_286 = arith.addi %mul3A_284, %add3A_285 : i32
          %swap3A_287 = arith.index_cast %add3A_286 : i32 to index
          %swap3A_288 = tpu.vector_load %arg11[%swap3A_287] {strides = array<i32>} : memref<4096xf32, #tpu.memory_space<vmem>>, vector<16xf32>,
          tpu.vector_store %arg11[%swap3A_287], %gather3A_282 {strides = array<i32>} : memref<4096xf32, #tpu.memory_space<vmem>>, vector<16xf32>,
          %add3A_289 = arith.constant 16 : i32
          %add3A_290 = vector.broadcast %add3A_289 : i32 to vector<16xi32>
          %add3A_291 = arith.addi %iota3A, %add3A_290 : vector<16xi32>
          %gather3A_292 = arith.constant 0 : i32
          %gather3A_293 = arith.constant 0 : i32
          %gather3A_294 = tpu.memref_slice %arg10[%and3A_169, %gather3A_292, %gather3A_293] : memref<2x64x640xf32, #tpu.memory_space<vmem>> -> memref<1x64x640xf32, #tpu.memory_space<vmem>>
          %gather3A_295 = tpu.memref_squeeze %gather3A_294 : memref<1x64x640xf32, #tpu.memory_space<vmem>> -> memref<64x640xf32, #tpu.memory_space<vmem>>
          %gather3A_296 = tpu.vector_load_idx %gather3A_295[%add3A_291, %broadcast_in_dim3A_274] : memref<64x640xf32, #tpu.memory_space<vmem>>[vector<16xi32>, vector<16xi32>], vector<16xf32>,
          %mul3A_297 = arith.constant 64 : i32
          %mul3A_298 = arith.muli %and3A_268, %mul3A_297 : i32
          %add3A_299 = arith.constant 16 : i32
          %add3A_300 = arith.addi %mul3A_298, %add3A_299 : i32
          %swap3A_301 = arith.index_cast %add3A_300 : i32 to index
          %swap3A_302 = tpu.vector_load %arg11[%swap3A_301] {strides = array<i32>} : memref<4096xf32, #tpu.memory_space<vmem>>, vector<16xf32>,
          tpu.vector_store %arg11[%swap3A_301], %gather3A_296 {strides = array<i32>} : memref<4096xf32, #tpu.memory_space<vmem>>, vector<16xf32>,
          %add3A_303 = arith.constant 32 : i32
          %add3A_304 = vector.broadcast %add3A_303 : i32 to vector<16xi32>
          %add3A_305 = arith.addi %iota3A, %add3A_304 : vector<16xi32>
          %gather3A_306 = arith.constant 0 : i32
          %gather3A_307 = arith.constant 0 : i32
          %gather3A_308 = tpu.memref_slice %arg10[%and3A_169, %gather3A_306, %gather3A_307] : memref<2x64x640xf32, #tpu.memory_space<vmem>> -> memref<1x64x640xf32, #tpu.memory_space<vmem>>
          %gather3A_309 = tpu.memref_squeeze %gather3A_308 : memref<1x64x640xf32, #tpu.memory_space<vmem>> -> memref<64x640xf32, #tpu.memory_space<vmem>>
          %gather3A_310 = tpu.vector_load_idx %gather3A_309[%add3A_305, %broadcast_in_dim3A_274] : memref<64x640xf32, #tpu.memory_space<vmem>>[vector<16xi32>, vector<16xi32>], vector<16xf32>,
          %mul3A_311 = arith.constant 64 : i32
          %mul3A_312 = arith.muli %and3A_268, %mul3A_311 : i32
          %add3A_313 = arith.constant 32 : i32
          %add3A_314 = arith.addi %mul3A_312, %add3A_313 : i32
          %swap3A_315 = arith.index_cast %add3A_314 : i32 to index
          %swap3A_316 = tpu.vector_load %arg11[%swap3A_315] {strides = array<i32>} : memref<4096xf32, #tpu.memory_space<vmem>>, vector<16xf32>,
          tpu.vector_store %arg11[%swap3A_315], %gather3A_310 {strides = array<i32>} : memref<4096xf32, #tpu.memory_space<vmem>>, vector<16xf32>,
          %add3A_317 = arith.constant 48 : i32
          %add3A_318 = vector.broadcast %add3A_317 : i32 to vector<16xi32>
          %add3A_319 = arith.addi %iota3A, %add3A_318 : vector<16xi32>
          %gather3A_320 = arith.constant 0 : i32
          %gather3A_321 = arith.constant 0 : i32
          %gather3A_322 = tpu.memref_slice %arg10[%and3A_169, %gather3A_320, %gather3A_321] : memref<2x64x640xf32, #tpu.memory_space<vmem>> -> memref<1x64x640xf32, #tpu.memory_space<vmem>>
          %gather3A_323 = tpu.memref_squeeze %gather3A_322 : memref<1x64x640xf32, #tpu.memory_space<vmem>> -> memref<64x640xf32, #tpu.memory_space<vmem>>
          %gather3A_324 = tpu.vector_load_idx %gather3A_323[%add3A_319, %broadcast_in_dim3A_274] : memref<64x640xf32, #tpu.memory_space<vmem>>[vector<16xi32>, vector<16xi32>], vector<16xf32>,
          %mul3A_325 = arith.constant 64 : i32
          %mul3A_326 = arith.muli %and3A_268, %mul3A_325 : i32
          %add3A_327 = arith.constant 48 : i32
          %add3A_328 = arith.addi %mul3A_326, %add3A_327 : i32
          %swap3A_329 = arith.index_cast %add3A_328 : i32 to index
          %swap3A_330 = tpu.vector_load %arg11[%swap3A_329] {strides = array<i32>} : memref<4096xf32, #tpu.memory_space<vmem>>, vector<16xf32>,
          tpu.vector_store %arg11[%swap3A_329], %gather3A_324 {strides = array<i32>} : memref<4096xf32, #tpu.memory_space<vmem>>, vector<16xf32>,
          %mul3A_331 = arith.constant 64 : i32
          %mul3A_332 = arith.muli %div3A_266, %mul3A_331 : i32
          %multiple_of3A_333 = tpu.assume_multiple %mul3A_332, 8 : i32
          %mul3A_334 = arith.constant 64 : i32
          %mul3A_335 = arith.muli %and3A_268, %mul3A_334 : i32
          %dma_start3A_336 = tpu.memref_slice %arg11[%mul3A_335] : memref<4096xf32, #tpu.memory_space<vmem>> -> memref<64xf32, #tpu.memory_space<vmem>>
          %dma_start3A_337 = tpu.memref_slice %arg6[%multiple_of3A_333] : memref<1048576xf32, #tpu.memory_space<hbm>> -> memref<64xf32, #tpu.memory_space<hbm>>
          %dma_start3A_338 = tpu.memref_slice %arg6[%multiple_of3A_333] : memref<1048576xf32, #tpu.memory_space<hbm>> -> memref<64xf32, #tpu.memory_space<hbm>>
          %dma_start3A_339 = tpu.memref_slice %arg11[%mul3A_335] : memref<4096xf32, #tpu.memory_space<vmem>> -> memref<64xf32, #tpu.memory_space<vmem>>
          tpu.enqueue_dma source(%dma_start3A_339 : memref<64xf32, #tpu.memory_space<vmem>>) target(%dma_start3A_338 : memref<64xf32, #tpu.memory_space<hbm>>) target_semaphore(%arg13 : memref<!tpu.dma_semaphore, #tpu.memory_space<semaphore_mem>>)
          %add3A_340 = arith.constant 1 : i32
          %add3A_341 = arith.addi %while3A_258, %add3A_340 : i32
          scf.yield %add3A_341 : i32
        }
        %while3A_255 = arith.constant 1 : i32
        %while3A_256 = scf.for %while3A_257 = %while3A_252 to %while3A_248 step %while3A_255 iter_args(%while3A_258 = %while3A_254) -> (i32)  : i32 {
          %get3A_259 = arith.index_cast %while3A_257 : i32 to index
          %get3A_260 = tpu.vector_load %arg12[%get3A_259] {strides = array<i32>} : memref<32xi32, #tpu.memory_space<vmem>>, vector<16xi32>,
          %slice3A_261 = vector.extract_strided_slice %get3A_260 {offsets = [0], sizes = [1], strides = [1]} : vector<16xi32> to vector<1xi32>
          %squeeze3A_262 = vector.extract %slice3A_261[0] : i32 from vector<1xi32>
          %rem3A_263 = arith.constant 640 : i32
          %rem3A_264 = arith.remsi %squeeze3A_262, %rem3A_263 : i32
          %div3A_265 = arith.constant 640 : i32
          %div3A_266 = arith.divsi %squeeze3A_262, %div3A_265 : i32
          %and3A_267 = arith.constant 63 : i32
          %and3A_268 = arith.andi %while3A_258, %and3A_267 : i32
          %ge3A_269 = arith.constant 64 : i32
          %ge3A_270 = arith.cmpi sge, %while3A_258, %ge3A_269 : i32
          %convert_element_type3A_271 = arith.extui %ge3A_270 : i1 to i32
          %cond3A_272 = arith.constant 0 : i32
          %cond3A_273 = arith.cmpi ne, %convert_element_type3A_271, %cond3A_272 : i32
          scf.if %cond3A_273 {
            %dma_wait3A = arith.constant 0 : i32
            %dma_wait3A_342 = tpu.memref_slice %arg11[%dma_wait3A] : memref<4096xf32, #tpu.memory_space<vmem>> -> memref<64xf32, #tpu.memory_space<vmem>>
            %dma_wait3A_343 = arith.constant 0 : i32
            %dma_wait3A_344 = tpu.memref_slice %arg6[%dma_wait3A_343] : memref<1048576xf32, #tpu.memory_space<hbm>> -> memref<64xf32, #tpu.memory_space<hbm>>
            %dma_wait3A_345 = arith.constant 0 : i32
            %dma_wait3A_346 = tpu.memref_slice %arg11[%dma_wait3A_345] : memref<4096xf32, #tpu.memory_space<vmem>> -> memref<64xf32, #tpu.memory_space<vmem>>
            %dma_wait3A_347 = arith.constant 0 : i32
            %dma_wait3A_348 = tpu.memref_slice %arg6[%dma_wait3A_347] : memref<1048576xf32, #tpu.memory_space<hbm>> -> memref<64xf32, #tpu.memory_space<hbm>>
            tpu.wait_dma2 semaphore(%arg13 : memref<!tpu.dma_semaphore, #tpu.memory_space<semaphore_mem>>) src(%dma_wait3A_348 : memref<64xf32, #tpu.memory_space<hbm>>) dst(%dma_wait3A_346 : memref<64xf32, #tpu.memory_space<vmem>>)
          } else {
          }
          %broadcast_in_dim3A_274 = vector.broadcast %rem3A_264 : i32 to vector<16xi32>
          %add3A_275 = arith.constant 0 : i32
          %add3A_276 = vector.broadcast %add3A_275 : i32 to vector<16xi32>
          %add3A_277 = arith.addi %iota3A, %add3A_276 : vector<16xi32>
          %gather3A_278 = arith.constant 0 : i32
          %gather3A_279 = arith.constant 0 : i32
          %gather3A_280 = tpu.memref_slice %arg10[%and3A_169, %gather3A_278, %gather3A_279] : memref<2x64x640xf32, #tpu.memory_space<vmem>> -> memref<1x64x640xf32, #tpu.memory_space<vmem>>
          %gather3A_281 = tpu.memref_squeeze %gather3A_280 : memref<1x64x640xf32, #tpu.memory_space<vmem>> -> memref<64x640xf32, #tpu.memory_space<vmem>>
          %gather3A_282 = tpu.vector_load_idx %gather3A_281[%add3A_277, %broadcast_in_dim3A_274] : memref<64x640xf32, #tpu.memory_space<vmem>>[vector<16xi32>, vector<16xi32>], vector<16xf32>,
          %mul3A_283 = arith.constant 64 : i32
          %mul3A_284 = arith.muli %and3A_268, %mul3A_283 : i32
          %add3A_285 = arith.constant 0 : i32
          %add3A_286 = arith.addi %mul3A_284, %add3A_285 : i32
          %swap3A_287 = arith.index_cast %add3A_286 : i32 to index
          %swap3A_288 = tpu.vector_load %arg11[%swap3A_287] {strides = array<i32>} : memref<4096xf32, #tpu.memory_space<vmem>>, vector<16xf32>,
          tpu.vector_store %arg11[%swap3A_287], %gather3A_282 {strides = array<i32>} : memref<4096xf32, #tpu.memory_space<vmem>>, vector<16xf32>,
          %add3A_289 = arith.constant 16 : i32
          %add3A_290 = vector.broadcast %add3A_289 : i32 to vector<16xi32>
          %add3A_291 = arith.addi %iota3A, %add3A_290 : vector<16xi32>
          %gather3A_292 = arith.constant 0 : i32
          %gather3A_293 = arith.constant 0 : i32
          %gather3A_294 = tpu.memref_slice %arg10[%and3A_169, %gather3A_292, %gather3A_293] : memref<2x64x640xf32, #tpu.memory_space<vmem>> -> memref<1x64x640xf32, #tpu.memory_space<vmem>>
          %gather3A_295 = tpu.memref_squeeze %gather3A_294 : memref<1x64x640xf32, #tpu.memory_space<vmem>> -> memref<64x640xf32, #tpu.memory_space<vmem>>
          %gather3A_296 = tpu.vector_load_idx %gather3A_295[%add3A_291, %broadcast_in_dim3A_274] : memref<64x640xf32, #tpu.memory_space<vmem>>[vector<16xi32>, vector<16xi32>], vector<16xf32>,
          %mul3A_297 = arith.constant 64 : i32
          %mul3A_298 = arith.muli %and3A_268, %mul3A_297 : i32
          %add3A_299 = arith.constant 16 : i32
          %add3A_300 = arith.addi %mul3A_298, %add3A_299 : i32
          %swap3A_301 = arith.index_cast %add3A_300 : i32 to index
          %swap3A_302 = tpu.vector_load %arg11[%swap3A_301] {strides = array<i32>} : memref<4096xf32, #tpu.memory_space<vmem>>, vector<16xf32>,
          tpu.vector_store %arg11[%swap3A_301], %gather3A_296 {strides = array<i32>} : memref<4096xf32, #tpu.memory_space<vmem>>, vector<16xf32>,
          %add3A_303 = arith.constant 32 : i32
          %add3A_304 = vector.broadcast %add3A_303 : i32 to vector<16xi32>
          %add3A_305 = arith.addi %iota3A, %add3A_304 : vector<16xi32>
          %gather3A_306 = arith.constant 0 : i32
          %gather3A_307 = arith.constant 0 : i32
          %gather3A_308 = tpu.memref_slice %arg10[%and3A_169, %gather3A_306, %gather3A_307] : memref<2x64x640xf32, #tpu.memory_space<vmem>> -> memref<1x64x640xf32, #tpu.memory_space<vmem>>
          %gather3A_309 = tpu.memref_squeeze %gather3A_308 : memref<1x64x640xf32, #tpu.memory_space<vmem>> -> memref<64x640xf32, #tpu.memory_space<vmem>>
          %gather3A_310 = tpu.vector_load_idx %gather3A_309[%add3A_305, %broadcast_in_dim3A_274] : memref<64x640xf32, #tpu.memory_space<vmem>>[vector<16xi32>, vector<16xi32>], vector<16xf32>,
          %mul3A_311 = arith.constant 64 : i32
          %mul3A_312 = arith.muli %and3A_268, %mul3A_311 : i32
          %add3A_313 = arith.constant 32 : i32
          %add3A_314 = arith.addi %mul3A_312, %add3A_313 : i32
          %swap3A_315 = arith.index_cast %add3A_314 : i32 to index
          %swap3A_316 = tpu.vector_load %arg11[%swap3A_315] {strides = array<i32>} : memref<4096xf32, #tpu.memory_space<vmem>>, vector<16xf32>,
          tpu.vector_store %arg11[%swap3A_315], %gather3A_310 {strides = array<i32>} : memref<4096xf32, #tpu.memory_space<vmem>>, vector<16xf32>,
          %add3A_317 = arith.constant 48 : i32
          %add3A_318 = vector.broadcast %add3A_317 : i32 to vector<16xi32>
          %add3A_319 = arith.addi %iota3A, %add3A_318 : vector<16xi32>
          %gather3A_320 = arith.constant 0 : i32
          %gather3A_321 = arith.constant 0 : i32
          %gather3A_322 = tpu.memref_slice %arg10[%and3A_169, %gather3A_320, %gather3A_321] : memref<2x64x640xf32, #tpu.memory_space<vmem>> -> memref<1x64x640xf32, #tpu.memory_space<vmem>>
          %gather3A_323 = tpu.memref_squeeze %gather3A_322 : memref<1x64x640xf32, #tpu.memory_space<vmem>> -> memref<64x640xf32, #tpu.memory_space<vmem>>
          %gather3A_324 = tpu.vector_load_idx %gather3A_323[%add3A_319, %broadcast_in_dim3A_274] : memref<64x640xf32, #tpu.memory_space<vmem>>[vector<16xi32>, vector<16xi32>], vector<16xf32>,
          %mul3A_325 = arith.constant 64 : i32
          %mul3A_326 = arith.muli %and3A_268, %mul3A_325 : i32
          %add3A_327 = arith.constant 48 : i32
          %add3A_328 = arith.addi %mul3A_326, %add3A_327 : i32
          %swap3A_329 = arith.index_cast %add3A_328 : i32 to index
          %swap3A_330 = tpu.vector_load %arg11[%swap3A_329] {strides = array<i32>} : memref<4096xf32, #tpu.memory_space<vmem>>, vector<16xf32>,
          tpu.vector_store %arg11[%swap3A_329], %gather3A_324 {strides = array<i32>} : memref<4096xf32, #tpu.memory_space<vmem>>, vector<16xf32>,
          %mul3A_331 = arith.constant 64 : i32
          %mul3A_332 = arith.muli %div3A_266, %mul3A_331 : i32
          %multiple_of3A_333 = tpu.assume_multiple %mul3A_332, 8 : i32
          %mul3A_334 = arith.constant 64 : i32
          %mul3A_335 = arith.muli %and3A_268, %mul3A_334 : i32
          %dma_start3A_336 = tpu.memref_slice %arg11[%mul3A_335] : memref<4096xf32, #tpu.memory_space<vmem>> -> memref<64xf32, #tpu.memory_space<vmem>>
          %dma_start3A_337 = tpu.memref_slice %arg6[%multiple_of3A_333] : memref<1048576xf32, #tpu.memory_space<hbm>> -> memref<64xf32, #tpu.memory_space<hbm>>
          %dma_start3A_338 = tpu.memref_slice %arg6[%multiple_of3A_333] : memref<1048576xf32, #tpu.memory_space<hbm>> -> memref<64xf32, #tpu.memory_space<hbm>>
          %dma_start3A_339 = tpu.memref_slice %arg11[%mul3A_335] : memref<4096xf32, #tpu.memory_space<vmem>> -> memref<64xf32, #tpu.memory_space<vmem>>
          tpu.enqueue_dma source(%dma_start3A_339 : memref<64xf32, #tpu.memory_space<vmem>>) target(%dma_start3A_338 : memref<64xf32, #tpu.memory_space<hbm>>) target_semaphore(%arg13 : memref<!tpu.dma_semaphore, #tpu.memory_space<semaphore_mem>>)
          %add3A_340 = arith.constant 1 : i32
          %add3A_341 = arith.addi %while3A_258, %add3A_340 : i32
          scf.yield %add3A_341 : i32
        }
        scf.yield %while3A_256 : i32
      }
      %min3A_182 = arith.constant 64 : i32
      %min3A_183 = arith.minsi %while3A_181, %min3A_182 : i32
      %while3A_184 = arith.constant 0 : i32
      %while3A_185 = arith.constant 0 : i32
      %while3A_186 = arith.subi %min3A_183, %while3A_185 : i32
      %while3A_187 = arith.addi %while3A_185, %while3A_186 : i32
      %while3A_188 = arith.constant 1 : i32
      %while3A_189 = arith.divsi %while3A_186, %while3A_188 : i32
      %while3A_190 = arith.muli %while3A_189, %while3A_188 : i32
      %while3A_191 = arith.addi %while3A_185, %while3A_190 : i32
      %while3A_192 = arith.constant 1 : i32
      scf.for %while3A_194 = %while3A_185 to %while3A_191 step %while3A_192  : i32 {
        %dma_wait3A = arith.constant 0 : i32
        %dma_wait3A_195 = tpu.memref_slice %arg11[%dma_wait3A] : memref<4096xf32, #tpu.memory_space<vmem>> -> memref<64xf32, #tpu.memory_space<vmem>>
        %dma_wait3A_196 = arith.constant 0 : i32
        %dma_wait3A_197 = tpu.memref_slice %arg6[%dma_wait3A_196] : memref<1048576xf32, #tpu.memory_space<hbm>> -> memref<64xf32, #tpu.memory_space<hbm>>
        %dma_wait3A_198 = arith.constant 0 : i32
        %dma_wait3A_199 = tpu.memref_slice %arg11[%dma_wait3A_198] : memref<4096xf32, #tpu.memory_space<vmem>> -> memref<64xf32, #tpu.memory_space<vmem>>
        %dma_wait3A_200 = arith.constant 0 : i32
        %dma_wait3A_201 = tpu.memref_slice %arg6[%dma_wait3A_200] : memref<1048576xf32, #tpu.memory_space<hbm>> -> memref<64xf32, #tpu.memory_space<hbm>>
        tpu.wait_dma2 semaphore(%arg13 : memref<!tpu.dma_semaphore, #tpu.memory_space<semaphore_mem>>) src(%dma_wait3A_201 : memref<64xf32, #tpu.memory_space<hbm>>) dst(%dma_wait3A_199 : memref<64xf32, #tpu.memory_space<vmem>>)
      }
      %while3A_193 = arith.constant 1 : i32
      scf.for %while3A_194 = %while3A_191 to %while3A_187 step %while3A_193  : i32 {
        %dma_wait3A = arith.constant 0 : i32
        %dma_wait3A_195 = tpu.memref_slice %arg11[%dma_wait3A] : memref<4096xf32, #tpu.memory_space<vmem>> -> memref<64xf32, #tpu.memory_space<vmem>>
        %dma_wait3A_196 = arith.constant 0 : i32
        %dma_wait3A_197 = tpu.memref_slice %arg6[%dma_wait3A_196] : memref<1048576xf32, #tpu.memory_space<hbm>> -> memref<64xf32, #tpu.memory_space<hbm>>
        %dma_wait3A_198 = arith.constant 0 : i32
        %dma_wait3A_199 = tpu.memref_slice %arg11[%dma_wait3A_198] : memref<4096xf32, #tpu.memory_space<vmem>> -> memref<64xf32, #tpu.memory_space<vmem>>
        %dma_wait3A_200 = arith.constant 0 : i32
        %dma_wait3A_201 = tpu.memref_slice %arg6[%dma_wait3A_200] : memref<1048576xf32, #tpu.memory_space<hbm>> -> memref<64xf32, #tpu.memory_space<hbm>>
        tpu.wait_dma2 semaphore(%arg13 : memref<!tpu.dma_semaphore, #tpu.memory_space<semaphore_mem>>) src(%dma_wait3A_201 : memref<64xf32, #tpu.memory_space<hbm>>) dst(%dma_wait3A_199 : memref<64xf32, #tpu.memory_space<vmem>>)
      }
    }
    %while3A_74 = arith.constant 1 : i32
    scf.for %while3A_146 = %while3A_72 to %while3A_68 step %while3A_74  : i32 {
      %mul3A_147 = arith.constant 640 : i32
      %mul3A_148 = arith.muli %while3A_146, %mul3A_147 : i32
      %add3A_149 = arith.addi %mul3A_10, %mul3A_148 : i32
      %multiple_of3A_150 = tpu.assume_multiple %add3A_149, 128 : i32
      %and3A_151 = arith.constant 1 : i32
      %and3A_152 = arith.andi %while3A_146, %and3A_151 : i32
      %eq3A = arith.constant 0 : i32
      %eq3A_153 = arith.cmpi eq, %and3A_152, %eq3A : i32
      %convert_element_type3A = arith.extui %eq3A_153 : i1 to i32
      %cond3A = arith.constant 0 : i32
      %cond3A_154 = arith.cmpi ne, %convert_element_type3A, %cond3A : i32
      scf.if %cond3A_154 {
        %dma_wait3A = arith.constant 0 : i32
        %dma_wait3A_194 = arith.constant 0 : i32
        %dma_wait3A_195 = arith.constant 0 : i32
        %dma_wait3A_196 = tpu.memref_slice %arg10[%dma_wait3A, %dma_wait3A_194, %dma_wait3A_195] : memref<2x64x640xf32, #tpu.memory_space<vmem>> -> memref<1x64x640xf32, #tpu.memory_space<vmem>>
        %dma_wait3A_197 = tpu.memref_squeeze %dma_wait3A_196 : memref<1x64x640xf32, #tpu.memory_space<vmem>> -> memref<64x640xf32, #tpu.memory_space<vmem>>
        %dma_wait3A_198 = arith.constant 0 : i32
        %dma_wait3A_199 = arith.constant 0 : i32
        %dma_wait3A_200 = tpu.memref_slice %arg4[%dma_wait3A_198, %dma_wait3A_199] : memref<64x1000000xf32, #tpu.memory_space<hbm>> -> memref<64x640xf32, #tpu.memory_space<hbm>>
        %dma_wait3A_201 = arith.constant 0 : i32
        %dma_wait3A_202 = arith.constant 0 : i32
        %dma_wait3A_203 = tpu.memref_slice %arg10[%dma_wait3A, %dma_wait3A_201, %dma_wait3A_202] : memref<2x64x640xf32, #tpu.memory_space<vmem>> -> memref<1x64x640xf32, #tpu.memory_space<vmem>>
        %dma_wait3A_204 = tpu.memref_squeeze %dma_wait3A_203 : memref<1x64x640xf32, #tpu.memory_space<vmem>> -> memref<64x640xf32, #tpu.memory_space<vmem>>
        %dma_wait3A_205 = arith.constant 0 : i32
        %dma_wait3A_206 = arith.constant 0 : i32
        %dma_wait3A_207 = tpu.memref_slice %arg4[%dma_wait3A_205, %dma_wait3A_206] : memref<64x1000000xf32, #tpu.memory_space<hbm>> -> memref<64x640xf32, #tpu.memory_space<hbm>>
        tpu.wait_dma2 semaphore(%arg14 : memref<!tpu.dma_semaphore, #tpu.memory_space<semaphore_mem>>) src(%dma_wait3A_207 : memref<64x640xf32, #tpu.memory_space<hbm>>) dst(%dma_wait3A_204 : memref<64x640xf32, #tpu.memory_space<vmem>>)
      } else {
      }
      %and3A_155 = arith.constant 1 : i32
      %and3A_156 = arith.andi %while3A_146, %and3A_155 : i32
      %eq3A_157 = arith.constant 1 : i32
      %eq3A_158 = arith.cmpi eq, %and3A_156, %eq3A_157 : i32
      %convert_element_type3A_159 = arith.extui %eq3A_158 : i1 to i32
      %cond3A_160 = arith.constant 0 : i32
      %cond3A_161 = arith.cmpi ne, %convert_element_type3A_159, %cond3A_160 : i32
      scf.if %cond3A_161 {
        %dma_wait3A = arith.constant 1 : i32
        %dma_wait3A_194 = arith.constant 0 : i32
        %dma_wait3A_195 = arith.constant 0 : i32
        %dma_wait3A_196 = tpu.memref_slice %arg10[%dma_wait3A, %dma_wait3A_194, %dma_wait3A_195] : memref<2x64x640xf32, #tpu.memory_space<vmem>> -> memref<1x64x640xf32, #tpu.memory_space<vmem>>
        %dma_wait3A_197 = tpu.memref_squeeze %dma_wait3A_196 : memref<1x64x640xf32, #tpu.memory_space<vmem>> -> memref<64x640xf32, #tpu.memory_space<vmem>>
        %dma_wait3A_198 = arith.constant 0 : i32
        %dma_wait3A_199 = arith.constant 0 : i32
        %dma_wait3A_200 = tpu.memref_slice %arg4[%dma_wait3A_198, %dma_wait3A_199] : memref<64x1000000xf32, #tpu.memory_space<hbm>> -> memref<64x640xf32, #tpu.memory_space<hbm>>
        %dma_wait3A_201 = arith.constant 0 : i32
        %dma_wait3A_202 = arith.constant 0 : i32
        %dma_wait3A_203 = tpu.memref_slice %arg10[%dma_wait3A, %dma_wait3A_201, %dma_wait3A_202] : memref<2x64x640xf32, #tpu.memory_space<vmem>> -> memref<1x64x640xf32, #tpu.memory_space<vmem>>
        %dma_wait3A_204 = tpu.memref_squeeze %dma_wait3A_203 : memref<1x64x640xf32, #tpu.memory_space<vmem>> -> memref<64x640xf32, #tpu.memory_space<vmem>>
        %dma_wait3A_205 = arith.constant 0 : i32
        %dma_wait3A_206 = arith.constant 0 : i32
        %dma_wait3A_207 = tpu.memref_slice %arg4[%dma_wait3A_205, %dma_wait3A_206] : memref<64x1000000xf32, #tpu.memory_space<hbm>> -> memref<64x640xf32, #tpu.memory_space<hbm>>
        tpu.wait_dma2 semaphore(%arg15 : memref<!tpu.dma_semaphore, #tpu.memory_space<semaphore_mem>>) src(%dma_wait3A_207 : memref<64x640xf32, #tpu.memory_space<hbm>>) dst(%dma_wait3A_204 : memref<64x640xf32, #tpu.memory_space<vmem>>)
      } else {
      }
      %add3A_162 = arith.constant 1 : i32
      %add3A_163 = arith.addi %while3A_146, %add3A_162 : i32
      %lt3A_164 = arith.cmpi slt, %add3A_163, %add3A_8 : i32
      %convert_element_type3A_165 = arith.extui %lt3A_164 : i1 to i32
      %cond3A_166 = arith.constant 0 : i32
      %cond3A_167 = arith.cmpi ne, %convert_element_type3A_165, %cond3A_166 : i32
      scf.if %cond3A_167 {
        %add3A_194 = arith.constant 1 : i32
        %add3A_195 = arith.addi %while3A_146, %add3A_194 : i32
        %mul3A_196 = arith.constant 640 : i32
        %mul3A_197 = arith.muli %add3A_195, %mul3A_196 : i32
        %add3A_198 = arith.addi %mul3A_10, %mul3A_197 : i32
        %multiple_of3A_199 = tpu.assume_multiple %add3A_198, 128 : i32
        %and3A_200 = arith.constant 1 : i32
        %and3A_201 = arith.andi %add3A_195, %and3A_200 : i32
        %eq3A_202 = arith.constant 0 : i32
        %eq3A_203 = arith.cmpi eq, %and3A_201, %eq3A_202 : i32
        %convert_element_type3A_204 = arith.extui %eq3A_203 : i1 to i32
        %cond3A_205 = arith.constant 0 : i32
        %cond3A_206 = arith.cmpi ne, %convert_element_type3A_204, %cond3A_205 : i32
        scf.if %cond3A_206 {
          %dma_start3A_214 = arith.constant 0 : i32
          %dma_start3A_215 = arith.constant 0 : i32
          %dma_start3A_216 = arith.constant 0 : i32
          %dma_start3A_217 = tpu.memref_slice %arg10[%dma_start3A_214, %dma_start3A_215, %dma_start3A_216] : memref<2x64x640xf32, #tpu.memory_space<vmem>> -> memref<1x64x640xf32, #tpu.memory_space<vmem>>
          %dma_start3A_218 = tpu.memref_squeeze %dma_start3A_217 : memref<1x64x640xf32, #tpu.memory_space<vmem>> -> memref<64x640xf32, #tpu.memory_space<vmem>>
          %dma_start3A_219 = arith.constant 0 : i32
          %dma_start3A_220 = tpu.memref_slice %arg4[%dma_start3A_219, %multiple_of3A_199] : memref<64x1000000xf32, #tpu.memory_space<hbm>> -> memref<64x640xf32, #tpu.memory_space<hbm>>
          %dma_start3A_221 = arith.constant 0 : i32
          %dma_start3A_222 = arith.constant 0 : i32
          %dma_start3A_223 = tpu.memref_slice %arg10[%dma_start3A_214, %dma_start3A_221, %dma_start3A_222] : memref<2x64x640xf32, #tpu.memory_space<vmem>> -> memref<1x64x640xf32, #tpu.memory_space<vmem>>
          %dma_start3A_224 = tpu.memref_squeeze %dma_start3A_223 : memref<1x64x640xf32, #tpu.memory_space<vmem>> -> memref<64x640xf32, #tpu.memory_space<vmem>>
          %dma_start3A_225 = arith.constant 0 : i32
          %dma_start3A_226 = tpu.memref_slice %arg4[%dma_start3A_225, %multiple_of3A_199] : memref<64x1000000xf32, #tpu.memory_space<hbm>> -> memref<64x640xf32, #tpu.memory_space<hbm>>
          tpu.enqueue_dma source(%dma_start3A_226 : memref<64x640xf32, #tpu.memory_space<hbm>>) target(%dma_start3A_224 : memref<64x640xf32, #tpu.memory_space<vmem>>) target_semaphore(%arg14 : memref<!tpu.dma_semaphore, #tpu.memory_space<semaphore_mem>>)
        } else {
        }
        %and3A_207 = arith.constant 1 : i32
        %and3A_208 = arith.andi %add3A_195, %and3A_207 : i32
        %eq3A_209 = arith.constant 1 : i32
        %eq3A_210 = arith.cmpi eq, %and3A_208, %eq3A_209 : i32
        %convert_element_type3A_211 = arith.extui %eq3A_210 : i1 to i32
        %cond3A_212 = arith.constant 0 : i32
        %cond3A_213 = arith.cmpi ne, %convert_element_type3A_211, %cond3A_212 : i32
        scf.if %cond3A_213 {
          %dma_start3A_214 = arith.constant 1 : i32
          %dma_start3A_215 = arith.constant 0 : i32
          %dma_start3A_216 = arith.constant 0 : i32
          %dma_start3A_217 = tpu.memref_slice %arg10[%dma_start3A_214, %dma_start3A_215, %dma_start3A_216] : memref<2x64x640xf32, #tpu.memory_space<vmem>> -> memref<1x64x640xf32, #tpu.memory_space<vmem>>
          %dma_start3A_218 = tpu.memref_squeeze %dma_start3A_217 : memref<1x64x640xf32, #tpu.memory_space<vmem>> -> memref<64x640xf32, #tpu.memory_space<vmem>>
          %dma_start3A_219 = arith.constant 0 : i32
          %dma_start3A_220 = tpu.memref_slice %arg4[%dma_start3A_219, %multiple_of3A_199] : memref<64x1000000xf32, #tpu.memory_space<hbm>> -> memref<64x640xf32, #tpu.memory_space<hbm>>
          %dma_start3A_221 = arith.constant 0 : i32
          %dma_start3A_222 = arith.constant 0 : i32
          %dma_start3A_223 = tpu.memref_slice %arg10[%dma_start3A_214, %dma_start3A_221, %dma_start3A_222] : memref<2x64x640xf32, #tpu.memory_space<vmem>> -> memref<1x64x640xf32, #tpu.memory_space<vmem>>
          %dma_start3A_224 = tpu.memref_squeeze %dma_start3A_223 : memref<1x64x640xf32, #tpu.memory_space<vmem>> -> memref<64x640xf32, #tpu.memory_space<vmem>>
          %dma_start3A_225 = arith.constant 0 : i32
          %dma_start3A_226 = tpu.memref_slice %arg4[%dma_start3A_225, %multiple_of3A_199] : memref<64x1000000xf32, #tpu.memory_space<hbm>> -> memref<64x640xf32, #tpu.memory_space<hbm>>
          tpu.enqueue_dma source(%dma_start3A_226 : memref<64x640xf32, #tpu.memory_space<hbm>>) target(%dma_start3A_224 : memref<64x640xf32, #tpu.memory_space<vmem>>) target_semaphore(%arg15 : memref<!tpu.dma_semaphore, #tpu.memory_space<semaphore_mem>>)
        } else {
        }
      } else {
      }
      %and3A_168 = arith.constant 1 : i32
      %and3A_169 = arith.andi %while3A_146, %and3A_168 : i32
      %while3A_170 = arith.constant 0 : i32
      %while3A_171 = arith.constant 0 : i32
      %while3A_172 = arith.subi %select_n3A_51, %while3A_170 : i32
      %while3A_173 = arith.addi %while3A_170, %while3A_172 : i32
      %while3A_174 = arith.constant 1 : i32
      %while3A_175 = arith.divsi %while3A_172, %while3A_174 : i32
      %while3A_176 = arith.muli %while3A_175, %while3A_174 : i32
      %while3A_177 = arith.addi %while3A_170, %while3A_176 : i32
      %while3A_178 = arith.constant 1 : i32
      %while3A_179 = scf.for %while3A_194 = %while3A_170 to %while3A_177 step %while3A_178 iter_args(%while3A_195 = %while3A_171) -> (i32)  : i32 {
        %mul3A_196 = arith.constant 2 : i32
        %mul3A_197 = arith.muli %mul3A_196, %while3A_194 : i32
        %mul3A_198 = arith.constant 16 : i32
        %mul3A_199 = arith.muli %mul3A_197, %mul3A_198 : i32
        %get3A = arith.index_cast %mul3A_199 : i32 to index
        %get3A_200 = tpu.vector_load %arg9[%get3A] {strides = array<i32>} : memref<16416xi32, #tpu.memory_space<vmem>>, vector<16xi32>,
        %gather3A = tpu.vector_load_idx %arg8[%get3A_200] : memref<16384xi32, #tpu.memory_space<vmem>>[vector<16xi32>], vector<16xi32>,
        %ge3A = vector.broadcast %multiple_of3A_150 : i32 to vector<16xi32>
        %ge3A_201 = arith.cmpi sge, %gather3A, %ge3A : vector<16xi32>
        %add3A_202 = arith.constant 640 : i32
        %add3A_203 = arith.addi %multiple_of3A_150, %add3A_202 : i32
        %lt3A_204 = vector.broadcast %add3A_203 : i32 to vector<16xi32>
        %lt3A_205 = arith.cmpi slt, %gather3A, %lt3A_204 : vector<16xi32>
        %and3A_206 = arith.andi %ge3A_201, %lt3A_205 : vector<16xi1>
        %all_reduce_population_count3A = tpu.all_reduce %and3A_206 {dim = 0 : i64, kind = #tpu.reduction_kind<sum>} : vector<16xi1> -> vector<16xi32>
        %slice3A = vector.extract_strided_slice %all_reduce_population_count3A {offsets = [0], sizes = [1], strides = [1]} : vector<16xi32> to vector<1xi32>
        %squeeze3A = vector.extract %slice3A[0] : i32 from vector<1xi32>
        %gt3A = arith.constant 0 : i32
        %gt3A_207 = arith.cmpi sgt, %squeeze3A, %gt3A : i32
        %convert_element_type3A_208 = arith.extui %gt3A_207 : i1 to i32
        %cond3A_209 = arith.constant 0 : i32
        %cond3A_210 = arith.cmpi ne, %convert_element_type3A_208, %cond3A_209 : i32
        scf.if %cond3A_210 {
          %mul3A_257 = arith.constant 640 : i32
          %mul3A_258 = vector.broadcast %mul3A_257 : i32 to vector<16xi32>
          %mul3A_259 = arith.muli %get3A_200, %mul3A_258 : vector<16xi32>
          %sub3A_260 = vector.broadcast %multiple_of3A_150 : i32 to vector<16xi32>
          %sub3A_261 = arith.subi %gather3A, %sub3A_260 : vector<16xi32>
          %add3A_262 = arith.addi %mul3A_259, %sub3A_261 : vector<16xi32>
          %jit3A_263 = arith.constant 0 : i32
          %jit3A_264 = arith.constant 1 : i32
          %broadcast_in_dim3A_265 = vector.broadcast %jit3A_263 : i32 to vector<16xi32>
          %broadcast_in_dim3A_266 = vector.broadcast %jit3A_264 : i32 to vector<16xi32>
          %select_n3A_267 = arith.select %and3A_206, %broadcast_in_dim3A_265, %broadcast_in_dim3A_266 : vector<16xi1>, vector<16xi32>
          %masked_sort3A = arith.constant dense<true> : vector<16xi1>
          %masked_sort3A_268 = arith.constant -2147483648 : i32
          %masked_sort3A_269 = vector.broadcast %masked_sort3A_268 : i32 to vector<16xi32>
          %masked_sort3A_270 = arith.xori %select_n3A_267, %masked_sort3A_269 : vector<16xi32>
          %masked_sort3A_271, %masked_sort3A_272, %masked_sort3A_273 = tpu.sort %masked_sort3A_270, %add3A_262 masked %masked_sort3A : (vector<16xi32>, vector<16xi32>, vector<16xi1>) -> (vector<16xi1>, vector<16xi32>, vector<16xi32>)
          %masked_sort3A_274 = arith.xori %masked_sort3A_272, %masked_sort3A_269 : vector<16xi32>
          %swap3A_275 = arith.constant 0 : index
          %swap3A_276 = tpu.vector_load %arg12[%swap3A_275] {strides = array<i32>} : memref<32xi32, #tpu.memory_space<vmem>>, vector<16xi32>,
          tpu.vector_store %arg12[%swap3A_275], %masked_sort3A_273 {strides = array<i32>} : memref<32xi32, #tpu.memory_space<vmem>>, vector<16xi32>,
        } else {
        }
        %while3A_211 = arith.constant 0 : i32
        %while3A_212 = arith.subi %squeeze3A, %while3A_211 : i32
        %while3A_213 = arith.addi %while3A_211, %while3A_212 : i32
        %while3A_214 = arith.constant 1 : i32
        %while3A_215 = arith.divsi %while3A_212, %while3A_214 : i32
        %while3A_216 = arith.muli %while3A_215, %while3A_214 : i32
        %while3A_217 = arith.addi %while3A_211, %while3A_216 : i32
        %while3A_218 = arith.constant 1 : i32
        %while3A_219 = scf.for %while3A_257 = %while3A_211 to %while3A_217 step %while3A_218 iter_args(%while3A_258 = %while3A_195) -> (i32)  : i32 {
          %get3A_259 = arith.index_cast %while3A_257 : i32 to index
          %get3A_260 = tpu.vector_load %arg12[%get3A_259] {strides = array<i32>} : memref<32xi32, #tpu.memory_space<vmem>>, vector<16xi32>,
          %slice3A_261 = vector.extract_strided_slice %get3A_260 {offsets = [0], sizes = [1], strides = [1]} : vector<16xi32> to vector<1xi32>
          %squeeze3A_262 = vector.extract %slice3A_261[0] : i32 from vector<1xi32>
          %rem3A_263 = arith.constant 640 : i32
          %rem3A_264 = arith.remsi %squeeze3A_262, %rem3A_263 : i32
          %div3A_265 = arith.constant 640 : i32
          %div3A_266 = arith.divsi %squeeze3A_262, %div3A_265 : i32
          %and3A_267 = arith.constant 63 : i32
          %and3A_268 = arith.andi %while3A_258, %and3A_267 : i32
          %ge3A_269 = arith.constant 64 : i32
          %ge3A_270 = arith.cmpi sge, %while3A_258, %ge3A_269 : i32
          %convert_element_type3A_271 = arith.extui %ge3A_270 : i1 to i32
          %cond3A_272 = arith.constant 0 : i32
          %cond3A_273 = arith.cmpi ne, %convert_element_type3A_271, %cond3A_272 : i32
          scf.if %cond3A_273 {
            %dma_wait3A = arith.constant 0 : i32
            %dma_wait3A_342 = tpu.memref_slice %arg11[%dma_wait3A] : memref<4096xf32, #tpu.memory_space<vmem>> -> memref<64xf32, #tpu.memory_space<vmem>>
            %dma_wait3A_343 = arith.constant 0 : i32
            %dma_wait3A_344 = tpu.memref_slice %arg6[%dma_wait3A_343] : memref<1048576xf32, #tpu.memory_space<hbm>> -> memref<64xf32, #tpu.memory_space<hbm>>
            %dma_wait3A_345 = arith.constant 0 : i32
            %dma_wait3A_346 = tpu.memref_slice %arg11[%dma_wait3A_345] : memref<4096xf32, #tpu.memory_space<vmem>> -> memref<64xf32, #tpu.memory_space<vmem>>
            %dma_wait3A_347 = arith.constant 0 : i32
            %dma_wait3A_348 = tpu.memref_slice %arg6[%dma_wait3A_347] : memref<1048576xf32, #tpu.memory_space<hbm>> -> memref<64xf32, #tpu.memory_space<hbm>>
            tpu.wait_dma2 semaphore(%arg13 : memref<!tpu.dma_semaphore, #tpu.memory_space<semaphore_mem>>) src(%dma_wait3A_348 : memref<64xf32, #tpu.memory_space<hbm>>) dst(%dma_wait3A_346 : memref<64xf32, #tpu.memory_space<vmem>>)
          } else {
          }
          %broadcast_in_dim3A_274 = vector.broadcast %rem3A_264 : i32 to vector<16xi32>
          %add3A_275 = arith.constant 0 : i32
          %add3A_276 = vector.broadcast %add3A_275 : i32 to vector<16xi32>
          %add3A_277 = arith.addi %iota3A, %add3A_276 : vector<16xi32>
          %gather3A_278 = arith.constant 0 : i32
          %gather3A_279 = arith.constant 0 : i32
          %gather3A_280 = tpu.memref_slice %arg10[%and3A_169, %gather3A_278, %gather3A_279] : memref<2x64x640xf32, #tpu.memory_space<vmem>> -> memref<1x64x640xf32, #tpu.memory_space<vmem>>
          %gather3A_281 = tpu.memref_squeeze %gather3A_280 : memref<1x64x640xf32, #tpu.memory_space<vmem>> -> memref<64x640xf32, #tpu.memory_space<vmem>>
          %gather3A_282 = tpu.vector_load_idx %gather3A_281[%add3A_277, %broadcast_in_dim3A_274] : memref<64x640xf32, #tpu.memory_space<vmem>>[vector<16xi32>, vector<16xi32>], vector<16xf32>,
          %mul3A_283 = arith.constant 64 : i32
          %mul3A_284 = arith.muli %and3A_268, %mul3A_283 : i32
          %add3A_285 = arith.constant 0 : i32
          %add3A_286 = arith.addi %mul3A_284, %add3A_285 : i32
          %swap3A_287 = arith.index_cast %add3A_286 : i32 to index
          %swap3A_288 = tpu.vector_load %arg11[%swap3A_287] {strides = array<i32>} : memref<4096xf32, #tpu.memory_space<vmem>>, vector<16xf32>,
          tpu.vector_store %arg11[%swap3A_287], %gather3A_282 {strides = array<i32>} : memref<4096xf32, #tpu.memory_space<vmem>>, vector<16xf32>,
          %add3A_289 = arith.constant 16 : i32
          %add3A_290 = vector.broadcast %add3A_289 : i32 to vector<16xi32>
          %add3A_291 = arith.addi %iota3A, %add3A_290 : vector<16xi32>
          %gather3A_292 = arith.constant 0 : i32
          %gather3A_293 = arith.constant 0 : i32
          %gather3A_294 = tpu.memref_slice %arg10[%and3A_169, %gather3A_292, %gather3A_293] : memref<2x64x640xf32, #tpu.memory_space<vmem>> -> memref<1x64x640xf32, #tpu.memory_space<vmem>>
          %gather3A_295 = tpu.memref_squeeze %gather3A_294 : memref<1x64x640xf32, #tpu.memory_space<vmem>> -> memref<64x640xf32, #tpu.memory_space<vmem>>
          %gather3A_296 = tpu.vector_load_idx %gather3A_295[%add3A_291, %broadcast_in_dim3A_274] : memref<64x640xf32, #tpu.memory_space<vmem>>[vector<16xi32>, vector<16xi32>], vector<16xf32>,
          %mul3A_297 = arith.constant 64 : i32
          %mul3A_298 = arith.muli %and3A_268, %mul3A_297 : i32
          %add3A_299 = arith.constant 16 : i32
          %add3A_300 = arith.addi %mul3A_298, %add3A_299 : i32
          %swap3A_301 = arith.index_cast %add3A_300 : i32 to index
          %swap3A_302 = tpu.vector_load %arg11[%swap3A_301] {strides = array<i32>} : memref<4096xf32, #tpu.memory_space<vmem>>, vector<16xf32>,
          tpu.vector_store %arg11[%swap3A_301], %gather3A_296 {strides = array<i32>} : memref<4096xf32, #tpu.memory_space<vmem>>, vector<16xf32>,
          %add3A_303 = arith.constant 32 : i32
          %add3A_304 = vector.broadcast %add3A_303 : i32 to vector<16xi32>
          %add3A_305 = arith.addi %iota3A, %add3A_304 : vector<16xi32>
          %gather3A_306 = arith.constant 0 : i32
          %gather3A_307 = arith.constant 0 : i32
          %gather3A_308 = tpu.memref_slice %arg10[%and3A_169, %gather3A_306, %gather3A_307] : memref<2x64x640xf32, #tpu.memory_space<vmem>> -> memref<1x64x640xf32, #tpu.memory_space<vmem>>
          %gather3A_309 = tpu.memref_squeeze %gather3A_308 : memref<1x64x640xf32, #tpu.memory_space<vmem>> -> memref<64x640xf32, #tpu.memory_space<vmem>>
          %gather3A_310 = tpu.vector_load_idx %gather3A_309[%add3A_305, %broadcast_in_dim3A_274] : memref<64x640xf32, #tpu.memory_space<vmem>>[vector<16xi32>, vector<16xi32>], vector<16xf32>,
          %mul3A_311 = arith.constant 64 : i32
          %mul3A_312 = arith.muli %and3A_268, %mul3A_311 : i32
          %add3A_313 = arith.constant 32 : i32
          %add3A_314 = arith.addi %mul3A_312, %add3A_313 : i32
          %swap3A_315 = arith.index_cast %add3A_314 : i32 to index
          %swap3A_316 = tpu.vector_load %arg11[%swap3A_315] {strides = array<i32>} : memref<4096xf32, #tpu.memory_space<vmem>>, vector<16xf32>,
          tpu.vector_store %arg11[%swap3A_315], %gather3A_310 {strides = array<i32>} : memref<4096xf32, #tpu.memory_space<vmem>>, vector<16xf32>,
          %add3A_317 = arith.constant 48 : i32
          %add3A_318 = vector.broadcast %add3A_317 : i32 to vector<16xi32>
          %add3A_319 = arith.addi %iota3A, %add3A_318 : vector<16xi32>
          %gather3A_320 = arith.constant 0 : i32
          %gather3A_321 = arith.constant 0 : i32
          %gather3A_322 = tpu.memref_slice %arg10[%and3A_169, %gather3A_320, %gather3A_321] : memref<2x64x640xf32, #tpu.memory_space<vmem>> -> memref<1x64x640xf32, #tpu.memory_space<vmem>>
          %gather3A_323 = tpu.memref_squeeze %gather3A_322 : memref<1x64x640xf32, #tpu.memory_space<vmem>> -> memref<64x640xf32, #tpu.memory_space<vmem>>
          %gather3A_324 = tpu.vector_load_idx %gather3A_323[%add3A_319, %broadcast_in_dim3A_274] : memref<64x640xf32, #tpu.memory_space<vmem>>[vector<16xi32>, vector<16xi32>], vector<16xf32>,
          %mul3A_325 = arith.constant 64 : i32
          %mul3A_326 = arith.muli %and3A_268, %mul3A_325 : i32
          %add3A_327 = arith.constant 48 : i32
          %add3A_328 = arith.addi %mul3A_326, %add3A_327 : i32
          %swap3A_329 = arith.index_cast %add3A_328 : i32 to index
          %swap3A_330 = tpu.vector_load %arg11[%swap3A_329] {strides = array<i32>} : memref<4096xf32, #tpu.memory_space<vmem>>, vector<16xf32>,
          tpu.vector_store %arg11[%swap3A_329], %gather3A_324 {strides = array<i32>} : memref<4096xf32, #tpu.memory_space<vmem>>, vector<16xf32>,
          %mul3A_331 = arith.constant 64 : i32
          %mul3A_332 = arith.muli %div3A_266, %mul3A_331 : i32
          %multiple_of3A_333 = tpu.assume_multiple %mul3A_332, 8 : i32
          %mul3A_334 = arith.constant 64 : i32
          %mul3A_335 = arith.muli %and3A_268, %mul3A_334 : i32
          %dma_start3A_336 = tpu.memref_slice %arg11[%mul3A_335] : memref<4096xf32, #tpu.memory_space<vmem>> -> memref<64xf32, #tpu.memory_space<vmem>>
          %dma_start3A_337 = tpu.memref_slice %arg6[%multiple_of3A_333] : memref<1048576xf32, #tpu.memory_space<hbm>> -> memref<64xf32, #tpu.memory_space<hbm>>
          %dma_start3A_338 = tpu.memref_slice %arg6[%multiple_of3A_333] : memref<1048576xf32, #tpu.memory_space<hbm>> -> memref<64xf32, #tpu.memory_space<hbm>>
          %dma_start3A_339 = tpu.memref_slice %arg11[%mul3A_335] : memref<4096xf32, #tpu.memory_space<vmem>> -> memref<64xf32, #tpu.memory_space<vmem>>
          tpu.enqueue_dma source(%dma_start3A_339 : memref<64xf32, #tpu.memory_space<vmem>>) target(%dma_start3A_338 : memref<64xf32, #tpu.memory_space<hbm>>) target_semaphore(%arg13 : memref<!tpu.dma_semaphore, #tpu.memory_space<semaphore_mem>>)
          %add3A_340 = arith.constant 1 : i32
          %add3A_341 = arith.addi %while3A_258, %add3A_340 : i32
          scf.yield %add3A_341 : i32
        }
        %while3A_220 = arith.constant 1 : i32
        %while3A_221 = scf.for %while3A_257 = %while3A_217 to %while3A_213 step %while3A_220 iter_args(%while3A_258 = %while3A_219) -> (i32)  : i32 {
          %get3A_259 = arith.index_cast %while3A_257 : i32 to index
          %get3A_260 = tpu.vector_load %arg12[%get3A_259] {strides = array<i32>} : memref<32xi32, #tpu.memory_space<vmem>>, vector<16xi32>,
          %slice3A_261 = vector.extract_strided_slice %get3A_260 {offsets = [0], sizes = [1], strides = [1]} : vector<16xi32> to vector<1xi32>
          %squeeze3A_262 = vector.extract %slice3A_261[0] : i32 from vector<1xi32>
          %rem3A_263 = arith.constant 640 : i32
          %rem3A_264 = arith.remsi %squeeze3A_262, %rem3A_263 : i32
          %div3A_265 = arith.constant 640 : i32
          %div3A_266 = arith.divsi %squeeze3A_262, %div3A_265 : i32
          %and3A_267 = arith.constant 63 : i32
          %and3A_268 = arith.andi %while3A_258, %and3A_267 : i32
          %ge3A_269 = arith.constant 64 : i32
          %ge3A_270 = arith.cmpi sge, %while3A_258, %ge3A_269 : i32
          %convert_element_type3A_271 = arith.extui %ge3A_270 : i1 to i32
          %cond3A_272 = arith.constant 0 : i32
          %cond3A_273 = arith.cmpi ne, %convert_element_type3A_271, %cond3A_272 : i32
          scf.if %cond3A_273 {
            %dma_wait3A = arith.constant 0 : i32
            %dma_wait3A_342 = tpu.memref_slice %arg11[%dma_wait3A] : memref<4096xf32, #tpu.memory_space<vmem>> -> memref<64xf32, #tpu.memory_space<vmem>>
            %dma_wait3A_343 = arith.constant 0 : i32
            %dma_wait3A_344 = tpu.memref_slice %arg6[%dma_wait3A_343] : memref<1048576xf32, #tpu.memory_space<hbm>> -> memref<64xf32, #tpu.memory_space<hbm>>
            %dma_wait3A_345 = arith.constant 0 : i32
            %dma_wait3A_346 = tpu.memref_slice %arg11[%dma_wait3A_345] : memref<4096xf32, #tpu.memory_space<vmem>> -> memref<64xf32, #tpu.memory_space<vmem>>
            %dma_wait3A_347 = arith.constant 0 : i32
            %dma_wait3A_348 = tpu.memref_slice %arg6[%dma_wait3A_347] : memref<1048576xf32, #tpu.memory_space<hbm>> -> memref<64xf32, #tpu.memory_space<hbm>>
            tpu.wait_dma2 semaphore(%arg13 : memref<!tpu.dma_semaphore, #tpu.memory_space<semaphore_mem>>) src(%dma_wait3A_348 : memref<64xf32, #tpu.memory_space<hbm>>) dst(%dma_wait3A_346 : memref<64xf32, #tpu.memory_space<vmem>>)
          } else {
          }
          %broadcast_in_dim3A_274 = vector.broadcast %rem3A_264 : i32 to vector<16xi32>
          %add3A_275 = arith.constant 0 : i32
          %add3A_276 = vector.broadcast %add3A_275 : i32 to vector<16xi32>
          %add3A_277 = arith.addi %iota3A, %add3A_276 : vector<16xi32>
          %gather3A_278 = arith.constant 0 : i32
          %gather3A_279 = arith.constant 0 : i32
          %gather3A_280 = tpu.memref_slice %arg10[%and3A_169, %gather3A_278, %gather3A_279] : memref<2x64x640xf32, #tpu.memory_space<vmem>> -> memref<1x64x640xf32, #tpu.memory_space<vmem>>
          %gather3A_281 = tpu.memref_squeeze %gather3A_280 : memref<1x64x640xf32, #tpu.memory_space<vmem>> -> memref<64x640xf32, #tpu.memory_space<vmem>>
          %gather3A_282 = tpu.vector_load_idx %gather3A_281[%add3A_277, %broadcast_in_dim3A_274] : memref<64x640xf32, #tpu.memory_space<vmem>>[vector<16xi32>, vector<16xi32>], vector<16xf32>,
          %mul3A_283 = arith.constant 64 : i32
          %mul3A_284 = arith.muli %and3A_268, %mul3A_283 : i32
          %add3A_285 = arith.constant 0 : i32
          %add3A_286 = arith.addi %mul3A_284, %add3A_285 : i32
          %swap3A_287 = arith.index_cast %add3A_286 : i32 to index
          %swap3A_288 = tpu.vector_load %arg11[%swap3A_287] {strides = array<i32>} : memref<4096xf32, #tpu.memory_space<vmem>>, vector<16xf32>,
          tpu.vector_store %arg11[%swap3A_287], %gather3A_282 {strides = array<i32>} : memref<4096xf32, #tpu.memory_space<vmem>>, vector<16xf32>,
          %add3A_289 = arith.constant 16 : i32
          %add3A_290 = vector.broadcast %add3A_289 : i32 to vector<16xi32>
          %add3A_291 = arith.addi %iota3A, %add3A_290 : vector<16xi32>
          %gather3A_292 = arith.constant 0 : i32
          %gather3A_293 = arith.constant 0 : i32
          %gather3A_294 = tpu.memref_slice %arg10[%and3A_169, %gather3A_292, %gather3A_293] : memref<2x64x640xf32, #tpu.memory_space<vmem>> -> memref<1x64x640xf32, #tpu.memory_space<vmem>>
          %gather3A_295 = tpu.memref_squeeze %gather3A_294 : memref<1x64x640xf32, #tpu.memory_space<vmem>> -> memref<64x640xf32, #tpu.memory_space<vmem>>
          %gather3A_296 = tpu.vector_load_idx %gather3A_295[%add3A_291, %broadcast_in_dim3A_274] : memref<64x640xf32, #tpu.memory_space<vmem>>[vector<16xi32>, vector<16xi32>], vector<16xf32>,
          %mul3A_297 = arith.constant 64 : i32
          %mul3A_298 = arith.muli %and3A_268, %mul3A_297 : i32
          %add3A_299 = arith.constant 16 : i32
          %add3A_300 = arith.addi %mul3A_298, %add3A_299 : i32
          %swap3A_301 = arith.index_cast %add3A_300 : i32 to index
          %swap3A_302 = tpu.vector_load %arg11[%swap3A_301] {strides = array<i32>} : memref<4096xf32, #tpu.memory_space<vmem>>, vector<16xf32>,
          tpu.vector_store %arg11[%swap3A_301], %gather3A_296 {strides = array<i32>} : memref<4096xf32, #tpu.memory_space<vmem>>, vector<16xf32>,
          %add3A_303 = arith.constant 32 : i32
          %add3A_304 = vector.broadcast %add3A_303 : i32 to vector<16xi32>
          %add3A_305 = arith.addi %iota3A, %add3A_304 : vector<16xi32>
          %gather3A_306 = arith.constant 0 : i32
          %gather3A_307 = arith.constant 0 : i32
          %gather3A_308 = tpu.memref_slice %arg10[%and3A_169, %gather3A_306, %gather3A_307] : memref<2x64x640xf32, #tpu.memory_space<vmem>> -> memref<1x64x640xf32, #tpu.memory_space<vmem>>
          %gather3A_309 = tpu.memref_squeeze %gather3A_308 : memref<1x64x640xf32, #tpu.memory_space<vmem>> -> memref<64x640xf32, #tpu.memory_space<vmem>>
          %gather3A_310 = tpu.vector_load_idx %gather3A_309[%add3A_305, %broadcast_in_dim3A_274] : memref<64x640xf32, #tpu.memory_space<vmem>>[vector<16xi32>, vector<16xi32>], vector<16xf32>,
          %mul3A_311 = arith.constant 64 : i32
          %mul3A_312 = arith.muli %and3A_268, %mul3A_311 : i32
          %add3A_313 = arith.constant 32 : i32
          %add3A_314 = arith.addi %mul3A_312, %add3A_313 : i32
          %swap3A_315 = arith.index_cast %add3A_314 : i32 to index
          %swap3A_316 = tpu.vector_load %arg11[%swap3A_315] {strides = array<i32>} : memref<4096xf32, #tpu.memory_space<vmem>>, vector<16xf32>,
          tpu.vector_store %arg11[%swap3A_315], %gather3A_310 {strides = array<i32>} : memref<4096xf32, #tpu.memory_space<vmem>>, vector<16xf32>,
          %add3A_317 = arith.constant 48 : i32
          %add3A_318 = vector.broadcast %add3A_317 : i32 to vector<16xi32>
          %add3A_319 = arith.addi %iota3A, %add3A_318 : vector<16xi32>
          %gather3A_320 = arith.constant 0 : i32
          %gather3A_321 = arith.constant 0 : i32
          %gather3A_322 = tpu.memref_slice %arg10[%and3A_169, %gather3A_320, %gather3A_321] : memref<2x64x640xf32, #tpu.memory_space<vmem>> -> memref<1x64x640xf32, #tpu.memory_space<vmem>>
          %gather3A_323 = tpu.memref_squeeze %gather3A_322 : memref<1x64x640xf32, #tpu.memory_space<vmem>> -> memref<64x640xf32, #tpu.memory_space<vmem>>
          %gather3A_324 = tpu.vector_load_idx %gather3A_323[%add3A_319, %broadcast_in_dim3A_274] : memref<64x640xf32, #tpu.memory_space<vmem>>[vector<16xi32>, vector<16xi32>], vector<16xf32>,
          %mul3A_325 = arith.constant 64 : i32
          %mul3A_326 = arith.muli %and3A_268, %mul3A_325 : i32
          %add3A_327 = arith.constant 48 : i32
          %add3A_328 = arith.addi %mul3A_326, %add3A_327 : i32
          %swap3A_329 = arith.index_cast %add3A_328 : i32 to index
          %swap3A_330 = tpu.vector_load %arg11[%swap3A_329] {strides = array<i32>} : memref<4096xf32, #tpu.memory_space<vmem>>, vector<16xf32>,
          tpu.vector_store %arg11[%swap3A_329], %gather3A_324 {strides = array<i32>} : memref<4096xf32, #tpu.memory_space<vmem>>, vector<16xf32>,
          %mul3A_331 = arith.constant 64 : i32
          %mul3A_332 = arith.muli %div3A_266, %mul3A_331 : i32
          %multiple_of3A_333 = tpu.assume_multiple %mul3A_332, 8 : i32
          %mul3A_334 = arith.constant 64 : i32
          %mul3A_335 = arith.muli %and3A_268, %mul3A_334 : i32
          %dma_start3A_336 = tpu.memref_slice %arg11[%mul3A_335] : memref<4096xf32, #tpu.memory_space<vmem>> -> memref<64xf32, #tpu.memory_space<vmem>>
          %dma_start3A_337 = tpu.memref_slice %arg6[%multiple_of3A_333] : memref<1048576xf32, #tpu.memory_space<hbm>> -> memref<64xf32, #tpu.memory_space<hbm>>
          %dma_start3A_338 = tpu.memref_slice %arg6[%multiple_of3A_333] : memref<1048576xf32, #tpu.memory_space<hbm>> -> memref<64xf32, #tpu.memory_space<hbm>>
          %dma_start3A_339 = tpu.memref_slice %arg11[%mul3A_335] : memref<4096xf32, #tpu.memory_space<vmem>> -> memref<64xf32, #tpu.memory_space<vmem>>
          tpu.enqueue_dma source(%dma_start3A_339 : memref<64xf32, #tpu.memory_space<vmem>>) target(%dma_start3A_338 : memref<64xf32, #tpu.memory_space<hbm>>) target_semaphore(%arg13 : memref<!tpu.dma_semaphore, #tpu.memory_space<semaphore_mem>>)
          %add3A_340 = arith.constant 1 : i32
          %add3A_341 = arith.addi %while3A_258, %add3A_340 : i32
          scf.yield %add3A_341 : i32
        }
        %mul3A_222 = arith.constant 2 : i32
        %mul3A_223 = arith.muli %mul3A_222, %while3A_194 : i32
        %add3A_224 = arith.constant 1 : i32
        %add3A_225 = arith.addi %mul3A_223, %add3A_224 : i32
        %mul3A_226 = arith.constant 16 : i32
        %mul3A_227 = arith.muli %add3A_225, %mul3A_226 : i32
        %get3A_228 = arith.index_cast %mul3A_227 : i32 to index
        %get3A_229 = tpu.vector_load %arg9[%get3A_228] {strides = array<i32>} : memref<16416xi32, #tpu.memory_space<vmem>>, vector<16xi32>,
        %gather3A_230 = tpu.vector_load_idx %arg8[%get3A_229] : memref<16384xi32, #tpu.memory_space<vmem>>[vector<16xi32>], vector<16xi32>,
        %ge3A_231 = vector.broadcast %multiple_of3A_150 : i32 to vector<16xi32>
        %ge3A_232 = arith.cmpi sge, %gather3A_230, %ge3A_231 : vector<16xi32>
        %add3A_233 = arith.constant 640 : i32
        %add3A_234 = arith.addi %multiple_of3A_150, %add3A_233 : i32
        %lt3A_235 = vector.broadcast %add3A_234 : i32 to vector<16xi32>
        %lt3A_236 = arith.cmpi slt, %gather3A_230, %lt3A_235 : vector<16xi32>
        %and3A_237 = arith.andi %ge3A_232, %lt3A_236 : vector<16xi1>
        %all_reduce_population_count3A_238 = tpu.all_reduce %and3A_237 {dim = 0 : i64, kind = #tpu.reduction_kind<sum>} : vector<16xi1> -> vector<16xi32>
        %slice3A_239 = vector.extract_strided_slice %all_reduce_population_count3A_238 {offsets = [0], sizes = [1], strides = [1]} : vector<16xi32> to vector<1xi32>
        %squeeze3A_240 = vector.extract %slice3A_239[0] : i32 from vector<1xi32>
        %gt3A_241 = arith.constant 0 : i32
        %gt3A_242 = arith.cmpi sgt, %squeeze3A_240, %gt3A_241 : i32
        %convert_element_type3A_243 = arith.extui %gt3A_242 : i1 to i32
        %cond3A_244 = arith.constant 0 : i32
        %cond3A_245 = arith.cmpi ne, %convert_element_type3A_243, %cond3A_244 : i32
        scf.if %cond3A_245 {
          %mul3A_257 = arith.constant 640 : i32
          %mul3A_258 = vector.broadcast %mul3A_257 : i32 to vector<16xi32>
          %mul3A_259 = arith.muli %get3A_229, %mul3A_258 : vector<16xi32>
          %sub3A_260 = vector.broadcast %multiple_of3A_150 : i32 to vector<16xi32>
          %sub3A_261 = arith.subi %gather3A_230, %sub3A_260 : vector<16xi32>
          %add3A_262 = arith.addi %mul3A_259, %sub3A_261 : vector<16xi32>
          %jit3A_263 = arith.constant 0 : i32
          %jit3A_264 = arith.constant 1 : i32
          %broadcast_in_dim3A_265 = vector.broadcast %jit3A_263 : i32 to vector<16xi32>
          %broadcast_in_dim3A_266 = vector.broadcast %jit3A_264 : i32 to vector<16xi32>
          %select_n3A_267 = arith.select %and3A_237, %broadcast_in_dim3A_265, %broadcast_in_dim3A_266 : vector<16xi1>, vector<16xi32>
          %masked_sort3A = arith.constant dense<true> : vector<16xi1>
          %masked_sort3A_268 = arith.constant -2147483648 : i32
          %masked_sort3A_269 = vector.broadcast %masked_sort3A_268 : i32 to vector<16xi32>
          %masked_sort3A_270 = arith.xori %select_n3A_267, %masked_sort3A_269 : vector<16xi32>
          %masked_sort3A_271, %masked_sort3A_272, %masked_sort3A_273 = tpu.sort %masked_sort3A_270, %add3A_262 masked %masked_sort3A : (vector<16xi32>, vector<16xi32>, vector<16xi1>) -> (vector<16xi1>, vector<16xi32>, vector<16xi32>)
          %masked_sort3A_274 = arith.xori %masked_sort3A_272, %masked_sort3A_269 : vector<16xi32>
          %swap3A_275 = arith.constant 0 : index
          %swap3A_276 = tpu.vector_load %arg12[%swap3A_275] {strides = array<i32>} : memref<32xi32, #tpu.memory_space<vmem>>, vector<16xi32>,
          tpu.vector_store %arg12[%swap3A_275], %masked_sort3A_273 {strides = array<i32>} : memref<32xi32, #tpu.memory_space<vmem>>, vector<16xi32>,
        } else {
        }
        %while3A_246 = arith.constant 0 : i32
        %while3A_247 = arith.subi %squeeze3A_240, %while3A_246 : i32
        %while3A_248 = arith.addi %while3A_246, %while3A_247 : i32
        %while3A_249 = arith.constant 1 : i32
        %while3A_250 = arith.divsi %while3A_247, %while3A_249 : i32
        %while3A_251 = arith.muli %while3A_250, %while3A_249 : i32
        %while3A_252 = arith.addi %while3A_246, %while3A_251 : i32
        %while3A_253 = arith.constant 1 : i32
        %while3A_254 = scf.for %while3A_257 = %while3A_246 to %while3A_252 step %while3A_253 iter_args(%while3A_258 = %while3A_221) -> (i32)  : i32 {
          %get3A_259 = arith.index_cast %while3A_257 : i32 to index
          %get3A_260 = tpu.vector_load %arg12[%get3A_259] {strides = array<i32>} : memref<32xi32, #tpu.memory_space<vmem>>, vector<16xi32>,
          %slice3A_261 = vector.extract_strided_slice %get3A_260 {offsets = [0], sizes = [1], strides = [1]} : vector<16xi32> to vector<1xi32>
          %squeeze3A_262 = vector.extract %slice3A_261[0] : i32 from vector<1xi32>
          %rem3A_263 = arith.constant 640 : i32
          %rem3A_264 = arith.remsi %squeeze3A_262, %rem3A_263 : i32
          %div3A_265 = arith.constant 640 : i32
          %div3A_266 = arith.divsi %squeeze3A_262, %div3A_265 : i32
          %and3A_267 = arith.constant 63 : i32
          %and3A_268 = arith.andi %while3A_258, %and3A_267 : i32
          %ge3A_269 = arith.constant 64 : i32
          %ge3A_270 = arith.cmpi sge, %while3A_258, %ge3A_269 : i32
          %convert_element_type3A_271 = arith.extui %ge3A_270 : i1 to i32
          %cond3A_272 = arith.constant 0 : i32
          %cond3A_273 = arith.cmpi ne, %convert_element_type3A_271, %cond3A_272 : i32
          scf.if %cond3A_273 {
            %dma_wait3A = arith.constant 0 : i32
            %dma_wait3A_342 = tpu.memref_slice %arg11[%dma_wait3A] : memref<4096xf32, #tpu.memory_space<vmem>> -> memref<64xf32, #tpu.memory_space<vmem>>
            %dma_wait3A_343 = arith.constant 0 : i32
            %dma_wait3A_344 = tpu.memref_slice %arg6[%dma_wait3A_343] : memref<1048576xf32, #tpu.memory_space<hbm>> -> memref<64xf32, #tpu.memory_space<hbm>>
            %dma_wait3A_345 = arith.constant 0 : i32
            %dma_wait3A_346 = tpu.memref_slice %arg11[%dma_wait3A_345] : memref<4096xf32, #tpu.memory_space<vmem>> -> memref<64xf32, #tpu.memory_space<vmem>>
            %dma_wait3A_347 = arith.constant 0 : i32
            %dma_wait3A_348 = tpu.memref_slice %arg6[%dma_wait3A_347] : memref<1048576xf32, #tpu.memory_space<hbm>> -> memref<64xf32, #tpu.memory_space<hbm>>
            tpu.wait_dma2 semaphore(%arg13 : memref<!tpu.dma_semaphore, #tpu.memory_space<semaphore_mem>>) src(%dma_wait3A_348 : memref<64xf32, #tpu.memory_space<hbm>>) dst(%dma_wait3A_346 : memref<64xf32, #tpu.memory_space<vmem>>)
          } else {
          }
          %broadcast_in_dim3A_274 = vector.broadcast %rem3A_264 : i32 to vector<16xi32>
          %add3A_275 = arith.constant 0 : i32
          %add3A_276 = vector.broadcast %add3A_275 : i32 to vector<16xi32>
          %add3A_277 = arith.addi %iota3A, %add3A_276 : vector<16xi32>
          %gather3A_278 = arith.constant 0 : i32
          %gather3A_279 = arith.constant 0 : i32
          %gather3A_280 = tpu.memref_slice %arg10[%and3A_169, %gather3A_278, %gather3A_279] : memref<2x64x640xf32, #tpu.memory_space<vmem>> -> memref<1x64x640xf32, #tpu.memory_space<vmem>>
          %gather3A_281 = tpu.memref_squeeze %gather3A_280 : memref<1x64x640xf32, #tpu.memory_space<vmem>> -> memref<64x640xf32, #tpu.memory_space<vmem>>
          %gather3A_282 = tpu.vector_load_idx %gather3A_281[%add3A_277, %broadcast_in_dim3A_274] : memref<64x640xf32, #tpu.memory_space<vmem>>[vector<16xi32>, vector<16xi32>], vector<16xf32>,
          %mul3A_283 = arith.constant 64 : i32
          %mul3A_284 = arith.muli %and3A_268, %mul3A_283 : i32
          %add3A_285 = arith.constant 0 : i32
          %add3A_286 = arith.addi %mul3A_284, %add3A_285 : i32
          %swap3A_287 = arith.index_cast %add3A_286 : i32 to index
          %swap3A_288 = tpu.vector_load %arg11[%swap3A_287] {strides = array<i32>} : memref<4096xf32, #tpu.memory_space<vmem>>, vector<16xf32>,
          tpu.vector_store %arg11[%swap3A_287], %gather3A_282 {strides = array<i32>} : memref<4096xf32, #tpu.memory_space<vmem>>, vector<16xf32>,
          %add3A_289 = arith.constant 16 : i32
          %add3A_290 = vector.broadcast %add3A_289 : i32 to vector<16xi32>
          %add3A_291 = arith.addi %iota3A, %add3A_290 : vector<16xi32>
          %gather3A_292 = arith.constant 0 : i32
          %gather3A_293 = arith.constant 0 : i32
          %gather3A_294 = tpu.memref_slice %arg10[%and3A_169, %gather3A_292, %gather3A_293] : memref<2x64x640xf32, #tpu.memory_space<vmem>> -> memref<1x64x640xf32, #tpu.memory_space<vmem>>
          %gather3A_295 = tpu.memref_squeeze %gather3A_294 : memref<1x64x640xf32, #tpu.memory_space<vmem>> -> memref<64x640xf32, #tpu.memory_space<vmem>>
          %gather3A_296 = tpu.vector_load_idx %gather3A_295[%add3A_291, %broadcast_in_dim3A_274] : memref<64x640xf32, #tpu.memory_space<vmem>>[vector<16xi32>, vector<16xi32>], vector<16xf32>,
          %mul3A_297 = arith.constant 64 : i32
          %mul3A_298 = arith.muli %and3A_268, %mul3A_297 : i32
          %add3A_299 = arith.constant 16 : i32
          %add3A_300 = arith.addi %mul3A_298, %add3A_299 : i32
          %swap3A_301 = arith.index_cast %add3A_300 : i32 to index
          %swap3A_302 = tpu.vector_load %arg11[%swap3A_301] {strides = array<i32>} : memref<4096xf32, #tpu.memory_space<vmem>>, vector<16xf32>,
          tpu.vector_store %arg11[%swap3A_301], %gather3A_296 {strides = array<i32>} : memref<4096xf32, #tpu.memory_space<vmem>>, vector<16xf32>,
          %add3A_303 = arith.constant 32 : i32
          %add3A_304 = vector.broadcast %add3A_303 : i32 to vector<16xi32>
          %add3A_305 = arith.addi %iota3A, %add3A_304 : vector<16xi32>
          %gather3A_306 = arith.constant 0 : i32
          %gather3A_307 = arith.constant 0 : i32
          %gather3A_308 = tpu.memref_slice %arg10[%and3A_169, %gather3A_306, %gather3A_307] : memref<2x64x640xf32, #tpu.memory_space<vmem>> -> memref<1x64x640xf32, #tpu.memory_space<vmem>>
          %gather3A_309 = tpu.memref_squeeze %gather3A_308 : memref<1x64x640xf32, #tpu.memory_space<vmem>> -> memref<64x640xf32, #tpu.memory_space<vmem>>
          %gather3A_310 = tpu.vector_load_idx %gather3A_309[%add3A_305, %broadcast_in_dim3A_274] : memref<64x640xf32, #tpu.memory_space<vmem>>[vector<16xi32>, vector<16xi32>], vector<16xf32>,
          %mul3A_311 = arith.constant 64 : i32
          %mul3A_312 = arith.muli %and3A_268, %mul3A_311 : i32
          %add3A_313 = arith.constant 32 : i32
          %add3A_314 = arith.addi %mul3A_312, %add3A_313 : i32
          %swap3A_315 = arith.index_cast %add3A_314 : i32 to index
          %swap3A_316 = tpu.vector_load %arg11[%swap3A_315] {strides = array<i32>} : memref<4096xf32, #tpu.memory_space<vmem>>, vector<16xf32>,
          tpu.vector_store %arg11[%swap3A_315], %gather3A_310 {strides = array<i32>} : memref<4096xf32, #tpu.memory_space<vmem>>, vector<16xf32>,
          %add3A_317 = arith.constant 48 : i32
          %add3A_318 = vector.broadcast %add3A_317 : i32 to vector<16xi32>
          %add3A_319 = arith.addi %iota3A, %add3A_318 : vector<16xi32>
          %gather3A_320 = arith.constant 0 : i32
          %gather3A_321 = arith.constant 0 : i32
          %gather3A_322 = tpu.memref_slice %arg10[%and3A_169, %gather3A_320, %gather3A_321] : memref<2x64x640xf32, #tpu.memory_space<vmem>> -> memref<1x64x640xf32, #tpu.memory_space<vmem>>
          %gather3A_323 = tpu.memref_squeeze %gather3A_322 : memref<1x64x640xf32, #tpu.memory_space<vmem>> -> memref<64x640xf32, #tpu.memory_space<vmem>>
          %gather3A_324 = tpu.vector_load_idx %gather3A_323[%add3A_319, %broadcast_in_dim3A_274] : memref<64x640xf32, #tpu.memory_space<vmem>>[vector<16xi32>, vector<16xi32>], vector<16xf32>,
          %mul3A_325 = arith.constant 64 : i32
          %mul3A_326 = arith.muli %and3A_268, %mul3A_325 : i32
          %add3A_327 = arith.constant 48 : i32
          %add3A_328 = arith.addi %mul3A_326, %add3A_327 : i32
          %swap3A_329 = arith.index_cast %add3A_328 : i32 to index
          %swap3A_330 = tpu.vector_load %arg11[%swap3A_329] {strides = array<i32>} : memref<4096xf32, #tpu.memory_space<vmem>>, vector<16xf32>,
          tpu.vector_store %arg11[%swap3A_329], %gather3A_324 {strides = array<i32>} : memref<4096xf32, #tpu.memory_space<vmem>>, vector<16xf32>,
          %mul3A_331 = arith.constant 64 : i32
          %mul3A_332 = arith.muli %div3A_266, %mul3A_331 : i32
          %multiple_of3A_333 = tpu.assume_multiple %mul3A_332, 8 : i32
          %mul3A_334 = arith.constant 64 : i32
          %mul3A_335 = arith.muli %and3A_268, %mul3A_334 : i32
          %dma_start3A_336 = tpu.memref_slice %arg11[%mul3A_335] : memref<4096xf32, #tpu.memory_space<vmem>> -> memref<64xf32, #tpu.memory_space<vmem>>
          %dma_start3A_337 = tpu.memref_slice %arg6[%multiple_of3A_333] : memref<1048576xf32, #tpu.memory_space<hbm>> -> memref<64xf32, #tpu.memory_space<hbm>>
          %dma_start3A_338 = tpu.memref_slice %arg6[%multiple_of3A_333] : memref<1048576xf32, #tpu.memory_space<hbm>> -> memref<64xf32, #tpu.memory_space<hbm>>
          %dma_start3A_339 = tpu.memref_slice %arg11[%mul3A_335] : memref<4096xf32, #tpu.memory_space<vmem>> -> memref<64xf32, #tpu.memory_space<vmem>>
          tpu.enqueue_dma source(%dma_start3A_339 : memref<64xf32, #tpu.memory_space<vmem>>) target(%dma_start3A_338 : memref<64xf32, #tpu.memory_space<hbm>>) target_semaphore(%arg13 : memref<!tpu.dma_semaphore, #tpu.memory_space<semaphore_mem>>)
          %add3A_340 = arith.constant 1 : i32
          %add3A_341 = arith.addi %while3A_258, %add3A_340 : i32
          scf.yield %add3A_341 : i32
        }
        %while3A_255 = arith.constant 1 : i32
        %while3A_256 = scf.for %while3A_257 = %while3A_252 to %while3A_248 step %while3A_255 iter_args(%while3A_258 = %while3A_254) -> (i32)  : i32 {
          %get3A_259 = arith.index_cast %while3A_257 : i32 to index
          %get3A_260 = tpu.vector_load %arg12[%get3A_259] {strides = array<i32>} : memref<32xi32, #tpu.memory_space<vmem>>, vector<16xi32>,
          %slice3A_261 = vector.extract_strided_slice %get3A_260 {offsets = [0], sizes = [1], strides = [1]} : vector<16xi32> to vector<1xi32>
          %squeeze3A_262 = vector.extract %slice3A_261[0] : i32 from vector<1xi32>
          %rem3A_263 = arith.constant 640 : i32
          %rem3A_264 = arith.remsi %squeeze3A_262, %rem3A_263 : i32
          %div3A_265 = arith.constant 640 : i32
          %div3A_266 = arith.divsi %squeeze3A_262, %div3A_265 : i32
          %and3A_267 = arith.constant 63 : i32
          %and3A_268 = arith.andi %while3A_258, %and3A_267 : i32
          %ge3A_269 = arith.constant 64 : i32
          %ge3A_270 = arith.cmpi sge, %while3A_258, %ge3A_269 : i32
          %convert_element_type3A_271 = arith.extui %ge3A_270 : i1 to i32
          %cond3A_272 = arith.constant 0 : i32
          %cond3A_273 = arith.cmpi ne, %convert_element_type3A_271, %cond3A_272 : i32
          scf.if %cond3A_273 {
            %dma_wait3A = arith.constant 0 : i32
            %dma_wait3A_342 = tpu.memref_slice %arg11[%dma_wait3A] : memref<4096xf32, #tpu.memory_space<vmem>> -> memref<64xf32, #tpu.memory_space<vmem>>
            %dma_wait3A_343 = arith.constant 0 : i32
            %dma_wait3A_344 = tpu.memref_slice %arg6[%dma_wait3A_343] : memref<1048576xf32, #tpu.memory_space<hbm>> -> memref<64xf32, #tpu.memory_space<hbm>>
            %dma_wait3A_345 = arith.constant 0 : i32
            %dma_wait3A_346 = tpu.memref_slice %arg11[%dma_wait3A_345] : memref<4096xf32, #tpu.memory_space<vmem>> -> memref<64xf32, #tpu.memory_space<vmem>>
            %dma_wait3A_347 = arith.constant 0 : i32
            %dma_wait3A_348 = tpu.memref_slice %arg6[%dma_wait3A_347] : memref<1048576xf32, #tpu.memory_space<hbm>> -> memref<64xf32, #tpu.memory_space<hbm>>
            tpu.wait_dma2 semaphore(%arg13 : memref<!tpu.dma_semaphore, #tpu.memory_space<semaphore_mem>>) src(%dma_wait3A_348 : memref<64xf32, #tpu.memory_space<hbm>>) dst(%dma_wait3A_346 : memref<64xf32, #tpu.memory_space<vmem>>)
          } else {
          }
          %broadcast_in_dim3A_274 = vector.broadcast %rem3A_264 : i32 to vector<16xi32>
          %add3A_275 = arith.constant 0 : i32
          %add3A_276 = vector.broadcast %add3A_275 : i32 to vector<16xi32>
          %add3A_277 = arith.addi %iota3A, %add3A_276 : vector<16xi32>
          %gather3A_278 = arith.constant 0 : i32
          %gather3A_279 = arith.constant 0 : i32
          %gather3A_280 = tpu.memref_slice %arg10[%and3A_169, %gather3A_278, %gather3A_279] : memref<2x64x640xf32, #tpu.memory_space<vmem>> -> memref<1x64x640xf32, #tpu.memory_space<vmem>>
          %gather3A_281 = tpu.memref_squeeze %gather3A_280 : memref<1x64x640xf32, #tpu.memory_space<vmem>> -> memref<64x640xf32, #tpu.memory_space<vmem>>
          %gather3A_282 = tpu.vector_load_idx %gather3A_281[%add3A_277, %broadcast_in_dim3A_274] : memref<64x640xf32, #tpu.memory_space<vmem>>[vector<16xi32>, vector<16xi32>], vector<16xf32>,
          %mul3A_283 = arith.constant 64 : i32
          %mul3A_284 = arith.muli %and3A_268, %mul3A_283 : i32
          %add3A_285 = arith.constant 0 : i32
          %add3A_286 = arith.addi %mul3A_284, %add3A_285 : i32
          %swap3A_287 = arith.index_cast %add3A_286 : i32 to index
          %swap3A_288 = tpu.vector_load %arg11[%swap3A_287] {strides = array<i32>} : memref<4096xf32, #tpu.memory_space<vmem>>, vector<16xf32>,
          tpu.vector_store %arg11[%swap3A_287], %gather3A_282 {strides = array<i32>} : memref<4096xf32, #tpu.memory_space<vmem>>, vector<16xf32>,
          %add3A_289 = arith.constant 16 : i32
          %add3A_290 = vector.broadcast %add3A_289 : i32 to vector<16xi32>
          %add3A_291 = arith.addi %iota3A, %add3A_290 : vector<16xi32>
          %gather3A_292 = arith.constant 0 : i32
          %gather3A_293 = arith.constant 0 : i32
          %gather3A_294 = tpu.memref_slice %arg10[%and3A_169, %gather3A_292, %gather3A_293] : memref<2x64x640xf32, #tpu.memory_space<vmem>> -> memref<1x64x640xf32, #tpu.memory_space<vmem>>
          %gather3A_295 = tpu.memref_squeeze %gather3A_294 : memref<1x64x640xf32, #tpu.memory_space<vmem>> -> memref<64x640xf32, #tpu.memory_space<vmem>>
          %gather3A_296 = tpu.vector_load_idx %gather3A_295[%add3A_291, %broadcast_in_dim3A_274] : memref<64x640xf32, #tpu.memory_space<vmem>>[vector<16xi32>, vector<16xi32>], vector<16xf32>,
          %mul3A_297 = arith.constant 64 : i32
          %mul3A_298 = arith.muli %and3A_268, %mul3A_297 : i32
          %add3A_299 = arith.constant 16 : i32
          %add3A_300 = arith.addi %mul3A_298, %add3A_299 : i32
          %swap3A_301 = arith.index_cast %add3A_300 : i32 to index
          %swap3A_302 = tpu.vector_load %arg11[%swap3A_301] {strides = array<i32>} : memref<4096xf32, #tpu.memory_space<vmem>>, vector<16xf32>,
          tpu.vector_store %arg11[%swap3A_301], %gather3A_296 {strides = array<i32>} : memref<4096xf32, #tpu.memory_space<vmem>>, vector<16xf32>,
          %add3A_303 = arith.constant 32 : i32
          %add3A_304 = vector.broadcast %add3A_303 : i32 to vector<16xi32>
          %add3A_305 = arith.addi %iota3A, %add3A_304 : vector<16xi32>
          %gather3A_306 = arith.constant 0 : i32
          %gather3A_307 = arith.constant 0 : i32
          %gather3A_308 = tpu.memref_slice %arg10[%and3A_169, %gather3A_306, %gather3A_307] : memref<2x64x640xf32, #tpu.memory_space<vmem>> -> memref<1x64x640xf32, #tpu.memory_space<vmem>>
          %gather3A_309 = tpu.memref_squeeze %gather3A_308 : memref<1x64x640xf32, #tpu.memory_space<vmem>> -> memref<64x640xf32, #tpu.memory_space<vmem>>
          %gather3A_310 = tpu.vector_load_idx %gather3A_309[%add3A_305, %broadcast_in_dim3A_274] : memref<64x640xf32, #tpu.memory_space<vmem>>[vector<16xi32>, vector<16xi32>], vector<16xf32>,
          %mul3A_311 = arith.constant 64 : i32
          %mul3A_312 = arith.muli %and3A_268, %mul3A_311 : i32
          %add3A_313 = arith.constant 32 : i32
          %add3A_314 = arith.addi %mul3A_312, %add3A_313 : i32
          %swap3A_315 = arith.index_cast %add3A_314 : i32 to index
          %swap3A_316 = tpu.vector_load %arg11[%swap3A_315] {strides = array<i32>} : memref<4096xf32, #tpu.memory_space<vmem>>, vector<16xf32>,
          tpu.vector_store %arg11[%swap3A_315], %gather3A_310 {strides = array<i32>} : memref<4096xf32, #tpu.memory_space<vmem>>, vector<16xf32>,
          %add3A_317 = arith.constant 48 : i32
          %add3A_318 = vector.broadcast %add3A_317 : i32 to vector<16xi32>
          %add3A_319 = arith.addi %iota3A, %add3A_318 : vector<16xi32>
          %gather3A_320 = arith.constant 0 : i32
          %gather3A_321 = arith.constant 0 : i32
          %gather3A_322 = tpu.memref_slice %arg10[%and3A_169, %gather3A_320, %gather3A_321] : memref<2x64x640xf32, #tpu.memory_space<vmem>> -> memref<1x64x640xf32, #tpu.memory_space<vmem>>
          %gather3A_323 = tpu.memref_squeeze %gather3A_322 : memref<1x64x640xf32, #tpu.memory_space<vmem>> -> memref<64x640xf32, #tpu.memory_space<vmem>>
          %gather3A_324 = tpu.vector_load_idx %gather3A_323[%add3A_319, %broadcast_in_dim3A_274] : memref<64x640xf32, #tpu.memory_space<vmem>>[vector<16xi32>, vector<16xi32>], vector<16xf32>,
          %mul3A_325 = arith.constant 64 : i32
          %mul3A_326 = arith.muli %and3A_268, %mul3A_325 : i32
          %add3A_327 = arith.constant 48 : i32
          %add3A_328 = arith.addi %mul3A_326, %add3A_327 : i32
          %swap3A_329 = arith.index_cast %add3A_328 : i32 to index
          %swap3A_330 = tpu.vector_load %arg11[%swap3A_329] {strides = array<i32>} : memref<4096xf32, #tpu.memory_space<vmem>>, vector<16xf32>,
          tpu.vector_store %arg11[%swap3A_329], %gather3A_324 {strides = array<i32>} : memref<4096xf32, #tpu.memory_space<vmem>>, vector<16xf32>,
          %mul3A_331 = arith.constant 64 : i32
          %mul3A_332 = arith.muli %div3A_266, %mul3A_331 : i32
          %multiple_of3A_333 = tpu.assume_multiple %mul3A_332, 8 : i32
          %mul3A_334 = arith.constant 64 : i32
          %mul3A_335 = arith.muli %and3A_268, %mul3A_334 : i32
          %dma_start3A_336 = tpu.memref_slice %arg11[%mul3A_335] : memref<4096xf32, #tpu.memory_space<vmem>> -> memref<64xf32, #tpu.memory_space<vmem>>
          %dma_start3A_337 = tpu.memref_slice %arg6[%multiple_of3A_333] : memref<1048576xf32, #tpu.memory_space<hbm>> -> memref<64xf32, #tpu.memory_space<hbm>>
          %dma_start3A_338 = tpu.memref_slice %arg6[%multiple_of3A_333] : memref<1048576xf32, #tpu.memory_space<hbm>> -> memref<64xf32, #tpu.memory_space<hbm>>
          %dma_start3A_339 = tpu.memref_slice %arg11[%mul3A_335] : memref<4096xf32, #tpu.memory_space<vmem>> -> memref<64xf32, #tpu.memory_space<vmem>>
          tpu.enqueue_dma source(%dma_start3A_339 : memref<64xf32, #tpu.memory_space<vmem>>) target(%dma_start3A_338 : memref<64xf32, #tpu.memory_space<hbm>>) target_semaphore(%arg13 : memref<!tpu.dma_semaphore, #tpu.memory_space<semaphore_mem>>)
          %add3A_340 = arith.constant 1 : i32
          %add3A_341 = arith.addi %while3A_258, %add3A_340 : i32
          scf.yield %add3A_341 : i32
        }
        scf.yield %while3A_256 : i32
      }
      %while3A_180 = arith.constant 1 : i32
      %while3A_181 = scf.for %while3A_194 = %while3A_177 to %while3A_173 step %while3A_180 iter_args(%while3A_195 = %while3A_179) -> (i32)  : i32 {
        %mul3A_196 = arith.constant 2 : i32
        %mul3A_197 = arith.muli %mul3A_196, %while3A_194 : i32
        %mul3A_198 = arith.constant 16 : i32
        %mul3A_199 = arith.muli %mul3A_197, %mul3A_198 : i32
        %get3A = arith.index_cast %mul3A_199 : i32 to index
        %get3A_200 = tpu.vector_load %arg9[%get3A] {strides = array<i32>} : memref<16416xi32, #tpu.memory_space<vmem>>, vector<16xi32>,
        %gather3A = tpu.vector_load_idx %arg8[%get3A_200] : memref<16384xi32, #tpu.memory_space<vmem>>[vector<16xi32>], vector<16xi32>,
        %ge3A = vector.broadcast %multiple_of3A_150 : i32 to vector<16xi32>
        %ge3A_201 = arith.cmpi sge, %gather3A, %ge3A : vector<16xi32>
        %add3A_202 = arith.constant 640 : i32
        %add3A_203 = arith.addi %multiple_of3A_150, %add3A_202 : i32
        %lt3A_204 = vector.broadcast %add3A_203 : i32 to vector<16xi32>
        %lt3A_205 = arith.cmpi slt, %gather3A, %lt3A_204 : vector<16xi32>
        %and3A_206 = arith.andi %ge3A_201, %lt3A_205 : vector<16xi1>
        %all_reduce_population_count3A = tpu.all_reduce %and3A_206 {dim = 0 : i64, kind = #tpu.reduction_kind<sum>} : vector<16xi1> -> vector<16xi32>
        %slice3A = vector.extract_strided_slice %all_reduce_population_count3A {offsets = [0], sizes = [1], strides = [1]} : vector<16xi32> to vector<1xi32>
        %squeeze3A = vector.extract %slice3A[0] : i32 from vector<1xi32>
        %gt3A = arith.constant 0 : i32
        %gt3A_207 = arith.cmpi sgt, %squeeze3A, %gt3A : i32
        %convert_element_type3A_208 = arith.extui %gt3A_207 : i1 to i32
        %cond3A_209 = arith.constant 0 : i32
        %cond3A_210 = arith.cmpi ne, %convert_element_type3A_208, %cond3A_209 : i32
        scf.if %cond3A_210 {
          %mul3A_257 = arith.constant 640 : i32
          %mul3A_258 = vector.broadcast %mul3A_257 : i32 to vector<16xi32>
          %mul3A_259 = arith.muli %get3A_200, %mul3A_258 : vector<16xi32>
          %sub3A_260 = vector.broadcast %multiple_of3A_150 : i32 to vector<16xi32>
          %sub3A_261 = arith.subi %gather3A, %sub3A_260 : vector<16xi32>
          %add3A_262 = arith.addi %mul3A_259, %sub3A_261 : vector<16xi32>
          %jit3A_263 = arith.constant 0 : i32
          %jit3A_264 = arith.constant 1 : i32
          %broadcast_in_dim3A_265 = vector.broadcast %jit3A_263 : i32 to vector<16xi32>
          %broadcast_in_dim3A_266 = vector.broadcast %jit3A_264 : i32 to vector<16xi32>
          %select_n3A_267 = arith.select %and3A_206, %broadcast_in_dim3A_265, %broadcast_in_dim3A_266 : vector<16xi1>, vector<16xi32>
          %masked_sort3A = arith.constant dense<true> : vector<16xi1>
          %masked_sort3A_268 = arith.constant -2147483648 : i32
          %masked_sort3A_269 = vector.broadcast %masked_sort3A_268 : i32 to vector<16xi32>
          %masked_sort3A_270 = arith.xori %select_n3A_267, %masked_sort3A_269 : vector<16xi32>
          %masked_sort3A_271, %masked_sort3A_272, %masked_sort3A_273 = tpu.sort %masked_sort3A_270, %add3A_262 masked %masked_sort3A : (vector<16xi32>, vector<16xi32>, vector<16xi1>) -> (vector<16xi1>, vector<16xi32>, vector<16xi32>)
          %masked_sort3A_274 = arith.xori %masked_sort3A_272, %masked_sort3A_269 : vector<16xi32>
          %swap3A_275 = arith.constant 0 : index
          %swap3A_276 = tpu.vector_load %arg12[%swap3A_275] {strides = array<i32>} : memref<32xi32, #tpu.memory_space<vmem>>, vector<16xi32>,
          tpu.vector_store %arg12[%swap3A_275], %masked_sort3A_273 {strides = array<i32>} : memref<32xi32, #tpu.memory_space<vmem>>, vector<16xi32>,
        } else {
        }
        %while3A_211 = arith.constant 0 : i32
        %while3A_212 = arith.subi %squeeze3A, %while3A_211 : i32
        %while3A_213 = arith.addi %while3A_211, %while3A_212 : i32
        %while3A_214 = arith.constant 1 : i32
        %while3A_215 = arith.divsi %while3A_212, %while3A_214 : i32
        %while3A_216 = arith.muli %while3A_215, %while3A_214 : i32
        %while3A_217 = arith.addi %while3A_211, %while3A_216 : i32
        %while3A_218 = arith.constant 1 : i32
        %while3A_219 = scf.for %while3A_257 = %while3A_211 to %while3A_217 step %while3A_218 iter_args(%while3A_258 = %while3A_195) -> (i32)  : i32 {
          %get3A_259 = arith.index_cast %while3A_257 : i32 to index
          %get3A_260 = tpu.vector_load %arg12[%get3A_259] {strides = array<i32>} : memref<32xi32, #tpu.memory_space<vmem>>, vector<16xi32>,
          %slice3A_261 = vector.extract_strided_slice %get3A_260 {offsets = [0], sizes = [1], strides = [1]} : vector<16xi32> to vector<1xi32>
          %squeeze3A_262 = vector.extract %slice3A_261[0] : i32 from vector<1xi32>
          %rem3A_263 = arith.constant 640 : i32
          %rem3A_264 = arith.remsi %squeeze3A_262, %rem3A_263 : i32
          %div3A_265 = arith.constant 640 : i32
          %div3A_266 = arith.divsi %squeeze3A_262, %div3A_265 : i32
          %and3A_267 = arith.constant 63 : i32
          %and3A_268 = arith.andi %while3A_258, %and3A_267 : i32
          %ge3A_269 = arith.constant 64 : i32
          %ge3A_270 = arith.cmpi sge, %while3A_258, %ge3A_269 : i32
          %convert_element_type3A_271 = arith.extui %ge3A_270 : i1 to i32
          %cond3A_272 = arith.constant 0 : i32
          %cond3A_273 = arith.cmpi ne, %convert_element_type3A_271, %cond3A_272 : i32
          scf.if %cond3A_273 {
            %dma_wait3A = arith.constant 0 : i32
            %dma_wait3A_342 = tpu.memref_slice %arg11[%dma_wait3A] : memref<4096xf32, #tpu.memory_space<vmem>> -> memref<64xf32, #tpu.memory_space<vmem>>
            %dma_wait3A_343 = arith.constant 0 : i32
            %dma_wait3A_344 = tpu.memref_slice %arg6[%dma_wait3A_343] : memref<1048576xf32, #tpu.memory_space<hbm>> -> memref<64xf32, #tpu.memory_space<hbm>>
            %dma_wait3A_345 = arith.constant 0 : i32
            %dma_wait3A_346 = tpu.memref_slice %arg11[%dma_wait3A_345] : memref<4096xf32, #tpu.memory_space<vmem>> -> memref<64xf32, #tpu.memory_space<vmem>>
            %dma_wait3A_347 = arith.constant 0 : i32
            %dma_wait3A_348 = tpu.memref_slice %arg6[%dma_wait3A_347] : memref<1048576xf32, #tpu.memory_space<hbm>> -> memref<64xf32, #tpu.memory_space<hbm>>
            tpu.wait_dma2 semaphore(%arg13 : memref<!tpu.dma_semaphore, #tpu.memory_space<semaphore_mem>>) src(%dma_wait3A_348 : memref<64xf32, #tpu.memory_space<hbm>>) dst(%dma_wait3A_346 : memref<64xf32, #tpu.memory_space<vmem>>)
          } else {
          }
          %broadcast_in_dim3A_274 = vector.broadcast %rem3A_264 : i32 to vector<16xi32>
          %add3A_275 = arith.constant 0 : i32
          %add3A_276 = vector.broadcast %add3A_275 : i32 to vector<16xi32>
          %add3A_277 = arith.addi %iota3A, %add3A_276 : vector<16xi32>
          %gather3A_278 = arith.constant 0 : i32
          %gather3A_279 = arith.constant 0 : i32
          %gather3A_280 = tpu.memref_slice %arg10[%and3A_169, %gather3A_278, %gather3A_279] : memref<2x64x640xf32, #tpu.memory_space<vmem>> -> memref<1x64x640xf32, #tpu.memory_space<vmem>>
          %gather3A_281 = tpu.memref_squeeze %gather3A_280 : memref<1x64x640xf32, #tpu.memory_space<vmem>> -> memref<64x640xf32, #tpu.memory_space<vmem>>
          %gather3A_282 = tpu.vector_load_idx %gather3A_281[%add3A_277, %broadcast_in_dim3A_274] : memref<64x640xf32, #tpu.memory_space<vmem>>[vector<16xi32>, vector<16xi32>], vector<16xf32>,
          %mul3A_283 = arith.constant 64 : i32
          %mul3A_284 = arith.muli %and3A_268, %mul3A_283 : i32
          %add3A_285 = arith.constant 0 : i32
          %add3A_286 = arith.addi %mul3A_284, %add3A_285 : i32
          %swap3A_287 = arith.index_cast %add3A_286 : i32 to index
          %swap3A_288 = tpu.vector_load %arg11[%swap3A_287] {strides = array<i32>} : memref<4096xf32, #tpu.memory_space<vmem>>, vector<16xf32>,
          tpu.vector_store %arg11[%swap3A_287], %gather3A_282 {strides = array<i32>} : memref<4096xf32, #tpu.memory_space<vmem>>, vector<16xf32>,
          %add3A_289 = arith.constant 16 : i32
          %add3A_290 = vector.broadcast %add3A_289 : i32 to vector<16xi32>
          %add3A_291 = arith.addi %iota3A, %add3A_290 : vector<16xi32>
          %gather3A_292 = arith.constant 0 : i32
          %gather3A_293 = arith.constant 0 : i32
          %gather3A_294 = tpu.memref_slice %arg10[%and3A_169, %gather3A_292, %gather3A_293] : memref<2x64x640xf32, #tpu.memory_space<vmem>> -> memref<1x64x640xf32, #tpu.memory_space<vmem>>
          %gather3A_295 = tpu.memref_squeeze %gather3A_294 : memref<1x64x640xf32, #tpu.memory_space<vmem>> -> memref<64x640xf32, #tpu.memory_space<vmem>>
          %gather3A_296 = tpu.vector_load_idx %gather3A_295[%add3A_291, %broadcast_in_dim3A_274] : memref<64x640xf32, #tpu.memory_space<vmem>>[vector<16xi32>, vector<16xi32>], vector<16xf32>,
          %mul3A_297 = arith.constant 64 : i32
          %mul3A_298 = arith.muli %and3A_268, %mul3A_297 : i32
          %add3A_299 = arith.constant 16 : i32
          %add3A_300 = arith.addi %mul3A_298, %add3A_299 : i32
          %swap3A_301 = arith.index_cast %add3A_300 : i32 to index
          %swap3A_302 = tpu.vector_load %arg11[%swap3A_301] {strides = array<i32>} : memref<4096xf32, #tpu.memory_space<vmem>>, vector<16xf32>,
          tpu.vector_store %arg11[%swap3A_301], %gather3A_296 {strides = array<i32>} : memref<4096xf32, #tpu.memory_space<vmem>>, vector<16xf32>,
          %add3A_303 = arith.constant 32 : i32
          %add3A_304 = vector.broadcast %add3A_303 : i32 to vector<16xi32>
          %add3A_305 = arith.addi %iota3A, %add3A_304 : vector<16xi32>
          %gather3A_306 = arith.constant 0 : i32
          %gather3A_307 = arith.constant 0 : i32
          %gather3A_308 = tpu.memref_slice %arg10[%and3A_169, %gather3A_306, %gather3A_307] : memref<2x64x640xf32, #tpu.memory_space<vmem>> -> memref<1x64x640xf32, #tpu.memory_space<vmem>>
          %gather3A_309 = tpu.memref_squeeze %gather3A_308 : memref<1x64x640xf32, #tpu.memory_space<vmem>> -> memref<64x640xf32, #tpu.memory_space<vmem>>
          %gather3A_310 = tpu.vector_load_idx %gather3A_309[%add3A_305, %broadcast_in_dim3A_274] : memref<64x640xf32, #tpu.memory_space<vmem>>[vector<16xi32>, vector<16xi32>], vector<16xf32>,
          %mul3A_311 = arith.constant 64 : i32
          %mul3A_312 = arith.muli %and3A_268, %mul3A_311 : i32
          %add3A_313 = arith.constant 32 : i32
          %add3A_314 = arith.addi %mul3A_312, %add3A_313 : i32
          %swap3A_315 = arith.index_cast %add3A_314 : i32 to index
          %swap3A_316 = tpu.vector_load %arg11[%swap3A_315] {strides = array<i32>} : memref<4096xf32, #tpu.memory_space<vmem>>, vector<16xf32>,
          tpu.vector_store %arg11[%swap3A_315], %gather3A_310 {strides = array<i32>} : memref<4096xf32, #tpu.memory_space<vmem>>, vector<16xf32>,
          %add3A_317 = arith.constant 48 : i32
          %add3A_318 = vector.broadcast %add3A_317 : i32 to vector<16xi32>
          %add3A_319 = arith.addi %iota3A, %add3A_318 : vector<16xi32>
          %gather3A_320 = arith.constant 0 : i32
          %gather3A_321 = arith.constant 0 : i32
          %gather3A_322 = tpu.memref_slice %arg10[%and3A_169, %gather3A_320, %gather3A_321] : memref<2x64x640xf32, #tpu.memory_space<vmem>> -> memref<1x64x640xf32, #tpu.memory_space<vmem>>
          %gather3A_323 = tpu.memref_squeeze %gather3A_322 : memref<1x64x640xf32, #tpu.memory_space<vmem>> -> memref<64x640xf32, #tpu.memory_space<vmem>>
          %gather3A_324 = tpu.vector_load_idx %gather3A_323[%add3A_319, %broadcast_in_dim3A_274] : memref<64x640xf32, #tpu.memory_space<vmem>>[vector<16xi32>, vector<16xi32>], vector<16xf32>,
          %mul3A_325 = arith.constant 64 : i32
          %mul3A_326 = arith.muli %and3A_268, %mul3A_325 : i32
          %add3A_327 = arith.constant 48 : i32
          %add3A_328 = arith.addi %mul3A_326, %add3A_327 : i32
          %swap3A_329 = arith.index_cast %add3A_328 : i32 to index
          %swap3A_330 = tpu.vector_load %arg11[%swap3A_329] {strides = array<i32>} : memref<4096xf32, #tpu.memory_space<vmem>>, vector<16xf32>,
          tpu.vector_store %arg11[%swap3A_329], %gather3A_324 {strides = array<i32>} : memref<4096xf32, #tpu.memory_space<vmem>>, vector<16xf32>,
          %mul3A_331 = arith.constant 64 : i32
          %mul3A_332 = arith.muli %div3A_266, %mul3A_331 : i32
          %multiple_of3A_333 = tpu.assume_multiple %mul3A_332, 8 : i32
          %mul3A_334 = arith.constant 64 : i32
          %mul3A_335 = arith.muli %and3A_268, %mul3A_334 : i32
          %dma_start3A_336 = tpu.memref_slice %arg11[%mul3A_335] : memref<4096xf32, #tpu.memory_space<vmem>> -> memref<64xf32, #tpu.memory_space<vmem>>
          %dma_start3A_337 = tpu.memref_slice %arg6[%multiple_of3A_333] : memref<1048576xf32, #tpu.memory_space<hbm>> -> memref<64xf32, #tpu.memory_space<hbm>>
          %dma_start3A_338 = tpu.memref_slice %arg6[%multiple_of3A_333] : memref<1048576xf32, #tpu.memory_space<hbm>> -> memref<64xf32, #tpu.memory_space<hbm>>
          %dma_start3A_339 = tpu.memref_slice %arg11[%mul3A_335] : memref<4096xf32, #tpu.memory_space<vmem>> -> memref<64xf32, #tpu.memory_space<vmem>>
          tpu.enqueue_dma source(%dma_start3A_339 : memref<64xf32, #tpu.memory_space<vmem>>) target(%dma_start3A_338 : memref<64xf32, #tpu.memory_space<hbm>>) target_semaphore(%arg13 : memref<!tpu.dma_semaphore, #tpu.memory_space<semaphore_mem>>)
          %add3A_340 = arith.constant 1 : i32
          %add3A_341 = arith.addi %while3A_258, %add3A_340 : i32
          scf.yield %add3A_341 : i32
        }
        %while3A_220 = arith.constant 1 : i32
        %while3A_221 = scf.for %while3A_257 = %while3A_217 to %while3A_213 step %while3A_220 iter_args(%while3A_258 = %while3A_219) -> (i32)  : i32 {
          %get3A_259 = arith.index_cast %while3A_257 : i32 to index
          %get3A_260 = tpu.vector_load %arg12[%get3A_259] {strides = array<i32>} : memref<32xi32, #tpu.memory_space<vmem>>, vector<16xi32>,
          %slice3A_261 = vector.extract_strided_slice %get3A_260 {offsets = [0], sizes = [1], strides = [1]} : vector<16xi32> to vector<1xi32>
          %squeeze3A_262 = vector.extract %slice3A_261[0] : i32 from vector<1xi32>
          %rem3A_263 = arith.constant 640 : i32
          %rem3A_264 = arith.remsi %squeeze3A_262, %rem3A_263 : i32
          %div3A_265 = arith.constant 640 : i32
          %div3A_266 = arith.divsi %squeeze3A_262, %div3A_265 : i32
          %and3A_267 = arith.constant 63 : i32
          %and3A_268 = arith.andi %while3A_258, %and3A_267 : i32
          %ge3A_269 = arith.constant 64 : i32
          %ge3A_270 = arith.cmpi sge, %while3A_258, %ge3A_269 : i32
          %convert_element_type3A_271 = arith.extui %ge3A_270 : i1 to i32
          %cond3A_272 = arith.constant 0 : i32
          %cond3A_273 = arith.cmpi ne, %convert_element_type3A_271, %cond3A_272 : i32
          scf.if %cond3A_273 {
            %dma_wait3A = arith.constant 0 : i32
            %dma_wait3A_342 = tpu.memref_slice %arg11[%dma_wait3A] : memref<4096xf32, #tpu.memory_space<vmem>> -> memref<64xf32, #tpu.memory_space<vmem>>
            %dma_wait3A_343 = arith.constant 0 : i32
            %dma_wait3A_344 = tpu.memref_slice %arg6[%dma_wait3A_343] : memref<1048576xf32, #tpu.memory_space<hbm>> -> memref<64xf32, #tpu.memory_space<hbm>>
            %dma_wait3A_345 = arith.constant 0 : i32
            %dma_wait3A_346 = tpu.memref_slice %arg11[%dma_wait3A_345] : memref<4096xf32, #tpu.memory_space<vmem>> -> memref<64xf32, #tpu.memory_space<vmem>>
            %dma_wait3A_347 = arith.constant 0 : i32
            %dma_wait3A_348 = tpu.memref_slice %arg6[%dma_wait3A_347] : memref<1048576xf32, #tpu.memory_space<hbm>> -> memref<64xf32, #tpu.memory_space<hbm>>
            tpu.wait_dma2 semaphore(%arg13 : memref<!tpu.dma_semaphore, #tpu.memory_space<semaphore_mem>>) src(%dma_wait3A_348 : memref<64xf32, #tpu.memory_space<hbm>>) dst(%dma_wait3A_346 : memref<64xf32, #tpu.memory_space<vmem>>)
          } else {
          }
          %broadcast_in_dim3A_274 = vector.broadcast %rem3A_264 : i32 to vector<16xi32>
          %add3A_275 = arith.constant 0 : i32
          %add3A_276 = vector.broadcast %add3A_275 : i32 to vector<16xi32>
          %add3A_277 = arith.addi %iota3A, %add3A_276 : vector<16xi32>
          %gather3A_278 = arith.constant 0 : i32
          %gather3A_279 = arith.constant 0 : i32
          %gather3A_280 = tpu.memref_slice %arg10[%and3A_169, %gather3A_278, %gather3A_279] : memref<2x64x640xf32, #tpu.memory_space<vmem>> -> memref<1x64x640xf32, #tpu.memory_space<vmem>>
          %gather3A_281 = tpu.memref_squeeze %gather3A_280 : memref<1x64x640xf32, #tpu.memory_space<vmem>> -> memref<64x640xf32, #tpu.memory_space<vmem>>
          %gather3A_282 = tpu.vector_load_idx %gather3A_281[%add3A_277, %broadcast_in_dim3A_274] : memref<64x640xf32, #tpu.memory_space<vmem>>[vector<16xi32>, vector<16xi32>], vector<16xf32>,
          %mul3A_283 = arith.constant 64 : i32
          %mul3A_284 = arith.muli %and3A_268, %mul3A_283 : i32
          %add3A_285 = arith.constant 0 : i32
          %add3A_286 = arith.addi %mul3A_284, %add3A_285 : i32
          %swap3A_287 = arith.index_cast %add3A_286 : i32 to index
          %swap3A_288 = tpu.vector_load %arg11[%swap3A_287] {strides = array<i32>} : memref<4096xf32, #tpu.memory_space<vmem>>, vector<16xf32>,
          tpu.vector_store %arg11[%swap3A_287], %gather3A_282 {strides = array<i32>} : memref<4096xf32, #tpu.memory_space<vmem>>, vector<16xf32>,
          %add3A_289 = arith.constant 16 : i32
          %add3A_290 = vector.broadcast %add3A_289 : i32 to vector<16xi32>
          %add3A_291 = arith.addi %iota3A, %add3A_290 : vector<16xi32>
          %gather3A_292 = arith.constant 0 : i32
          %gather3A_293 = arith.constant 0 : i32
          %gather3A_294 = tpu.memref_slice %arg10[%and3A_169, %gather3A_292, %gather3A_293] : memref<2x64x640xf32, #tpu.memory_space<vmem>> -> memref<1x64x640xf32, #tpu.memory_space<vmem>>
          %gather3A_295 = tpu.memref_squeeze %gather3A_294 : memref<1x64x640xf32, #tpu.memory_space<vmem>> -> memref<64x640xf32, #tpu.memory_space<vmem>>
          %gather3A_296 = tpu.vector_load_idx %gather3A_295[%add3A_291, %broadcast_in_dim3A_274] : memref<64x640xf32, #tpu.memory_space<vmem>>[vector<16xi32>, vector<16xi32>], vector<16xf32>,
          %mul3A_297 = arith.constant 64 : i32
          %mul3A_298 = arith.muli %and3A_268, %mul3A_297 : i32
          %add3A_299 = arith.constant 16 : i32
          %add3A_300 = arith.addi %mul3A_298, %add3A_299 : i32
          %swap3A_301 = arith.index_cast %add3A_300 : i32 to index
          %swap3A_302 = tpu.vector_load %arg11[%swap3A_301] {strides = array<i32>} : memref<4096xf32, #tpu.memory_space<vmem>>, vector<16xf32>,
          tpu.vector_store %arg11[%swap3A_301], %gather3A_296 {strides = array<i32>} : memref<4096xf32, #tpu.memory_space<vmem>>, vector<16xf32>,
          %add3A_303 = arith.constant 32 : i32
          %add3A_304 = vector.broadcast %add3A_303 : i32 to vector<16xi32>
          %add3A_305 = arith.addi %iota3A, %add3A_304 : vector<16xi32>
          %gather3A_306 = arith.constant 0 : i32
          %gather3A_307 = arith.constant 0 : i32
          %gather3A_308 = tpu.memref_slice %arg10[%and3A_169, %gather3A_306, %gather3A_307] : memref<2x64x640xf32, #tpu.memory_space<vmem>> -> memref<1x64x640xf32, #tpu.memory_space<vmem>>
          %gather3A_309 = tpu.memref_squeeze %gather3A_308 : memref<1x64x640xf32, #tpu.memory_space<vmem>> -> memref<64x640xf32, #tpu.memory_space<vmem>>
          %gather3A_310 = tpu.vector_load_idx %gather3A_309[%add3A_305, %broadcast_in_dim3A_274] : memref<64x640xf32, #tpu.memory_space<vmem>>[vector<16xi32>, vector<16xi32>], vector<16xf32>,
          %mul3A_311 = arith.constant 64 : i32
          %mul3A_312 = arith.muli %and3A_268, %mul3A_311 : i32
          %add3A_313 = arith.constant 32 : i32
          %add3A_314 = arith.addi %mul3A_312, %add3A_313 : i32
          %swap3A_315 = arith.index_cast %add3A_314 : i32 to index
          %swap3A_316 = tpu.vector_load %arg11[%swap3A_315] {strides = array<i32>} : memref<4096xf32, #tpu.memory_space<vmem>>, vector<16xf32>,
          tpu.vector_store %arg11[%swap3A_315], %gather3A_310 {strides = array<i32>} : memref<4096xf32, #tpu.memory_space<vmem>>, vector<16xf32>,
          %add3A_317 = arith.constant 48 : i32
          %add3A_318 = vector.broadcast %add3A_317 : i32 to vector<16xi32>
          %add3A_319 = arith.addi %iota3A, %add3A_318 : vector<16xi32>
          %gather3A_320 = arith.constant 0 : i32
          %gather3A_321 = arith.constant 0 : i32
          %gather3A_322 = tpu.memref_slice %arg10[%and3A_169, %gather3A_320, %gather3A_321] : memref<2x64x640xf32, #tpu.memory_space<vmem>> -> memref<1x64x640xf32, #tpu.memory_space<vmem>>
          %gather3A_323 = tpu.memref_squeeze %gather3A_322 : memref<1x64x640xf32, #tpu.memory_space<vmem>> -> memref<64x640xf32, #tpu.memory_space<vmem>>
          %gather3A_324 = tpu.vector_load_idx %gather3A_323[%add3A_319, %broadcast_in_dim3A_274] : memref<64x640xf32, #tpu.memory_space<vmem>>[vector<16xi32>, vector<16xi32>], vector<16xf32>,
          %mul3A_325 = arith.constant 64 : i32
          %mul3A_326 = arith.muli %and3A_268, %mul3A_325 : i32
          %add3A_327 = arith.constant 48 : i32
          %add3A_328 = arith.addi %mul3A_326, %add3A_327 : i32
          %swap3A_329 = arith.index_cast %add3A_328 : i32 to index
          %swap3A_330 = tpu.vector_load %arg11[%swap3A_329] {strides = array<i32>} : memref<4096xf32, #tpu.memory_space<vmem>>, vector<16xf32>,
          tpu.vector_store %arg11[%swap3A_329], %gather3A_324 {strides = array<i32>} : memref<4096xf32, #tpu.memory_space<vmem>>, vector<16xf32>,
          %mul3A_331 = arith.constant 64 : i32
          %mul3A_332 = arith.muli %div3A_266, %mul3A_331 : i32
          %multiple_of3A_333 = tpu.assume_multiple %mul3A_332, 8 : i32
          %mul3A_334 = arith.constant 64 : i32
          %mul3A_335 = arith.muli %and3A_268, %mul3A_334 : i32
          %dma_start3A_336 = tpu.memref_slice %arg11[%mul3A_335] : memref<4096xf32, #tpu.memory_space<vmem>> -> memref<64xf32, #tpu.memory_space<vmem>>
          %dma_start3A_337 = tpu.memref_slice %arg6[%multiple_of3A_333] : memref<1048576xf32, #tpu.memory_space<hbm>> -> memref<64xf32, #tpu.memory_space<hbm>>
          %dma_start3A_338 = tpu.memref_slice %arg6[%multiple_of3A_333] : memref<1048576xf32, #tpu.memory_space<hbm>> -> memref<64xf32, #tpu.memory_space<hbm>>
          %dma_start3A_339 = tpu.memref_slice %arg11[%mul3A_335] : memref<4096xf32, #tpu.memory_space<vmem>> -> memref<64xf32, #tpu.memory_space<vmem>>
          tpu.enqueue_dma source(%dma_start3A_339 : memref<64xf32, #tpu.memory_space<vmem>>) target(%dma_start3A_338 : memref<64xf32, #tpu.memory_space<hbm>>) target_semaphore(%arg13 : memref<!tpu.dma_semaphore, #tpu.memory_space<semaphore_mem>>)
          %add3A_340 = arith.constant 1 : i32
          %add3A_341 = arith.addi %while3A_258, %add3A_340 : i32
          scf.yield %add3A_341 : i32
        }
        %mul3A_222 = arith.constant 2 : i32
        %mul3A_223 = arith.muli %mul3A_222, %while3A_194 : i32
        %add3A_224 = arith.constant 1 : i32
        %add3A_225 = arith.addi %mul3A_223, %add3A_224 : i32
        %mul3A_226 = arith.constant 16 : i32
        %mul3A_227 = arith.muli %add3A_225, %mul3A_226 : i32
        %get3A_228 = arith.index_cast %mul3A_227 : i32 to index
        %get3A_229 = tpu.vector_load %arg9[%get3A_228] {strides = array<i32>} : memref<16416xi32, #tpu.memory_space<vmem>>, vector<16xi32>,
        %gather3A_230 = tpu.vector_load_idx %arg8[%get3A_229] : memref<16384xi32, #tpu.memory_space<vmem>>[vector<16xi32>], vector<16xi32>,
        %ge3A_231 = vector.broadcast %multiple_of3A_150 : i32 to vector<16xi32>
        %ge3A_232 = arith.cmpi sge, %gather3A_230, %ge3A_231 : vector<16xi32>
        %add3A_233 = arith.constant 640 : i32
        %add3A_234 = arith.addi %multiple_of3A_150, %add3A_233 : i32
        %lt3A_235 = vector.broadcast %add3A_234 : i32 to vector<16xi32>
        %lt3A_236 = arith.cmpi slt, %gather3A_230, %lt3A_235 : vector<16xi32>
        %and3A_237 = arith.andi %ge3A_232, %lt3A_236 : vector<16xi1>
        %all_reduce_population_count3A_238 = tpu.all_reduce %and3A_237 {dim = 0 : i64, kind = #tpu.reduction_kind<sum>} : vector<16xi1> -> vector<16xi32>
        %slice3A_239 = vector.extract_strided_slice %all_reduce_population_count3A_238 {offsets = [0], sizes = [1], strides = [1]} : vector<16xi32> to vector<1xi32>
        %squeeze3A_240 = vector.extract %slice3A_239[0] : i32 from vector<1xi32>
        %gt3A_241 = arith.constant 0 : i32
        %gt3A_242 = arith.cmpi sgt, %squeeze3A_240, %gt3A_241 : i32
        %convert_element_type3A_243 = arith.extui %gt3A_242 : i1 to i32
        %cond3A_244 = arith.constant 0 : i32
        %cond3A_245 = arith.cmpi ne, %convert_element_type3A_243, %cond3A_244 : i32
        scf.if %cond3A_245 {
          %mul3A_257 = arith.constant 640 : i32
          %mul3A_258 = vector.broadcast %mul3A_257 : i32 to vector<16xi32>
          %mul3A_259 = arith.muli %get3A_229, %mul3A_258 : vector<16xi32>
          %sub3A_260 = vector.broadcast %multiple_of3A_150 : i32 to vector<16xi32>
          %sub3A_261 = arith.subi %gather3A_230, %sub3A_260 : vector<16xi32>
          %add3A_262 = arith.addi %mul3A_259, %sub3A_261 : vector<16xi32>
          %jit3A_263 = arith.constant 0 : i32
          %jit3A_264 = arith.constant 1 : i32
          %broadcast_in_dim3A_265 = vector.broadcast %jit3A_263 : i32 to vector<16xi32>
          %broadcast_in_dim3A_266 = vector.broadcast %jit3A_264 : i32 to vector<16xi32>
          %select_n3A_267 = arith.select %and3A_237, %broadcast_in_dim3A_265, %broadcast_in_dim3A_266 : vector<16xi1>, vector<16xi32>
          %masked_sort3A = arith.constant dense<true> : vector<16xi1>
          %masked_sort3A_268 = arith.constant -2147483648 : i32
          %masked_sort3A_269 = vector.broadcast %masked_sort3A_268 : i32 to vector<16xi32>
          %masked_sort3A_270 = arith.xori %select_n3A_267, %masked_sort3A_269 : vector<16xi32>
          %masked_sort3A_271, %masked_sort3A_272, %masked_sort3A_273 = tpu.sort %masked_sort3A_270, %add3A_262 masked %masked_sort3A : (vector<16xi32>, vector<16xi32>, vector<16xi1>) -> (vector<16xi1>, vector<16xi32>, vector<16xi32>)
          %masked_sort3A_274 = arith.xori %masked_sort3A_272, %masked_sort3A_269 : vector<16xi32>
          %swap3A_275 = arith.constant 0 : index
          %swap3A_276 = tpu.vector_load %arg12[%swap3A_275] {strides = array<i32>} : memref<32xi32, #tpu.memory_space<vmem>>, vector<16xi32>,
          tpu.vector_store %arg12[%swap3A_275], %masked_sort3A_273 {strides = array<i32>} : memref<32xi32, #tpu.memory_space<vmem>>, vector<16xi32>,
        } else {
        }
        %while3A_246 = arith.constant 0 : i32
        %while3A_247 = arith.subi %squeeze3A_240, %while3A_246 : i32
        %while3A_248 = arith.addi %while3A_246, %while3A_247 : i32
        %while3A_249 = arith.constant 1 : i32
        %while3A_250 = arith.divsi %while3A_247, %while3A_249 : i32
        %while3A_251 = arith.muli %while3A_250, %while3A_249 : i32
        %while3A_252 = arith.addi %while3A_246, %while3A_251 : i32
        %while3A_253 = arith.constant 1 : i32
        %while3A_254 = scf.for %while3A_257 = %while3A_246 to %while3A_252 step %while3A_253 iter_args(%while3A_258 = %while3A_221) -> (i32)  : i32 {
          %get3A_259 = arith.index_cast %while3A_257 : i32 to index
          %get3A_260 = tpu.vector_load %arg12[%get3A_259] {strides = array<i32>} : memref<32xi32, #tpu.memory_space<vmem>>, vector<16xi32>,
          %slice3A_261 = vector.extract_strided_slice %get3A_260 {offsets = [0], sizes = [1], strides = [1]} : vector<16xi32> to vector<1xi32>
          %squeeze3A_262 = vector.extract %slice3A_261[0] : i32 from vector<1xi32>
          %rem3A_263 = arith.constant 640 : i32
          %rem3A_264 = arith.remsi %squeeze3A_262, %rem3A_263 : i32
          %div3A_265 = arith.constant 640 : i32
          %div3A_266 = arith.divsi %squeeze3A_262, %div3A_265 : i32
          %and3A_267 = arith.constant 63 : i32
          %and3A_268 = arith.andi %while3A_258, %and3A_267 : i32
          %ge3A_269 = arith.constant 64 : i32
          %ge3A_270 = arith.cmpi sge, %while3A_258, %ge3A_269 : i32
          %convert_element_type3A_271 = arith.extui %ge3A_270 : i1 to i32
          %cond3A_272 = arith.constant 0 : i32
          %cond3A_273 = arith.cmpi ne, %convert_element_type3A_271, %cond3A_272 : i32
          scf.if %cond3A_273 {
            %dma_wait3A = arith.constant 0 : i32
            %dma_wait3A_342 = tpu.memref_slice %arg11[%dma_wait3A] : memref<4096xf32, #tpu.memory_space<vmem>> -> memref<64xf32, #tpu.memory_space<vmem>>
            %dma_wait3A_343 = arith.constant 0 : i32
            %dma_wait3A_344 = tpu.memref_slice %arg6[%dma_wait3A_343] : memref<1048576xf32, #tpu.memory_space<hbm>> -> memref<64xf32, #tpu.memory_space<hbm>>
            %dma_wait3A_345 = arith.constant 0 : i32
            %dma_wait3A_346 = tpu.memref_slice %arg11[%dma_wait3A_345] : memref<4096xf32, #tpu.memory_space<vmem>> -> memref<64xf32, #tpu.memory_space<vmem>>
            %dma_wait3A_347 = arith.constant 0 : i32
            %dma_wait3A_348 = tpu.memref_slice %arg6[%dma_wait3A_347] : memref<1048576xf32, #tpu.memory_space<hbm>> -> memref<64xf32, #tpu.memory_space<hbm>>
            tpu.wait_dma2 semaphore(%arg13 : memref<!tpu.dma_semaphore, #tpu.memory_space<semaphore_mem>>) src(%dma_wait3A_348 : memref<64xf32, #tpu.memory_space<hbm>>) dst(%dma_wait3A_346 : memref<64xf32, #tpu.memory_space<vmem>>)
          } else {
          }
          %broadcast_in_dim3A_274 = vector.broadcast %rem3A_264 : i32 to vector<16xi32>
          %add3A_275 = arith.constant 0 : i32
          %add3A_276 = vector.broadcast %add3A_275 : i32 to vector<16xi32>
          %add3A_277 = arith.addi %iota3A, %add3A_276 : vector<16xi32>
          %gather3A_278 = arith.constant 0 : i32
          %gather3A_279 = arith.constant 0 : i32
          %gather3A_280 = tpu.memref_slice %arg10[%and3A_169, %gather3A_278, %gather3A_279] : memref<2x64x640xf32, #tpu.memory_space<vmem>> -> memref<1x64x640xf32, #tpu.memory_space<vmem>>
          %gather3A_281 = tpu.memref_squeeze %gather3A_280 : memref<1x64x640xf32, #tpu.memory_space<vmem>> -> memref<64x640xf32, #tpu.memory_space<vmem>>
          %gather3A_282 = tpu.vector_load_idx %gather3A_281[%add3A_277, %broadcast_in_dim3A_274] : memref<64x640xf32, #tpu.memory_space<vmem>>[vector<16xi32>, vector<16xi32>], vector<16xf32>,
          %mul3A_283 = arith.constant 64 : i32
          %mul3A_284 = arith.muli %and3A_268, %mul3A_283 : i32
          %add3A_285 = arith.constant 0 : i32
          %add3A_286 = arith.addi %mul3A_284, %add3A_285 : i32
          %swap3A_287 = arith.index_cast %add3A_286 : i32 to index
          %swap3A_288 = tpu.vector_load %arg11[%swap3A_287] {strides = array<i32>} : memref<4096xf32, #tpu.memory_space<vmem>>, vector<16xf32>,
          tpu.vector_store %arg11[%swap3A_287], %gather3A_282 {strides = array<i32>} : memref<4096xf32, #tpu.memory_space<vmem>>, vector<16xf32>,
          %add3A_289 = arith.constant 16 : i32
          %add3A_290 = vector.broadcast %add3A_289 : i32 to vector<16xi32>
          %add3A_291 = arith.addi %iota3A, %add3A_290 : vector<16xi32>
          %gather3A_292 = arith.constant 0 : i32
          %gather3A_293 = arith.constant 0 : i32
          %gather3A_294 = tpu.memref_slice %arg10[%and3A_169, %gather3A_292, %gather3A_293] : memref<2x64x640xf32, #tpu.memory_space<vmem>> -> memref<1x64x640xf32, #tpu.memory_space<vmem>>
          %gather3A_295 = tpu.memref_squeeze %gather3A_294 : memref<1x64x640xf32, #tpu.memory_space<vmem>> -> memref<64x640xf32, #tpu.memory_space<vmem>>
          %gather3A_296 = tpu.vector_load_idx %gather3A_295[%add3A_291, %broadcast_in_dim3A_274] : memref<64x640xf32, #tpu.memory_space<vmem>>[vector<16xi32>, vector<16xi32>], vector<16xf32>,
          %mul3A_297 = arith.constant 64 : i32
          %mul3A_298 = arith.muli %and3A_268, %mul3A_297 : i32
          %add3A_299 = arith.constant 16 : i32
          %add3A_300 = arith.addi %mul3A_298, %add3A_299 : i32
          %swap3A_301 = arith.index_cast %add3A_300 : i32 to index
          %swap3A_302 = tpu.vector_load %arg11[%swap3A_301] {strides = array<i32>} : memref<4096xf32, #tpu.memory_space<vmem>>, vector<16xf32>,
          tpu.vector_store %arg11[%swap3A_301], %gather3A_296 {strides = array<i32>} : memref<4096xf32, #tpu.memory_space<vmem>>, vector<16xf32>,
          %add3A_303 = arith.constant 32 : i32
          %add3A_304 = vector.broadcast %add3A_303 : i32 to vector<16xi32>
          %add3A_305 = arith.addi %iota3A, %add3A_304 : vector<16xi32>
          %gather3A_306 = arith.constant 0 : i32
          %gather3A_307 = arith.constant 0 : i32
          %gather3A_308 = tpu.memref_slice %arg10[%and3A_169, %gather3A_306, %gather3A_307] : memref<2x64x640xf32, #tpu.memory_space<vmem>> -> memref<1x64x640xf32, #tpu.memory_space<vmem>>
          %gather3A_309 = tpu.memref_squeeze %gather3A_308 : memref<1x64x640xf32, #tpu.memory_space<vmem>> -> memref<64x640xf32, #tpu.memory_space<vmem>>
          %gather3A_310 = tpu.vector_load_idx %gather3A_309[%add3A_305, %broadcast_in_dim3A_274] : memref<64x640xf32, #tpu.memory_space<vmem>>[vector<16xi32>, vector<16xi32>], vector<16xf32>,
          %mul3A_311 = arith.constant 64 : i32
          %mul3A_312 = arith.muli %and3A_268, %mul3A_311 : i32
          %add3A_313 = arith.constant 32 : i32
          %add3A_314 = arith.addi %mul3A_312, %add3A_313 : i32
          %swap3A_315 = arith.index_cast %add3A_314 : i32 to index
          %swap3A_316 = tpu.vector_load %arg11[%swap3A_315] {strides = array<i32>} : memref<4096xf32, #tpu.memory_space<vmem>>, vector<16xf32>,
          tpu.vector_store %arg11[%swap3A_315], %gather3A_310 {strides = array<i32>} : memref<4096xf32, #tpu.memory_space<vmem>>, vector<16xf32>,
          %add3A_317 = arith.constant 48 : i32
          %add3A_318 = vector.broadcast %add3A_317 : i32 to vector<16xi32>
          %add3A_319 = arith.addi %iota3A, %add3A_318 : vector<16xi32>
          %gather3A_320 = arith.constant 0 : i32
          %gather3A_321 = arith.constant 0 : i32
          %gather3A_322 = tpu.memref_slice %arg10[%and3A_169, %gather3A_320, %gather3A_321] : memref<2x64x640xf32, #tpu.memory_space<vmem>> -> memref<1x64x640xf32, #tpu.memory_space<vmem>>
          %gather3A_323 = tpu.memref_squeeze %gather3A_322 : memref<1x64x640xf32, #tpu.memory_space<vmem>> -> memref<64x640xf32, #tpu.memory_space<vmem>>
          %gather3A_324 = tpu.vector_load_idx %gather3A_323[%add3A_319, %broadcast_in_dim3A_274] : memref<64x640xf32, #tpu.memory_space<vmem>>[vector<16xi32>, vector<16xi32>], vector<16xf32>,
          %mul3A_325 = arith.constant 64 : i32
          %mul3A_326 = arith.muli %and3A_268, %mul3A_325 : i32
          %add3A_327 = arith.constant 48 : i32
          %add3A_328 = arith.addi %mul3A_326, %add3A_327 : i32
          %swap3A_329 = arith.index_cast %add3A_328 : i32 to index
          %swap3A_330 = tpu.vector_load %arg11[%swap3A_329] {strides = array<i32>} : memref<4096xf32, #tpu.memory_space<vmem>>, vector<16xf32>,
          tpu.vector_store %arg11[%swap3A_329], %gather3A_324 {strides = array<i32>} : memref<4096xf32, #tpu.memory_space<vmem>>, vector<16xf32>,
          %mul3A_331 = arith.constant 64 : i32
          %mul3A_332 = arith.muli %div3A_266, %mul3A_331 : i32
          %multiple_of3A_333 = tpu.assume_multiple %mul3A_332, 8 : i32
          %mul3A_334 = arith.constant 64 : i32
          %mul3A_335 = arith.muli %and3A_268, %mul3A_334 : i32
          %dma_start3A_336 = tpu.memref_slice %arg11[%mul3A_335] : memref<4096xf32, #tpu.memory_space<vmem>> -> memref<64xf32, #tpu.memory_space<vmem>>
          %dma_start3A_337 = tpu.memref_slice %arg6[%multiple_of3A_333] : memref<1048576xf32, #tpu.memory_space<hbm>> -> memref<64xf32, #tpu.memory_space<hbm>>
          %dma_start3A_338 = tpu.memref_slice %arg6[%multiple_of3A_333] : memref<1048576xf32, #tpu.memory_space<hbm>> -> memref<64xf32, #tpu.memory_space<hbm>>
          %dma_start3A_339 = tpu.memref_slice %arg11[%mul3A_335] : memref<4096xf32, #tpu.memory_space<vmem>> -> memref<64xf32, #tpu.memory_space<vmem>>
          tpu.enqueue_dma source(%dma_start3A_339 : memref<64xf32, #tpu.memory_space<vmem>>) target(%dma_start3A_338 : memref<64xf32, #tpu.memory_space<hbm>>) target_semaphore(%arg13 : memref<!tpu.dma_semaphore, #tpu.memory_space<semaphore_mem>>)
          %add3A_340 = arith.constant 1 : i32
          %add3A_341 = arith.addi %while3A_258, %add3A_340 : i32
          scf.yield %add3A_341 : i32
        }
        %while3A_255 = arith.constant 1 : i32
        %while3A_256 = scf.for %while3A_257 = %while3A_252 to %while3A_248 step %while3A_255 iter_args(%while3A_258 = %while3A_254) -> (i32)  : i32 {
          %get3A_259 = arith.index_cast %while3A_257 : i32 to index
          %get3A_260 = tpu.vector_load %arg12[%get3A_259] {strides = array<i32>} : memref<32xi32, #tpu.memory_space<vmem>>, vector<16xi32>,
          %slice3A_261 = vector.extract_strided_slice %get3A_260 {offsets = [0], sizes = [1], strides = [1]} : vector<16xi32> to vector<1xi32>
          %squeeze3A_262 = vector.extract %slice3A_261[0] : i32 from vector<1xi32>
          %rem3A_263 = arith.constant 640 : i32
          %rem3A_264 = arith.remsi %squeeze3A_262, %rem3A_263 : i32
          %div3A_265 = arith.constant 640 : i32
          %div3A_266 = arith.divsi %squeeze3A_262, %div3A_265 : i32
          %and3A_267 = arith.constant 63 : i32
          %and3A_268 = arith.andi %while3A_258, %and3A_267 : i32
          %ge3A_269 = arith.constant 64 : i32
          %ge3A_270 = arith.cmpi sge, %while3A_258, %ge3A_269 : i32
          %convert_element_type3A_271 = arith.extui %ge3A_270 : i1 to i32
          %cond3A_272 = arith.constant 0 : i32
          %cond3A_273 = arith.cmpi ne, %convert_element_type3A_271, %cond3A_272 : i32
          scf.if %cond3A_273 {
            %dma_wait3A = arith.constant 0 : i32
            %dma_wait3A_342 = tpu.memref_slice %arg11[%dma_wait3A] : memref<4096xf32, #tpu.memory_space<vmem>> -> memref<64xf32, #tpu.memory_space<vmem>>
            %dma_wait3A_343 = arith.constant 0 : i32
            %dma_wait3A_344 = tpu.memref_slice %arg6[%dma_wait3A_343] : memref<1048576xf32, #tpu.memory_space<hbm>> -> memref<64xf32, #tpu.memory_space<hbm>>
            %dma_wait3A_345 = arith.constant 0 : i32
            %dma_wait3A_346 = tpu.memref_slice %arg11[%dma_wait3A_345] : memref<4096xf32, #tpu.memory_space<vmem>> -> memref<64xf32, #tpu.memory_space<vmem>>
            %dma_wait3A_347 = arith.constant 0 : i32
            %dma_wait3A_348 = tpu.memref_slice %arg6[%dma_wait3A_347] : memref<1048576xf32, #tpu.memory_space<hbm>> -> memref<64xf32, #tpu.memory_space<hbm>>
            tpu.wait_dma2 semaphore(%arg13 : memref<!tpu.dma_semaphore, #tpu.memory_space<semaphore_mem>>) src(%dma_wait3A_348 : memref<64xf32, #tpu.memory_space<hbm>>) dst(%dma_wait3A_346 : memref<64xf32, #tpu.memory_space<vmem>>)
          } else {
          }
          %broadcast_in_dim3A_274 = vector.broadcast %rem3A_264 : i32 to vector<16xi32>
          %add3A_275 = arith.constant 0 : i32
          %add3A_276 = vector.broadcast %add3A_275 : i32 to vector<16xi32>
          %add3A_277 = arith.addi %iota3A, %add3A_276 : vector<16xi32>
          %gather3A_278 = arith.constant 0 : i32
          %gather3A_279 = arith.constant 0 : i32
          %gather3A_280 = tpu.memref_slice %arg10[%and3A_169, %gather3A_278, %gather3A_279] : memref<2x64x640xf32, #tpu.memory_space<vmem>> -> memref<1x64x640xf32, #tpu.memory_space<vmem>>
          %gather3A_281 = tpu.memref_squeeze %gather3A_280 : memref<1x64x640xf32, #tpu.memory_space<vmem>> -> memref<64x640xf32, #tpu.memory_space<vmem>>
          %gather3A_282 = tpu.vector_load_idx %gather3A_281[%add3A_277, %broadcast_in_dim3A_274] : memref<64x640xf32, #tpu.memory_space<vmem>>[vector<16xi32>, vector<16xi32>], vector<16xf32>,
          %mul3A_283 = arith.constant 64 : i32
          %mul3A_284 = arith.muli %and3A_268, %mul3A_283 : i32
          %add3A_285 = arith.constant 0 : i32
          %add3A_286 = arith.addi %mul3A_284, %add3A_285 : i32
          %swap3A_287 = arith.index_cast %add3A_286 : i32 to index
          %swap3A_288 = tpu.vector_load %arg11[%swap3A_287] {strides = array<i32>} : memref<4096xf32, #tpu.memory_space<vmem>>, vector<16xf32>,
          tpu.vector_store %arg11[%swap3A_287], %gather3A_282 {strides = array<i32>} : memref<4096xf32, #tpu.memory_space<vmem>>, vector<16xf32>,
          %add3A_289 = arith.constant 16 : i32
          %add3A_290 = vector.broadcast %add3A_289 : i32 to vector<16xi32>
          %add3A_291 = arith.addi %iota3A, %add3A_290 : vector<16xi32>
          %gather3A_292 = arith.constant 0 : i32
          %gather3A_293 = arith.constant 0 : i32
          %gather3A_294 = tpu.memref_slice %arg10[%and3A_169, %gather3A_292, %gather3A_293] : memref<2x64x640xf32, #tpu.memory_space<vmem>> -> memref<1x64x640xf32, #tpu.memory_space<vmem>>
          %gather3A_295 = tpu.memref_squeeze %gather3A_294 : memref<1x64x640xf32, #tpu.memory_space<vmem>> -> memref<64x640xf32, #tpu.memory_space<vmem>>
          %gather3A_296 = tpu.vector_load_idx %gather3A_295[%add3A_291, %broadcast_in_dim3A_274] : memref<64x640xf32, #tpu.memory_space<vmem>>[vector<16xi32>, vector<16xi32>], vector<16xf32>,
          %mul3A_297 = arith.constant 64 : i32
          %mul3A_298 = arith.muli %and3A_268, %mul3A_297 : i32
          %add3A_299 = arith.constant 16 : i32
          %add3A_300 = arith.addi %mul3A_298, %add3A_299 : i32
          %swap3A_301 = arith.index_cast %add3A_300 : i32 to index
          %swap3A_302 = tpu.vector_load %arg11[%swap3A_301] {strides = array<i32>} : memref<4096xf32, #tpu.memory_space<vmem>>, vector<16xf32>,
          tpu.vector_store %arg11[%swap3A_301], %gather3A_296 {strides = array<i32>} : memref<4096xf32, #tpu.memory_space<vmem>>, vector<16xf32>,
          %add3A_303 = arith.constant 32 : i32
          %add3A_304 = vector.broadcast %add3A_303 : i32 to vector<16xi32>
          %add3A_305 = arith.addi %iota3A, %add3A_304 : vector<16xi32>
          %gather3A_306 = arith.constant 0 : i32
          %gather3A_307 = arith.constant 0 : i32
          %gather3A_308 = tpu.memref_slice %arg10[%and3A_169, %gather3A_306, %gather3A_307] : memref<2x64x640xf32, #tpu.memory_space<vmem>> -> memref<1x64x640xf32, #tpu.memory_space<vmem>>
          %gather3A_309 = tpu.memref_squeeze %gather3A_308 : memref<1x64x640xf32, #tpu.memory_space<vmem>> -> memref<64x640xf32, #tpu.memory_space<vmem>>
          %gather3A_310 = tpu.vector_load_idx %gather3A_309[%add3A_305, %broadcast_in_dim3A_274] : memref<64x640xf32, #tpu.memory_space<vmem>>[vector<16xi32>, vector<16xi32>], vector<16xf32>,
          %mul3A_311 = arith.constant 64 : i32
          %mul3A_312 = arith.muli %and3A_268, %mul3A_311 : i32
          %add3A_313 = arith.constant 32 : i32
          %add3A_314 = arith.addi %mul3A_312, %add3A_313 : i32
          %swap3A_315 = arith.index_cast %add3A_314 : i32 to index
          %swap3A_316 = tpu.vector_load %arg11[%swap3A_315] {strides = array<i32>} : memref<4096xf32, #tpu.memory_space<vmem>>, vector<16xf32>,
          tpu.vector_store %arg11[%swap3A_315], %gather3A_310 {strides = array<i32>} : memref<4096xf32, #tpu.memory_space<vmem>>, vector<16xf32>,
          %add3A_317 = arith.constant 48 : i32
          %add3A_318 = vector.broadcast %add3A_317 : i32 to vector<16xi32>
          %add3A_319 = arith.addi %iota3A, %add3A_318 : vector<16xi32>
          %gather3A_320 = arith.constant 0 : i32
          %gather3A_321 = arith.constant 0 : i32
          %gather3A_322 = tpu.memref_slice %arg10[%and3A_169, %gather3A_320, %gather3A_321] : memref<2x64x640xf32, #tpu.memory_space<vmem>> -> memref<1x64x640xf32, #tpu.memory_space<vmem>>
          %gather3A_323 = tpu.memref_squeeze %gather3A_322 : memref<1x64x640xf32, #tpu.memory_space<vmem>> -> memref<64x640xf32, #tpu.memory_space<vmem>>
          %gather3A_324 = tpu.vector_load_idx %gather3A_323[%add3A_319, %broadcast_in_dim3A_274] : memref<64x640xf32, #tpu.memory_space<vmem>>[vector<16xi32>, vector<16xi32>], vector<16xf32>,
          %mul3A_325 = arith.constant 64 : i32
          %mul3A_326 = arith.muli %and3A_268, %mul3A_325 : i32
          %add3A_327 = arith.constant 48 : i32
          %add3A_328 = arith.addi %mul3A_326, %add3A_327 : i32
          %swap3A_329 = arith.index_cast %add3A_328 : i32 to index
          %swap3A_330 = tpu.vector_load %arg11[%swap3A_329] {strides = array<i32>} : memref<4096xf32, #tpu.memory_space<vmem>>, vector<16xf32>,
          tpu.vector_store %arg11[%swap3A_329], %gather3A_324 {strides = array<i32>} : memref<4096xf32, #tpu.memory_space<vmem>>, vector<16xf32>,
          %mul3A_331 = arith.constant 64 : i32
          %mul3A_332 = arith.muli %div3A_266, %mul3A_331 : i32
          %multiple_of3A_333 = tpu.assume_multiple %mul3A_332, 8 : i32
          %mul3A_334 = arith.constant 64 : i32
          %mul3A_335 = arith.muli %and3A_268, %mul3A_334 : i32
          %dma_start3A_336 = tpu.memref_slice %arg11[%mul3A_335] : memref<4096xf32, #tpu.memory_space<vmem>> -> memref<64xf32, #tpu.memory_space<vmem>>
          %dma_start3A_337 = tpu.memref_slice %arg6[%multiple_of3A_333] : memref<1048576xf32, #tpu.memory_space<hbm>> -> memref<64xf32, #tpu.memory_space<hbm>>
          %dma_start3A_338 = tpu.memref_slice %arg6[%multiple_of3A_333] : memref<1048576xf32, #tpu.memory_space<hbm>> -> memref<64xf32, #tpu.memory_space<hbm>>
          %dma_start3A_339 = tpu.memref_slice %arg11[%mul3A_335] : memref<4096xf32, #tpu.memory_space<vmem>> -> memref<64xf32, #tpu.memory_space<vmem>>
          tpu.enqueue_dma source(%dma_start3A_339 : memref<64xf32, #tpu.memory_space<vmem>>) target(%dma_start3A_338 : memref<64xf32, #tpu.memory_space<hbm>>) target_semaphore(%arg13 : memref<!tpu.dma_semaphore, #tpu.memory_space<semaphore_mem>>)
          %add3A_340 = arith.constant 1 : i32
          %add3A_341 = arith.addi %while3A_258, %add3A_340 : i32
          scf.yield %add3A_341 : i32
        }
        scf.yield %while3A_256 : i32
      }
      %min3A_182 = arith.constant 64 : i32
      %min3A_183 = arith.minsi %while3A_181, %min3A_182 : i32
      %while3A_184 = arith.constant 0 : i32
      %while3A_185 = arith.constant 0 : i32
      %while3A_186 = arith.subi %min3A_183, %while3A_185 : i32
      %while3A_187 = arith.addi %while3A_185, %while3A_186 : i32
      %while3A_188 = arith.constant 1 : i32
      %while3A_189 = arith.divsi %while3A_186, %while3A_188 : i32
      %while3A_190 = arith.muli %while3A_189, %while3A_188 : i32
      %while3A_191 = arith.addi %while3A_185, %while3A_190 : i32
      %while3A_192 = arith.constant 1 : i32
      scf.for %while3A_194 = %while3A_185 to %while3A_191 step %while3A_192  : i32 {
        %dma_wait3A = arith.constant 0 : i32
        %dma_wait3A_195 = tpu.memref_slice %arg11[%dma_wait3A] : memref<4096xf32, #tpu.memory_space<vmem>> -> memref<64xf32, #tpu.memory_space<vmem>>
        %dma_wait3A_196 = arith.constant 0 : i32
        %dma_wait3A_197 = tpu.memref_slice %arg6[%dma_wait3A_196] : memref<1048576xf32, #tpu.memory_space<hbm>> -> memref<64xf32, #tpu.memory_space<hbm>>
        %dma_wait3A_198 = arith.constant 0 : i32
        %dma_wait3A_199 = tpu.memref_slice %arg11[%dma_wait3A_198] : memref<4096xf32, #tpu.memory_space<vmem>> -> memref<64xf32, #tpu.memory_space<vmem>>
        %dma_wait3A_200 = arith.constant 0 : i32
        %dma_wait3A_201 = tpu.memref_slice %arg6[%dma_wait3A_200] : memref<1048576xf32, #tpu.memory_space<hbm>> -> memref<64xf32, #tpu.memory_space<hbm>>
        tpu.wait_dma2 semaphore(%arg13 : memref<!tpu.dma_semaphore, #tpu.memory_space<semaphore_mem>>) src(%dma_wait3A_201 : memref<64xf32, #tpu.memory_space<hbm>>) dst(%dma_wait3A_199 : memref<64xf32, #tpu.memory_space<vmem>>)
      }
      %while3A_193 = arith.constant 1 : i32
      scf.for %while3A_194 = %while3A_191 to %while3A_187 step %while3A_193  : i32 {
        %dma_wait3A = arith.constant 0 : i32
        %dma_wait3A_195 = tpu.memref_slice %arg11[%dma_wait3A] : memref<4096xf32, #tpu.memory_space<vmem>> -> memref<64xf32, #tpu.memory_space<vmem>>
        %dma_wait3A_196 = arith.constant 0 : i32
        %dma_wait3A_197 = tpu.memref_slice %arg6[%dma_wait3A_196] : memref<1048576xf32, #tpu.memory_space<hbm>> -> memref<64xf32, #tpu.memory_space<hbm>>
        %dma_wait3A_198 = arith.constant 0 : i32
        %dma_wait3A_199 = tpu.memref_slice %arg11[%dma_wait3A_198] : memref<4096xf32, #tpu.memory_space<vmem>> -> memref<64xf32, #tpu.memory_space<vmem>>
        %dma_wait3A_200 = arith.constant 0 : i32
        %dma_wait3A_201 = tpu.memref_slice %arg6[%dma_wait3A_200] : memref<1048576xf32, #tpu.memory_space<hbm>> -> memref<64xf32, #tpu.memory_space<hbm>>
        tpu.wait_dma2 semaphore(%arg13 : memref<!tpu.dma_semaphore, #tpu.memory_space<semaphore_mem>>) src(%dma_wait3A_201 : memref<64xf32, #tpu.memory_space<hbm>>) dst(%dma_wait3A_199 : memref<64xf32, #tpu.memory_space<vmem>>)
      }
    }
    "tpu.region"() ({
      %run_scoped3A = tpu.sem_alloc : memref<!tpu.dma_semaphore, #tpu.memory_space<semaphore_mem>>
      tpu.enqueue_dma source(%arg3 : memref<16384xi32, #tpu.memory_space<hbm>>) target(%arg8 : memref<16384xi32, #tpu.memory_space<vmem>>) target_semaphore(%run_scoped3A : memref<!tpu.dma_semaphore, #tpu.memory_space<semaphore_mem>>)
      tpu.wait_dma2 semaphore(%run_scoped3A : memref<!tpu.dma_semaphore, #tpu.memory_space<semaphore_mem>>) src(%arg3 : memref<16384xi32, #tpu.memory_space<hbm>>) dst(%arg8 : memref<16384xi32, #tpu.memory_space<vmem>>)
      tpu.yield
    }) : () -> ()
    %scan3A_75 = arith.constant 0 : i32
    %scan3A_76 = arith.constant 0 : i32
    %scan3A_77 = arith.constant 1024 : i32
    %scan3A_78 = arith.addi %scan3A_76, %scan3A_77 : i32
    %scan3A_79 = arith.constant 4 : i32
    %scan3A_80 = scf.for %scan3A_146 = %scan3A_76 to %scan3A_78 step %scan3A_79 iter_args(%scan3A_147 = %scan3A_75) -> (i32)  : i32 {
      %mul3A_148 = arith.constant 16 : i32
      %mul3A_149 = arith.muli %scan3A_146, %mul3A_148 : i32
      %get3A = arith.index_cast %mul3A_149 : i32 to index
      %get3A_150 = tpu.vector_load %arg8[%get3A] {strides = array<i32>} : memref<16384xi32, #tpu.memory_space<vmem>>, vector<16xi32>,
      %ge3A = vector.broadcast %mul3A_10 : i32 to vector<16xi32>
      %ge3A_151 = arith.cmpi sge, %get3A_150, %ge3A : vector<16xi32>
      %lt3A_152 = vector.broadcast %min3A_15 : i32 to vector<16xi32>
      %lt3A_153 = arith.cmpi slt, %get3A_150, %lt3A_152 : vector<16xi32>
      %and3A_154 = arith.andi %ge3A_151, %lt3A_153 : vector<16xi1>
      %jit3A_155 = arith.constant 0 : i32
      %jit3A_156 = arith.constant 1 : i32
      %broadcast_in_dim3A_157 = vector.broadcast %jit3A_155 : i32 to vector<16xi32>
      %broadcast_in_dim3A_158 = vector.broadcast %jit3A_156 : i32 to vector<16xi32>
      %select_n3A_159 = arith.select %and3A_154, %broadcast_in_dim3A_157, %broadcast_in_dim3A_158 : vector<16xi1>, vector<16xi32>
      %mul3A_160 = arith.constant 16 : i32
      %mul3A_161 = arith.muli %scan3A_146, %mul3A_160 : i32
      %add3A_162 = vector.broadcast %mul3A_161 : i32 to vector<16xi32>
      %add3A_163 = arith.addi %iota3A, %add3A_162 : vector<16xi32>
      %masked_sort3A = arith.constant dense<true> : vector<16xi1>
      %masked_sort3A_164 = arith.constant -2147483648 : i32
      %masked_sort3A_165 = vector.broadcast %masked_sort3A_164 : i32 to vector<16xi32>
      %masked_sort3A_166 = arith.xori %select_n3A_159, %masked_sort3A_165 : vector<16xi32>
      %masked_sort3A_167, %masked_sort3A_168, %masked_sort3A_169 = tpu.sort %masked_sort3A_166, %add3A_163 masked %masked_sort3A : (vector<16xi32>, vector<16xi32>, vector<16xi1>) -> (vector<16xi1>, vector<16xi32>, vector<16xi32>)
      %masked_sort3A_170 = arith.xori %masked_sort3A_168, %masked_sort3A_165 : vector<16xi32>
      %swap3A_171 = arith.index_cast %scan3A_147 : i32 to index
      %swap3A_172 = tpu.vector_load %arg9[%swap3A_171] {strides = array<i32>} : memref<16416xi32, #tpu.memory_space<vmem>>, vector<16xi32>,
      tpu.vector_store %arg9[%swap3A_171], %masked_sort3A_169 {strides = array<i32>} : memref<16416xi32, #tpu.memory_space<vmem>>, vector<16xi32>,
      %all_reduce_population_count3A = tpu.all_reduce %and3A_154 {dim = 0 : i64, kind = #tpu.reduction_kind<sum>} : vector<16xi1> -> vector<16xi32>
      %slice3A = vector.extract_strided_slice %all_reduce_population_count3A {offsets = [0], sizes = [1], strides = [1]} : vector<16xi32> to vector<1xi32>
      %squeeze3A = vector.extract %slice3A[0] : i32 from vector<1xi32>
      %add3A_173 = arith.addi %scan3A_147, %squeeze3A : i32
      %scan3A_174 = arith.constant 1 : i32
      %scan3A_175 = arith.addi %scan3A_146, %scan3A_174 : i32
      %mul3A_176 = arith.constant 16 : i32
      %mul3A_177 = arith.muli %scan3A_175, %mul3A_176 : i32
      %get3A_178 = arith.index_cast %mul3A_177 : i32 to index
      %get3A_179 = tpu.vector_load %arg8[%get3A_178] {strides = array<i32>} : memref<16384xi32, #tpu.memory_space<vmem>>, vector<16xi32>,
      %ge3A_180 = vector.broadcast %mul3A_10 : i32 to vector<16xi32>
      %ge3A_181 = arith.cmpi sge, %get3A_179, %ge3A_180 : vector<16xi32>
      %lt3A_182 = vector.broadcast %min3A_15 : i32 to vector<16xi32>
      %lt3A_183 = arith.cmpi slt, %get3A_179, %lt3A_182 : vector<16xi32>
      %and3A_184 = arith.andi %ge3A_181, %lt3A_183 : vector<16xi1>
      %jit3A_185 = arith.constant 0 : i32
      %jit3A_186 = arith.constant 1 : i32
      %broadcast_in_dim3A_187 = vector.broadcast %jit3A_185 : i32 to vector<16xi32>
      %broadcast_in_dim3A_188 = vector.broadcast %jit3A_186 : i32 to vector<16xi32>
      %select_n3A_189 = arith.select %and3A_184, %broadcast_in_dim3A_187, %broadcast_in_dim3A_188 : vector<16xi1>, vector<16xi32>
      %mul3A_190 = arith.constant 16 : i32
      %mul3A_191 = arith.muli %scan3A_175, %mul3A_190 : i32
      %add3A_192 = vector.broadcast %mul3A_191 : i32 to vector<16xi32>
      %add3A_193 = arith.addi %iota3A, %add3A_192 : vector<16xi32>
      %masked_sort3A_194 = arith.constant dense<true> : vector<16xi1>
      %masked_sort3A_195 = arith.constant -2147483648 : i32
      %masked_sort3A_196 = vector.broadcast %masked_sort3A_195 : i32 to vector<16xi32>
      %masked_sort3A_197 = arith.xori %select_n3A_189, %masked_sort3A_196 : vector<16xi32>
      %masked_sort3A_198, %masked_sort3A_199, %masked_sort3A_200 = tpu.sort %masked_sort3A_197, %add3A_193 masked %masked_sort3A_194 : (vector<16xi32>, vector<16xi32>, vector<16xi1>) -> (vector<16xi1>, vector<16xi32>, vector<16xi32>)
      %masked_sort3A_201 = arith.xori %masked_sort3A_199, %masked_sort3A_196 : vector<16xi32>
      %swap3A_202 = arith.index_cast %add3A_173 : i32 to index
      %swap3A_203 = tpu.vector_load %arg9[%swap3A_202] {strides = array<i32>} : memref<16416xi32, #tpu.memory_space<vmem>>, vector<16xi32>,
      tpu.vector_store %arg9[%swap3A_202], %masked_sort3A_200 {strides = array<i32>} : memref<16416xi32, #tpu.memory_space<vmem>>, vector<16xi32>,
      %all_reduce_population_count3A_204 = tpu.all_reduce %and3A_184 {dim = 0 : i64, kind = #tpu.reduction_kind<sum>} : vector<16xi1> -> vector<16xi32>
      %slice3A_205 = vector.extract_strided_slice %all_reduce_population_count3A_204 {offsets = [0], sizes = [1], strides = [1]} : vector<16xi32> to vector<1xi32>
      %squeeze3A_206 = vector.extract %slice3A_205[0] : i32 from vector<1xi32>
      %add3A_207 = arith.addi %add3A_173, %squeeze3A_206 : i32
      %scan3A_208 = arith.constant 2 : i32
      %scan3A_209 = arith.addi %scan3A_146, %scan3A_208 : i32
      %mul3A_210 = arith.constant 16 : i32
      %mul3A_211 = arith.muli %scan3A_209, %mul3A_210 : i32
      %get3A_212 = arith.index_cast %mul3A_211 : i32 to index
      %get3A_213 = tpu.vector_load %arg8[%get3A_212] {strides = array<i32>} : memref<16384xi32, #tpu.memory_space<vmem>>, vector<16xi32>,
      %ge3A_214 = vector.broadcast %mul3A_10 : i32 to vector<16xi32>
      %ge3A_215 = arith.cmpi sge, %get3A_213, %ge3A_214 : vector<16xi32>
      %lt3A_216 = vector.broadcast %min3A_15 : i32 to vector<16xi32>
      %lt3A_217 = arith.cmpi slt, %get3A_213, %lt3A_216 : vector<16xi32>
      %and3A_218 = arith.andi %ge3A_215, %lt3A_217 : vector<16xi1>
      %jit3A_219 = arith.constant 0 : i32
      %jit3A_220 = arith.constant 1 : i32
      %broadcast_in_dim3A_221 = vector.broadcast %jit3A_219 : i32 to vector<16xi32>
      %broadcast_in_dim3A_222 = vector.broadcast %jit3A_220 : i32 to vector<16xi32>
      %select_n3A_223 = arith.select %and3A_218, %broadcast_in_dim3A_221, %broadcast_in_dim3A_222 : vector<16xi1>, vector<16xi32>
      %mul3A_224 = arith.constant 16 : i32
      %mul3A_225 = arith.muli %scan3A_209, %mul3A_224 : i32
      %add3A_226 = vector.broadcast %mul3A_225 : i32 to vector<16xi32>
      %add3A_227 = arith.addi %iota3A, %add3A_226 : vector<16xi32>
      %masked_sort3A_228 = arith.constant dense<true> : vector<16xi1>
      %masked_sort3A_229 = arith.constant -2147483648 : i32
      %masked_sort3A_230 = vector.broadcast %masked_sort3A_229 : i32 to vector<16xi32>
      %masked_sort3A_231 = arith.xori %select_n3A_223, %masked_sort3A_230 : vector<16xi32>
      %masked_sort3A_232, %masked_sort3A_233, %masked_sort3A_234 = tpu.sort %masked_sort3A_231, %add3A_227 masked %masked_sort3A_228 : (vector<16xi32>, vector<16xi32>, vector<16xi1>) -> (vector<16xi1>, vector<16xi32>, vector<16xi32>)
      %masked_sort3A_235 = arith.xori %masked_sort3A_233, %masked_sort3A_230 : vector<16xi32>
      %swap3A_236 = arith.index_cast %add3A_207 : i32 to index
      %swap3A_237 = tpu.vector_load %arg9[%swap3A_236] {strides = array<i32>} : memref<16416xi32, #tpu.memory_space<vmem>>, vector<16xi32>,
      tpu.vector_store %arg9[%swap3A_236], %masked_sort3A_234 {strides = array<i32>} : memref<16416xi32, #tpu.memory_space<vmem>>, vector<16xi32>,
      %all_reduce_population_count3A_238 = tpu.all_reduce %and3A_218 {dim = 0 : i64, kind = #tpu.reduction_kind<sum>} : vector<16xi1> -> vector<16xi32>
      %slice3A_239 = vector.extract_strided_slice %all_reduce_population_count3A_238 {offsets = [0], sizes = [1], strides = [1]} : vector<16xi32> to vector<1xi32>
      %squeeze3A_240 = vector.extract %slice3A_239[0] : i32 from vector<1xi32>
      %add3A_241 = arith.addi %add3A_207, %squeeze3A_240 : i32
      %scan3A_242 = arith.constant 3 : i32
      %scan3A_243 = arith.addi %scan3A_146, %scan3A_242 : i32
      %mul3A_244 = arith.constant 16 : i32
      %mul3A_245 = arith.muli %scan3A_243, %mul3A_244 : i32
      %get3A_246 = arith.index_cast %mul3A_245 : i32 to index
      %get3A_247 = tpu.vector_load %arg8[%get3A_246] {strides = array<i32>} : memref<16384xi32, #tpu.memory_space<vmem>>, vector<16xi32>,
      %ge3A_248 = vector.broadcast %mul3A_10 : i32 to vector<16xi32>
      %ge3A_249 = arith.cmpi sge, %get3A_247, %ge3A_248 : vector<16xi32>
      %lt3A_250 = vector.broadcast %min3A_15 : i32 to vector<16xi32>
      %lt3A_251 = arith.cmpi slt, %get3A_247, %lt3A_250 : vector<16xi32>
      %and3A_252 = arith.andi %ge3A_249, %lt3A_251 : vector<16xi1>
      %jit3A_253 = arith.constant 0 : i32
      %jit3A_254 = arith.constant 1 : i32
      %broadcast_in_dim3A_255 = vector.broadcast %jit3A_253 : i32 to vector<16xi32>
      %broadcast_in_dim3A_256 = vector.broadcast %jit3A_254 : i32 to vector<16xi32>
      %select_n3A_257 = arith.select %and3A_252, %broadcast_in_dim3A_255, %broadcast_in_dim3A_256 : vector<16xi1>, vector<16xi32>
      %mul3A_258 = arith.constant 16 : i32
      %mul3A_259 = arith.muli %scan3A_243, %mul3A_258 : i32
      %add3A_260 = vector.broadcast %mul3A_259 : i32 to vector<16xi32>
      %add3A_261 = arith.addi %iota3A, %add3A_260 : vector<16xi32>
      %masked_sort3A_262 = arith.constant dense<true> : vector<16xi1>
      %masked_sort3A_263 = arith.constant -2147483648 : i32
      %masked_sort3A_264 = vector.broadcast %masked_sort3A_263 : i32 to vector<16xi32>
      %masked_sort3A_265 = arith.xori %select_n3A_257, %masked_sort3A_264 : vector<16xi32>
      %masked_sort3A_266, %masked_sort3A_267, %masked_sort3A_268 = tpu.sort %masked_sort3A_265, %add3A_261 masked %masked_sort3A_262 : (vector<16xi32>, vector<16xi32>, vector<16xi1>) -> (vector<16xi1>, vector<16xi32>, vector<16xi32>)
      %masked_sort3A_269 = arith.xori %masked_sort3A_267, %masked_sort3A_264 : vector<16xi32>
      %swap3A_270 = arith.index_cast %add3A_241 : i32 to index
      %swap3A_271 = tpu.vector_load %arg9[%swap3A_270] {strides = array<i32>} : memref<16416xi32, #tpu.memory_space<vmem>>, vector<16xi32>,
      tpu.vector_store %arg9[%swap3A_270], %masked_sort3A_268 {strides = array<i32>} : memref<16416xi32, #tpu.memory_space<vmem>>, vector<16xi32>,
      %all_reduce_population_count3A_272 = tpu.all_reduce %and3A_252 {dim = 0 : i64, kind = #tpu.reduction_kind<sum>} : vector<16xi1> -> vector<16xi32>
      %slice3A_273 = vector.extract_strided_slice %all_reduce_population_count3A_272 {offsets = [0], sizes = [1], strides = [1]} : vector<16xi32> to vector<1xi32>
      %squeeze3A_274 = vector.extract %slice3A_273[0] : i32 from vector<1xi32>
      %add3A_275 = arith.addi %add3A_241, %squeeze3A_274 : i32
      scf.yield %add3A_275 : i32
    }
    %scan3A_81 = arith.constant 1024 : i32
    %broadcast_in_dim3A_82 = arith.constant 0 : i32
    %broadcast_in_dim3A_83 = vector.broadcast %broadcast_in_dim3A_82 : i32 to vector<16xi32>
    %swap3A_84 = arith.index_cast %scan3A_80 : i32 to index
    %swap3A_85 = tpu.vector_load %arg9[%swap3A_84] {strides = array<i32>} : memref<16416xi32, #tpu.memory_space<vmem>>, vector<16xi32>,
    tpu.vector_store %arg9[%swap3A_84], %broadcast_in_dim3A_83 {strides = array<i32>} : memref<16416xi32, #tpu.memory_space<vmem>>, vector<16xi32>,
    %broadcast_in_dim3A_86 = arith.constant 0 : i32
    %broadcast_in_dim3A_87 = vector.broadcast %broadcast_in_dim3A_86 : i32 to vector<16xi32>
    %add3A_88 = arith.constant 16 : i32
    %add3A_89 = arith.addi %scan3A_80, %add3A_88 : i32
    %swap3A_90 = arith.index_cast %add3A_89 : i32 to index
    %swap3A_91 = tpu.vector_load %arg9[%swap3A_90] {strides = array<i32>} : memref<16416xi32, #tpu.memory_space<vmem>>, vector<16xi32>,
    tpu.vector_store %arg9[%swap3A_90], %broadcast_in_dim3A_87 {strides = array<i32>} : memref<16416xi32, #tpu.memory_space<vmem>>, vector<16xi32>,
    %add3A_92 = arith.constant 32 : i32
    %add3A_93 = arith.addi %scan3A_80, %add3A_92 : i32
    %sub3A_94 = arith.constant 1 : i32
    %sub3A_95 = arith.subi %add3A_93, %sub3A_94 : i32
    %jit3A_96 = arith.constant 32 : i32
    %div3A_97 = arith.divsi %sub3A_95, %jit3A_96 : i32
    %sign3A_98 = arith.constant 0 : i32
    %sign3A_99 = arith.cmpi sgt, %sub3A_95, %sign3A_98 : i32
    %sign3A_100 = arith.extui %sign3A_99 : i1 to i32
    %sign3A_101 = arith.constant 0 : i32
    %sign3A_102 = arith.cmpi slt, %sub3A_95, %sign3A_101 : i32
    %sign3A_103 = arith.extui %sign3A_102 : i1 to i32
    %sign3A_104 = arith.subi %sign3A_100, %sign3A_103 : i32
    %sign3A_105 = arith.constant 0 : i32
    %sign3A_106 = arith.cmpi sgt, %jit3A_96, %sign3A_105 : i32
    %sign3A_107 = arith.extui %sign3A_106 : i1 to i32
    %sign3A_108 = arith.constant 0 : i32
    %sign3A_109 = arith.cmpi slt, %jit3A_96, %sign3A_108 : i32
    %sign3A_110 = arith.extui %sign3A_109 : i1 to i32
    %sign3A_111 = arith.subi %sign3A_107, %sign3A_110 : i32
    %ne3A_112 = arith.cmpi ne, %sign3A_104, %sign3A_111 : i32
    %rem3A_113 = arith.remsi %sub3A_95, %jit3A_96 : i32
    %ne3A_114 = arith.constant 0 : i32
    %ne3A_115 = arith.cmpi ne, %rem3A_113, %ne3A_114 : i32
    %and3A_116 = arith.andi %ne3A_112, %ne3A_115 : i1
    %sub3A_117 = arith.constant 1 : i32
    %sub3A_118 = arith.subi %div3A_97, %sub3A_117 : i32
    %select_n3A_119 = arith.select %and3A_116, %sub3A_118, %div3A_97 : i32
    %add3A_120 = arith.constant 0 : i32
    %add3A_121 = arith.addi %mul3A_10, %add3A_120 : i32
    %multiple_of3A_122 = tpu.assume_multiple %add3A_121, 128 : i32
    %dma_start3A_123 = arith.constant 0 : i32
    %dma_start3A_124 = arith.constant 0 : i32
    %dma_start3A_125 = arith.constant 0 : i32
    %dma_start3A_126 = tpu.memref_slice %arg10[%dma_start3A_123, %dma_start3A_124, %dma_start3A_125] : memref<2x64x640xf32, #tpu.memory_space<vmem>> -> memref<1x64x640xf32, #tpu.memory_space<vmem>>
    %dma_start3A_127 = tpu.memref_squeeze %dma_start3A_126 : memref<1x64x640xf32, #tpu.memory_space<vmem>> -> memref<64x640xf32, #tpu.memory_space<vmem>>
    %dma_start3A_128 = arith.constant 0 : i32
    %dma_start3A_129 = tpu.memref_slice %arg5[%dma_start3A_128, %multiple_of3A_122] : memref<64x1000000xf32, #tpu.memory_space<hbm>> -> memref<64x640xf32, #tpu.memory_space<hbm>>
    %dma_start3A_130 = arith.constant 0 : i32
    %dma_start3A_131 = arith.constant 0 : i32
    %dma_start3A_132 = tpu.memref_slice %arg10[%dma_start3A_123, %dma_start3A_130, %dma_start3A_131] : memref<2x64x640xf32, #tpu.memory_space<vmem>> -> memref<1x64x640xf32, #tpu.memory_space<vmem>>
    %dma_start3A_133 = tpu.memref_squeeze %dma_start3A_132 : memref<1x64x640xf32, #tpu.memory_space<vmem>> -> memref<64x640xf32, #tpu.memory_space<vmem>>
    %dma_start3A_134 = arith.constant 0 : i32
    %dma_start3A_135 = tpu.memref_slice %arg5[%dma_start3A_134, %multiple_of3A_122] : memref<64x1000000xf32, #tpu.memory_space<hbm>> -> memref<64x640xf32, #tpu.memory_space<hbm>>
    tpu.enqueue_dma source(%dma_start3A_135 : memref<64x640xf32, #tpu.memory_space<hbm>>) target(%dma_start3A_133 : memref<64x640xf32, #tpu.memory_space<vmem>>) target_semaphore(%arg14 : memref<!tpu.dma_semaphore, #tpu.memory_space<semaphore_mem>>)
    %while3A_136 = arith.constant 0 : i32
    %while3A_137 = arith.constant 0 : i32
    %while3A_138 = arith.subi %add3A_8, %while3A_137 : i32
    %while3A_139 = arith.addi %while3A_137, %while3A_138 : i32
    %while3A_140 = arith.constant 1 : i32
    %while3A_141 = arith.divsi %while3A_138, %while3A_140 : i32
    %while3A_142 = arith.muli %while3A_141, %while3A_140 : i32
    %while3A_143 = arith.addi %while3A_137, %while3A_142 : i32
    %while3A_144 = arith.constant 1 : i32
    scf.for %while3A_146 = %while3A_137 to %while3A_143 step %while3A_144  : i32 {
      %mul3A_147 = arith.constant 640 : i32
      %mul3A_148 = arith.muli %while3A_146, %mul3A_147 : i32
      %add3A_149 = arith.addi %mul3A_10, %mul3A_148 : i32
      %multiple_of3A_150 = tpu.assume_multiple %add3A_149, 128 : i32
      %and3A_151 = arith.constant 1 : i32
      %and3A_152 = arith.andi %while3A_146, %and3A_151 : i32
      %eq3A = arith.constant 0 : i32
      %eq3A_153 = arith.cmpi eq, %and3A_152, %eq3A : i32
      %convert_element_type3A = arith.extui %eq3A_153 : i1 to i32
      %cond3A = arith.constant 0 : i32
      %cond3A_154 = arith.cmpi ne, %convert_element_type3A, %cond3A : i32
      scf.if %cond3A_154 {
        %dma_wait3A = arith.constant 0 : i32
        %dma_wait3A_194 = arith.constant 0 : i32
        %dma_wait3A_195 = arith.constant 0 : i32
        %dma_wait3A_196 = tpu.memref_slice %arg10[%dma_wait3A, %dma_wait3A_194, %dma_wait3A_195] : memref<2x64x640xf32, #tpu.memory_space<vmem>> -> memref<1x64x640xf32, #tpu.memory_space<vmem>>
        %dma_wait3A_197 = tpu.memref_squeeze %dma_wait3A_196 : memref<1x64x640xf32, #tpu.memory_space<vmem>> -> memref<64x640xf32, #tpu.memory_space<vmem>>
        %dma_wait3A_198 = arith.constant 0 : i32
        %dma_wait3A_199 = arith.constant 0 : i32
        %dma_wait3A_200 = tpu.memref_slice %arg5[%dma_wait3A_198, %dma_wait3A_199] : memref<64x1000000xf32, #tpu.memory_space<hbm>> -> memref<64x640xf32, #tpu.memory_space<hbm>>
        %dma_wait3A_201 = arith.constant 0 : i32
        %dma_wait3A_202 = arith.constant 0 : i32
        %dma_wait3A_203 = tpu.memref_slice %arg10[%dma_wait3A, %dma_wait3A_201, %dma_wait3A_202] : memref<2x64x640xf32, #tpu.memory_space<vmem>> -> memref<1x64x640xf32, #tpu.memory_space<vmem>>
        %dma_wait3A_204 = tpu.memref_squeeze %dma_wait3A_203 : memref<1x64x640xf32, #tpu.memory_space<vmem>> -> memref<64x640xf32, #tpu.memory_space<vmem>>
        %dma_wait3A_205 = arith.constant 0 : i32
        %dma_wait3A_206 = arith.constant 0 : i32
        %dma_wait3A_207 = tpu.memref_slice %arg5[%dma_wait3A_205, %dma_wait3A_206] : memref<64x1000000xf32, #tpu.memory_space<hbm>> -> memref<64x640xf32, #tpu.memory_space<hbm>>
        tpu.wait_dma2 semaphore(%arg14 : memref<!tpu.dma_semaphore, #tpu.memory_space<semaphore_mem>>) src(%dma_wait3A_207 : memref<64x640xf32, #tpu.memory_space<hbm>>) dst(%dma_wait3A_204 : memref<64x640xf32, #tpu.memory_space<vmem>>)
      } else {
      }
      %and3A_155 = arith.constant 1 : i32
      %and3A_156 = arith.andi %while3A_146, %and3A_155 : i32
      %eq3A_157 = arith.constant 1 : i32
      %eq3A_158 = arith.cmpi eq, %and3A_156, %eq3A_157 : i32
      %convert_element_type3A_159 = arith.extui %eq3A_158 : i1 to i32
      %cond3A_160 = arith.constant 0 : i32
      %cond3A_161 = arith.cmpi ne, %convert_element_type3A_159, %cond3A_160 : i32
      scf.if %cond3A_161 {
        %dma_wait3A = arith.constant 1 : i32
        %dma_wait3A_194 = arith.constant 0 : i32
        %dma_wait3A_195 = arith.constant 0 : i32
        %dma_wait3A_196 = tpu.memref_slice %arg10[%dma_wait3A, %dma_wait3A_194, %dma_wait3A_195] : memref<2x64x640xf32, #tpu.memory_space<vmem>> -> memref<1x64x640xf32, #tpu.memory_space<vmem>>
        %dma_wait3A_197 = tpu.memref_squeeze %dma_wait3A_196 : memref<1x64x640xf32, #tpu.memory_space<vmem>> -> memref<64x640xf32, #tpu.memory_space<vmem>>
        %dma_wait3A_198 = arith.constant 0 : i32
        %dma_wait3A_199 = arith.constant 0 : i32
        %dma_wait3A_200 = tpu.memref_slice %arg5[%dma_wait3A_198, %dma_wait3A_199] : memref<64x1000000xf32, #tpu.memory_space<hbm>> -> memref<64x640xf32, #tpu.memory_space<hbm>>
        %dma_wait3A_201 = arith.constant 0 : i32
        %dma_wait3A_202 = arith.constant 0 : i32
        %dma_wait3A_203 = tpu.memref_slice %arg10[%dma_wait3A, %dma_wait3A_201, %dma_wait3A_202] : memref<2x64x640xf32, #tpu.memory_space<vmem>> -> memref<1x64x640xf32, #tpu.memory_space<vmem>>
        %dma_wait3A_204 = tpu.memref_squeeze %dma_wait3A_203 : memref<1x64x640xf32, #tpu.memory_space<vmem>> -> memref<64x640xf32, #tpu.memory_space<vmem>>
        %dma_wait3A_205 = arith.constant 0 : i32
        %dma_wait3A_206 = arith.constant 0 : i32
        %dma_wait3A_207 = tpu.memref_slice %arg5[%dma_wait3A_205, %dma_wait3A_206] : memref<64x1000000xf32, #tpu.memory_space<hbm>> -> memref<64x640xf32, #tpu.memory_space<hbm>>
        tpu.wait_dma2 semaphore(%arg15 : memref<!tpu.dma_semaphore, #tpu.memory_space<semaphore_mem>>) src(%dma_wait3A_207 : memref<64x640xf32, #tpu.memory_space<hbm>>) dst(%dma_wait3A_204 : memref<64x640xf32, #tpu.memory_space<vmem>>)
      } else {
      }
      %add3A_162 = arith.constant 1 : i32
      %add3A_163 = arith.addi %while3A_146, %add3A_162 : i32
      %lt3A_164 = arith.cmpi slt, %add3A_163, %add3A_8 : i32
      %convert_element_type3A_165 = arith.extui %lt3A_164 : i1 to i32
      %cond3A_166 = arith.constant 0 : i32
      %cond3A_167 = arith.cmpi ne, %convert_element_type3A_165, %cond3A_166 : i32
      scf.if %cond3A_167 {
        %add3A_194 = arith.constant 1 : i32
        %add3A_195 = arith.addi %while3A_146, %add3A_194 : i32
        %mul3A_196 = arith.constant 640 : i32
        %mul3A_197 = arith.muli %add3A_195, %mul3A_196 : i32
        %add3A_198 = arith.addi %mul3A_10, %mul3A_197 : i32
        %multiple_of3A_199 = tpu.assume_multiple %add3A_198, 128 : i32
        %and3A_200 = arith.constant 1 : i32
        %and3A_201 = arith.andi %add3A_195, %and3A_200 : i32
        %eq3A_202 = arith.constant 0 : i32
        %eq3A_203 = arith.cmpi eq, %and3A_201, %eq3A_202 : i32
        %convert_element_type3A_204 = arith.extui %eq3A_203 : i1 to i32
        %cond3A_205 = arith.constant 0 : i32
        %cond3A_206 = arith.cmpi ne, %convert_element_type3A_204, %cond3A_205 : i32
        scf.if %cond3A_206 {
          %dma_start3A_214 = arith.constant 0 : i32
          %dma_start3A_215 = arith.constant 0 : i32
          %dma_start3A_216 = arith.constant 0 : i32
          %dma_start3A_217 = tpu.memref_slice %arg10[%dma_start3A_214, %dma_start3A_215, %dma_start3A_216] : memref<2x64x640xf32, #tpu.memory_space<vmem>> -> memref<1x64x640xf32, #tpu.memory_space<vmem>>
          %dma_start3A_218 = tpu.memref_squeeze %dma_start3A_217 : memref<1x64x640xf32, #tpu.memory_space<vmem>> -> memref<64x640xf32, #tpu.memory_space<vmem>>
          %dma_start3A_219 = arith.constant 0 : i32
          %dma_start3A_220 = tpu.memref_slice %arg5[%dma_start3A_219, %multiple_of3A_199] : memref<64x1000000xf32, #tpu.memory_space<hbm>> -> memref<64x640xf32, #tpu.memory_space<hbm>>
          %dma_start3A_221 = arith.constant 0 : i32
          %dma_start3A_222 = arith.constant 0 : i32
          %dma_start3A_223 = tpu.memref_slice %arg10[%dma_start3A_214, %dma_start3A_221, %dma_start3A_222] : memref<2x64x640xf32, #tpu.memory_space<vmem>> -> memref<1x64x640xf32, #tpu.memory_space<vmem>>
          %dma_start3A_224 = tpu.memref_squeeze %dma_start3A_223 : memref<1x64x640xf32, #tpu.memory_space<vmem>> -> memref<64x640xf32, #tpu.memory_space<vmem>>
          %dma_start3A_225 = arith.constant 0 : i32
          %dma_start3A_226 = tpu.memref_slice %arg5[%dma_start3A_225, %multiple_of3A_199] : memref<64x1000000xf32, #tpu.memory_space<hbm>> -> memref<64x640xf32, #tpu.memory_space<hbm>>
          tpu.enqueue_dma source(%dma_start3A_226 : memref<64x640xf32, #tpu.memory_space<hbm>>) target(%dma_start3A_224 : memref<64x640xf32, #tpu.memory_space<vmem>>) target_semaphore(%arg14 : memref<!tpu.dma_semaphore, #tpu.memory_space<semaphore_mem>>)
        } else {
        }
        %and3A_207 = arith.constant 1 : i32
        %and3A_208 = arith.andi %add3A_195, %and3A_207 : i32
        %eq3A_209 = arith.constant 1 : i32
        %eq3A_210 = arith.cmpi eq, %and3A_208, %eq3A_209 : i32
        %convert_element_type3A_211 = arith.extui %eq3A_210 : i1 to i32
        %cond3A_212 = arith.constant 0 : i32
        %cond3A_213 = arith.cmpi ne, %convert_element_type3A_211, %cond3A_212 : i32
        scf.if %cond3A_213 {
          %dma_start3A_214 = arith.constant 1 : i32
          %dma_start3A_215 = arith.constant 0 : i32
          %dma_start3A_216 = arith.constant 0 : i32
          %dma_start3A_217 = tpu.memref_slice %arg10[%dma_start3A_214, %dma_start3A_215, %dma_start3A_216] : memref<2x64x640xf32, #tpu.memory_space<vmem>> -> memref<1x64x640xf32, #tpu.memory_space<vmem>>
          %dma_start3A_218 = tpu.memref_squeeze %dma_start3A_217 : memref<1x64x640xf32, #tpu.memory_space<vmem>> -> memref<64x640xf32, #tpu.memory_space<vmem>>
          %dma_start3A_219 = arith.constant 0 : i32
          %dma_start3A_220 = tpu.memref_slice %arg5[%dma_start3A_219, %multiple_of3A_199] : memref<64x1000000xf32, #tpu.memory_space<hbm>> -> memref<64x640xf32, #tpu.memory_space<hbm>>
          %dma_start3A_221 = arith.constant 0 : i32
          %dma_start3A_222 = arith.constant 0 : i32
          %dma_start3A_223 = tpu.memref_slice %arg10[%dma_start3A_214, %dma_start3A_221, %dma_start3A_222] : memref<2x64x640xf32, #tpu.memory_space<vmem>> -> memref<1x64x640xf32, #tpu.memory_space<vmem>>
          %dma_start3A_224 = tpu.memref_squeeze %dma_start3A_223 : memref<1x64x640xf32, #tpu.memory_space<vmem>> -> memref<64x640xf32, #tpu.memory_space<vmem>>
          %dma_start3A_225 = arith.constant 0 : i32
          %dma_start3A_226 = tpu.memref_slice %arg5[%dma_start3A_225, %multiple_of3A_199] : memref<64x1000000xf32, #tpu.memory_space<hbm>> -> memref<64x640xf32, #tpu.memory_space<hbm>>
          tpu.enqueue_dma source(%dma_start3A_226 : memref<64x640xf32, #tpu.memory_space<hbm>>) target(%dma_start3A_224 : memref<64x640xf32, #tpu.memory_space<vmem>>) target_semaphore(%arg15 : memref<!tpu.dma_semaphore, #tpu.memory_space<semaphore_mem>>)
        } else {
        }
      } else {
      }
      %and3A_168 = arith.constant 1 : i32
      %and3A_169 = arith.andi %while3A_146, %and3A_168 : i32
      %while3A_170 = arith.constant 0 : i32
      %while3A_171 = arith.constant 0 : i32
      %while3A_172 = arith.subi %select_n3A_119, %while3A_170 : i32
      %while3A_173 = arith.addi %while3A_170, %while3A_172 : i32
      %while3A_174 = arith.constant 1 : i32
      %while3A_175 = arith.divsi %while3A_172, %while3A_174 : i32
      %while3A_176 = arith.muli %while3A_175, %while3A_174 : i32
      %while3A_177 = arith.addi %while3A_170, %while3A_176 : i32
      %while3A_178 = arith.constant 1 : i32
      %while3A_179 = scf.for %while3A_194 = %while3A_170 to %while3A_177 step %while3A_178 iter_args(%while3A_195 = %while3A_171) -> (i32)  : i32 {
        %mul3A_196 = arith.constant 2 : i32
        %mul3A_197 = arith.muli %mul3A_196, %while3A_194 : i32
        %mul3A_198 = arith.constant 16 : i32
        %mul3A_199 = arith.muli %mul3A_197, %mul3A_198 : i32
        %get3A = arith.index_cast %mul3A_199 : i32 to index
        %get3A_200 = tpu.vector_load %arg9[%get3A] {strides = array<i32>} : memref<16416xi32, #tpu.memory_space<vmem>>, vector<16xi32>,
        %gather3A = tpu.vector_load_idx %arg8[%get3A_200] : memref<16384xi32, #tpu.memory_space<vmem>>[vector<16xi32>], vector<16xi32>,
        %ge3A = vector.broadcast %multiple_of3A_150 : i32 to vector<16xi32>
        %ge3A_201 = arith.cmpi sge, %gather3A, %ge3A : vector<16xi32>
        %add3A_202 = arith.constant 640 : i32
        %add3A_203 = arith.addi %multiple_of3A_150, %add3A_202 : i32
        %lt3A_204 = vector.broadcast %add3A_203 : i32 to vector<16xi32>
        %lt3A_205 = arith.cmpi slt, %gather3A, %lt3A_204 : vector<16xi32>
        %and3A_206 = arith.andi %ge3A_201, %lt3A_205 : vector<16xi1>
        %all_reduce_population_count3A = tpu.all_reduce %and3A_206 {dim = 0 : i64, kind = #tpu.reduction_kind<sum>} : vector<16xi1> -> vector<16xi32>
        %slice3A = vector.extract_strided_slice %all_reduce_population_count3A {offsets = [0], sizes = [1], strides = [1]} : vector<16xi32> to vector<1xi32>
        %squeeze3A = vector.extract %slice3A[0] : i32 from vector<1xi32>
        %gt3A = arith.constant 0 : i32
        %gt3A_207 = arith.cmpi sgt, %squeeze3A, %gt3A : i32
        %convert_element_type3A_208 = arith.extui %gt3A_207 : i1 to i32
        %cond3A_209 = arith.constant 0 : i32
        %cond3A_210 = arith.cmpi ne, %convert_element_type3A_208, %cond3A_209 : i32
        scf.if %cond3A_210 {
          %mul3A_257 = arith.constant 640 : i32
          %mul3A_258 = vector.broadcast %mul3A_257 : i32 to vector<16xi32>
          %mul3A_259 = arith.muli %get3A_200, %mul3A_258 : vector<16xi32>
          %sub3A_260 = vector.broadcast %multiple_of3A_150 : i32 to vector<16xi32>
          %sub3A_261 = arith.subi %gather3A, %sub3A_260 : vector<16xi32>
          %add3A_262 = arith.addi %mul3A_259, %sub3A_261 : vector<16xi32>
          %jit3A_263 = arith.constant 0 : i32
          %jit3A_264 = arith.constant 1 : i32
          %broadcast_in_dim3A_265 = vector.broadcast %jit3A_263 : i32 to vector<16xi32>
          %broadcast_in_dim3A_266 = vector.broadcast %jit3A_264 : i32 to vector<16xi32>
          %select_n3A_267 = arith.select %and3A_206, %broadcast_in_dim3A_265, %broadcast_in_dim3A_266 : vector<16xi1>, vector<16xi32>
          %masked_sort3A = arith.constant dense<true> : vector<16xi1>
          %masked_sort3A_268 = arith.constant -2147483648 : i32
          %masked_sort3A_269 = vector.broadcast %masked_sort3A_268 : i32 to vector<16xi32>
          %masked_sort3A_270 = arith.xori %select_n3A_267, %masked_sort3A_269 : vector<16xi32>
          %masked_sort3A_271, %masked_sort3A_272, %masked_sort3A_273 = tpu.sort %masked_sort3A_270, %add3A_262 masked %masked_sort3A : (vector<16xi32>, vector<16xi32>, vector<16xi1>) -> (vector<16xi1>, vector<16xi32>, vector<16xi32>)
          %masked_sort3A_274 = arith.xori %masked_sort3A_272, %masked_sort3A_269 : vector<16xi32>
          %swap3A_275 = arith.constant 0 : index
          %swap3A_276 = tpu.vector_load %arg12[%swap3A_275] {strides = array<i32>} : memref<32xi32, #tpu.memory_space<vmem>>, vector<16xi32>,
          tpu.vector_store %arg12[%swap3A_275], %masked_sort3A_273 {strides = array<i32>} : memref<32xi32, #tpu.memory_space<vmem>>, vector<16xi32>,
        } else {
        }
        %while3A_211 = arith.constant 0 : i32
        %while3A_212 = arith.subi %squeeze3A, %while3A_211 : i32
        %while3A_213 = arith.addi %while3A_211, %while3A_212 : i32
        %while3A_214 = arith.constant 1 : i32
        %while3A_215 = arith.divsi %while3A_212, %while3A_214 : i32
        %while3A_216 = arith.muli %while3A_215, %while3A_214 : i32
        %while3A_217 = arith.addi %while3A_211, %while3A_216 : i32
        %while3A_218 = arith.constant 1 : i32
        %while3A_219 = scf.for %while3A_257 = %while3A_211 to %while3A_217 step %while3A_218 iter_args(%while3A_258 = %while3A_195) -> (i32)  : i32 {
          %get3A_259 = arith.index_cast %while3A_257 : i32 to index
          %get3A_260 = tpu.vector_load %arg12[%get3A_259] {strides = array<i32>} : memref<32xi32, #tpu.memory_space<vmem>>, vector<16xi32>,
          %slice3A_261 = vector.extract_strided_slice %get3A_260 {offsets = [0], sizes = [1], strides = [1]} : vector<16xi32> to vector<1xi32>
          %squeeze3A_262 = vector.extract %slice3A_261[0] : i32 from vector<1xi32>
          %rem3A_263 = arith.constant 640 : i32
          %rem3A_264 = arith.remsi %squeeze3A_262, %rem3A_263 : i32
          %div3A_265 = arith.constant 640 : i32
          %div3A_266 = arith.divsi %squeeze3A_262, %div3A_265 : i32
          %and3A_267 = arith.constant 63 : i32
          %and3A_268 = arith.andi %while3A_258, %and3A_267 : i32
          %ge3A_269 = arith.constant 64 : i32
          %ge3A_270 = arith.cmpi sge, %while3A_258, %ge3A_269 : i32
          %convert_element_type3A_271 = arith.extui %ge3A_270 : i1 to i32
          %cond3A_272 = arith.constant 0 : i32
          %cond3A_273 = arith.cmpi ne, %convert_element_type3A_271, %cond3A_272 : i32
          scf.if %cond3A_273 {
            %dma_wait3A = arith.constant 0 : i32
            %dma_wait3A_342 = tpu.memref_slice %arg11[%dma_wait3A] : memref<4096xf32, #tpu.memory_space<vmem>> -> memref<64xf32, #tpu.memory_space<vmem>>
            %dma_wait3A_343 = arith.constant 0 : i32
            %dma_wait3A_344 = tpu.memref_slice %arg7[%dma_wait3A_343] : memref<1048576xf32, #tpu.memory_space<hbm>> -> memref<64xf32, #tpu.memory_space<hbm>>
            %dma_wait3A_345 = arith.constant 0 : i32
            %dma_wait3A_346 = tpu.memref_slice %arg11[%dma_wait3A_345] : memref<4096xf32, #tpu.memory_space<vmem>> -> memref<64xf32, #tpu.memory_space<vmem>>
            %dma_wait3A_347 = arith.constant 0 : i32
            %dma_wait3A_348 = tpu.memref_slice %arg7[%dma_wait3A_347] : memref<1048576xf32, #tpu.memory_space<hbm>> -> memref<64xf32, #tpu.memory_space<hbm>>
            tpu.wait_dma2 semaphore(%arg13 : memref<!tpu.dma_semaphore, #tpu.memory_space<semaphore_mem>>) src(%dma_wait3A_348 : memref<64xf32, #tpu.memory_space<hbm>>) dst(%dma_wait3A_346 : memref<64xf32, #tpu.memory_space<vmem>>)
          } else {
          }
          %broadcast_in_dim3A_274 = vector.broadcast %rem3A_264 : i32 to vector<16xi32>
          %add3A_275 = arith.constant 0 : i32
          %add3A_276 = vector.broadcast %add3A_275 : i32 to vector<16xi32>
          %add3A_277 = arith.addi %iota3A, %add3A_276 : vector<16xi32>
          %gather3A_278 = arith.constant 0 : i32
          %gather3A_279 = arith.constant 0 : i32
          %gather3A_280 = tpu.memref_slice %arg10[%and3A_169, %gather3A_278, %gather3A_279] : memref<2x64x640xf32, #tpu.memory_space<vmem>> -> memref<1x64x640xf32, #tpu.memory_space<vmem>>
          %gather3A_281 = tpu.memref_squeeze %gather3A_280 : memref<1x64x640xf32, #tpu.memory_space<vmem>> -> memref<64x640xf32, #tpu.memory_space<vmem>>
          %gather3A_282 = tpu.vector_load_idx %gather3A_281[%add3A_277, %broadcast_in_dim3A_274] : memref<64x640xf32, #tpu.memory_space<vmem>>[vector<16xi32>, vector<16xi32>], vector<16xf32>,
          %mul3A_283 = arith.constant 64 : i32
          %mul3A_284 = arith.muli %and3A_268, %mul3A_283 : i32
          %add3A_285 = arith.constant 0 : i32
          %add3A_286 = arith.addi %mul3A_284, %add3A_285 : i32
          %swap3A_287 = arith.index_cast %add3A_286 : i32 to index
          %swap3A_288 = tpu.vector_load %arg11[%swap3A_287] {strides = array<i32>} : memref<4096xf32, #tpu.memory_space<vmem>>, vector<16xf32>,
          tpu.vector_store %arg11[%swap3A_287], %gather3A_282 {strides = array<i32>} : memref<4096xf32, #tpu.memory_space<vmem>>, vector<16xf32>,
          %add3A_289 = arith.constant 16 : i32
          %add3A_290 = vector.broadcast %add3A_289 : i32 to vector<16xi32>
          %add3A_291 = arith.addi %iota3A, %add3A_290 : vector<16xi32>
          %gather3A_292 = arith.constant 0 : i32
          %gather3A_293 = arith.constant 0 : i32
          %gather3A_294 = tpu.memref_slice %arg10[%and3A_169, %gather3A_292, %gather3A_293] : memref<2x64x640xf32, #tpu.memory_space<vmem>> -> memref<1x64x640xf32, #tpu.memory_space<vmem>>
          %gather3A_295 = tpu.memref_squeeze %gather3A_294 : memref<1x64x640xf32, #tpu.memory_space<vmem>> -> memref<64x640xf32, #tpu.memory_space<vmem>>
          %gather3A_296 = tpu.vector_load_idx %gather3A_295[%add3A_291, %broadcast_in_dim3A_274] : memref<64x640xf32, #tpu.memory_space<vmem>>[vector<16xi32>, vector<16xi32>], vector<16xf32>,
          %mul3A_297 = arith.constant 64 : i32
          %mul3A_298 = arith.muli %and3A_268, %mul3A_297 : i32
          %add3A_299 = arith.constant 16 : i32
          %add3A_300 = arith.addi %mul3A_298, %add3A_299 : i32
          %swap3A_301 = arith.index_cast %add3A_300 : i32 to index
          %swap3A_302 = tpu.vector_load %arg11[%swap3A_301] {strides = array<i32>} : memref<4096xf32, #tpu.memory_space<vmem>>, vector<16xf32>,
          tpu.vector_store %arg11[%swap3A_301], %gather3A_296 {strides = array<i32>} : memref<4096xf32, #tpu.memory_space<vmem>>, vector<16xf32>,
          %add3A_303 = arith.constant 32 : i32
          %add3A_304 = vector.broadcast %add3A_303 : i32 to vector<16xi32>
          %add3A_305 = arith.addi %iota3A, %add3A_304 : vector<16xi32>
          %gather3A_306 = arith.constant 0 : i32
          %gather3A_307 = arith.constant 0 : i32
          %gather3A_308 = tpu.memref_slice %arg10[%and3A_169, %gather3A_306, %gather3A_307] : memref<2x64x640xf32, #tpu.memory_space<vmem>> -> memref<1x64x640xf32, #tpu.memory_space<vmem>>
          %gather3A_309 = tpu.memref_squeeze %gather3A_308 : memref<1x64x640xf32, #tpu.memory_space<vmem>> -> memref<64x640xf32, #tpu.memory_space<vmem>>
          %gather3A_310 = tpu.vector_load_idx %gather3A_309[%add3A_305, %broadcast_in_dim3A_274] : memref<64x640xf32, #tpu.memory_space<vmem>>[vector<16xi32>, vector<16xi32>], vector<16xf32>,
          %mul3A_311 = arith.constant 64 : i32
          %mul3A_312 = arith.muli %and3A_268, %mul3A_311 : i32
          %add3A_313 = arith.constant 32 : i32
          %add3A_314 = arith.addi %mul3A_312, %add3A_313 : i32
          %swap3A_315 = arith.index_cast %add3A_314 : i32 to index
          %swap3A_316 = tpu.vector_load %arg11[%swap3A_315] {strides = array<i32>} : memref<4096xf32, #tpu.memory_space<vmem>>, vector<16xf32>,
          tpu.vector_store %arg11[%swap3A_315], %gather3A_310 {strides = array<i32>} : memref<4096xf32, #tpu.memory_space<vmem>>, vector<16xf32>,
          %add3A_317 = arith.constant 48 : i32
          %add3A_318 = vector.broadcast %add3A_317 : i32 to vector<16xi32>
          %add3A_319 = arith.addi %iota3A, %add3A_318 : vector<16xi32>
          %gather3A_320 = arith.constant 0 : i32
          %gather3A_321 = arith.constant 0 : i32
          %gather3A_322 = tpu.memref_slice %arg10[%and3A_169, %gather3A_320, %gather3A_321] : memref<2x64x640xf32, #tpu.memory_space<vmem>> -> memref<1x64x640xf32, #tpu.memory_space<vmem>>
          %gather3A_323 = tpu.memref_squeeze %gather3A_322 : memref<1x64x640xf32, #tpu.memory_space<vmem>> -> memref<64x640xf32, #tpu.memory_space<vmem>>
          %gather3A_324 = tpu.vector_load_idx %gather3A_323[%add3A_319, %broadcast_in_dim3A_274] : memref<64x640xf32, #tpu.memory_space<vmem>>[vector<16xi32>, vector<16xi32>], vector<16xf32>,
          %mul3A_325 = arith.constant 64 : i32
          %mul3A_326 = arith.muli %and3A_268, %mul3A_325 : i32
          %add3A_327 = arith.constant 48 : i32
          %add3A_328 = arith.addi %mul3A_326, %add3A_327 : i32
          %swap3A_329 = arith.index_cast %add3A_328 : i32 to index
          %swap3A_330 = tpu.vector_load %arg11[%swap3A_329] {strides = array<i32>} : memref<4096xf32, #tpu.memory_space<vmem>>, vector<16xf32>,
          tpu.vector_store %arg11[%swap3A_329], %gather3A_324 {strides = array<i32>} : memref<4096xf32, #tpu.memory_space<vmem>>, vector<16xf32>,
          %mul3A_331 = arith.constant 64 : i32
          %mul3A_332 = arith.muli %div3A_266, %mul3A_331 : i32
          %multiple_of3A_333 = tpu.assume_multiple %mul3A_332, 8 : i32
          %mul3A_334 = arith.constant 64 : i32
          %mul3A_335 = arith.muli %and3A_268, %mul3A_334 : i32
          %dma_start3A_336 = tpu.memref_slice %arg11[%mul3A_335] : memref<4096xf32, #tpu.memory_space<vmem>> -> memref<64xf32, #tpu.memory_space<vmem>>
          %dma_start3A_337 = tpu.memref_slice %arg7[%multiple_of3A_333] : memref<1048576xf32, #tpu.memory_space<hbm>> -> memref<64xf32, #tpu.memory_space<hbm>>
          %dma_start3A_338 = tpu.memref_slice %arg7[%multiple_of3A_333] : memref<1048576xf32, #tpu.memory_space<hbm>> -> memref<64xf32, #tpu.memory_space<hbm>>
          %dma_start3A_339 = tpu.memref_slice %arg11[%mul3A_335] : memref<4096xf32, #tpu.memory_space<vmem>> -> memref<64xf32, #tpu.memory_space<vmem>>
          tpu.enqueue_dma source(%dma_start3A_339 : memref<64xf32, #tpu.memory_space<vmem>>) target(%dma_start3A_338 : memref<64xf32, #tpu.memory_space<hbm>>) target_semaphore(%arg13 : memref<!tpu.dma_semaphore, #tpu.memory_space<semaphore_mem>>)
          %add3A_340 = arith.constant 1 : i32
          %add3A_341 = arith.addi %while3A_258, %add3A_340 : i32
          scf.yield %add3A_341 : i32
        }
        %while3A_220 = arith.constant 1 : i32
        %while3A_221 = scf.for %while3A_257 = %while3A_217 to %while3A_213 step %while3A_220 iter_args(%while3A_258 = %while3A_219) -> (i32)  : i32 {
          %get3A_259 = arith.index_cast %while3A_257 : i32 to index
          %get3A_260 = tpu.vector_load %arg12[%get3A_259] {strides = array<i32>} : memref<32xi32, #tpu.memory_space<vmem>>, vector<16xi32>,
          %slice3A_261 = vector.extract_strided_slice %get3A_260 {offsets = [0], sizes = [1], strides = [1]} : vector<16xi32> to vector<1xi32>
          %squeeze3A_262 = vector.extract %slice3A_261[0] : i32 from vector<1xi32>
          %rem3A_263 = arith.constant 640 : i32
          %rem3A_264 = arith.remsi %squeeze3A_262, %rem3A_263 : i32
          %div3A_265 = arith.constant 640 : i32
          %div3A_266 = arith.divsi %squeeze3A_262, %div3A_265 : i32
          %and3A_267 = arith.constant 63 : i32
          %and3A_268 = arith.andi %while3A_258, %and3A_267 : i32
          %ge3A_269 = arith.constant 64 : i32
          %ge3A_270 = arith.cmpi sge, %while3A_258, %ge3A_269 : i32
          %convert_element_type3A_271 = arith.extui %ge3A_270 : i1 to i32
          %cond3A_272 = arith.constant 0 : i32
          %cond3A_273 = arith.cmpi ne, %convert_element_type3A_271, %cond3A_272 : i32
          scf.if %cond3A_273 {
            %dma_wait3A = arith.constant 0 : i32
            %dma_wait3A_342 = tpu.memref_slice %arg11[%dma_wait3A] : memref<4096xf32, #tpu.memory_space<vmem>> -> memref<64xf32, #tpu.memory_space<vmem>>
            %dma_wait3A_343 = arith.constant 0 : i32
            %dma_wait3A_344 = tpu.memref_slice %arg7[%dma_wait3A_343] : memref<1048576xf32, #tpu.memory_space<hbm>> -> memref<64xf32, #tpu.memory_space<hbm>>
            %dma_wait3A_345 = arith.constant 0 : i32
            %dma_wait3A_346 = tpu.memref_slice %arg11[%dma_wait3A_345] : memref<4096xf32, #tpu.memory_space<vmem>> -> memref<64xf32, #tpu.memory_space<vmem>>
            %dma_wait3A_347 = arith.constant 0 : i32
            %dma_wait3A_348 = tpu.memref_slice %arg7[%dma_wait3A_347] : memref<1048576xf32, #tpu.memory_space<hbm>> -> memref<64xf32, #tpu.memory_space<hbm>>
            tpu.wait_dma2 semaphore(%arg13 : memref<!tpu.dma_semaphore, #tpu.memory_space<semaphore_mem>>) src(%dma_wait3A_348 : memref<64xf32, #tpu.memory_space<hbm>>) dst(%dma_wait3A_346 : memref<64xf32, #tpu.memory_space<vmem>>)
          } else {
          }
          %broadcast_in_dim3A_274 = vector.broadcast %rem3A_264 : i32 to vector<16xi32>
          %add3A_275 = arith.constant 0 : i32
          %add3A_276 = vector.broadcast %add3A_275 : i32 to vector<16xi32>
          %add3A_277 = arith.addi %iota3A, %add3A_276 : vector<16xi32>
          %gather3A_278 = arith.constant 0 : i32
          %gather3A_279 = arith.constant 0 : i32
          %gather3A_280 = tpu.memref_slice %arg10[%and3A_169, %gather3A_278, %gather3A_279] : memref<2x64x640xf32, #tpu.memory_space<vmem>> -> memref<1x64x640xf32, #tpu.memory_space<vmem>>
          %gather3A_281 = tpu.memref_squeeze %gather3A_280 : memref<1x64x640xf32, #tpu.memory_space<vmem>> -> memref<64x640xf32, #tpu.memory_space<vmem>>
          %gather3A_282 = tpu.vector_load_idx %gather3A_281[%add3A_277, %broadcast_in_dim3A_274] : memref<64x640xf32, #tpu.memory_space<vmem>>[vector<16xi32>, vector<16xi32>], vector<16xf32>,
          %mul3A_283 = arith.constant 64 : i32
          %mul3A_284 = arith.muli %and3A_268, %mul3A_283 : i32
          %add3A_285 = arith.constant 0 : i32
          %add3A_286 = arith.addi %mul3A_284, %add3A_285 : i32
          %swap3A_287 = arith.index_cast %add3A_286 : i32 to index
          %swap3A_288 = tpu.vector_load %arg11[%swap3A_287] {strides = array<i32>} : memref<4096xf32, #tpu.memory_space<vmem>>, vector<16xf32>,
          tpu.vector_store %arg11[%swap3A_287], %gather3A_282 {strides = array<i32>} : memref<4096xf32, #tpu.memory_space<vmem>>, vector<16xf32>,
          %add3A_289 = arith.constant 16 : i32
          %add3A_290 = vector.broadcast %add3A_289 : i32 to vector<16xi32>
          %add3A_291 = arith.addi %iota3A, %add3A_290 : vector<16xi32>
          %gather3A_292 = arith.constant 0 : i32
          %gather3A_293 = arith.constant 0 : i32
          %gather3A_294 = tpu.memref_slice %arg10[%and3A_169, %gather3A_292, %gather3A_293] : memref<2x64x640xf32, #tpu.memory_space<vmem>> -> memref<1x64x640xf32, #tpu.memory_space<vmem>>
          %gather3A_295 = tpu.memref_squeeze %gather3A_294 : memref<1x64x640xf32, #tpu.memory_space<vmem>> -> memref<64x640xf32, #tpu.memory_space<vmem>>
          %gather3A_296 = tpu.vector_load_idx %gather3A_295[%add3A_291, %broadcast_in_dim3A_274] : memref<64x640xf32, #tpu.memory_space<vmem>>[vector<16xi32>, vector<16xi32>], vector<16xf32>,
          %mul3A_297 = arith.constant 64 : i32
          %mul3A_298 = arith.muli %and3A_268, %mul3A_297 : i32
          %add3A_299 = arith.constant 16 : i32
          %add3A_300 = arith.addi %mul3A_298, %add3A_299 : i32
          %swap3A_301 = arith.index_cast %add3A_300 : i32 to index
          %swap3A_302 = tpu.vector_load %arg11[%swap3A_301] {strides = array<i32>} : memref<4096xf32, #tpu.memory_space<vmem>>, vector<16xf32>,
          tpu.vector_store %arg11[%swap3A_301], %gather3A_296 {strides = array<i32>} : memref<4096xf32, #tpu.memory_space<vmem>>, vector<16xf32>,
          %add3A_303 = arith.constant 32 : i32
          %add3A_304 = vector.broadcast %add3A_303 : i32 to vector<16xi32>
          %add3A_305 = arith.addi %iota3A, %add3A_304 : vector<16xi32>
          %gather3A_306 = arith.constant 0 : i32
          %gather3A_307 = arith.constant 0 : i32
          %gather3A_308 = tpu.memref_slice %arg10[%and3A_169, %gather3A_306, %gather3A_307] : memref<2x64x640xf32, #tpu.memory_space<vmem>> -> memref<1x64x640xf32, #tpu.memory_space<vmem>>
          %gather3A_309 = tpu.memref_squeeze %gather3A_308 : memref<1x64x640xf32, #tpu.memory_space<vmem>> -> memref<64x640xf32, #tpu.memory_space<vmem>>
          %gather3A_310 = tpu.vector_load_idx %gather3A_309[%add3A_305, %broadcast_in_dim3A_274] : memref<64x640xf32, #tpu.memory_space<vmem>>[vector<16xi32>, vector<16xi32>], vector<16xf32>,
          %mul3A_311 = arith.constant 64 : i32
          %mul3A_312 = arith.muli %and3A_268, %mul3A_311 : i32
          %add3A_313 = arith.constant 32 : i32
          %add3A_314 = arith.addi %mul3A_312, %add3A_313 : i32
          %swap3A_315 = arith.index_cast %add3A_314 : i32 to index
          %swap3A_316 = tpu.vector_load %arg11[%swap3A_315] {strides = array<i32>} : memref<4096xf32, #tpu.memory_space<vmem>>, vector<16xf32>,
          tpu.vector_store %arg11[%swap3A_315], %gather3A_310 {strides = array<i32>} : memref<4096xf32, #tpu.memory_space<vmem>>, vector<16xf32>,
          %add3A_317 = arith.constant 48 : i32
          %add3A_318 = vector.broadcast %add3A_317 : i32 to vector<16xi32>
          %add3A_319 = arith.addi %iota3A, %add3A_318 : vector<16xi32>
          %gather3A_320 = arith.constant 0 : i32
          %gather3A_321 = arith.constant 0 : i32
          %gather3A_322 = tpu.memref_slice %arg10[%and3A_169, %gather3A_320, %gather3A_321] : memref<2x64x640xf32, #tpu.memory_space<vmem>> -> memref<1x64x640xf32, #tpu.memory_space<vmem>>
          %gather3A_323 = tpu.memref_squeeze %gather3A_322 : memref<1x64x640xf32, #tpu.memory_space<vmem>> -> memref<64x640xf32, #tpu.memory_space<vmem>>
          %gather3A_324 = tpu.vector_load_idx %gather3A_323[%add3A_319, %broadcast_in_dim3A_274] : memref<64x640xf32, #tpu.memory_space<vmem>>[vector<16xi32>, vector<16xi32>], vector<16xf32>,
          %mul3A_325 = arith.constant 64 : i32
          %mul3A_326 = arith.muli %and3A_268, %mul3A_325 : i32
          %add3A_327 = arith.constant 48 : i32
          %add3A_328 = arith.addi %mul3A_326, %add3A_327 : i32
          %swap3A_329 = arith.index_cast %add3A_328 : i32 to index
          %swap3A_330 = tpu.vector_load %arg11[%swap3A_329] {strides = array<i32>} : memref<4096xf32, #tpu.memory_space<vmem>>, vector<16xf32>,
          tpu.vector_store %arg11[%swap3A_329], %gather3A_324 {strides = array<i32>} : memref<4096xf32, #tpu.memory_space<vmem>>, vector<16xf32>,
          %mul3A_331 = arith.constant 64 : i32
          %mul3A_332 = arith.muli %div3A_266, %mul3A_331 : i32
          %multiple_of3A_333 = tpu.assume_multiple %mul3A_332, 8 : i32
          %mul3A_334 = arith.constant 64 : i32
          %mul3A_335 = arith.muli %and3A_268, %mul3A_334 : i32
          %dma_start3A_336 = tpu.memref_slice %arg11[%mul3A_335] : memref<4096xf32, #tpu.memory_space<vmem>> -> memref<64xf32, #tpu.memory_space<vmem>>
          %dma_start3A_337 = tpu.memref_slice %arg7[%multiple_of3A_333] : memref<1048576xf32, #tpu.memory_space<hbm>> -> memref<64xf32, #tpu.memory_space<hbm>>
          %dma_start3A_338 = tpu.memref_slice %arg7[%multiple_of3A_333] : memref<1048576xf32, #tpu.memory_space<hbm>> -> memref<64xf32, #tpu.memory_space<hbm>>
          %dma_start3A_339 = tpu.memref_slice %arg11[%mul3A_335] : memref<4096xf32, #tpu.memory_space<vmem>> -> memref<64xf32, #tpu.memory_space<vmem>>
          tpu.enqueue_dma source(%dma_start3A_339 : memref<64xf32, #tpu.memory_space<vmem>>) target(%dma_start3A_338 : memref<64xf32, #tpu.memory_space<hbm>>) target_semaphore(%arg13 : memref<!tpu.dma_semaphore, #tpu.memory_space<semaphore_mem>>)
          %add3A_340 = arith.constant 1 : i32
          %add3A_341 = arith.addi %while3A_258, %add3A_340 : i32
          scf.yield %add3A_341 : i32
        }
        %mul3A_222 = arith.constant 2 : i32
        %mul3A_223 = arith.muli %mul3A_222, %while3A_194 : i32
        %add3A_224 = arith.constant 1 : i32
        %add3A_225 = arith.addi %mul3A_223, %add3A_224 : i32
        %mul3A_226 = arith.constant 16 : i32
        %mul3A_227 = arith.muli %add3A_225, %mul3A_226 : i32
        %get3A_228 = arith.index_cast %mul3A_227 : i32 to index
        %get3A_229 = tpu.vector_load %arg9[%get3A_228] {strides = array<i32>} : memref<16416xi32, #tpu.memory_space<vmem>>, vector<16xi32>,
        %gather3A_230 = tpu.vector_load_idx %arg8[%get3A_229] : memref<16384xi32, #tpu.memory_space<vmem>>[vector<16xi32>], vector<16xi32>,
        %ge3A_231 = vector.broadcast %multiple_of3A_150 : i32 to vector<16xi32>
        %ge3A_232 = arith.cmpi sge, %gather3A_230, %ge3A_231 : vector<16xi32>
        %add3A_233 = arith.constant 640 : i32
        %add3A_234 = arith.addi %multiple_of3A_150, %add3A_233 : i32
        %lt3A_235 = vector.broadcast %add3A_234 : i32 to vector<16xi32>
        %lt3A_236 = arith.cmpi slt, %gather3A_230, %lt3A_235 : vector<16xi32>
        %and3A_237 = arith.andi %ge3A_232, %lt3A_236 : vector<16xi1>
        %all_reduce_population_count3A_238 = tpu.all_reduce %and3A_237 {dim = 0 : i64, kind = #tpu.reduction_kind<sum>} : vector<16xi1> -> vector<16xi32>
        %slice3A_239 = vector.extract_strided_slice %all_reduce_population_count3A_238 {offsets = [0], sizes = [1], strides = [1]} : vector<16xi32> to vector<1xi32>
        %squeeze3A_240 = vector.extract %slice3A_239[0] : i32 from vector<1xi32>
        %gt3A_241 = arith.constant 0 : i32
        %gt3A_242 = arith.cmpi sgt, %squeeze3A_240, %gt3A_241 : i32
        %convert_element_type3A_243 = arith.extui %gt3A_242 : i1 to i32
        %cond3A_244 = arith.constant 0 : i32
        %cond3A_245 = arith.cmpi ne, %convert_element_type3A_243, %cond3A_244 : i32
        scf.if %cond3A_245 {
          %mul3A_257 = arith.constant 640 : i32
          %mul3A_258 = vector.broadcast %mul3A_257 : i32 to vector<16xi32>
          %mul3A_259 = arith.muli %get3A_229, %mul3A_258 : vector<16xi32>
          %sub3A_260 = vector.broadcast %multiple_of3A_150 : i32 to vector<16xi32>
          %sub3A_261 = arith.subi %gather3A_230, %sub3A_260 : vector<16xi32>
          %add3A_262 = arith.addi %mul3A_259, %sub3A_261 : vector<16xi32>
          %jit3A_263 = arith.constant 0 : i32
          %jit3A_264 = arith.constant 1 : i32
          %broadcast_in_dim3A_265 = vector.broadcast %jit3A_263 : i32 to vector<16xi32>
          %broadcast_in_dim3A_266 = vector.broadcast %jit3A_264 : i32 to vector<16xi32>
          %select_n3A_267 = arith.select %and3A_237, %broadcast_in_dim3A_265, %broadcast_in_dim3A_266 : vector<16xi1>, vector<16xi32>
          %masked_sort3A = arith.constant dense<true> : vector<16xi1>
          %masked_sort3A_268 = arith.constant -2147483648 : i32
          %masked_sort3A_269 = vector.broadcast %masked_sort3A_268 : i32 to vector<16xi32>
          %masked_sort3A_270 = arith.xori %select_n3A_267, %masked_sort3A_269 : vector<16xi32>
          %masked_sort3A_271, %masked_sort3A_272, %masked_sort3A_273 = tpu.sort %masked_sort3A_270, %add3A_262 masked %masked_sort3A : (vector<16xi32>, vector<16xi32>, vector<16xi1>) -> (vector<16xi1>, vector<16xi32>, vector<16xi32>)
          %masked_sort3A_274 = arith.xori %masked_sort3A_272, %masked_sort3A_269 : vector<16xi32>
          %swap3A_275 = arith.constant 0 : index
          %swap3A_276 = tpu.vector_load %arg12[%swap3A_275] {strides = array<i32>} : memref<32xi32, #tpu.memory_space<vmem>>, vector<16xi32>,
          tpu.vector_store %arg12[%swap3A_275], %masked_sort3A_273 {strides = array<i32>} : memref<32xi32, #tpu.memory_space<vmem>>, vector<16xi32>,
        } else {
        }
        %while3A_246 = arith.constant 0 : i32
        %while3A_247 = arith.subi %squeeze3A_240, %while3A_246 : i32
        %while3A_248 = arith.addi %while3A_246, %while3A_247 : i32
        %while3A_249 = arith.constant 1 : i32
        %while3A_250 = arith.divsi %while3A_247, %while3A_249 : i32
        %while3A_251 = arith.muli %while3A_250, %while3A_249 : i32
        %while3A_252 = arith.addi %while3A_246, %while3A_251 : i32
        %while3A_253 = arith.constant 1 : i32
        %while3A_254 = scf.for %while3A_257 = %while3A_246 to %while3A_252 step %while3A_253 iter_args(%while3A_258 = %while3A_221) -> (i32)  : i32 {
          %get3A_259 = arith.index_cast %while3A_257 : i32 to index
          %get3A_260 = tpu.vector_load %arg12[%get3A_259] {strides = array<i32>} : memref<32xi32, #tpu.memory_space<vmem>>, vector<16xi32>,
          %slice3A_261 = vector.extract_strided_slice %get3A_260 {offsets = [0], sizes = [1], strides = [1]} : vector<16xi32> to vector<1xi32>
          %squeeze3A_262 = vector.extract %slice3A_261[0] : i32 from vector<1xi32>
          %rem3A_263 = arith.constant 640 : i32
          %rem3A_264 = arith.remsi %squeeze3A_262, %rem3A_263 : i32
          %div3A_265 = arith.constant 640 : i32
          %div3A_266 = arith.divsi %squeeze3A_262, %div3A_265 : i32
          %and3A_267 = arith.constant 63 : i32
          %and3A_268 = arith.andi %while3A_258, %and3A_267 : i32
          %ge3A_269 = arith.constant 64 : i32
          %ge3A_270 = arith.cmpi sge, %while3A_258, %ge3A_269 : i32
          %convert_element_type3A_271 = arith.extui %ge3A_270 : i1 to i32
          %cond3A_272 = arith.constant 0 : i32
          %cond3A_273 = arith.cmpi ne, %convert_element_type3A_271, %cond3A_272 : i32
          scf.if %cond3A_273 {
            %dma_wait3A = arith.constant 0 : i32
            %dma_wait3A_342 = tpu.memref_slice %arg11[%dma_wait3A] : memref<4096xf32, #tpu.memory_space<vmem>> -> memref<64xf32, #tpu.memory_space<vmem>>
            %dma_wait3A_343 = arith.constant 0 : i32
            %dma_wait3A_344 = tpu.memref_slice %arg7[%dma_wait3A_343] : memref<1048576xf32, #tpu.memory_space<hbm>> -> memref<64xf32, #tpu.memory_space<hbm>>
            %dma_wait3A_345 = arith.constant 0 : i32
            %dma_wait3A_346 = tpu.memref_slice %arg11[%dma_wait3A_345] : memref<4096xf32, #tpu.memory_space<vmem>> -> memref<64xf32, #tpu.memory_space<vmem>>
            %dma_wait3A_347 = arith.constant 0 : i32
            %dma_wait3A_348 = tpu.memref_slice %arg7[%dma_wait3A_347] : memref<1048576xf32, #tpu.memory_space<hbm>> -> memref<64xf32, #tpu.memory_space<hbm>>
            tpu.wait_dma2 semaphore(%arg13 : memref<!tpu.dma_semaphore, #tpu.memory_space<semaphore_mem>>) src(%dma_wait3A_348 : memref<64xf32, #tpu.memory_space<hbm>>) dst(%dma_wait3A_346 : memref<64xf32, #tpu.memory_space<vmem>>)
          } else {
          }
          %broadcast_in_dim3A_274 = vector.broadcast %rem3A_264 : i32 to vector<16xi32>
          %add3A_275 = arith.constant 0 : i32
          %add3A_276 = vector.broadcast %add3A_275 : i32 to vector<16xi32>
          %add3A_277 = arith.addi %iota3A, %add3A_276 : vector<16xi32>
          %gather3A_278 = arith.constant 0 : i32
          %gather3A_279 = arith.constant 0 : i32
          %gather3A_280 = tpu.memref_slice %arg10[%and3A_169, %gather3A_278, %gather3A_279] : memref<2x64x640xf32, #tpu.memory_space<vmem>> -> memref<1x64x640xf32, #tpu.memory_space<vmem>>
          %gather3A_281 = tpu.memref_squeeze %gather3A_280 : memref<1x64x640xf32, #tpu.memory_space<vmem>> -> memref<64x640xf32, #tpu.memory_space<vmem>>
          %gather3A_282 = tpu.vector_load_idx %gather3A_281[%add3A_277, %broadcast_in_dim3A_274] : memref<64x640xf32, #tpu.memory_space<vmem>>[vector<16xi32>, vector<16xi32>], vector<16xf32>,
          %mul3A_283 = arith.constant 64 : i32
          %mul3A_284 = arith.muli %and3A_268, %mul3A_283 : i32
          %add3A_285 = arith.constant 0 : i32
          %add3A_286 = arith.addi %mul3A_284, %add3A_285 : i32
          %swap3A_287 = arith.index_cast %add3A_286 : i32 to index
          %swap3A_288 = tpu.vector_load %arg11[%swap3A_287] {strides = array<i32>} : memref<4096xf32, #tpu.memory_space<vmem>>, vector<16xf32>,
          tpu.vector_store %arg11[%swap3A_287], %gather3A_282 {strides = array<i32>} : memref<4096xf32, #tpu.memory_space<vmem>>, vector<16xf32>,
          %add3A_289 = arith.constant 16 : i32
          %add3A_290 = vector.broadcast %add3A_289 : i32 to vector<16xi32>
          %add3A_291 = arith.addi %iota3A, %add3A_290 : vector<16xi32>
          %gather3A_292 = arith.constant 0 : i32
          %gather3A_293 = arith.constant 0 : i32
          %gather3A_294 = tpu.memref_slice %arg10[%and3A_169, %gather3A_292, %gather3A_293] : memref<2x64x640xf32, #tpu.memory_space<vmem>> -> memref<1x64x640xf32, #tpu.memory_space<vmem>>
          %gather3A_295 = tpu.memref_squeeze %gather3A_294 : memref<1x64x640xf32, #tpu.memory_space<vmem>> -> memref<64x640xf32, #tpu.memory_space<vmem>>
          %gather3A_296 = tpu.vector_load_idx %gather3A_295[%add3A_291, %broadcast_in_dim3A_274] : memref<64x640xf32, #tpu.memory_space<vmem>>[vector<16xi32>, vector<16xi32>], vector<16xf32>,
          %mul3A_297 = arith.constant 64 : i32
          %mul3A_298 = arith.muli %and3A_268, %mul3A_297 : i32
          %add3A_299 = arith.constant 16 : i32
          %add3A_300 = arith.addi %mul3A_298, %add3A_299 : i32
          %swap3A_301 = arith.index_cast %add3A_300 : i32 to index
          %swap3A_302 = tpu.vector_load %arg11[%swap3A_301] {strides = array<i32>} : memref<4096xf32, #tpu.memory_space<vmem>>, vector<16xf32>,
          tpu.vector_store %arg11[%swap3A_301], %gather3A_296 {strides = array<i32>} : memref<4096xf32, #tpu.memory_space<vmem>>, vector<16xf32>,
          %add3A_303 = arith.constant 32 : i32
          %add3A_304 = vector.broadcast %add3A_303 : i32 to vector<16xi32>
          %add3A_305 = arith.addi %iota3A, %add3A_304 : vector<16xi32>
          %gather3A_306 = arith.constant 0 : i32
          %gather3A_307 = arith.constant 0 : i32
          %gather3A_308 = tpu.memref_slice %arg10[%and3A_169, %gather3A_306, %gather3A_307] : memref<2x64x640xf32, #tpu.memory_space<vmem>> -> memref<1x64x640xf32, #tpu.memory_space<vmem>>
          %gather3A_309 = tpu.memref_squeeze %gather3A_308 : memref<1x64x640xf32, #tpu.memory_space<vmem>> -> memref<64x640xf32, #tpu.memory_space<vmem>>
          %gather3A_310 = tpu.vector_load_idx %gather3A_309[%add3A_305, %broadcast_in_dim3A_274] : memref<64x640xf32, #tpu.memory_space<vmem>>[vector<16xi32>, vector<16xi32>], vector<16xf32>,
          %mul3A_311 = arith.constant 64 : i32
          %mul3A_312 = arith.muli %and3A_268, %mul3A_311 : i32
          %add3A_313 = arith.constant 32 : i32
          %add3A_314 = arith.addi %mul3A_312, %add3A_313 : i32
          %swap3A_315 = arith.index_cast %add3A_314 : i32 to index
          %swap3A_316 = tpu.vector_load %arg11[%swap3A_315] {strides = array<i32>} : memref<4096xf32, #tpu.memory_space<vmem>>, vector<16xf32>,
          tpu.vector_store %arg11[%swap3A_315], %gather3A_310 {strides = array<i32>} : memref<4096xf32, #tpu.memory_space<vmem>>, vector<16xf32>,
          %add3A_317 = arith.constant 48 : i32
          %add3A_318 = vector.broadcast %add3A_317 : i32 to vector<16xi32>
          %add3A_319 = arith.addi %iota3A, %add3A_318 : vector<16xi32>
          %gather3A_320 = arith.constant 0 : i32
          %gather3A_321 = arith.constant 0 : i32
          %gather3A_322 = tpu.memref_slice %arg10[%and3A_169, %gather3A_320, %gather3A_321] : memref<2x64x640xf32, #tpu.memory_space<vmem>> -> memref<1x64x640xf32, #tpu.memory_space<vmem>>
          %gather3A_323 = tpu.memref_squeeze %gather3A_322 : memref<1x64x640xf32, #tpu.memory_space<vmem>> -> memref<64x640xf32, #tpu.memory_space<vmem>>
          %gather3A_324 = tpu.vector_load_idx %gather3A_323[%add3A_319, %broadcast_in_dim3A_274] : memref<64x640xf32, #tpu.memory_space<vmem>>[vector<16xi32>, vector<16xi32>], vector<16xf32>,
          %mul3A_325 = arith.constant 64 : i32
          %mul3A_326 = arith.muli %and3A_268, %mul3A_325 : i32
          %add3A_327 = arith.constant 48 : i32
          %add3A_328 = arith.addi %mul3A_326, %add3A_327 : i32
          %swap3A_329 = arith.index_cast %add3A_328 : i32 to index
          %swap3A_330 = tpu.vector_load %arg11[%swap3A_329] {strides = array<i32>} : memref<4096xf32, #tpu.memory_space<vmem>>, vector<16xf32>,
          tpu.vector_store %arg11[%swap3A_329], %gather3A_324 {strides = array<i32>} : memref<4096xf32, #tpu.memory_space<vmem>>, vector<16xf32>,
          %mul3A_331 = arith.constant 64 : i32
          %mul3A_332 = arith.muli %div3A_266, %mul3A_331 : i32
          %multiple_of3A_333 = tpu.assume_multiple %mul3A_332, 8 : i32
          %mul3A_334 = arith.constant 64 : i32
          %mul3A_335 = arith.muli %and3A_268, %mul3A_334 : i32
          %dma_start3A_336 = tpu.memref_slice %arg11[%mul3A_335] : memref<4096xf32, #tpu.memory_space<vmem>> -> memref<64xf32, #tpu.memory_space<vmem>>
          %dma_start3A_337 = tpu.memref_slice %arg7[%multiple_of3A_333] : memref<1048576xf32, #tpu.memory_space<hbm>> -> memref<64xf32, #tpu.memory_space<hbm>>
          %dma_start3A_338 = tpu.memref_slice %arg7[%multiple_of3A_333] : memref<1048576xf32, #tpu.memory_space<hbm>> -> memref<64xf32, #tpu.memory_space<hbm>>
          %dma_start3A_339 = tpu.memref_slice %arg11[%mul3A_335] : memref<4096xf32, #tpu.memory_space<vmem>> -> memref<64xf32, #tpu.memory_space<vmem>>
          tpu.enqueue_dma source(%dma_start3A_339 : memref<64xf32, #tpu.memory_space<vmem>>) target(%dma_start3A_338 : memref<64xf32, #tpu.memory_space<hbm>>) target_semaphore(%arg13 : memref<!tpu.dma_semaphore, #tpu.memory_space<semaphore_mem>>)
          %add3A_340 = arith.constant 1 : i32
          %add3A_341 = arith.addi %while3A_258, %add3A_340 : i32
          scf.yield %add3A_341 : i32
        }
        %while3A_255 = arith.constant 1 : i32
        %while3A_256 = scf.for %while3A_257 = %while3A_252 to %while3A_248 step %while3A_255 iter_args(%while3A_258 = %while3A_254) -> (i32)  : i32 {
          %get3A_259 = arith.index_cast %while3A_257 : i32 to index
          %get3A_260 = tpu.vector_load %arg12[%get3A_259] {strides = array<i32>} : memref<32xi32, #tpu.memory_space<vmem>>, vector<16xi32>,
          %slice3A_261 = vector.extract_strided_slice %get3A_260 {offsets = [0], sizes = [1], strides = [1]} : vector<16xi32> to vector<1xi32>
          %squeeze3A_262 = vector.extract %slice3A_261[0] : i32 from vector<1xi32>
          %rem3A_263 = arith.constant 640 : i32
          %rem3A_264 = arith.remsi %squeeze3A_262, %rem3A_263 : i32
          %div3A_265 = arith.constant 640 : i32
          %div3A_266 = arith.divsi %squeeze3A_262, %div3A_265 : i32
          %and3A_267 = arith.constant 63 : i32
          %and3A_268 = arith.andi %while3A_258, %and3A_267 : i32
          %ge3A_269 = arith.constant 64 : i32
          %ge3A_270 = arith.cmpi sge, %while3A_258, %ge3A_269 : i32
          %convert_element_type3A_271 = arith.extui %ge3A_270 : i1 to i32
          %cond3A_272 = arith.constant 0 : i32
          %cond3A_273 = arith.cmpi ne, %convert_element_type3A_271, %cond3A_272 : i32
          scf.if %cond3A_273 {
            %dma_wait3A = arith.constant 0 : i32
            %dma_wait3A_342 = tpu.memref_slice %arg11[%dma_wait3A] : memref<4096xf32, #tpu.memory_space<vmem>> -> memref<64xf32, #tpu.memory_space<vmem>>
            %dma_wait3A_343 = arith.constant 0 : i32
            %dma_wait3A_344 = tpu.memref_slice %arg7[%dma_wait3A_343] : memref<1048576xf32, #tpu.memory_space<hbm>> -> memref<64xf32, #tpu.memory_space<hbm>>
            %dma_wait3A_345 = arith.constant 0 : i32
            %dma_wait3A_346 = tpu.memref_slice %arg11[%dma_wait3A_345] : memref<4096xf32, #tpu.memory_space<vmem>> -> memref<64xf32, #tpu.memory_space<vmem>>
            %dma_wait3A_347 = arith.constant 0 : i32
            %dma_wait3A_348 = tpu.memref_slice %arg7[%dma_wait3A_347] : memref<1048576xf32, #tpu.memory_space<hbm>> -> memref<64xf32, #tpu.memory_space<hbm>>
            tpu.wait_dma2 semaphore(%arg13 : memref<!tpu.dma_semaphore, #tpu.memory_space<semaphore_mem>>) src(%dma_wait3A_348 : memref<64xf32, #tpu.memory_space<hbm>>) dst(%dma_wait3A_346 : memref<64xf32, #tpu.memory_space<vmem>>)
          } else {
          }
          %broadcast_in_dim3A_274 = vector.broadcast %rem3A_264 : i32 to vector<16xi32>
          %add3A_275 = arith.constant 0 : i32
          %add3A_276 = vector.broadcast %add3A_275 : i32 to vector<16xi32>
          %add3A_277 = arith.addi %iota3A, %add3A_276 : vector<16xi32>
          %gather3A_278 = arith.constant 0 : i32
          %gather3A_279 = arith.constant 0 : i32
          %gather3A_280 = tpu.memref_slice %arg10[%and3A_169, %gather3A_278, %gather3A_279] : memref<2x64x640xf32, #tpu.memory_space<vmem>> -> memref<1x64x640xf32, #tpu.memory_space<vmem>>
          %gather3A_281 = tpu.memref_squeeze %gather3A_280 : memref<1x64x640xf32, #tpu.memory_space<vmem>> -> memref<64x640xf32, #tpu.memory_space<vmem>>
          %gather3A_282 = tpu.vector_load_idx %gather3A_281[%add3A_277, %broadcast_in_dim3A_274] : memref<64x640xf32, #tpu.memory_space<vmem>>[vector<16xi32>, vector<16xi32>], vector<16xf32>,
          %mul3A_283 = arith.constant 64 : i32
          %mul3A_284 = arith.muli %and3A_268, %mul3A_283 : i32
          %add3A_285 = arith.constant 0 : i32
          %add3A_286 = arith.addi %mul3A_284, %add3A_285 : i32
          %swap3A_287 = arith.index_cast %add3A_286 : i32 to index
          %swap3A_288 = tpu.vector_load %arg11[%swap3A_287] {strides = array<i32>} : memref<4096xf32, #tpu.memory_space<vmem>>, vector<16xf32>,
          tpu.vector_store %arg11[%swap3A_287], %gather3A_282 {strides = array<i32>} : memref<4096xf32, #tpu.memory_space<vmem>>, vector<16xf32>,
          %add3A_289 = arith.constant 16 : i32
          %add3A_290 = vector.broadcast %add3A_289 : i32 to vector<16xi32>
          %add3A_291 = arith.addi %iota3A, %add3A_290 : vector<16xi32>
          %gather3A_292 = arith.constant 0 : i32
          %gather3A_293 = arith.constant 0 : i32
          %gather3A_294 = tpu.memref_slice %arg10[%and3A_169, %gather3A_292, %gather3A_293] : memref<2x64x640xf32, #tpu.memory_space<vmem>> -> memref<1x64x640xf32, #tpu.memory_space<vmem>>
          %gather3A_295 = tpu.memref_squeeze %gather3A_294 : memref<1x64x640xf32, #tpu.memory_space<vmem>> -> memref<64x640xf32, #tpu.memory_space<vmem>>
          %gather3A_296 = tpu.vector_load_idx %gather3A_295[%add3A_291, %broadcast_in_dim3A_274] : memref<64x640xf32, #tpu.memory_space<vmem>>[vector<16xi32>, vector<16xi32>], vector<16xf32>,
          %mul3A_297 = arith.constant 64 : i32
          %mul3A_298 = arith.muli %and3A_268, %mul3A_297 : i32
          %add3A_299 = arith.constant 16 : i32
          %add3A_300 = arith.addi %mul3A_298, %add3A_299 : i32
          %swap3A_301 = arith.index_cast %add3A_300 : i32 to index
          %swap3A_302 = tpu.vector_load %arg11[%swap3A_301] {strides = array<i32>} : memref<4096xf32, #tpu.memory_space<vmem>>, vector<16xf32>,
          tpu.vector_store %arg11[%swap3A_301], %gather3A_296 {strides = array<i32>} : memref<4096xf32, #tpu.memory_space<vmem>>, vector<16xf32>,
          %add3A_303 = arith.constant 32 : i32
          %add3A_304 = vector.broadcast %add3A_303 : i32 to vector<16xi32>
          %add3A_305 = arith.addi %iota3A, %add3A_304 : vector<16xi32>
          %gather3A_306 = arith.constant 0 : i32
          %gather3A_307 = arith.constant 0 : i32
          %gather3A_308 = tpu.memref_slice %arg10[%and3A_169, %gather3A_306, %gather3A_307] : memref<2x64x640xf32, #tpu.memory_space<vmem>> -> memref<1x64x640xf32, #tpu.memory_space<vmem>>
          %gather3A_309 = tpu.memref_squeeze %gather3A_308 : memref<1x64x640xf32, #tpu.memory_space<vmem>> -> memref<64x640xf32, #tpu.memory_space<vmem>>
          %gather3A_310 = tpu.vector_load_idx %gather3A_309[%add3A_305, %broadcast_in_dim3A_274] : memref<64x640xf32, #tpu.memory_space<vmem>>[vector<16xi32>, vector<16xi32>], vector<16xf32>,
          %mul3A_311 = arith.constant 64 : i32
          %mul3A_312 = arith.muli %and3A_268, %mul3A_311 : i32
          %add3A_313 = arith.constant 32 : i32
          %add3A_314 = arith.addi %mul3A_312, %add3A_313 : i32
          %swap3A_315 = arith.index_cast %add3A_314 : i32 to index
          %swap3A_316 = tpu.vector_load %arg11[%swap3A_315] {strides = array<i32>} : memref<4096xf32, #tpu.memory_space<vmem>>, vector<16xf32>,
          tpu.vector_store %arg11[%swap3A_315], %gather3A_310 {strides = array<i32>} : memref<4096xf32, #tpu.memory_space<vmem>>, vector<16xf32>,
          %add3A_317 = arith.constant 48 : i32
          %add3A_318 = vector.broadcast %add3A_317 : i32 to vector<16xi32>
          %add3A_319 = arith.addi %iota3A, %add3A_318 : vector<16xi32>
          %gather3A_320 = arith.constant 0 : i32
          %gather3A_321 = arith.constant 0 : i32
          %gather3A_322 = tpu.memref_slice %arg10[%and3A_169, %gather3A_320, %gather3A_321] : memref<2x64x640xf32, #tpu.memory_space<vmem>> -> memref<1x64x640xf32, #tpu.memory_space<vmem>>
          %gather3A_323 = tpu.memref_squeeze %gather3A_322 : memref<1x64x640xf32, #tpu.memory_space<vmem>> -> memref<64x640xf32, #tpu.memory_space<vmem>>
          %gather3A_324 = tpu.vector_load_idx %gather3A_323[%add3A_319, %broadcast_in_dim3A_274] : memref<64x640xf32, #tpu.memory_space<vmem>>[vector<16xi32>, vector<16xi32>], vector<16xf32>,
          %mul3A_325 = arith.constant 64 : i32
          %mul3A_326 = arith.muli %and3A_268, %mul3A_325 : i32
          %add3A_327 = arith.constant 48 : i32
          %add3A_328 = arith.addi %mul3A_326, %add3A_327 : i32
          %swap3A_329 = arith.index_cast %add3A_328 : i32 to index
          %swap3A_330 = tpu.vector_load %arg11[%swap3A_329] {strides = array<i32>} : memref<4096xf32, #tpu.memory_space<vmem>>, vector<16xf32>,
          tpu.vector_store %arg11[%swap3A_329], %gather3A_324 {strides = array<i32>} : memref<4096xf32, #tpu.memory_space<vmem>>, vector<16xf32>,
          %mul3A_331 = arith.constant 64 : i32
          %mul3A_332 = arith.muli %div3A_266, %mul3A_331 : i32
          %multiple_of3A_333 = tpu.assume_multiple %mul3A_332, 8 : i32
          %mul3A_334 = arith.constant 64 : i32
          %mul3A_335 = arith.muli %and3A_268, %mul3A_334 : i32
          %dma_start3A_336 = tpu.memref_slice %arg11[%mul3A_335] : memref<4096xf32, #tpu.memory_space<vmem>> -> memref<64xf32, #tpu.memory_space<vmem>>
          %dma_start3A_337 = tpu.memref_slice %arg7[%multiple_of3A_333] : memref<1048576xf32, #tpu.memory_space<hbm>> -> memref<64xf32, #tpu.memory_space<hbm>>
          %dma_start3A_338 = tpu.memref_slice %arg7[%multiple_of3A_333] : memref<1048576xf32, #tpu.memory_space<hbm>> -> memref<64xf32, #tpu.memory_space<hbm>>
          %dma_start3A_339 = tpu.memref_slice %arg11[%mul3A_335] : memref<4096xf32, #tpu.memory_space<vmem>> -> memref<64xf32, #tpu.memory_space<vmem>>
          tpu.enqueue_dma source(%dma_start3A_339 : memref<64xf32, #tpu.memory_space<vmem>>) target(%dma_start3A_338 : memref<64xf32, #tpu.memory_space<hbm>>) target_semaphore(%arg13 : memref<!tpu.dma_semaphore, #tpu.memory_space<semaphore_mem>>)
          %add3A_340 = arith.constant 1 : i32
          %add3A_341 = arith.addi %while3A_258, %add3A_340 : i32
          scf.yield %add3A_341 : i32
        }
        scf.yield %while3A_256 : i32
      }
      %while3A_180 = arith.constant 1 : i32
      %while3A_181 = scf.for %while3A_194 = %while3A_177 to %while3A_173 step %while3A_180 iter_args(%while3A_195 = %while3A_179) -> (i32)  : i32 {
        %mul3A_196 = arith.constant 2 : i32
        %mul3A_197 = arith.muli %mul3A_196, %while3A_194 : i32
        %mul3A_198 = arith.constant 16 : i32
        %mul3A_199 = arith.muli %mul3A_197, %mul3A_198 : i32
        %get3A = arith.index_cast %mul3A_199 : i32 to index
        %get3A_200 = tpu.vector_load %arg9[%get3A] {strides = array<i32>} : memref<16416xi32, #tpu.memory_space<vmem>>, vector<16xi32>,
        %gather3A = tpu.vector_load_idx %arg8[%get3A_200] : memref<16384xi32, #tpu.memory_space<vmem>>[vector<16xi32>], vector<16xi32>,
        %ge3A = vector.broadcast %multiple_of3A_150 : i32 to vector<16xi32>
        %ge3A_201 = arith.cmpi sge, %gather3A, %ge3A : vector<16xi32>
        %add3A_202 = arith.constant 640 : i32
        %add3A_203 = arith.addi %multiple_of3A_150, %add3A_202 : i32
        %lt3A_204 = vector.broadcast %add3A_203 : i32 to vector<16xi32>
        %lt3A_205 = arith.cmpi slt, %gather3A, %lt3A_204 : vector<16xi32>
        %and3A_206 = arith.andi %ge3A_201, %lt3A_205 : vector<16xi1>
        %all_reduce_population_count3A = tpu.all_reduce %and3A_206 {dim = 0 : i64, kind = #tpu.reduction_kind<sum>} : vector<16xi1> -> vector<16xi32>
        %slice3A = vector.extract_strided_slice %all_reduce_population_count3A {offsets = [0], sizes = [1], strides = [1]} : vector<16xi32> to vector<1xi32>
        %squeeze3A = vector.extract %slice3A[0] : i32 from vector<1xi32>
        %gt3A = arith.constant 0 : i32
        %gt3A_207 = arith.cmpi sgt, %squeeze3A, %gt3A : i32
        %convert_element_type3A_208 = arith.extui %gt3A_207 : i1 to i32
        %cond3A_209 = arith.constant 0 : i32
        %cond3A_210 = arith.cmpi ne, %convert_element_type3A_208, %cond3A_209 : i32
        scf.if %cond3A_210 {
          %mul3A_257 = arith.constant 640 : i32
          %mul3A_258 = vector.broadcast %mul3A_257 : i32 to vector<16xi32>
          %mul3A_259 = arith.muli %get3A_200, %mul3A_258 : vector<16xi32>
          %sub3A_260 = vector.broadcast %multiple_of3A_150 : i32 to vector<16xi32>
          %sub3A_261 = arith.subi %gather3A, %sub3A_260 : vector<16xi32>
          %add3A_262 = arith.addi %mul3A_259, %sub3A_261 : vector<16xi32>
          %jit3A_263 = arith.constant 0 : i32
          %jit3A_264 = arith.constant 1 : i32
          %broadcast_in_dim3A_265 = vector.broadcast %jit3A_263 : i32 to vector<16xi32>
          %broadcast_in_dim3A_266 = vector.broadcast %jit3A_264 : i32 to vector<16xi32>
          %select_n3A_267 = arith.select %and3A_206, %broadcast_in_dim3A_265, %broadcast_in_dim3A_266 : vector<16xi1>, vector<16xi32>
          %masked_sort3A = arith.constant dense<true> : vector<16xi1>
          %masked_sort3A_268 = arith.constant -2147483648 : i32
          %masked_sort3A_269 = vector.broadcast %masked_sort3A_268 : i32 to vector<16xi32>
          %masked_sort3A_270 = arith.xori %select_n3A_267, %masked_sort3A_269 : vector<16xi32>
          %masked_sort3A_271, %masked_sort3A_272, %masked_sort3A_273 = tpu.sort %masked_sort3A_270, %add3A_262 masked %masked_sort3A : (vector<16xi32>, vector<16xi32>, vector<16xi1>) -> (vector<16xi1>, vector<16xi32>, vector<16xi32>)
          %masked_sort3A_274 = arith.xori %masked_sort3A_272, %masked_sort3A_269 : vector<16xi32>
          %swap3A_275 = arith.constant 0 : index
          %swap3A_276 = tpu.vector_load %arg12[%swap3A_275] {strides = array<i32>} : memref<32xi32, #tpu.memory_space<vmem>>, vector<16xi32>,
          tpu.vector_store %arg12[%swap3A_275], %masked_sort3A_273 {strides = array<i32>} : memref<32xi32, #tpu.memory_space<vmem>>, vector<16xi32>,
        } else {
        }
        %while3A_211 = arith.constant 0 : i32
        %while3A_212 = arith.subi %squeeze3A, %while3A_211 : i32
        %while3A_213 = arith.addi %while3A_211, %while3A_212 : i32
        %while3A_214 = arith.constant 1 : i32
        %while3A_215 = arith.divsi %while3A_212, %while3A_214 : i32
        %while3A_216 = arith.muli %while3A_215, %while3A_214 : i32
        %while3A_217 = arith.addi %while3A_211, %while3A_216 : i32
        %while3A_218 = arith.constant 1 : i32
        %while3A_219 = scf.for %while3A_257 = %while3A_211 to %while3A_217 step %while3A_218 iter_args(%while3A_258 = %while3A_195) -> (i32)  : i32 {
          %get3A_259 = arith.index_cast %while3A_257 : i32 to index
          %get3A_260 = tpu.vector_load %arg12[%get3A_259] {strides = array<i32>} : memref<32xi32, #tpu.memory_space<vmem>>, vector<16xi32>,
          %slice3A_261 = vector.extract_strided_slice %get3A_260 {offsets = [0], sizes = [1], strides = [1]} : vector<16xi32> to vector<1xi32>
          %squeeze3A_262 = vector.extract %slice3A_261[0] : i32 from vector<1xi32>
          %rem3A_263 = arith.constant 640 : i32
          %rem3A_264 = arith.remsi %squeeze3A_262, %rem3A_263 : i32
          %div3A_265 = arith.constant 640 : i32
          %div3A_266 = arith.divsi %squeeze3A_262, %div3A_265 : i32
          %and3A_267 = arith.constant 63 : i32
          %and3A_268 = arith.andi %while3A_258, %and3A_267 : i32
          %ge3A_269 = arith.constant 64 : i32
          %ge3A_270 = arith.cmpi sge, %while3A_258, %ge3A_269 : i32
          %convert_element_type3A_271 = arith.extui %ge3A_270 : i1 to i32
          %cond3A_272 = arith.constant 0 : i32
          %cond3A_273 = arith.cmpi ne, %convert_element_type3A_271, %cond3A_272 : i32
          scf.if %cond3A_273 {
            %dma_wait3A = arith.constant 0 : i32
            %dma_wait3A_342 = tpu.memref_slice %arg11[%dma_wait3A] : memref<4096xf32, #tpu.memory_space<vmem>> -> memref<64xf32, #tpu.memory_space<vmem>>
            %dma_wait3A_343 = arith.constant 0 : i32
            %dma_wait3A_344 = tpu.memref_slice %arg7[%dma_wait3A_343] : memref<1048576xf32, #tpu.memory_space<hbm>> -> memref<64xf32, #tpu.memory_space<hbm>>
            %dma_wait3A_345 = arith.constant 0 : i32
            %dma_wait3A_346 = tpu.memref_slice %arg11[%dma_wait3A_345] : memref<4096xf32, #tpu.memory_space<vmem>> -> memref<64xf32, #tpu.memory_space<vmem>>
            %dma_wait3A_347 = arith.constant 0 : i32
            %dma_wait3A_348 = tpu.memref_slice %arg7[%dma_wait3A_347] : memref<1048576xf32, #tpu.memory_space<hbm>> -> memref<64xf32, #tpu.memory_space<hbm>>
            tpu.wait_dma2 semaphore(%arg13 : memref<!tpu.dma_semaphore, #tpu.memory_space<semaphore_mem>>) src(%dma_wait3A_348 : memref<64xf32, #tpu.memory_space<hbm>>) dst(%dma_wait3A_346 : memref<64xf32, #tpu.memory_space<vmem>>)
          } else {
          }
          %broadcast_in_dim3A_274 = vector.broadcast %rem3A_264 : i32 to vector<16xi32>
          %add3A_275 = arith.constant 0 : i32
          %add3A_276 = vector.broadcast %add3A_275 : i32 to vector<16xi32>
          %add3A_277 = arith.addi %iota3A, %add3A_276 : vector<16xi32>
          %gather3A_278 = arith.constant 0 : i32
          %gather3A_279 = arith.constant 0 : i32
          %gather3A_280 = tpu.memref_slice %arg10[%and3A_169, %gather3A_278, %gather3A_279] : memref<2x64x640xf32, #tpu.memory_space<vmem>> -> memref<1x64x640xf32, #tpu.memory_space<vmem>>
          %gather3A_281 = tpu.memref_squeeze %gather3A_280 : memref<1x64x640xf32, #tpu.memory_space<vmem>> -> memref<64x640xf32, #tpu.memory_space<vmem>>
          %gather3A_282 = tpu.vector_load_idx %gather3A_281[%add3A_277, %broadcast_in_dim3A_274] : memref<64x640xf32, #tpu.memory_space<vmem>>[vector<16xi32>, vector<16xi32>], vector<16xf32>,
          %mul3A_283 = arith.constant 64 : i32
          %mul3A_284 = arith.muli %and3A_268, %mul3A_283 : i32
          %add3A_285 = arith.constant 0 : i32
          %add3A_286 = arith.addi %mul3A_284, %add3A_285 : i32
          %swap3A_287 = arith.index_cast %add3A_286 : i32 to index
          %swap3A_288 = tpu.vector_load %arg11[%swap3A_287] {strides = array<i32>} : memref<4096xf32, #tpu.memory_space<vmem>>, vector<16xf32>,
          tpu.vector_store %arg11[%swap3A_287], %gather3A_282 {strides = array<i32>} : memref<4096xf32, #tpu.memory_space<vmem>>, vector<16xf32>,
          %add3A_289 = arith.constant 16 : i32
          %add3A_290 = vector.broadcast %add3A_289 : i32 to vector<16xi32>
          %add3A_291 = arith.addi %iota3A, %add3A_290 : vector<16xi32>
          %gather3A_292 = arith.constant 0 : i32
          %gather3A_293 = arith.constant 0 : i32
          %gather3A_294 = tpu.memref_slice %arg10[%and3A_169, %gather3A_292, %gather3A_293] : memref<2x64x640xf32, #tpu.memory_space<vmem>> -> memref<1x64x640xf32, #tpu.memory_space<vmem>>
          %gather3A_295 = tpu.memref_squeeze %gather3A_294 : memref<1x64x640xf32, #tpu.memory_space<vmem>> -> memref<64x640xf32, #tpu.memory_space<vmem>>
          %gather3A_296 = tpu.vector_load_idx %gather3A_295[%add3A_291, %broadcast_in_dim3A_274] : memref<64x640xf32, #tpu.memory_space<vmem>>[vector<16xi32>, vector<16xi32>], vector<16xf32>,
          %mul3A_297 = arith.constant 64 : i32
          %mul3A_298 = arith.muli %and3A_268, %mul3A_297 : i32
          %add3A_299 = arith.constant 16 : i32
          %add3A_300 = arith.addi %mul3A_298, %add3A_299 : i32
          %swap3A_301 = arith.index_cast %add3A_300 : i32 to index
          %swap3A_302 = tpu.vector_load %arg11[%swap3A_301] {strides = array<i32>} : memref<4096xf32, #tpu.memory_space<vmem>>, vector<16xf32>,
          tpu.vector_store %arg11[%swap3A_301], %gather3A_296 {strides = array<i32>} : memref<4096xf32, #tpu.memory_space<vmem>>, vector<16xf32>,
          %add3A_303 = arith.constant 32 : i32
          %add3A_304 = vector.broadcast %add3A_303 : i32 to vector<16xi32>
          %add3A_305 = arith.addi %iota3A, %add3A_304 : vector<16xi32>
          %gather3A_306 = arith.constant 0 : i32
          %gather3A_307 = arith.constant 0 : i32
          %gather3A_308 = tpu.memref_slice %arg10[%and3A_169, %gather3A_306, %gather3A_307] : memref<2x64x640xf32, #tpu.memory_space<vmem>> -> memref<1x64x640xf32, #tpu.memory_space<vmem>>
          %gather3A_309 = tpu.memref_squeeze %gather3A_308 : memref<1x64x640xf32, #tpu.memory_space<vmem>> -> memref<64x640xf32, #tpu.memory_space<vmem>>
          %gather3A_310 = tpu.vector_load_idx %gather3A_309[%add3A_305, %broadcast_in_dim3A_274] : memref<64x640xf32, #tpu.memory_space<vmem>>[vector<16xi32>, vector<16xi32>], vector<16xf32>,
          %mul3A_311 = arith.constant 64 : i32
          %mul3A_312 = arith.muli %and3A_268, %mul3A_311 : i32
          %add3A_313 = arith.constant 32 : i32
          %add3A_314 = arith.addi %mul3A_312, %add3A_313 : i32
          %swap3A_315 = arith.index_cast %add3A_314 : i32 to index
          %swap3A_316 = tpu.vector_load %arg11[%swap3A_315] {strides = array<i32>} : memref<4096xf32, #tpu.memory_space<vmem>>, vector<16xf32>,
          tpu.vector_store %arg11[%swap3A_315], %gather3A_310 {strides = array<i32>} : memref<4096xf32, #tpu.memory_space<vmem>>, vector<16xf32>,
          %add3A_317 = arith.constant 48 : i32
          %add3A_318 = vector.broadcast %add3A_317 : i32 to vector<16xi32>
          %add3A_319 = arith.addi %iota3A, %add3A_318 : vector<16xi32>
          %gather3A_320 = arith.constant 0 : i32
          %gather3A_321 = arith.constant 0 : i32
          %gather3A_322 = tpu.memref_slice %arg10[%and3A_169, %gather3A_320, %gather3A_321] : memref<2x64x640xf32, #tpu.memory_space<vmem>> -> memref<1x64x640xf32, #tpu.memory_space<vmem>>
          %gather3A_323 = tpu.memref_squeeze %gather3A_322 : memref<1x64x640xf32, #tpu.memory_space<vmem>> -> memref<64x640xf32, #tpu.memory_space<vmem>>
          %gather3A_324 = tpu.vector_load_idx %gather3A_323[%add3A_319, %broadcast_in_dim3A_274] : memref<64x640xf32, #tpu.memory_space<vmem>>[vector<16xi32>, vector<16xi32>], vector<16xf32>,
          %mul3A_325 = arith.constant 64 : i32
          %mul3A_326 = arith.muli %and3A_268, %mul3A_325 : i32
          %add3A_327 = arith.constant 48 : i32
          %add3A_328 = arith.addi %mul3A_326, %add3A_327 : i32
          %swap3A_329 = arith.index_cast %add3A_328 : i32 to index
          %swap3A_330 = tpu.vector_load %arg11[%swap3A_329] {strides = array<i32>} : memref<4096xf32, #tpu.memory_space<vmem>>, vector<16xf32>,
          tpu.vector_store %arg11[%swap3A_329], %gather3A_324 {strides = array<i32>} : memref<4096xf32, #tpu.memory_space<vmem>>, vector<16xf32>,
          %mul3A_331 = arith.constant 64 : i32
          %mul3A_332 = arith.muli %div3A_266, %mul3A_331 : i32
          %multiple_of3A_333 = tpu.assume_multiple %mul3A_332, 8 : i32
          %mul3A_334 = arith.constant 64 : i32
          %mul3A_335 = arith.muli %and3A_268, %mul3A_334 : i32
          %dma_start3A_336 = tpu.memref_slice %arg11[%mul3A_335] : memref<4096xf32, #tpu.memory_space<vmem>> -> memref<64xf32, #tpu.memory_space<vmem>>
          %dma_start3A_337 = tpu.memref_slice %arg7[%multiple_of3A_333] : memref<1048576xf32, #tpu.memory_space<hbm>> -> memref<64xf32, #tpu.memory_space<hbm>>
          %dma_start3A_338 = tpu.memref_slice %arg7[%multiple_of3A_333] : memref<1048576xf32, #tpu.memory_space<hbm>> -> memref<64xf32, #tpu.memory_space<hbm>>
          %dma_start3A_339 = tpu.memref_slice %arg11[%mul3A_335] : memref<4096xf32, #tpu.memory_space<vmem>> -> memref<64xf32, #tpu.memory_space<vmem>>
          tpu.enqueue_dma source(%dma_start3A_339 : memref<64xf32, #tpu.memory_space<vmem>>) target(%dma_start3A_338 : memref<64xf32, #tpu.memory_space<hbm>>) target_semaphore(%arg13 : memref<!tpu.dma_semaphore, #tpu.memory_space<semaphore_mem>>)
          %add3A_340 = arith.constant 1 : i32
          %add3A_341 = arith.addi %while3A_258, %add3A_340 : i32
          scf.yield %add3A_341 : i32
        }
        %while3A_220 = arith.constant 1 : i32
        %while3A_221 = scf.for %while3A_257 = %while3A_217 to %while3A_213 step %while3A_220 iter_args(%while3A_258 = %while3A_219) -> (i32)  : i32 {
          %get3A_259 = arith.index_cast %while3A_257 : i32 to index
          %get3A_260 = tpu.vector_load %arg12[%get3A_259] {strides = array<i32>} : memref<32xi32, #tpu.memory_space<vmem>>, vector<16xi32>,
          %slice3A_261 = vector.extract_strided_slice %get3A_260 {offsets = [0], sizes = [1], strides = [1]} : vector<16xi32> to vector<1xi32>
          %squeeze3A_262 = vector.extract %slice3A_261[0] : i32 from vector<1xi32>
          %rem3A_263 = arith.constant 640 : i32
          %rem3A_264 = arith.remsi %squeeze3A_262, %rem3A_263 : i32
          %div3A_265 = arith.constant 640 : i32
          %div3A_266 = arith.divsi %squeeze3A_262, %div3A_265 : i32
          %and3A_267 = arith.constant 63 : i32
          %and3A_268 = arith.andi %while3A_258, %and3A_267 : i32
          %ge3A_269 = arith.constant 64 : i32
          %ge3A_270 = arith.cmpi sge, %while3A_258, %ge3A_269 : i32
          %convert_element_type3A_271 = arith.extui %ge3A_270 : i1 to i32
          %cond3A_272 = arith.constant 0 : i32
          %cond3A_273 = arith.cmpi ne, %convert_element_type3A_271, %cond3A_272 : i32
          scf.if %cond3A_273 {
            %dma_wait3A = arith.constant 0 : i32
            %dma_wait3A_342 = tpu.memref_slice %arg11[%dma_wait3A] : memref<4096xf32, #tpu.memory_space<vmem>> -> memref<64xf32, #tpu.memory_space<vmem>>
            %dma_wait3A_343 = arith.constant 0 : i32
            %dma_wait3A_344 = tpu.memref_slice %arg7[%dma_wait3A_343] : memref<1048576xf32, #tpu.memory_space<hbm>> -> memref<64xf32, #tpu.memory_space<hbm>>
            %dma_wait3A_345 = arith.constant 0 : i32
            %dma_wait3A_346 = tpu.memref_slice %arg11[%dma_wait3A_345] : memref<4096xf32, #tpu.memory_space<vmem>> -> memref<64xf32, #tpu.memory_space<vmem>>
            %dma_wait3A_347 = arith.constant 0 : i32
            %dma_wait3A_348 = tpu.memref_slice %arg7[%dma_wait3A_347] : memref<1048576xf32, #tpu.memory_space<hbm>> -> memref<64xf32, #tpu.memory_space<hbm>>
            tpu.wait_dma2 semaphore(%arg13 : memref<!tpu.dma_semaphore, #tpu.memory_space<semaphore_mem>>) src(%dma_wait3A_348 : memref<64xf32, #tpu.memory_space<hbm>>) dst(%dma_wait3A_346 : memref<64xf32, #tpu.memory_space<vmem>>)
          } else {
          }
          %broadcast_in_dim3A_274 = vector.broadcast %rem3A_264 : i32 to vector<16xi32>
          %add3A_275 = arith.constant 0 : i32
          %add3A_276 = vector.broadcast %add3A_275 : i32 to vector<16xi32>
          %add3A_277 = arith.addi %iota3A, %add3A_276 : vector<16xi32>
          %gather3A_278 = arith.constant 0 : i32
          %gather3A_279 = arith.constant 0 : i32
          %gather3A_280 = tpu.memref_slice %arg10[%and3A_169, %gather3A_278, %gather3A_279] : memref<2x64x640xf32, #tpu.memory_space<vmem>> -> memref<1x64x640xf32, #tpu.memory_space<vmem>>
          %gather3A_281 = tpu.memref_squeeze %gather3A_280 : memref<1x64x640xf32, #tpu.memory_space<vmem>> -> memref<64x640xf32, #tpu.memory_space<vmem>>
          %gather3A_282 = tpu.vector_load_idx %gather3A_281[%add3A_277, %broadcast_in_dim3A_274] : memref<64x640xf32, #tpu.memory_space<vmem>>[vector<16xi32>, vector<16xi32>], vector<16xf32>,
          %mul3A_283 = arith.constant 64 : i32
          %mul3A_284 = arith.muli %and3A_268, %mul3A_283 : i32
          %add3A_285 = arith.constant 0 : i32
          %add3A_286 = arith.addi %mul3A_284, %add3A_285 : i32
          %swap3A_287 = arith.index_cast %add3A_286 : i32 to index
          %swap3A_288 = tpu.vector_load %arg11[%swap3A_287] {strides = array<i32>} : memref<4096xf32, #tpu.memory_space<vmem>>, vector<16xf32>,
          tpu.vector_store %arg11[%swap3A_287], %gather3A_282 {strides = array<i32>} : memref<4096xf32, #tpu.memory_space<vmem>>, vector<16xf32>,
          %add3A_289 = arith.constant 16 : i32
          %add3A_290 = vector.broadcast %add3A_289 : i32 to vector<16xi32>
          %add3A_291 = arith.addi %iota3A, %add3A_290 : vector<16xi32>
          %gather3A_292 = arith.constant 0 : i32
          %gather3A_293 = arith.constant 0 : i32
          %gather3A_294 = tpu.memref_slice %arg10[%and3A_169, %gather3A_292, %gather3A_293] : memref<2x64x640xf32, #tpu.memory_space<vmem>> -> memref<1x64x640xf32, #tpu.memory_space<vmem>>
          %gather3A_295 = tpu.memref_squeeze %gather3A_294 : memref<1x64x640xf32, #tpu.memory_space<vmem>> -> memref<64x640xf32, #tpu.memory_space<vmem>>
          %gather3A_296 = tpu.vector_load_idx %gather3A_295[%add3A_291, %broadcast_in_dim3A_274] : memref<64x640xf32, #tpu.memory_space<vmem>>[vector<16xi32>, vector<16xi32>], vector<16xf32>,
          %mul3A_297 = arith.constant 64 : i32
          %mul3A_298 = arith.muli %and3A_268, %mul3A_297 : i32
          %add3A_299 = arith.constant 16 : i32
          %add3A_300 = arith.addi %mul3A_298, %add3A_299 : i32
          %swap3A_301 = arith.index_cast %add3A_300 : i32 to index
          %swap3A_302 = tpu.vector_load %arg11[%swap3A_301] {strides = array<i32>} : memref<4096xf32, #tpu.memory_space<vmem>>, vector<16xf32>,
          tpu.vector_store %arg11[%swap3A_301], %gather3A_296 {strides = array<i32>} : memref<4096xf32, #tpu.memory_space<vmem>>, vector<16xf32>,
          %add3A_303 = arith.constant 32 : i32
          %add3A_304 = vector.broadcast %add3A_303 : i32 to vector<16xi32>
          %add3A_305 = arith.addi %iota3A, %add3A_304 : vector<16xi32>
          %gather3A_306 = arith.constant 0 : i32
          %gather3A_307 = arith.constant 0 : i32
          %gather3A_308 = tpu.memref_slice %arg10[%and3A_169, %gather3A_306, %gather3A_307] : memref<2x64x640xf32, #tpu.memory_space<vmem>> -> memref<1x64x640xf32, #tpu.memory_space<vmem>>
          %gather3A_309 = tpu.memref_squeeze %gather3A_308 : memref<1x64x640xf32, #tpu.memory_space<vmem>> -> memref<64x640xf32, #tpu.memory_space<vmem>>
          %gather3A_310 = tpu.vector_load_idx %gather3A_309[%add3A_305, %broadcast_in_dim3A_274] : memref<64x640xf32, #tpu.memory_space<vmem>>[vector<16xi32>, vector<16xi32>], vector<16xf32>,
          %mul3A_311 = arith.constant 64 : i32
          %mul3A_312 = arith.muli %and3A_268, %mul3A_311 : i32
          %add3A_313 = arith.constant 32 : i32
          %add3A_314 = arith.addi %mul3A_312, %add3A_313 : i32
          %swap3A_315 = arith.index_cast %add3A_314 : i32 to index
          %swap3A_316 = tpu.vector_load %arg11[%swap3A_315] {strides = array<i32>} : memref<4096xf32, #tpu.memory_space<vmem>>, vector<16xf32>,
          tpu.vector_store %arg11[%swap3A_315], %gather3A_310 {strides = array<i32>} : memref<4096xf32, #tpu.memory_space<vmem>>, vector<16xf32>,
          %add3A_317 = arith.constant 48 : i32
          %add3A_318 = vector.broadcast %add3A_317 : i32 to vector<16xi32>
          %add3A_319 = arith.addi %iota3A, %add3A_318 : vector<16xi32>
          %gather3A_320 = arith.constant 0 : i32
          %gather3A_321 = arith.constant 0 : i32
          %gather3A_322 = tpu.memref_slice %arg10[%and3A_169, %gather3A_320, %gather3A_321] : memref<2x64x640xf32, #tpu.memory_space<vmem>> -> memref<1x64x640xf32, #tpu.memory_space<vmem>>
          %gather3A_323 = tpu.memref_squeeze %gather3A_322 : memref<1x64x640xf32, #tpu.memory_space<vmem>> -> memref<64x640xf32, #tpu.memory_space<vmem>>
          %gather3A_324 = tpu.vector_load_idx %gather3A_323[%add3A_319, %broadcast_in_dim3A_274] : memref<64x640xf32, #tpu.memory_space<vmem>>[vector<16xi32>, vector<16xi32>], vector<16xf32>,
          %mul3A_325 = arith.constant 64 : i32
          %mul3A_326 = arith.muli %and3A_268, %mul3A_325 : i32
          %add3A_327 = arith.constant 48 : i32
          %add3A_328 = arith.addi %mul3A_326, %add3A_327 : i32
          %swap3A_329 = arith.index_cast %add3A_328 : i32 to index
          %swap3A_330 = tpu.vector_load %arg11[%swap3A_329] {strides = array<i32>} : memref<4096xf32, #tpu.memory_space<vmem>>, vector<16xf32>,
          tpu.vector_store %arg11[%swap3A_329], %gather3A_324 {strides = array<i32>} : memref<4096xf32, #tpu.memory_space<vmem>>, vector<16xf32>,
          %mul3A_331 = arith.constant 64 : i32
          %mul3A_332 = arith.muli %div3A_266, %mul3A_331 : i32
          %multiple_of3A_333 = tpu.assume_multiple %mul3A_332, 8 : i32
          %mul3A_334 = arith.constant 64 : i32
          %mul3A_335 = arith.muli %and3A_268, %mul3A_334 : i32
          %dma_start3A_336 = tpu.memref_slice %arg11[%mul3A_335] : memref<4096xf32, #tpu.memory_space<vmem>> -> memref<64xf32, #tpu.memory_space<vmem>>
          %dma_start3A_337 = tpu.memref_slice %arg7[%multiple_of3A_333] : memref<1048576xf32, #tpu.memory_space<hbm>> -> memref<64xf32, #tpu.memory_space<hbm>>
          %dma_start3A_338 = tpu.memref_slice %arg7[%multiple_of3A_333] : memref<1048576xf32, #tpu.memory_space<hbm>> -> memref<64xf32, #tpu.memory_space<hbm>>
          %dma_start3A_339 = tpu.memref_slice %arg11[%mul3A_335] : memref<4096xf32, #tpu.memory_space<vmem>> -> memref<64xf32, #tpu.memory_space<vmem>>
          tpu.enqueue_dma source(%dma_start3A_339 : memref<64xf32, #tpu.memory_space<vmem>>) target(%dma_start3A_338 : memref<64xf32, #tpu.memory_space<hbm>>) target_semaphore(%arg13 : memref<!tpu.dma_semaphore, #tpu.memory_space<semaphore_mem>>)
          %add3A_340 = arith.constant 1 : i32
          %add3A_341 = arith.addi %while3A_258, %add3A_340 : i32
          scf.yield %add3A_341 : i32
        }
        %mul3A_222 = arith.constant 2 : i32
        %mul3A_223 = arith.muli %mul3A_222, %while3A_194 : i32
        %add3A_224 = arith.constant 1 : i32
        %add3A_225 = arith.addi %mul3A_223, %add3A_224 : i32
        %mul3A_226 = arith.constant 16 : i32
        %mul3A_227 = arith.muli %add3A_225, %mul3A_226 : i32
        %get3A_228 = arith.index_cast %mul3A_227 : i32 to index
        %get3A_229 = tpu.vector_load %arg9[%get3A_228] {strides = array<i32>} : memref<16416xi32, #tpu.memory_space<vmem>>, vector<16xi32>,
        %gather3A_230 = tpu.vector_load_idx %arg8[%get3A_229] : memref<16384xi32, #tpu.memory_space<vmem>>[vector<16xi32>], vector<16xi32>,
        %ge3A_231 = vector.broadcast %multiple_of3A_150 : i32 to vector<16xi32>
        %ge3A_232 = arith.cmpi sge, %gather3A_230, %ge3A_231 : vector<16xi32>
        %add3A_233 = arith.constant 640 : i32
        %add3A_234 = arith.addi %multiple_of3A_150, %add3A_233 : i32
        %lt3A_235 = vector.broadcast %add3A_234 : i32 to vector<16xi32>
        %lt3A_236 = arith.cmpi slt, %gather3A_230, %lt3A_235 : vector<16xi32>
        %and3A_237 = arith.andi %ge3A_232, %lt3A_236 : vector<16xi1>
        %all_reduce_population_count3A_238 = tpu.all_reduce %and3A_237 {dim = 0 : i64, kind = #tpu.reduction_kind<sum>} : vector<16xi1> -> vector<16xi32>
        %slice3A_239 = vector.extract_strided_slice %all_reduce_population_count3A_238 {offsets = [0], sizes = [1], strides = [1]} : vector<16xi32> to vector<1xi32>
        %squeeze3A_240 = vector.extract %slice3A_239[0] : i32 from vector<1xi32>
        %gt3A_241 = arith.constant 0 : i32
        %gt3A_242 = arith.cmpi sgt, %squeeze3A_240, %gt3A_241 : i32
        %convert_element_type3A_243 = arith.extui %gt3A_242 : i1 to i32
        %cond3A_244 = arith.constant 0 : i32
        %cond3A_245 = arith.cmpi ne, %convert_element_type3A_243, %cond3A_244 : i32
        scf.if %cond3A_245 {
          %mul3A_257 = arith.constant 640 : i32
          %mul3A_258 = vector.broadcast %mul3A_257 : i32 to vector<16xi32>
          %mul3A_259 = arith.muli %get3A_229, %mul3A_258 : vector<16xi32>
          %sub3A_260 = vector.broadcast %multiple_of3A_150 : i32 to vector<16xi32>
          %sub3A_261 = arith.subi %gather3A_230, %sub3A_260 : vector<16xi32>
          %add3A_262 = arith.addi %mul3A_259, %sub3A_261 : vector<16xi32>
          %jit3A_263 = arith.constant 0 : i32
          %jit3A_264 = arith.constant 1 : i32
          %broadcast_in_dim3A_265 = vector.broadcast %jit3A_263 : i32 to vector<16xi32>
          %broadcast_in_dim3A_266 = vector.broadcast %jit3A_264 : i32 to vector<16xi32>
          %select_n3A_267 = arith.select %and3A_237, %broadcast_in_dim3A_265, %broadcast_in_dim3A_266 : vector<16xi1>, vector<16xi32>
          %masked_sort3A = arith.constant dense<true> : vector<16xi1>
          %masked_sort3A_268 = arith.constant -2147483648 : i32
          %masked_sort3A_269 = vector.broadcast %masked_sort3A_268 : i32 to vector<16xi32>
          %masked_sort3A_270 = arith.xori %select_n3A_267, %masked_sort3A_269 : vector<16xi32>
          %masked_sort3A_271, %masked_sort3A_272, %masked_sort3A_273 = tpu.sort %masked_sort3A_270, %add3A_262 masked %masked_sort3A : (vector<16xi32>, vector<16xi32>, vector<16xi1>) -> (vector<16xi1>, vector<16xi32>, vector<16xi32>)
          %masked_sort3A_274 = arith.xori %masked_sort3A_272, %masked_sort3A_269 : vector<16xi32>
          %swap3A_275 = arith.constant 0 : index
          %swap3A_276 = tpu.vector_load %arg12[%swap3A_275] {strides = array<i32>} : memref<32xi32, #tpu.memory_space<vmem>>, vector<16xi32>,
          tpu.vector_store %arg12[%swap3A_275], %masked_sort3A_273 {strides = array<i32>} : memref<32xi32, #tpu.memory_space<vmem>>, vector<16xi32>,
        } else {
        }
        %while3A_246 = arith.constant 0 : i32
        %while3A_247 = arith.subi %squeeze3A_240, %while3A_246 : i32
        %while3A_248 = arith.addi %while3A_246, %while3A_247 : i32
        %while3A_249 = arith.constant 1 : i32
        %while3A_250 = arith.divsi %while3A_247, %while3A_249 : i32
        %while3A_251 = arith.muli %while3A_250, %while3A_249 : i32
        %while3A_252 = arith.addi %while3A_246, %while3A_251 : i32
        %while3A_253 = arith.constant 1 : i32
        %while3A_254 = scf.for %while3A_257 = %while3A_246 to %while3A_252 step %while3A_253 iter_args(%while3A_258 = %while3A_221) -> (i32)  : i32 {
          %get3A_259 = arith.index_cast %while3A_257 : i32 to index
          %get3A_260 = tpu.vector_load %arg12[%get3A_259] {strides = array<i32>} : memref<32xi32, #tpu.memory_space<vmem>>, vector<16xi32>,
          %slice3A_261 = vector.extract_strided_slice %get3A_260 {offsets = [0], sizes = [1], strides = [1]} : vector<16xi32> to vector<1xi32>
          %squeeze3A_262 = vector.extract %slice3A_261[0] : i32 from vector<1xi32>
          %rem3A_263 = arith.constant 640 : i32
          %rem3A_264 = arith.remsi %squeeze3A_262, %rem3A_263 : i32
          %div3A_265 = arith.constant 640 : i32
          %div3A_266 = arith.divsi %squeeze3A_262, %div3A_265 : i32
          %and3A_267 = arith.constant 63 : i32
          %and3A_268 = arith.andi %while3A_258, %and3A_267 : i32
          %ge3A_269 = arith.constant 64 : i32
          %ge3A_270 = arith.cmpi sge, %while3A_258, %ge3A_269 : i32
          %convert_element_type3A_271 = arith.extui %ge3A_270 : i1 to i32
          %cond3A_272 = arith.constant 0 : i32
          %cond3A_273 = arith.cmpi ne, %convert_element_type3A_271, %cond3A_272 : i32
          scf.if %cond3A_273 {
            %dma_wait3A = arith.constant 0 : i32
            %dma_wait3A_342 = tpu.memref_slice %arg11[%dma_wait3A] : memref<4096xf32, #tpu.memory_space<vmem>> -> memref<64xf32, #tpu.memory_space<vmem>>
            %dma_wait3A_343 = arith.constant 0 : i32
            %dma_wait3A_344 = tpu.memref_slice %arg7[%dma_wait3A_343] : memref<1048576xf32, #tpu.memory_space<hbm>> -> memref<64xf32, #tpu.memory_space<hbm>>
            %dma_wait3A_345 = arith.constant 0 : i32
            %dma_wait3A_346 = tpu.memref_slice %arg11[%dma_wait3A_345] : memref<4096xf32, #tpu.memory_space<vmem>> -> memref<64xf32, #tpu.memory_space<vmem>>
            %dma_wait3A_347 = arith.constant 0 : i32
            %dma_wait3A_348 = tpu.memref_slice %arg7[%dma_wait3A_347] : memref<1048576xf32, #tpu.memory_space<hbm>> -> memref<64xf32, #tpu.memory_space<hbm>>
            tpu.wait_dma2 semaphore(%arg13 : memref<!tpu.dma_semaphore, #tpu.memory_space<semaphore_mem>>) src(%dma_wait3A_348 : memref<64xf32, #tpu.memory_space<hbm>>) dst(%dma_wait3A_346 : memref<64xf32, #tpu.memory_space<vmem>>)
          } else {
          }
          %broadcast_in_dim3A_274 = vector.broadcast %rem3A_264 : i32 to vector<16xi32>
          %add3A_275 = arith.constant 0 : i32
          %add3A_276 = vector.broadcast %add3A_275 : i32 to vector<16xi32>
          %add3A_277 = arith.addi %iota3A, %add3A_276 : vector<16xi32>
          %gather3A_278 = arith.constant 0 : i32
          %gather3A_279 = arith.constant 0 : i32
          %gather3A_280 = tpu.memref_slice %arg10[%and3A_169, %gather3A_278, %gather3A_279] : memref<2x64x640xf32, #tpu.memory_space<vmem>> -> memref<1x64x640xf32, #tpu.memory_space<vmem>>
          %gather3A_281 = tpu.memref_squeeze %gather3A_280 : memref<1x64x640xf32, #tpu.memory_space<vmem>> -> memref<64x640xf32, #tpu.memory_space<vmem>>
          %gather3A_282 = tpu.vector_load_idx %gather3A_281[%add3A_277, %broadcast_in_dim3A_274] : memref<64x640xf32, #tpu.memory_space<vmem>>[vector<16xi32>, vector<16xi32>], vector<16xf32>,
          %mul3A_283 = arith.constant 64 : i32
          %mul3A_284 = arith.muli %and3A_268, %mul3A_283 : i32
          %add3A_285 = arith.constant 0 : i32
          %add3A_286 = arith.addi %mul3A_284, %add3A_285 : i32
          %swap3A_287 = arith.index_cast %add3A_286 : i32 to index
          %swap3A_288 = tpu.vector_load %arg11[%swap3A_287] {strides = array<i32>} : memref<4096xf32, #tpu.memory_space<vmem>>, vector<16xf32>,
          tpu.vector_store %arg11[%swap3A_287], %gather3A_282 {strides = array<i32>} : memref<4096xf32, #tpu.memory_space<vmem>>, vector<16xf32>,
          %add3A_289 = arith.constant 16 : i32
          %add3A_290 = vector.broadcast %add3A_289 : i32 to vector<16xi32>
          %add3A_291 = arith.addi %iota3A, %add3A_290 : vector<16xi32>
          %gather3A_292 = arith.constant 0 : i32
          %gather3A_293 = arith.constant 0 : i32
          %gather3A_294 = tpu.memref_slice %arg10[%and3A_169, %gather3A_292, %gather3A_293] : memref<2x64x640xf32, #tpu.memory_space<vmem>> -> memref<1x64x640xf32, #tpu.memory_space<vmem>>
          %gather3A_295 = tpu.memref_squeeze %gather3A_294 : memref<1x64x640xf32, #tpu.memory_space<vmem>> -> memref<64x640xf32, #tpu.memory_space<vmem>>
          %gather3A_296 = tpu.vector_load_idx %gather3A_295[%add3A_291, %broadcast_in_dim3A_274] : memref<64x640xf32, #tpu.memory_space<vmem>>[vector<16xi32>, vector<16xi32>], vector<16xf32>,
          %mul3A_297 = arith.constant 64 : i32
          %mul3A_298 = arith.muli %and3A_268, %mul3A_297 : i32
          %add3A_299 = arith.constant 16 : i32
          %add3A_300 = arith.addi %mul3A_298, %add3A_299 : i32
          %swap3A_301 = arith.index_cast %add3A_300 : i32 to index
          %swap3A_302 = tpu.vector_load %arg11[%swap3A_301] {strides = array<i32>} : memref<4096xf32, #tpu.memory_space<vmem>>, vector<16xf32>,
          tpu.vector_store %arg11[%swap3A_301], %gather3A_296 {strides = array<i32>} : memref<4096xf32, #tpu.memory_space<vmem>>, vector<16xf32>,
          %add3A_303 = arith.constant 32 : i32
          %add3A_304 = vector.broadcast %add3A_303 : i32 to vector<16xi32>
          %add3A_305 = arith.addi %iota3A, %add3A_304 : vector<16xi32>
          %gather3A_306 = arith.constant 0 : i32
          %gather3A_307 = arith.constant 0 : i32
          %gather3A_308 = tpu.memref_slice %arg10[%and3A_169, %gather3A_306, %gather3A_307] : memref<2x64x640xf32, #tpu.memory_space<vmem>> -> memref<1x64x640xf32, #tpu.memory_space<vmem>>
          %gather3A_309 = tpu.memref_squeeze %gather3A_308 : memref<1x64x640xf32, #tpu.memory_space<vmem>> -> memref<64x640xf32, #tpu.memory_space<vmem>>
          %gather3A_310 = tpu.vector_load_idx %gather3A_309[%add3A_305, %broadcast_in_dim3A_274] : memref<64x640xf32, #tpu.memory_space<vmem>>[vector<16xi32>, vector<16xi32>], vector<16xf32>,
          %mul3A_311 = arith.constant 64 : i32
          %mul3A_312 = arith.muli %and3A_268, %mul3A_311 : i32
          %add3A_313 = arith.constant 32 : i32
          %add3A_314 = arith.addi %mul3A_312, %add3A_313 : i32
          %swap3A_315 = arith.index_cast %add3A_314 : i32 to index
          %swap3A_316 = tpu.vector_load %arg11[%swap3A_315] {strides = array<i32>} : memref<4096xf32, #tpu.memory_space<vmem>>, vector<16xf32>,
          tpu.vector_store %arg11[%swap3A_315], %gather3A_310 {strides = array<i32>} : memref<4096xf32, #tpu.memory_space<vmem>>, vector<16xf32>,
          %add3A_317 = arith.constant 48 : i32
          %add3A_318 = vector.broadcast %add3A_317 : i32 to vector<16xi32>
          %add3A_319 = arith.addi %iota3A, %add3A_318 : vector<16xi32>
          %gather3A_320 = arith.constant 0 : i32
          %gather3A_321 = arith.constant 0 : i32
          %gather3A_322 = tpu.memref_slice %arg10[%and3A_169, %gather3A_320, %gather3A_321] : memref<2x64x640xf32, #tpu.memory_space<vmem>> -> memref<1x64x640xf32, #tpu.memory_space<vmem>>
          %gather3A_323 = tpu.memref_squeeze %gather3A_322 : memref<1x64x640xf32, #tpu.memory_space<vmem>> -> memref<64x640xf32, #tpu.memory_space<vmem>>
          %gather3A_324 = tpu.vector_load_idx %gather3A_323[%add3A_319, %broadcast_in_dim3A_274] : memref<64x640xf32, #tpu.memory_space<vmem>>[vector<16xi32>, vector<16xi32>], vector<16xf32>,
          %mul3A_325 = arith.constant 64 : i32
          %mul3A_326 = arith.muli %and3A_268, %mul3A_325 : i32
          %add3A_327 = arith.constant 48 : i32
          %add3A_328 = arith.addi %mul3A_326, %add3A_327 : i32
          %swap3A_329 = arith.index_cast %add3A_328 : i32 to index
          %swap3A_330 = tpu.vector_load %arg11[%swap3A_329] {strides = array<i32>} : memref<4096xf32, #tpu.memory_space<vmem>>, vector<16xf32>,
          tpu.vector_store %arg11[%swap3A_329], %gather3A_324 {strides = array<i32>} : memref<4096xf32, #tpu.memory_space<vmem>>, vector<16xf32>,
          %mul3A_331 = arith.constant 64 : i32
          %mul3A_332 = arith.muli %div3A_266, %mul3A_331 : i32
          %multiple_of3A_333 = tpu.assume_multiple %mul3A_332, 8 : i32
          %mul3A_334 = arith.constant 64 : i32
          %mul3A_335 = arith.muli %and3A_268, %mul3A_334 : i32
          %dma_start3A_336 = tpu.memref_slice %arg11[%mul3A_335] : memref<4096xf32, #tpu.memory_space<vmem>> -> memref<64xf32, #tpu.memory_space<vmem>>
          %dma_start3A_337 = tpu.memref_slice %arg7[%multiple_of3A_333] : memref<1048576xf32, #tpu.memory_space<hbm>> -> memref<64xf32, #tpu.memory_space<hbm>>
          %dma_start3A_338 = tpu.memref_slice %arg7[%multiple_of3A_333] : memref<1048576xf32, #tpu.memory_space<hbm>> -> memref<64xf32, #tpu.memory_space<hbm>>
          %dma_start3A_339 = tpu.memref_slice %arg11[%mul3A_335] : memref<4096xf32, #tpu.memory_space<vmem>> -> memref<64xf32, #tpu.memory_space<vmem>>
          tpu.enqueue_dma source(%dma_start3A_339 : memref<64xf32, #tpu.memory_space<vmem>>) target(%dma_start3A_338 : memref<64xf32, #tpu.memory_space<hbm>>) target_semaphore(%arg13 : memref<!tpu.dma_semaphore, #tpu.memory_space<semaphore_mem>>)
          %add3A_340 = arith.constant 1 : i32
          %add3A_341 = arith.addi %while3A_258, %add3A_340 : i32
          scf.yield %add3A_341 : i32
        }
        %while3A_255 = arith.constant 1 : i32
        %while3A_256 = scf.for %while3A_257 = %while3A_252 to %while3A_248 step %while3A_255 iter_args(%while3A_258 = %while3A_254) -> (i32)  : i32 {
          %get3A_259 = arith.index_cast %while3A_257 : i32 to index
          %get3A_260 = tpu.vector_load %arg12[%get3A_259] {strides = array<i32>} : memref<32xi32, #tpu.memory_space<vmem>>, vector<16xi32>,
          %slice3A_261 = vector.extract_strided_slice %get3A_260 {offsets = [0], sizes = [1], strides = [1]} : vector<16xi32> to vector<1xi32>
          %squeeze3A_262 = vector.extract %slice3A_261[0] : i32 from vector<1xi32>
          %rem3A_263 = arith.constant 640 : i32
          %rem3A_264 = arith.remsi %squeeze3A_262, %rem3A_263 : i32
          %div3A_265 = arith.constant 640 : i32
          %div3A_266 = arith.divsi %squeeze3A_262, %div3A_265 : i32
          %and3A_267 = arith.constant 63 : i32
          %and3A_268 = arith.andi %while3A_258, %and3A_267 : i32
          %ge3A_269 = arith.constant 64 : i32
          %ge3A_270 = arith.cmpi sge, %while3A_258, %ge3A_269 : i32
          %convert_element_type3A_271 = arith.extui %ge3A_270 : i1 to i32
          %cond3A_272 = arith.constant 0 : i32
          %cond3A_273 = arith.cmpi ne, %convert_element_type3A_271, %cond3A_272 : i32
          scf.if %cond3A_273 {
            %dma_wait3A = arith.constant 0 : i32
            %dma_wait3A_342 = tpu.memref_slice %arg11[%dma_wait3A] : memref<4096xf32, #tpu.memory_space<vmem>> -> memref<64xf32, #tpu.memory_space<vmem>>
            %dma_wait3A_343 = arith.constant 0 : i32
            %dma_wait3A_344 = tpu.memref_slice %arg7[%dma_wait3A_343] : memref<1048576xf32, #tpu.memory_space<hbm>> -> memref<64xf32, #tpu.memory_space<hbm>>
            %dma_wait3A_345 = arith.constant 0 : i32
            %dma_wait3A_346 = tpu.memref_slice %arg11[%dma_wait3A_345] : memref<4096xf32, #tpu.memory_space<vmem>> -> memref<64xf32, #tpu.memory_space<vmem>>
            %dma_wait3A_347 = arith.constant 0 : i32
            %dma_wait3A_348 = tpu.memref_slice %arg7[%dma_wait3A_347] : memref<1048576xf32, #tpu.memory_space<hbm>> -> memref<64xf32, #tpu.memory_space<hbm>>
            tpu.wait_dma2 semaphore(%arg13 : memref<!tpu.dma_semaphore, #tpu.memory_space<semaphore_mem>>) src(%dma_wait3A_348 : memref<64xf32, #tpu.memory_space<hbm>>) dst(%dma_wait3A_346 : memref<64xf32, #tpu.memory_space<vmem>>)
          } else {
          }
          %broadcast_in_dim3A_274 = vector.broadcast %rem3A_264 : i32 to vector<16xi32>
          %add3A_275 = arith.constant 0 : i32
          %add3A_276 = vector.broadcast %add3A_275 : i32 to vector<16xi32>
          %add3A_277 = arith.addi %iota3A, %add3A_276 : vector<16xi32>
          %gather3A_278 = arith.constant 0 : i32
          %gather3A_279 = arith.constant 0 : i32
          %gather3A_280 = tpu.memref_slice %arg10[%and3A_169, %gather3A_278, %gather3A_279] : memref<2x64x640xf32, #tpu.memory_space<vmem>> -> memref<1x64x640xf32, #tpu.memory_space<vmem>>
          %gather3A_281 = tpu.memref_squeeze %gather3A_280 : memref<1x64x640xf32, #tpu.memory_space<vmem>> -> memref<64x640xf32, #tpu.memory_space<vmem>>
          %gather3A_282 = tpu.vector_load_idx %gather3A_281[%add3A_277, %broadcast_in_dim3A_274] : memref<64x640xf32, #tpu.memory_space<vmem>>[vector<16xi32>, vector<16xi32>], vector<16xf32>,
          %mul3A_283 = arith.constant 64 : i32
          %mul3A_284 = arith.muli %and3A_268, %mul3A_283 : i32
          %add3A_285 = arith.constant 0 : i32
          %add3A_286 = arith.addi %mul3A_284, %add3A_285 : i32
          %swap3A_287 = arith.index_cast %add3A_286 : i32 to index
          %swap3A_288 = tpu.vector_load %arg11[%swap3A_287] {strides = array<i32>} : memref<4096xf32, #tpu.memory_space<vmem>>, vector<16xf32>,
          tpu.vector_store %arg11[%swap3A_287], %gather3A_282 {strides = array<i32>} : memref<4096xf32, #tpu.memory_space<vmem>>, vector<16xf32>,
          %add3A_289 = arith.constant 16 : i32
          %add3A_290 = vector.broadcast %add3A_289 : i32 to vector<16xi32>
          %add3A_291 = arith.addi %iota3A, %add3A_290 : vector<16xi32>
          %gather3A_292 = arith.constant 0 : i32
          %gather3A_293 = arith.constant 0 : i32
          %gather3A_294 = tpu.memref_slice %arg10[%and3A_169, %gather3A_292, %gather3A_293] : memref<2x64x640xf32, #tpu.memory_space<vmem>> -> memref<1x64x640xf32, #tpu.memory_space<vmem>>
          %gather3A_295 = tpu.memref_squeeze %gather3A_294 : memref<1x64x640xf32, #tpu.memory_space<vmem>> -> memref<64x640xf32, #tpu.memory_space<vmem>>
          %gather3A_296 = tpu.vector_load_idx %gather3A_295[%add3A_291, %broadcast_in_dim3A_274] : memref<64x640xf32, #tpu.memory_space<vmem>>[vector<16xi32>, vector<16xi32>], vector<16xf32>,
          %mul3A_297 = arith.constant 64 : i32
          %mul3A_298 = arith.muli %and3A_268, %mul3A_297 : i32
          %add3A_299 = arith.constant 16 : i32
          %add3A_300 = arith.addi %mul3A_298, %add3A_299 : i32
          %swap3A_301 = arith.index_cast %add3A_300 : i32 to index
          %swap3A_302 = tpu.vector_load %arg11[%swap3A_301] {strides = array<i32>} : memref<4096xf32, #tpu.memory_space<vmem>>, vector<16xf32>,
          tpu.vector_store %arg11[%swap3A_301], %gather3A_296 {strides = array<i32>} : memref<4096xf32, #tpu.memory_space<vmem>>, vector<16xf32>,
          %add3A_303 = arith.constant 32 : i32
          %add3A_304 = vector.broadcast %add3A_303 : i32 to vector<16xi32>
          %add3A_305 = arith.addi %iota3A, %add3A_304 : vector<16xi32>
          %gather3A_306 = arith.constant 0 : i32
          %gather3A_307 = arith.constant 0 : i32
          %gather3A_308 = tpu.memref_slice %arg10[%and3A_169, %gather3A_306, %gather3A_307] : memref<2x64x640xf32, #tpu.memory_space<vmem>> -> memref<1x64x640xf32, #tpu.memory_space<vmem>>
          %gather3A_309 = tpu.memref_squeeze %gather3A_308 : memref<1x64x640xf32, #tpu.memory_space<vmem>> -> memref<64x640xf32, #tpu.memory_space<vmem>>
          %gather3A_310 = tpu.vector_load_idx %gather3A_309[%add3A_305, %broadcast_in_dim3A_274] : memref<64x640xf32, #tpu.memory_space<vmem>>[vector<16xi32>, vector<16xi32>], vector<16xf32>,
          %mul3A_311 = arith.constant 64 : i32
          %mul3A_312 = arith.muli %and3A_268, %mul3A_311 : i32
          %add3A_313 = arith.constant 32 : i32
          %add3A_314 = arith.addi %mul3A_312, %add3A_313 : i32
          %swap3A_315 = arith.index_cast %add3A_314 : i32 to index
          %swap3A_316 = tpu.vector_load %arg11[%swap3A_315] {strides = array<i32>} : memref<4096xf32, #tpu.memory_space<vmem>>, vector<16xf32>,
          tpu.vector_store %arg11[%swap3A_315], %gather3A_310 {strides = array<i32>} : memref<4096xf32, #tpu.memory_space<vmem>>, vector<16xf32>,
          %add3A_317 = arith.constant 48 : i32
          %add3A_318 = vector.broadcast %add3A_317 : i32 to vector<16xi32>
          %add3A_319 = arith.addi %iota3A, %add3A_318 : vector<16xi32>
          %gather3A_320 = arith.constant 0 : i32
          %gather3A_321 = arith.constant 0 : i32
          %gather3A_322 = tpu.memref_slice %arg10[%and3A_169, %gather3A_320, %gather3A_321] : memref<2x64x640xf32, #tpu.memory_space<vmem>> -> memref<1x64x640xf32, #tpu.memory_space<vmem>>
          %gather3A_323 = tpu.memref_squeeze %gather3A_322 : memref<1x64x640xf32, #tpu.memory_space<vmem>> -> memref<64x640xf32, #tpu.memory_space<vmem>>
          %gather3A_324 = tpu.vector_load_idx %gather3A_323[%add3A_319, %broadcast_in_dim3A_274] : memref<64x640xf32, #tpu.memory_space<vmem>>[vector<16xi32>, vector<16xi32>], vector<16xf32>,
          %mul3A_325 = arith.constant 64 : i32
          %mul3A_326 = arith.muli %and3A_268, %mul3A_325 : i32
          %add3A_327 = arith.constant 48 : i32
          %add3A_328 = arith.addi %mul3A_326, %add3A_327 : i32
          %swap3A_329 = arith.index_cast %add3A_328 : i32 to index
          %swap3A_330 = tpu.vector_load %arg11[%swap3A_329] {strides = array<i32>} : memref<4096xf32, #tpu.memory_space<vmem>>, vector<16xf32>,
          tpu.vector_store %arg11[%swap3A_329], %gather3A_324 {strides = array<i32>} : memref<4096xf32, #tpu.memory_space<vmem>>, vector<16xf32>,
          %mul3A_331 = arith.constant 64 : i32
          %mul3A_332 = arith.muli %div3A_266, %mul3A_331 : i32
          %multiple_of3A_333 = tpu.assume_multiple %mul3A_332, 8 : i32
          %mul3A_334 = arith.constant 64 : i32
          %mul3A_335 = arith.muli %and3A_268, %mul3A_334 : i32
          %dma_start3A_336 = tpu.memref_slice %arg11[%mul3A_335] : memref<4096xf32, #tpu.memory_space<vmem>> -> memref<64xf32, #tpu.memory_space<vmem>>
          %dma_start3A_337 = tpu.memref_slice %arg7[%multiple_of3A_333] : memref<1048576xf32, #tpu.memory_space<hbm>> -> memref<64xf32, #tpu.memory_space<hbm>>
          %dma_start3A_338 = tpu.memref_slice %arg7[%multiple_of3A_333] : memref<1048576xf32, #tpu.memory_space<hbm>> -> memref<64xf32, #tpu.memory_space<hbm>>
          %dma_start3A_339 = tpu.memref_slice %arg11[%mul3A_335] : memref<4096xf32, #tpu.memory_space<vmem>> -> memref<64xf32, #tpu.memory_space<vmem>>
          tpu.enqueue_dma source(%dma_start3A_339 : memref<64xf32, #tpu.memory_space<vmem>>) target(%dma_start3A_338 : memref<64xf32, #tpu.memory_space<hbm>>) target_semaphore(%arg13 : memref<!tpu.dma_semaphore, #tpu.memory_space<semaphore_mem>>)
          %add3A_340 = arith.constant 1 : i32
          %add3A_341 = arith.addi %while3A_258, %add3A_340 : i32
          scf.yield %add3A_341 : i32
        }
        scf.yield %while3A_256 : i32
      }
      %min3A_182 = arith.constant 64 : i32
      %min3A_183 = arith.minsi %while3A_181, %min3A_182 : i32
      %while3A_184 = arith.constant 0 : i32
      %while3A_185 = arith.constant 0 : i32
      %while3A_186 = arith.subi %min3A_183, %while3A_185 : i32
      %while3A_187 = arith.addi %while3A_185, %while3A_186 : i32
      %while3A_188 = arith.constant 1 : i32
      %while3A_189 = arith.divsi %while3A_186, %while3A_188 : i32
      %while3A_190 = arith.muli %while3A_189, %while3A_188 : i32
      %while3A_191 = arith.addi %while3A_185, %while3A_190 : i32
      %while3A_192 = arith.constant 1 : i32
      scf.for %while3A_194 = %while3A_185 to %while3A_191 step %while3A_192  : i32 {
        %dma_wait3A = arith.constant 0 : i32
        %dma_wait3A_195 = tpu.memref_slice %arg11[%dma_wait3A] : memref<4096xf32, #tpu.memory_space<vmem>> -> memref<64xf32, #tpu.memory_space<vmem>>
        %dma_wait3A_196 = arith.constant 0 : i32
        %dma_wait3A_197 = tpu.memref_slice %arg7[%dma_wait3A_196] : memref<1048576xf32, #tpu.memory_space<hbm>> -> memref<64xf32, #tpu.memory_space<hbm>>
        %dma_wait3A_198 = arith.constant 0 : i32
        %dma_wait3A_199 = tpu.memref_slice %arg11[%dma_wait3A_198] : memref<4096xf32, #tpu.memory_space<vmem>> -> memref<64xf32, #tpu.memory_space<vmem>>
        %dma_wait3A_200 = arith.constant 0 : i32
        %dma_wait3A_201 = tpu.memref_slice %arg7[%dma_wait3A_200] : memref<1048576xf32, #tpu.memory_space<hbm>> -> memref<64xf32, #tpu.memory_space<hbm>>
        tpu.wait_dma2 semaphore(%arg13 : memref<!tpu.dma_semaphore, #tpu.memory_space<semaphore_mem>>) src(%dma_wait3A_201 : memref<64xf32, #tpu.memory_space<hbm>>) dst(%dma_wait3A_199 : memref<64xf32, #tpu.memory_space<vmem>>)
      }
      %while3A_193 = arith.constant 1 : i32
      scf.for %while3A_194 = %while3A_191 to %while3A_187 step %while3A_193  : i32 {
        %dma_wait3A = arith.constant 0 : i32
        %dma_wait3A_195 = tpu.memref_slice %arg11[%dma_wait3A] : memref<4096xf32, #tpu.memory_space<vmem>> -> memref<64xf32, #tpu.memory_space<vmem>>
        %dma_wait3A_196 = arith.constant 0 : i32
        %dma_wait3A_197 = tpu.memref_slice %arg7[%dma_wait3A_196] : memref<1048576xf32, #tpu.memory_space<hbm>> -> memref<64xf32, #tpu.memory_space<hbm>>
        %dma_wait3A_198 = arith.constant 0 : i32
        %dma_wait3A_199 = tpu.memref_slice %arg11[%dma_wait3A_198] : memref<4096xf32, #tpu.memory_space<vmem>> -> memref<64xf32, #tpu.memory_space<vmem>>
        %dma_wait3A_200 = arith.constant 0 : i32
        %dma_wait3A_201 = tpu.memref_slice %arg7[%dma_wait3A_200] : memref<1048576xf32, #tpu.memory_space<hbm>> -> memref<64xf32, #tpu.memory_space<hbm>>
        tpu.wait_dma2 semaphore(%arg13 : memref<!tpu.dma_semaphore, #tpu.memory_space<semaphore_mem>>) src(%dma_wait3A_201 : memref<64xf32, #tpu.memory_space<hbm>>) dst(%dma_wait3A_199 : memref<64xf32, #tpu.memory_space<vmem>>)
      }
    }
    %while3A_145 = arith.constant 1 : i32
    scf.for %while3A_146 = %while3A_143 to %while3A_139 step %while3A_145  : i32 {
      %mul3A_147 = arith.constant 640 : i32
      %mul3A_148 = arith.muli %while3A_146, %mul3A_147 : i32
      %add3A_149 = arith.addi %mul3A_10, %mul3A_148 : i32
      %multiple_of3A_150 = tpu.assume_multiple %add3A_149, 128 : i32
      %and3A_151 = arith.constant 1 : i32
      %and3A_152 = arith.andi %while3A_146, %and3A_151 : i32
      %eq3A = arith.constant 0 : i32
      %eq3A_153 = arith.cmpi eq, %and3A_152, %eq3A : i32
      %convert_element_type3A = arith.extui %eq3A_153 : i1 to i32
      %cond3A = arith.constant 0 : i32
      %cond3A_154 = arith.cmpi ne, %convert_element_type3A, %cond3A : i32
      scf.if %cond3A_154 {
        %dma_wait3A = arith.constant 0 : i32
        %dma_wait3A_194 = arith.constant 0 : i32
        %dma_wait3A_195 = arith.constant 0 : i32
        %dma_wait3A_196 = tpu.memref_slice %arg10[%dma_wait3A, %dma_wait3A_194, %dma_wait3A_195] : memref<2x64x640xf32, #tpu.memory_space<vmem>> -> memref<1x64x640xf32, #tpu.memory_space<vmem>>
        %dma_wait3A_197 = tpu.memref_squeeze %dma_wait3A_196 : memref<1x64x640xf32, #tpu.memory_space<vmem>> -> memref<64x640xf32, #tpu.memory_space<vmem>>
        %dma_wait3A_198 = arith.constant 0 : i32
        %dma_wait3A_199 = arith.constant 0 : i32
        %dma_wait3A_200 = tpu.memref_slice %arg5[%dma_wait3A_198, %dma_wait3A_199] : memref<64x1000000xf32, #tpu.memory_space<hbm>> -> memref<64x640xf32, #tpu.memory_space<hbm>>
        %dma_wait3A_201 = arith.constant 0 : i32
        %dma_wait3A_202 = arith.constant 0 : i32
        %dma_wait3A_203 = tpu.memref_slice %arg10[%dma_wait3A, %dma_wait3A_201, %dma_wait3A_202] : memref<2x64x640xf32, #tpu.memory_space<vmem>> -> memref<1x64x640xf32, #tpu.memory_space<vmem>>
        %dma_wait3A_204 = tpu.memref_squeeze %dma_wait3A_203 : memref<1x64x640xf32, #tpu.memory_space<vmem>> -> memref<64x640xf32, #tpu.memory_space<vmem>>
        %dma_wait3A_205 = arith.constant 0 : i32
        %dma_wait3A_206 = arith.constant 0 : i32
        %dma_wait3A_207 = tpu.memref_slice %arg5[%dma_wait3A_205, %dma_wait3A_206] : memref<64x1000000xf32, #tpu.memory_space<hbm>> -> memref<64x640xf32, #tpu.memory_space<hbm>>
        tpu.wait_dma2 semaphore(%arg14 : memref<!tpu.dma_semaphore, #tpu.memory_space<semaphore_mem>>) src(%dma_wait3A_207 : memref<64x640xf32, #tpu.memory_space<hbm>>) dst(%dma_wait3A_204 : memref<64x640xf32, #tpu.memory_space<vmem>>)
      } else {
      }
      %and3A_155 = arith.constant 1 : i32
      %and3A_156 = arith.andi %while3A_146, %and3A_155 : i32
      %eq3A_157 = arith.constant 1 : i32
      %eq3A_158 = arith.cmpi eq, %and3A_156, %eq3A_157 : i32
      %convert_element_type3A_159 = arith.extui %eq3A_158 : i1 to i32
      %cond3A_160 = arith.constant 0 : i32
      %cond3A_161 = arith.cmpi ne, %convert_element_type3A_159, %cond3A_160 : i32
      scf.if %cond3A_161 {
        %dma_wait3A = arith.constant 1 : i32
        %dma_wait3A_194 = arith.constant 0 : i32
        %dma_wait3A_195 = arith.constant 0 : i32
        %dma_wait3A_196 = tpu.memref_slice %arg10[%dma_wait3A, %dma_wait3A_194, %dma_wait3A_195] : memref<2x64x640xf32, #tpu.memory_space<vmem>> -> memref<1x64x640xf32, #tpu.memory_space<vmem>>
        %dma_wait3A_197 = tpu.memref_squeeze %dma_wait3A_196 : memref<1x64x640xf32, #tpu.memory_space<vmem>> -> memref<64x640xf32, #tpu.memory_space<vmem>>
        %dma_wait3A_198 = arith.constant 0 : i32
        %dma_wait3A_199 = arith.constant 0 : i32
        %dma_wait3A_200 = tpu.memref_slice %arg5[%dma_wait3A_198, %dma_wait3A_199] : memref<64x1000000xf32, #tpu.memory_space<hbm>> -> memref<64x640xf32, #tpu.memory_space<hbm>>
        %dma_wait3A_201 = arith.constant 0 : i32
        %dma_wait3A_202 = arith.constant 0 : i32
        %dma_wait3A_203 = tpu.memref_slice %arg10[%dma_wait3A, %dma_wait3A_201, %dma_wait3A_202] : memref<2x64x640xf32, #tpu.memory_space<vmem>> -> memref<1x64x640xf32, #tpu.memory_space<vmem>>
        %dma_wait3A_204 = tpu.memref_squeeze %dma_wait3A_203 : memref<1x64x640xf32, #tpu.memory_space<vmem>> -> memref<64x640xf32, #tpu.memory_space<vmem>>
        %dma_wait3A_205 = arith.constant 0 : i32
        %dma_wait3A_206 = arith.constant 0 : i32
        %dma_wait3A_207 = tpu.memref_slice %arg5[%dma_wait3A_205, %dma_wait3A_206] : memref<64x1000000xf32, #tpu.memory_space<hbm>> -> memref<64x640xf32, #tpu.memory_space<hbm>>
        tpu.wait_dma2 semaphore(%arg15 : memref<!tpu.dma_semaphore, #tpu.memory_space<semaphore_mem>>) src(%dma_wait3A_207 : memref<64x640xf32, #tpu.memory_space<hbm>>) dst(%dma_wait3A_204 : memref<64x640xf32, #tpu.memory_space<vmem>>)
      } else {
      }
      %add3A_162 = arith.constant 1 : i32
      %add3A_163 = arith.addi %while3A_146, %add3A_162 : i32
      %lt3A_164 = arith.cmpi slt, %add3A_163, %add3A_8 : i32
      %convert_element_type3A_165 = arith.extui %lt3A_164 : i1 to i32
      %cond3A_166 = arith.constant 0 : i32
      %cond3A_167 = arith.cmpi ne, %convert_element_type3A_165, %cond3A_166 : i32
      scf.if %cond3A_167 {
        %add3A_194 = arith.constant 1 : i32
        %add3A_195 = arith.addi %while3A_146, %add3A_194 : i32
        %mul3A_196 = arith.constant 640 : i32
        %mul3A_197 = arith.muli %add3A_195, %mul3A_196 : i32
        %add3A_198 = arith.addi %mul3A_10, %mul3A_197 : i32
        %multiple_of3A_199 = tpu.assume_multiple %add3A_198, 128 : i32
        %and3A_200 = arith.constant 1 : i32
        %and3A_201 = arith.andi %add3A_195, %and3A_200 : i32
        %eq3A_202 = arith.constant 0 : i32
        %eq3A_203 = arith.cmpi eq, %and3A_201, %eq3A_202 : i32
        %convert_element_type3A_204 = arith.extui %eq3A_203 : i1 to i32
        %cond3A_205 = arith.constant 0 : i32
        %cond3A_206 = arith.cmpi ne, %convert_element_type3A_204, %cond3A_205 : i32
        scf.if %cond3A_206 {
          %dma_start3A_214 = arith.constant 0 : i32
          %dma_start3A_215 = arith.constant 0 : i32
          %dma_start3A_216 = arith.constant 0 : i32
          %dma_start3A_217 = tpu.memref_slice %arg10[%dma_start3A_214, %dma_start3A_215, %dma_start3A_216] : memref<2x64x640xf32, #tpu.memory_space<vmem>> -> memref<1x64x640xf32, #tpu.memory_space<vmem>>
          %dma_start3A_218 = tpu.memref_squeeze %dma_start3A_217 : memref<1x64x640xf32, #tpu.memory_space<vmem>> -> memref<64x640xf32, #tpu.memory_space<vmem>>
          %dma_start3A_219 = arith.constant 0 : i32
          %dma_start3A_220 = tpu.memref_slice %arg5[%dma_start3A_219, %multiple_of3A_199] : memref<64x1000000xf32, #tpu.memory_space<hbm>> -> memref<64x640xf32, #tpu.memory_space<hbm>>
          %dma_start3A_221 = arith.constant 0 : i32
          %dma_start3A_222 = arith.constant 0 : i32
          %dma_start3A_223 = tpu.memref_slice %arg10[%dma_start3A_214, %dma_start3A_221, %dma_start3A_222] : memref<2x64x640xf32, #tpu.memory_space<vmem>> -> memref<1x64x640xf32, #tpu.memory_space<vmem>>
          %dma_start3A_224 = tpu.memref_squeeze %dma_start3A_223 : memref<1x64x640xf32, #tpu.memory_space<vmem>> -> memref<64x640xf32, #tpu.memory_space<vmem>>
          %dma_start3A_225 = arith.constant 0 : i32
          %dma_start3A_226 = tpu.memref_slice %arg5[%dma_start3A_225, %multiple_of3A_199] : memref<64x1000000xf32, #tpu.memory_space<hbm>> -> memref<64x640xf32, #tpu.memory_space<hbm>>
          tpu.enqueue_dma source(%dma_start3A_226 : memref<64x640xf32, #tpu.memory_space<hbm>>) target(%dma_start3A_224 : memref<64x640xf32, #tpu.memory_space<vmem>>) target_semaphore(%arg14 : memref<!tpu.dma_semaphore, #tpu.memory_space<semaphore_mem>>)
        } else {
        }
        %and3A_207 = arith.constant 1 : i32
        %and3A_208 = arith.andi %add3A_195, %and3A_207 : i32
        %eq3A_209 = arith.constant 1 : i32
        %eq3A_210 = arith.cmpi eq, %and3A_208, %eq3A_209 : i32
        %convert_element_type3A_211 = arith.extui %eq3A_210 : i1 to i32
        %cond3A_212 = arith.constant 0 : i32
        %cond3A_213 = arith.cmpi ne, %convert_element_type3A_211, %cond3A_212 : i32
        scf.if %cond3A_213 {
          %dma_start3A_214 = arith.constant 1 : i32
          %dma_start3A_215 = arith.constant 0 : i32
          %dma_start3A_216 = arith.constant 0 : i32
          %dma_start3A_217 = tpu.memref_slice %arg10[%dma_start3A_214, %dma_start3A_215, %dma_start3A_216] : memref<2x64x640xf32, #tpu.memory_space<vmem>> -> memref<1x64x640xf32, #tpu.memory_space<vmem>>
          %dma_start3A_218 = tpu.memref_squeeze %dma_start3A_217 : memref<1x64x640xf32, #tpu.memory_space<vmem>> -> memref<64x640xf32, #tpu.memory_space<vmem>>
          %dma_start3A_219 = arith.constant 0 : i32
          %dma_start3A_220 = tpu.memref_slice %arg5[%dma_start3A_219, %multiple_of3A_199] : memref<64x1000000xf32, #tpu.memory_space<hbm>> -> memref<64x640xf32, #tpu.memory_space<hbm>>
          %dma_start3A_221 = arith.constant 0 : i32
          %dma_start3A_222 = arith.constant 0 : i32
          %dma_start3A_223 = tpu.memref_slice %arg10[%dma_start3A_214, %dma_start3A_221, %dma_start3A_222] : memref<2x64x640xf32, #tpu.memory_space<vmem>> -> memref<1x64x640xf32, #tpu.memory_space<vmem>>
          %dma_start3A_224 = tpu.memref_squeeze %dma_start3A_223 : memref<1x64x640xf32, #tpu.memory_space<vmem>> -> memref<64x640xf32, #tpu.memory_space<vmem>>
          %dma_start3A_225 = arith.constant 0 : i32
          %dma_start3A_226 = tpu.memref_slice %arg5[%dma_start3A_225, %multiple_of3A_199] : memref<64x1000000xf32, #tpu.memory_space<hbm>> -> memref<64x640xf32, #tpu.memory_space<hbm>>
          tpu.enqueue_dma source(%dma_start3A_226 : memref<64x640xf32, #tpu.memory_space<hbm>>) target(%dma_start3A_224 : memref<64x640xf32, #tpu.memory_space<vmem>>) target_semaphore(%arg15 : memref<!tpu.dma_semaphore, #tpu.memory_space<semaphore_mem>>)
        } else {
        }
      } else {
      }
      %and3A_168 = arith.constant 1 : i32
      %and3A_169 = arith.andi %while3A_146, %and3A_168 : i32
      %while3A_170 = arith.constant 0 : i32
      %while3A_171 = arith.constant 0 : i32
      %while3A_172 = arith.subi %select_n3A_119, %while3A_170 : i32
      %while3A_173 = arith.addi %while3A_170, %while3A_172 : i32
      %while3A_174 = arith.constant 1 : i32
      %while3A_175 = arith.divsi %while3A_172, %while3A_174 : i32
      %while3A_176 = arith.muli %while3A_175, %while3A_174 : i32
      %while3A_177 = arith.addi %while3A_170, %while3A_176 : i32
      %while3A_178 = arith.constant 1 : i32
      %while3A_179 = scf.for %while3A_194 = %while3A_170 to %while3A_177 step %while3A_178 iter_args(%while3A_195 = %while3A_171) -> (i32)  : i32 {
        %mul3A_196 = arith.constant 2 : i32
        %mul3A_197 = arith.muli %mul3A_196, %while3A_194 : i32
        %mul3A_198 = arith.constant 16 : i32
        %mul3A_199 = arith.muli %mul3A_197, %mul3A_198 : i32
        %get3A = arith.index_cast %mul3A_199 : i32 to index
        %get3A_200 = tpu.vector_load %arg9[%get3A] {strides = array<i32>} : memref<16416xi32, #tpu.memory_space<vmem>>, vector<16xi32>,
        %gather3A = tpu.vector_load_idx %arg8[%get3A_200] : memref<16384xi32, #tpu.memory_space<vmem>>[vector<16xi32>], vector<16xi32>,
        %ge3A = vector.broadcast %multiple_of3A_150 : i32 to vector<16xi32>
        %ge3A_201 = arith.cmpi sge, %gather3A, %ge3A : vector<16xi32>
        %add3A_202 = arith.constant 640 : i32
        %add3A_203 = arith.addi %multiple_of3A_150, %add3A_202 : i32
        %lt3A_204 = vector.broadcast %add3A_203 : i32 to vector<16xi32>
        %lt3A_205 = arith.cmpi slt, %gather3A, %lt3A_204 : vector<16xi32>
        %and3A_206 = arith.andi %ge3A_201, %lt3A_205 : vector<16xi1>
        %all_reduce_population_count3A = tpu.all_reduce %and3A_206 {dim = 0 : i64, kind = #tpu.reduction_kind<sum>} : vector<16xi1> -> vector<16xi32>
        %slice3A = vector.extract_strided_slice %all_reduce_population_count3A {offsets = [0], sizes = [1], strides = [1]} : vector<16xi32> to vector<1xi32>
        %squeeze3A = vector.extract %slice3A[0] : i32 from vector<1xi32>
        %gt3A = arith.constant 0 : i32
        %gt3A_207 = arith.cmpi sgt, %squeeze3A, %gt3A : i32
        %convert_element_type3A_208 = arith.extui %gt3A_207 : i1 to i32
        %cond3A_209 = arith.constant 0 : i32
        %cond3A_210 = arith.cmpi ne, %convert_element_type3A_208, %cond3A_209 : i32
        scf.if %cond3A_210 {
          %mul3A_257 = arith.constant 640 : i32
          %mul3A_258 = vector.broadcast %mul3A_257 : i32 to vector<16xi32>
          %mul3A_259 = arith.muli %get3A_200, %mul3A_258 : vector<16xi32>
          %sub3A_260 = vector.broadcast %multiple_of3A_150 : i32 to vector<16xi32>
          %sub3A_261 = arith.subi %gather3A, %sub3A_260 : vector<16xi32>
          %add3A_262 = arith.addi %mul3A_259, %sub3A_261 : vector<16xi32>
          %jit3A_263 = arith.constant 0 : i32
          %jit3A_264 = arith.constant 1 : i32
          %broadcast_in_dim3A_265 = vector.broadcast %jit3A_263 : i32 to vector<16xi32>
          %broadcast_in_dim3A_266 = vector.broadcast %jit3A_264 : i32 to vector<16xi32>
          %select_n3A_267 = arith.select %and3A_206, %broadcast_in_dim3A_265, %broadcast_in_dim3A_266 : vector<16xi1>, vector<16xi32>
          %masked_sort3A = arith.constant dense<true> : vector<16xi1>
          %masked_sort3A_268 = arith.constant -2147483648 : i32
          %masked_sort3A_269 = vector.broadcast %masked_sort3A_268 : i32 to vector<16xi32>
          %masked_sort3A_270 = arith.xori %select_n3A_267, %masked_sort3A_269 : vector<16xi32>
          %masked_sort3A_271, %masked_sort3A_272, %masked_sort3A_273 = tpu.sort %masked_sort3A_270, %add3A_262 masked %masked_sort3A : (vector<16xi32>, vector<16xi32>, vector<16xi1>) -> (vector<16xi1>, vector<16xi32>, vector<16xi32>)
          %masked_sort3A_274 = arith.xori %masked_sort3A_272, %masked_sort3A_269 : vector<16xi32>
          %swap3A_275 = arith.constant 0 : index
          %swap3A_276 = tpu.vector_load %arg12[%swap3A_275] {strides = array<i32>} : memref<32xi32, #tpu.memory_space<vmem>>, vector<16xi32>,
          tpu.vector_store %arg12[%swap3A_275], %masked_sort3A_273 {strides = array<i32>} : memref<32xi32, #tpu.memory_space<vmem>>, vector<16xi32>,
        } else {
        }
        %while3A_211 = arith.constant 0 : i32
        %while3A_212 = arith.subi %squeeze3A, %while3A_211 : i32
        %while3A_213 = arith.addi %while3A_211, %while3A_212 : i32
        %while3A_214 = arith.constant 1 : i32
        %while3A_215 = arith.divsi %while3A_212, %while3A_214 : i32
        %while3A_216 = arith.muli %while3A_215, %while3A_214 : i32
        %while3A_217 = arith.addi %while3A_211, %while3A_216 : i32
        %while3A_218 = arith.constant 1 : i32
        %while3A_219 = scf.for %while3A_257 = %while3A_211 to %while3A_217 step %while3A_218 iter_args(%while3A_258 = %while3A_195) -> (i32)  : i32 {
          %get3A_259 = arith.index_cast %while3A_257 : i32 to index
          %get3A_260 = tpu.vector_load %arg12[%get3A_259] {strides = array<i32>} : memref<32xi32, #tpu.memory_space<vmem>>, vector<16xi32>,
          %slice3A_261 = vector.extract_strided_slice %get3A_260 {offsets = [0], sizes = [1], strides = [1]} : vector<16xi32> to vector<1xi32>
          %squeeze3A_262 = vector.extract %slice3A_261[0] : i32 from vector<1xi32>
          %rem3A_263 = arith.constant 640 : i32
          %rem3A_264 = arith.remsi %squeeze3A_262, %rem3A_263 : i32
          %div3A_265 = arith.constant 640 : i32
          %div3A_266 = arith.divsi %squeeze3A_262, %div3A_265 : i32
          %and3A_267 = arith.constant 63 : i32
          %and3A_268 = arith.andi %while3A_258, %and3A_267 : i32
          %ge3A_269 = arith.constant 64 : i32
          %ge3A_270 = arith.cmpi sge, %while3A_258, %ge3A_269 : i32
          %convert_element_type3A_271 = arith.extui %ge3A_270 : i1 to i32
          %cond3A_272 = arith.constant 0 : i32
          %cond3A_273 = arith.cmpi ne, %convert_element_type3A_271, %cond3A_272 : i32
          scf.if %cond3A_273 {
            %dma_wait3A = arith.constant 0 : i32
            %dma_wait3A_342 = tpu.memref_slice %arg11[%dma_wait3A] : memref<4096xf32, #tpu.memory_space<vmem>> -> memref<64xf32, #tpu.memory_space<vmem>>
            %dma_wait3A_343 = arith.constant 0 : i32
            %dma_wait3A_344 = tpu.memref_slice %arg7[%dma_wait3A_343] : memref<1048576xf32, #tpu.memory_space<hbm>> -> memref<64xf32, #tpu.memory_space<hbm>>
            %dma_wait3A_345 = arith.constant 0 : i32
            %dma_wait3A_346 = tpu.memref_slice %arg11[%dma_wait3A_345] : memref<4096xf32, #tpu.memory_space<vmem>> -> memref<64xf32, #tpu.memory_space<vmem>>
            %dma_wait3A_347 = arith.constant 0 : i32
            %dma_wait3A_348 = tpu.memref_slice %arg7[%dma_wait3A_347] : memref<1048576xf32, #tpu.memory_space<hbm>> -> memref<64xf32, #tpu.memory_space<hbm>>
            tpu.wait_dma2 semaphore(%arg13 : memref<!tpu.dma_semaphore, #tpu.memory_space<semaphore_mem>>) src(%dma_wait3A_348 : memref<64xf32, #tpu.memory_space<hbm>>) dst(%dma_wait3A_346 : memref<64xf32, #tpu.memory_space<vmem>>)
          } else {
          }
          %broadcast_in_dim3A_274 = vector.broadcast %rem3A_264 : i32 to vector<16xi32>
          %add3A_275 = arith.constant 0 : i32
          %add3A_276 = vector.broadcast %add3A_275 : i32 to vector<16xi32>
          %add3A_277 = arith.addi %iota3A, %add3A_276 : vector<16xi32>
          %gather3A_278 = arith.constant 0 : i32
          %gather3A_279 = arith.constant 0 : i32
          %gather3A_280 = tpu.memref_slice %arg10[%and3A_169, %gather3A_278, %gather3A_279] : memref<2x64x640xf32, #tpu.memory_space<vmem>> -> memref<1x64x640xf32, #tpu.memory_space<vmem>>
          %gather3A_281 = tpu.memref_squeeze %gather3A_280 : memref<1x64x640xf32, #tpu.memory_space<vmem>> -> memref<64x640xf32, #tpu.memory_space<vmem>>
          %gather3A_282 = tpu.vector_load_idx %gather3A_281[%add3A_277, %broadcast_in_dim3A_274] : memref<64x640xf32, #tpu.memory_space<vmem>>[vector<16xi32>, vector<16xi32>], vector<16xf32>,
          %mul3A_283 = arith.constant 64 : i32
          %mul3A_284 = arith.muli %and3A_268, %mul3A_283 : i32
          %add3A_285 = arith.constant 0 : i32
          %add3A_286 = arith.addi %mul3A_284, %add3A_285 : i32
          %swap3A_287 = arith.index_cast %add3A_286 : i32 to index
          %swap3A_288 = tpu.vector_load %arg11[%swap3A_287] {strides = array<i32>} : memref<4096xf32, #tpu.memory_space<vmem>>, vector<16xf32>,
          tpu.vector_store %arg11[%swap3A_287], %gather3A_282 {strides = array<i32>} : memref<4096xf32, #tpu.memory_space<vmem>>, vector<16xf32>,
          %add3A_289 = arith.constant 16 : i32
          %add3A_290 = vector.broadcast %add3A_289 : i32 to vector<16xi32>
          %add3A_291 = arith.addi %iota3A, %add3A_290 : vector<16xi32>
          %gather3A_292 = arith.constant 0 : i32
          %gather3A_293 = arith.constant 0 : i32
          %gather3A_294 = tpu.memref_slice %arg10[%and3A_169, %gather3A_292, %gather3A_293] : memref<2x64x640xf32, #tpu.memory_space<vmem>> -> memref<1x64x640xf32, #tpu.memory_space<vmem>>
          %gather3A_295 = tpu.memref_squeeze %gather3A_294 : memref<1x64x640xf32, #tpu.memory_space<vmem>> -> memref<64x640xf32, #tpu.memory_space<vmem>>
          %gather3A_296 = tpu.vector_load_idx %gather3A_295[%add3A_291, %broadcast_in_dim3A_274] : memref<64x640xf32, #tpu.memory_space<vmem>>[vector<16xi32>, vector<16xi32>], vector<16xf32>,
          %mul3A_297 = arith.constant 64 : i32
          %mul3A_298 = arith.muli %and3A_268, %mul3A_297 : i32
          %add3A_299 = arith.constant 16 : i32
          %add3A_300 = arith.addi %mul3A_298, %add3A_299 : i32
          %swap3A_301 = arith.index_cast %add3A_300 : i32 to index
          %swap3A_302 = tpu.vector_load %arg11[%swap3A_301] {strides = array<i32>} : memref<4096xf32, #tpu.memory_space<vmem>>, vector<16xf32>,
          tpu.vector_store %arg11[%swap3A_301], %gather3A_296 {strides = array<i32>} : memref<4096xf32, #tpu.memory_space<vmem>>, vector<16xf32>,
          %add3A_303 = arith.constant 32 : i32
          %add3A_304 = vector.broadcast %add3A_303 : i32 to vector<16xi32>
          %add3A_305 = arith.addi %iota3A, %add3A_304 : vector<16xi32>
          %gather3A_306 = arith.constant 0 : i32
          %gather3A_307 = arith.constant 0 : i32
          %gather3A_308 = tpu.memref_slice %arg10[%and3A_169, %gather3A_306, %gather3A_307] : memref<2x64x640xf32, #tpu.memory_space<vmem>> -> memref<1x64x640xf32, #tpu.memory_space<vmem>>
          %gather3A_309 = tpu.memref_squeeze %gather3A_308 : memref<1x64x640xf32, #tpu.memory_space<vmem>> -> memref<64x640xf32, #tpu.memory_space<vmem>>
          %gather3A_310 = tpu.vector_load_idx %gather3A_309[%add3A_305, %broadcast_in_dim3A_274] : memref<64x640xf32, #tpu.memory_space<vmem>>[vector<16xi32>, vector<16xi32>], vector<16xf32>,
          %mul3A_311 = arith.constant 64 : i32
          %mul3A_312 = arith.muli %and3A_268, %mul3A_311 : i32
          %add3A_313 = arith.constant 32 : i32
          %add3A_314 = arith.addi %mul3A_312, %add3A_313 : i32
          %swap3A_315 = arith.index_cast %add3A_314 : i32 to index
          %swap3A_316 = tpu.vector_load %arg11[%swap3A_315] {strides = array<i32>} : memref<4096xf32, #tpu.memory_space<vmem>>, vector<16xf32>,
          tpu.vector_store %arg11[%swap3A_315], %gather3A_310 {strides = array<i32>} : memref<4096xf32, #tpu.memory_space<vmem>>, vector<16xf32>,
          %add3A_317 = arith.constant 48 : i32
          %add3A_318 = vector.broadcast %add3A_317 : i32 to vector<16xi32>
          %add3A_319 = arith.addi %iota3A, %add3A_318 : vector<16xi32>
          %gather3A_320 = arith.constant 0 : i32
          %gather3A_321 = arith.constant 0 : i32
          %gather3A_322 = tpu.memref_slice %arg10[%and3A_169, %gather3A_320, %gather3A_321] : memref<2x64x640xf32, #tpu.memory_space<vmem>> -> memref<1x64x640xf32, #tpu.memory_space<vmem>>
          %gather3A_323 = tpu.memref_squeeze %gather3A_322 : memref<1x64x640xf32, #tpu.memory_space<vmem>> -> memref<64x640xf32, #tpu.memory_space<vmem>>
          %gather3A_324 = tpu.vector_load_idx %gather3A_323[%add3A_319, %broadcast_in_dim3A_274] : memref<64x640xf32, #tpu.memory_space<vmem>>[vector<16xi32>, vector<16xi32>], vector<16xf32>,
          %mul3A_325 = arith.constant 64 : i32
          %mul3A_326 = arith.muli %and3A_268, %mul3A_325 : i32
          %add3A_327 = arith.constant 48 : i32
          %add3A_328 = arith.addi %mul3A_326, %add3A_327 : i32
          %swap3A_329 = arith.index_cast %add3A_328 : i32 to index
          %swap3A_330 = tpu.vector_load %arg11[%swap3A_329] {strides = array<i32>} : memref<4096xf32, #tpu.memory_space<vmem>>, vector<16xf32>,
          tpu.vector_store %arg11[%swap3A_329], %gather3A_324 {strides = array<i32>} : memref<4096xf32, #tpu.memory_space<vmem>>, vector<16xf32>,
          %mul3A_331 = arith.constant 64 : i32
          %mul3A_332 = arith.muli %div3A_266, %mul3A_331 : i32
          %multiple_of3A_333 = tpu.assume_multiple %mul3A_332, 8 : i32
          %mul3A_334 = arith.constant 64 : i32
          %mul3A_335 = arith.muli %and3A_268, %mul3A_334 : i32
          %dma_start3A_336 = tpu.memref_slice %arg11[%mul3A_335] : memref<4096xf32, #tpu.memory_space<vmem>> -> memref<64xf32, #tpu.memory_space<vmem>>
          %dma_start3A_337 = tpu.memref_slice %arg7[%multiple_of3A_333] : memref<1048576xf32, #tpu.memory_space<hbm>> -> memref<64xf32, #tpu.memory_space<hbm>>
          %dma_start3A_338 = tpu.memref_slice %arg7[%multiple_of3A_333] : memref<1048576xf32, #tpu.memory_space<hbm>> -> memref<64xf32, #tpu.memory_space<hbm>>
          %dma_start3A_339 = tpu.memref_slice %arg11[%mul3A_335] : memref<4096xf32, #tpu.memory_space<vmem>> -> memref<64xf32, #tpu.memory_space<vmem>>
          tpu.enqueue_dma source(%dma_start3A_339 : memref<64xf32, #tpu.memory_space<vmem>>) target(%dma_start3A_338 : memref<64xf32, #tpu.memory_space<hbm>>) target_semaphore(%arg13 : memref<!tpu.dma_semaphore, #tpu.memory_space<semaphore_mem>>)
          %add3A_340 = arith.constant 1 : i32
          %add3A_341 = arith.addi %while3A_258, %add3A_340 : i32
          scf.yield %add3A_341 : i32
        }
        %while3A_220 = arith.constant 1 : i32
        %while3A_221 = scf.for %while3A_257 = %while3A_217 to %while3A_213 step %while3A_220 iter_args(%while3A_258 = %while3A_219) -> (i32)  : i32 {
          %get3A_259 = arith.index_cast %while3A_257 : i32 to index
          %get3A_260 = tpu.vector_load %arg12[%get3A_259] {strides = array<i32>} : memref<32xi32, #tpu.memory_space<vmem>>, vector<16xi32>,
          %slice3A_261 = vector.extract_strided_slice %get3A_260 {offsets = [0], sizes = [1], strides = [1]} : vector<16xi32> to vector<1xi32>
          %squeeze3A_262 = vector.extract %slice3A_261[0] : i32 from vector<1xi32>
          %rem3A_263 = arith.constant 640 : i32
          %rem3A_264 = arith.remsi %squeeze3A_262, %rem3A_263 : i32
          %div3A_265 = arith.constant 640 : i32
          %div3A_266 = arith.divsi %squeeze3A_262, %div3A_265 : i32
          %and3A_267 = arith.constant 63 : i32
          %and3A_268 = arith.andi %while3A_258, %and3A_267 : i32
          %ge3A_269 = arith.constant 64 : i32
          %ge3A_270 = arith.cmpi sge, %while3A_258, %ge3A_269 : i32
          %convert_element_type3A_271 = arith.extui %ge3A_270 : i1 to i32
          %cond3A_272 = arith.constant 0 : i32
          %cond3A_273 = arith.cmpi ne, %convert_element_type3A_271, %cond3A_272 : i32
          scf.if %cond3A_273 {
            %dma_wait3A = arith.constant 0 : i32
            %dma_wait3A_342 = tpu.memref_slice %arg11[%dma_wait3A] : memref<4096xf32, #tpu.memory_space<vmem>> -> memref<64xf32, #tpu.memory_space<vmem>>
            %dma_wait3A_343 = arith.constant 0 : i32
            %dma_wait3A_344 = tpu.memref_slice %arg7[%dma_wait3A_343] : memref<1048576xf32, #tpu.memory_space<hbm>> -> memref<64xf32, #tpu.memory_space<hbm>>
            %dma_wait3A_345 = arith.constant 0 : i32
            %dma_wait3A_346 = tpu.memref_slice %arg11[%dma_wait3A_345] : memref<4096xf32, #tpu.memory_space<vmem>> -> memref<64xf32, #tpu.memory_space<vmem>>
            %dma_wait3A_347 = arith.constant 0 : i32
            %dma_wait3A_348 = tpu.memref_slice %arg7[%dma_wait3A_347] : memref<1048576xf32, #tpu.memory_space<hbm>> -> memref<64xf32, #tpu.memory_space<hbm>>
            tpu.wait_dma2 semaphore(%arg13 : memref<!tpu.dma_semaphore, #tpu.memory_space<semaphore_mem>>) src(%dma_wait3A_348 : memref<64xf32, #tpu.memory_space<hbm>>) dst(%dma_wait3A_346 : memref<64xf32, #tpu.memory_space<vmem>>)
          } else {
          }
          %broadcast_in_dim3A_274 = vector.broadcast %rem3A_264 : i32 to vector<16xi32>
          %add3A_275 = arith.constant 0 : i32
          %add3A_276 = vector.broadcast %add3A_275 : i32 to vector<16xi32>
          %add3A_277 = arith.addi %iota3A, %add3A_276 : vector<16xi32>
          %gather3A_278 = arith.constant 0 : i32
          %gather3A_279 = arith.constant 0 : i32
          %gather3A_280 = tpu.memref_slice %arg10[%and3A_169, %gather3A_278, %gather3A_279] : memref<2x64x640xf32, #tpu.memory_space<vmem>> -> memref<1x64x640xf32, #tpu.memory_space<vmem>>
          %gather3A_281 = tpu.memref_squeeze %gather3A_280 : memref<1x64x640xf32, #tpu.memory_space<vmem>> -> memref<64x640xf32, #tpu.memory_space<vmem>>
          %gather3A_282 = tpu.vector_load_idx %gather3A_281[%add3A_277, %broadcast_in_dim3A_274] : memref<64x640xf32, #tpu.memory_space<vmem>>[vector<16xi32>, vector<16xi32>], vector<16xf32>,
          %mul3A_283 = arith.constant 64 : i32
          %mul3A_284 = arith.muli %and3A_268, %mul3A_283 : i32
          %add3A_285 = arith.constant 0 : i32
          %add3A_286 = arith.addi %mul3A_284, %add3A_285 : i32
          %swap3A_287 = arith.index_cast %add3A_286 : i32 to index
          %swap3A_288 = tpu.vector_load %arg11[%swap3A_287] {strides = array<i32>} : memref<4096xf32, #tpu.memory_space<vmem>>, vector<16xf32>,
          tpu.vector_store %arg11[%swap3A_287], %gather3A_282 {strides = array<i32>} : memref<4096xf32, #tpu.memory_space<vmem>>, vector<16xf32>,
          %add3A_289 = arith.constant 16 : i32
          %add3A_290 = vector.broadcast %add3A_289 : i32 to vector<16xi32>
          %add3A_291 = arith.addi %iota3A, %add3A_290 : vector<16xi32>
          %gather3A_292 = arith.constant 0 : i32
          %gather3A_293 = arith.constant 0 : i32
          %gather3A_294 = tpu.memref_slice %arg10[%and3A_169, %gather3A_292, %gather3A_293] : memref<2x64x640xf32, #tpu.memory_space<vmem>> -> memref<1x64x640xf32, #tpu.memory_space<vmem>>
          %gather3A_295 = tpu.memref_squeeze %gather3A_294 : memref<1x64x640xf32, #tpu.memory_space<vmem>> -> memref<64x640xf32, #tpu.memory_space<vmem>>
          %gather3A_296 = tpu.vector_load_idx %gather3A_295[%add3A_291, %broadcast_in_dim3A_274] : memref<64x640xf32, #tpu.memory_space<vmem>>[vector<16xi32>, vector<16xi32>], vector<16xf32>,
          %mul3A_297 = arith.constant 64 : i32
          %mul3A_298 = arith.muli %and3A_268, %mul3A_297 : i32
          %add3A_299 = arith.constant 16 : i32
          %add3A_300 = arith.addi %mul3A_298, %add3A_299 : i32
          %swap3A_301 = arith.index_cast %add3A_300 : i32 to index
          %swap3A_302 = tpu.vector_load %arg11[%swap3A_301] {strides = array<i32>} : memref<4096xf32, #tpu.memory_space<vmem>>, vector<16xf32>,
          tpu.vector_store %arg11[%swap3A_301], %gather3A_296 {strides = array<i32>} : memref<4096xf32, #tpu.memory_space<vmem>>, vector<16xf32>,
          %add3A_303 = arith.constant 32 : i32
          %add3A_304 = vector.broadcast %add3A_303 : i32 to vector<16xi32>
          %add3A_305 = arith.addi %iota3A, %add3A_304 : vector<16xi32>
          %gather3A_306 = arith.constant 0 : i32
          %gather3A_307 = arith.constant 0 : i32
          %gather3A_308 = tpu.memref_slice %arg10[%and3A_169, %gather3A_306, %gather3A_307] : memref<2x64x640xf32, #tpu.memory_space<vmem>> -> memref<1x64x640xf32, #tpu.memory_space<vmem>>
          %gather3A_309 = tpu.memref_squeeze %gather3A_308 : memref<1x64x640xf32, #tpu.memory_space<vmem>> -> memref<64x640xf32, #tpu.memory_space<vmem>>
          %gather3A_310 = tpu.vector_load_idx %gather3A_309[%add3A_305, %broadcast_in_dim3A_274] : memref<64x640xf32, #tpu.memory_space<vmem>>[vector<16xi32>, vector<16xi32>], vector<16xf32>,
          %mul3A_311 = arith.constant 64 : i32
          %mul3A_312 = arith.muli %and3A_268, %mul3A_311 : i32
          %add3A_313 = arith.constant 32 : i32
          %add3A_314 = arith.addi %mul3A_312, %add3A_313 : i32
          %swap3A_315 = arith.index_cast %add3A_314 : i32 to index
          %swap3A_316 = tpu.vector_load %arg11[%swap3A_315] {strides = array<i32>} : memref<4096xf32, #tpu.memory_space<vmem>>, vector<16xf32>,
          tpu.vector_store %arg11[%swap3A_315], %gather3A_310 {strides = array<i32>} : memref<4096xf32, #tpu.memory_space<vmem>>, vector<16xf32>,
          %add3A_317 = arith.constant 48 : i32
          %add3A_318 = vector.broadcast %add3A_317 : i32 to vector<16xi32>
          %add3A_319 = arith.addi %iota3A, %add3A_318 : vector<16xi32>
          %gather3A_320 = arith.constant 0 : i32
          %gather3A_321 = arith.constant 0 : i32
          %gather3A_322 = tpu.memref_slice %arg10[%and3A_169, %gather3A_320, %gather3A_321] : memref<2x64x640xf32, #tpu.memory_space<vmem>> -> memref<1x64x640xf32, #tpu.memory_space<vmem>>
          %gather3A_323 = tpu.memref_squeeze %gather3A_322 : memref<1x64x640xf32, #tpu.memory_space<vmem>> -> memref<64x640xf32, #tpu.memory_space<vmem>>
          %gather3A_324 = tpu.vector_load_idx %gather3A_323[%add3A_319, %broadcast_in_dim3A_274] : memref<64x640xf32, #tpu.memory_space<vmem>>[vector<16xi32>, vector<16xi32>], vector<16xf32>,
          %mul3A_325 = arith.constant 64 : i32
          %mul3A_326 = arith.muli %and3A_268, %mul3A_325 : i32
          %add3A_327 = arith.constant 48 : i32
          %add3A_328 = arith.addi %mul3A_326, %add3A_327 : i32
          %swap3A_329 = arith.index_cast %add3A_328 : i32 to index
          %swap3A_330 = tpu.vector_load %arg11[%swap3A_329] {strides = array<i32>} : memref<4096xf32, #tpu.memory_space<vmem>>, vector<16xf32>,
          tpu.vector_store %arg11[%swap3A_329], %gather3A_324 {strides = array<i32>} : memref<4096xf32, #tpu.memory_space<vmem>>, vector<16xf32>,
          %mul3A_331 = arith.constant 64 : i32
          %mul3A_332 = arith.muli %div3A_266, %mul3A_331 : i32
          %multiple_of3A_333 = tpu.assume_multiple %mul3A_332, 8 : i32
          %mul3A_334 = arith.constant 64 : i32
          %mul3A_335 = arith.muli %and3A_268, %mul3A_334 : i32
          %dma_start3A_336 = tpu.memref_slice %arg11[%mul3A_335] : memref<4096xf32, #tpu.memory_space<vmem>> -> memref<64xf32, #tpu.memory_space<vmem>>
          %dma_start3A_337 = tpu.memref_slice %arg7[%multiple_of3A_333] : memref<1048576xf32, #tpu.memory_space<hbm>> -> memref<64xf32, #tpu.memory_space<hbm>>
          %dma_start3A_338 = tpu.memref_slice %arg7[%multiple_of3A_333] : memref<1048576xf32, #tpu.memory_space<hbm>> -> memref<64xf32, #tpu.memory_space<hbm>>
          %dma_start3A_339 = tpu.memref_slice %arg11[%mul3A_335] : memref<4096xf32, #tpu.memory_space<vmem>> -> memref<64xf32, #tpu.memory_space<vmem>>
          tpu.enqueue_dma source(%dma_start3A_339 : memref<64xf32, #tpu.memory_space<vmem>>) target(%dma_start3A_338 : memref<64xf32, #tpu.memory_space<hbm>>) target_semaphore(%arg13 : memref<!tpu.dma_semaphore, #tpu.memory_space<semaphore_mem>>)
          %add3A_340 = arith.constant 1 : i32
          %add3A_341 = arith.addi %while3A_258, %add3A_340 : i32
          scf.yield %add3A_341 : i32
        }
        %mul3A_222 = arith.constant 2 : i32
        %mul3A_223 = arith.muli %mul3A_222, %while3A_194 : i32
        %add3A_224 = arith.constant 1 : i32
        %add3A_225 = arith.addi %mul3A_223, %add3A_224 : i32
        %mul3A_226 = arith.constant 16 : i32
        %mul3A_227 = arith.muli %add3A_225, %mul3A_226 : i32
        %get3A_228 = arith.index_cast %mul3A_227 : i32 to index
        %get3A_229 = tpu.vector_load %arg9[%get3A_228] {strides = array<i32>} : memref<16416xi32, #tpu.memory_space<vmem>>, vector<16xi32>,
        %gather3A_230 = tpu.vector_load_idx %arg8[%get3A_229] : memref<16384xi32, #tpu.memory_space<vmem>>[vector<16xi32>], vector<16xi32>,
        %ge3A_231 = vector.broadcast %multiple_of3A_150 : i32 to vector<16xi32>
        %ge3A_232 = arith.cmpi sge, %gather3A_230, %ge3A_231 : vector<16xi32>
        %add3A_233 = arith.constant 640 : i32
        %add3A_234 = arith.addi %multiple_of3A_150, %add3A_233 : i32
        %lt3A_235 = vector.broadcast %add3A_234 : i32 to vector<16xi32>
        %lt3A_236 = arith.cmpi slt, %gather3A_230, %lt3A_235 : vector<16xi32>
        %and3A_237 = arith.andi %ge3A_232, %lt3A_236 : vector<16xi1>
        %all_reduce_population_count3A_238 = tpu.all_reduce %and3A_237 {dim = 0 : i64, kind = #tpu.reduction_kind<sum>} : vector<16xi1> -> vector<16xi32>
        %slice3A_239 = vector.extract_strided_slice %all_reduce_population_count3A_238 {offsets = [0], sizes = [1], strides = [1]} : vector<16xi32> to vector<1xi32>
        %squeeze3A_240 = vector.extract %slice3A_239[0] : i32 from vector<1xi32>
        %gt3A_241 = arith.constant 0 : i32
        %gt3A_242 = arith.cmpi sgt, %squeeze3A_240, %gt3A_241 : i32
        %convert_element_type3A_243 = arith.extui %gt3A_242 : i1 to i32
        %cond3A_244 = arith.constant 0 : i32
        %cond3A_245 = arith.cmpi ne, %convert_element_type3A_243, %cond3A_244 : i32
        scf.if %cond3A_245 {
          %mul3A_257 = arith.constant 640 : i32
          %mul3A_258 = vector.broadcast %mul3A_257 : i32 to vector<16xi32>
          %mul3A_259 = arith.muli %get3A_229, %mul3A_258 : vector<16xi32>
          %sub3A_260 = vector.broadcast %multiple_of3A_150 : i32 to vector<16xi32>
          %sub3A_261 = arith.subi %gather3A_230, %sub3A_260 : vector<16xi32>
          %add3A_262 = arith.addi %mul3A_259, %sub3A_261 : vector<16xi32>
          %jit3A_263 = arith.constant 0 : i32
          %jit3A_264 = arith.constant 1 : i32
          %broadcast_in_dim3A_265 = vector.broadcast %jit3A_263 : i32 to vector<16xi32>
          %broadcast_in_dim3A_266 = vector.broadcast %jit3A_264 : i32 to vector<16xi32>
          %select_n3A_267 = arith.select %and3A_237, %broadcast_in_dim3A_265, %broadcast_in_dim3A_266 : vector<16xi1>, vector<16xi32>
          %masked_sort3A = arith.constant dense<true> : vector<16xi1>
          %masked_sort3A_268 = arith.constant -2147483648 : i32
          %masked_sort3A_269 = vector.broadcast %masked_sort3A_268 : i32 to vector<16xi32>
          %masked_sort3A_270 = arith.xori %select_n3A_267, %masked_sort3A_269 : vector<16xi32>
          %masked_sort3A_271, %masked_sort3A_272, %masked_sort3A_273 = tpu.sort %masked_sort3A_270, %add3A_262 masked %masked_sort3A : (vector<16xi32>, vector<16xi32>, vector<16xi1>) -> (vector<16xi1>, vector<16xi32>, vector<16xi32>)
          %masked_sort3A_274 = arith.xori %masked_sort3A_272, %masked_sort3A_269 : vector<16xi32>
          %swap3A_275 = arith.constant 0 : index
          %swap3A_276 = tpu.vector_load %arg12[%swap3A_275] {strides = array<i32>} : memref<32xi32, #tpu.memory_space<vmem>>, vector<16xi32>,
          tpu.vector_store %arg12[%swap3A_275], %masked_sort3A_273 {strides = array<i32>} : memref<32xi32, #tpu.memory_space<vmem>>, vector<16xi32>,
        } else {
        }
        %while3A_246 = arith.constant 0 : i32
        %while3A_247 = arith.subi %squeeze3A_240, %while3A_246 : i32
        %while3A_248 = arith.addi %while3A_246, %while3A_247 : i32
        %while3A_249 = arith.constant 1 : i32
        %while3A_250 = arith.divsi %while3A_247, %while3A_249 : i32
        %while3A_251 = arith.muli %while3A_250, %while3A_249 : i32
        %while3A_252 = arith.addi %while3A_246, %while3A_251 : i32
        %while3A_253 = arith.constant 1 : i32
        %while3A_254 = scf.for %while3A_257 = %while3A_246 to %while3A_252 step %while3A_253 iter_args(%while3A_258 = %while3A_221) -> (i32)  : i32 {
          %get3A_259 = arith.index_cast %while3A_257 : i32 to index
          %get3A_260 = tpu.vector_load %arg12[%get3A_259] {strides = array<i32>} : memref<32xi32, #tpu.memory_space<vmem>>, vector<16xi32>,
          %slice3A_261 = vector.extract_strided_slice %get3A_260 {offsets = [0], sizes = [1], strides = [1]} : vector<16xi32> to vector<1xi32>
          %squeeze3A_262 = vector.extract %slice3A_261[0] : i32 from vector<1xi32>
          %rem3A_263 = arith.constant 640 : i32
          %rem3A_264 = arith.remsi %squeeze3A_262, %rem3A_263 : i32
          %div3A_265 = arith.constant 640 : i32
          %div3A_266 = arith.divsi %squeeze3A_262, %div3A_265 : i32
          %and3A_267 = arith.constant 63 : i32
          %and3A_268 = arith.andi %while3A_258, %and3A_267 : i32
          %ge3A_269 = arith.constant 64 : i32
          %ge3A_270 = arith.cmpi sge, %while3A_258, %ge3A_269 : i32
          %convert_element_type3A_271 = arith.extui %ge3A_270 : i1 to i32
          %cond3A_272 = arith.constant 0 : i32
          %cond3A_273 = arith.cmpi ne, %convert_element_type3A_271, %cond3A_272 : i32
          scf.if %cond3A_273 {
            %dma_wait3A = arith.constant 0 : i32
            %dma_wait3A_342 = tpu.memref_slice %arg11[%dma_wait3A] : memref<4096xf32, #tpu.memory_space<vmem>> -> memref<64xf32, #tpu.memory_space<vmem>>
            %dma_wait3A_343 = arith.constant 0 : i32
            %dma_wait3A_344 = tpu.memref_slice %arg7[%dma_wait3A_343] : memref<1048576xf32, #tpu.memory_space<hbm>> -> memref<64xf32, #tpu.memory_space<hbm>>
            %dma_wait3A_345 = arith.constant 0 : i32
            %dma_wait3A_346 = tpu.memref_slice %arg11[%dma_wait3A_345] : memref<4096xf32, #tpu.memory_space<vmem>> -> memref<64xf32, #tpu.memory_space<vmem>>
            %dma_wait3A_347 = arith.constant 0 : i32
            %dma_wait3A_348 = tpu.memref_slice %arg7[%dma_wait3A_347] : memref<1048576xf32, #tpu.memory_space<hbm>> -> memref<64xf32, #tpu.memory_space<hbm>>
            tpu.wait_dma2 semaphore(%arg13 : memref<!tpu.dma_semaphore, #tpu.memory_space<semaphore_mem>>) src(%dma_wait3A_348 : memref<64xf32, #tpu.memory_space<hbm>>) dst(%dma_wait3A_346 : memref<64xf32, #tpu.memory_space<vmem>>)
          } else {
          }
          %broadcast_in_dim3A_274 = vector.broadcast %rem3A_264 : i32 to vector<16xi32>
          %add3A_275 = arith.constant 0 : i32
          %add3A_276 = vector.broadcast %add3A_275 : i32 to vector<16xi32>
          %add3A_277 = arith.addi %iota3A, %add3A_276 : vector<16xi32>
          %gather3A_278 = arith.constant 0 : i32
          %gather3A_279 = arith.constant 0 : i32
          %gather3A_280 = tpu.memref_slice %arg10[%and3A_169, %gather3A_278, %gather3A_279] : memref<2x64x640xf32, #tpu.memory_space<vmem>> -> memref<1x64x640xf32, #tpu.memory_space<vmem>>
          %gather3A_281 = tpu.memref_squeeze %gather3A_280 : memref<1x64x640xf32, #tpu.memory_space<vmem>> -> memref<64x640xf32, #tpu.memory_space<vmem>>
          %gather3A_282 = tpu.vector_load_idx %gather3A_281[%add3A_277, %broadcast_in_dim3A_274] : memref<64x640xf32, #tpu.memory_space<vmem>>[vector<16xi32>, vector<16xi32>], vector<16xf32>,
          %mul3A_283 = arith.constant 64 : i32
          %mul3A_284 = arith.muli %and3A_268, %mul3A_283 : i32
          %add3A_285 = arith.constant 0 : i32
          %add3A_286 = arith.addi %mul3A_284, %add3A_285 : i32
          %swap3A_287 = arith.index_cast %add3A_286 : i32 to index
          %swap3A_288 = tpu.vector_load %arg11[%swap3A_287] {strides = array<i32>} : memref<4096xf32, #tpu.memory_space<vmem>>, vector<16xf32>,
          tpu.vector_store %arg11[%swap3A_287], %gather3A_282 {strides = array<i32>} : memref<4096xf32, #tpu.memory_space<vmem>>, vector<16xf32>,
          %add3A_289 = arith.constant 16 : i32
          %add3A_290 = vector.broadcast %add3A_289 : i32 to vector<16xi32>
          %add3A_291 = arith.addi %iota3A, %add3A_290 : vector<16xi32>
          %gather3A_292 = arith.constant 0 : i32
          %gather3A_293 = arith.constant 0 : i32
          %gather3A_294 = tpu.memref_slice %arg10[%and3A_169, %gather3A_292, %gather3A_293] : memref<2x64x640xf32, #tpu.memory_space<vmem>> -> memref<1x64x640xf32, #tpu.memory_space<vmem>>
          %gather3A_295 = tpu.memref_squeeze %gather3A_294 : memref<1x64x640xf32, #tpu.memory_space<vmem>> -> memref<64x640xf32, #tpu.memory_space<vmem>>
          %gather3A_296 = tpu.vector_load_idx %gather3A_295[%add3A_291, %broadcast_in_dim3A_274] : memref<64x640xf32, #tpu.memory_space<vmem>>[vector<16xi32>, vector<16xi32>], vector<16xf32>,
          %mul3A_297 = arith.constant 64 : i32
          %mul3A_298 = arith.muli %and3A_268, %mul3A_297 : i32
          %add3A_299 = arith.constant 16 : i32
          %add3A_300 = arith.addi %mul3A_298, %add3A_299 : i32
          %swap3A_301 = arith.index_cast %add3A_300 : i32 to index
          %swap3A_302 = tpu.vector_load %arg11[%swap3A_301] {strides = array<i32>} : memref<4096xf32, #tpu.memory_space<vmem>>, vector<16xf32>,
          tpu.vector_store %arg11[%swap3A_301], %gather3A_296 {strides = array<i32>} : memref<4096xf32, #tpu.memory_space<vmem>>, vector<16xf32>,
          %add3A_303 = arith.constant 32 : i32
          %add3A_304 = vector.broadcast %add3A_303 : i32 to vector<16xi32>
          %add3A_305 = arith.addi %iota3A, %add3A_304 : vector<16xi32>
          %gather3A_306 = arith.constant 0 : i32
          %gather3A_307 = arith.constant 0 : i32
          %gather3A_308 = tpu.memref_slice %arg10[%and3A_169, %gather3A_306, %gather3A_307] : memref<2x64x640xf32, #tpu.memory_space<vmem>> -> memref<1x64x640xf32, #tpu.memory_space<vmem>>
          %gather3A_309 = tpu.memref_squeeze %gather3A_308 : memref<1x64x640xf32, #tpu.memory_space<vmem>> -> memref<64x640xf32, #tpu.memory_space<vmem>>
          %gather3A_310 = tpu.vector_load_idx %gather3A_309[%add3A_305, %broadcast_in_dim3A_274] : memref<64x640xf32, #tpu.memory_space<vmem>>[vector<16xi32>, vector<16xi32>], vector<16xf32>,
          %mul3A_311 = arith.constant 64 : i32
          %mul3A_312 = arith.muli %and3A_268, %mul3A_311 : i32
          %add3A_313 = arith.constant 32 : i32
          %add3A_314 = arith.addi %mul3A_312, %add3A_313 : i32
          %swap3A_315 = arith.index_cast %add3A_314 : i32 to index
          %swap3A_316 = tpu.vector_load %arg11[%swap3A_315] {strides = array<i32>} : memref<4096xf32, #tpu.memory_space<vmem>>, vector<16xf32>,
          tpu.vector_store %arg11[%swap3A_315], %gather3A_310 {strides = array<i32>} : memref<4096xf32, #tpu.memory_space<vmem>>, vector<16xf32>,
          %add3A_317 = arith.constant 48 : i32
          %add3A_318 = vector.broadcast %add3A_317 : i32 to vector<16xi32>
          %add3A_319 = arith.addi %iota3A, %add3A_318 : vector<16xi32>
          %gather3A_320 = arith.constant 0 : i32
          %gather3A_321 = arith.constant 0 : i32
          %gather3A_322 = tpu.memref_slice %arg10[%and3A_169, %gather3A_320, %gather3A_321] : memref<2x64x640xf32, #tpu.memory_space<vmem>> -> memref<1x64x640xf32, #tpu.memory_space<vmem>>
          %gather3A_323 = tpu.memref_squeeze %gather3A_322 : memref<1x64x640xf32, #tpu.memory_space<vmem>> -> memref<64x640xf32, #tpu.memory_space<vmem>>
          %gather3A_324 = tpu.vector_load_idx %gather3A_323[%add3A_319, %broadcast_in_dim3A_274] : memref<64x640xf32, #tpu.memory_space<vmem>>[vector<16xi32>, vector<16xi32>], vector<16xf32>,
          %mul3A_325 = arith.constant 64 : i32
          %mul3A_326 = arith.muli %and3A_268, %mul3A_325 : i32
          %add3A_327 = arith.constant 48 : i32
          %add3A_328 = arith.addi %mul3A_326, %add3A_327 : i32
          %swap3A_329 = arith.index_cast %add3A_328 : i32 to index
          %swap3A_330 = tpu.vector_load %arg11[%swap3A_329] {strides = array<i32>} : memref<4096xf32, #tpu.memory_space<vmem>>, vector<16xf32>,
          tpu.vector_store %arg11[%swap3A_329], %gather3A_324 {strides = array<i32>} : memref<4096xf32, #tpu.memory_space<vmem>>, vector<16xf32>,
          %mul3A_331 = arith.constant 64 : i32
          %mul3A_332 = arith.muli %div3A_266, %mul3A_331 : i32
          %multiple_of3A_333 = tpu.assume_multiple %mul3A_332, 8 : i32
          %mul3A_334 = arith.constant 64 : i32
          %mul3A_335 = arith.muli %and3A_268, %mul3A_334 : i32
          %dma_start3A_336 = tpu.memref_slice %arg11[%mul3A_335] : memref<4096xf32, #tpu.memory_space<vmem>> -> memref<64xf32, #tpu.memory_space<vmem>>
          %dma_start3A_337 = tpu.memref_slice %arg7[%multiple_of3A_333] : memref<1048576xf32, #tpu.memory_space<hbm>> -> memref<64xf32, #tpu.memory_space<hbm>>
          %dma_start3A_338 = tpu.memref_slice %arg7[%multiple_of3A_333] : memref<1048576xf32, #tpu.memory_space<hbm>> -> memref<64xf32, #tpu.memory_space<hbm>>
          %dma_start3A_339 = tpu.memref_slice %arg11[%mul3A_335] : memref<4096xf32, #tpu.memory_space<vmem>> -> memref<64xf32, #tpu.memory_space<vmem>>
          tpu.enqueue_dma source(%dma_start3A_339 : memref<64xf32, #tpu.memory_space<vmem>>) target(%dma_start3A_338 : memref<64xf32, #tpu.memory_space<hbm>>) target_semaphore(%arg13 : memref<!tpu.dma_semaphore, #tpu.memory_space<semaphore_mem>>)
          %add3A_340 = arith.constant 1 : i32
          %add3A_341 = arith.addi %while3A_258, %add3A_340 : i32
          scf.yield %add3A_341 : i32
        }
        %while3A_255 = arith.constant 1 : i32
        %while3A_256 = scf.for %while3A_257 = %while3A_252 to %while3A_248 step %while3A_255 iter_args(%while3A_258 = %while3A_254) -> (i32)  : i32 {
          %get3A_259 = arith.index_cast %while3A_257 : i32 to index
          %get3A_260 = tpu.vector_load %arg12[%get3A_259] {strides = array<i32>} : memref<32xi32, #tpu.memory_space<vmem>>, vector<16xi32>,
          %slice3A_261 = vector.extract_strided_slice %get3A_260 {offsets = [0], sizes = [1], strides = [1]} : vector<16xi32> to vector<1xi32>
          %squeeze3A_262 = vector.extract %slice3A_261[0] : i32 from vector<1xi32>
          %rem3A_263 = arith.constant 640 : i32
          %rem3A_264 = arith.remsi %squeeze3A_262, %rem3A_263 : i32
          %div3A_265 = arith.constant 640 : i32
          %div3A_266 = arith.divsi %squeeze3A_262, %div3A_265 : i32
          %and3A_267 = arith.constant 63 : i32
          %and3A_268 = arith.andi %while3A_258, %and3A_267 : i32
          %ge3A_269 = arith.constant 64 : i32
          %ge3A_270 = arith.cmpi sge, %while3A_258, %ge3A_269 : i32
          %convert_element_type3A_271 = arith.extui %ge3A_270 : i1 to i32
          %cond3A_272 = arith.constant 0 : i32
          %cond3A_273 = arith.cmpi ne, %convert_element_type3A_271, %cond3A_272 : i32
          scf.if %cond3A_273 {
            %dma_wait3A = arith.constant 0 : i32
            %dma_wait3A_342 = tpu.memref_slice %arg11[%dma_wait3A] : memref<4096xf32, #tpu.memory_space<vmem>> -> memref<64xf32, #tpu.memory_space<vmem>>
            %dma_wait3A_343 = arith.constant 0 : i32
            %dma_wait3A_344 = tpu.memref_slice %arg7[%dma_wait3A_343] : memref<1048576xf32, #tpu.memory_space<hbm>> -> memref<64xf32, #tpu.memory_space<hbm>>
            %dma_wait3A_345 = arith.constant 0 : i32
            %dma_wait3A_346 = tpu.memref_slice %arg11[%dma_wait3A_345] : memref<4096xf32, #tpu.memory_space<vmem>> -> memref<64xf32, #tpu.memory_space<vmem>>
            %dma_wait3A_347 = arith.constant 0 : i32
            %dma_wait3A_348 = tpu.memref_slice %arg7[%dma_wait3A_347] : memref<1048576xf32, #tpu.memory_space<hbm>> -> memref<64xf32, #tpu.memory_space<hbm>>
            tpu.wait_dma2 semaphore(%arg13 : memref<!tpu.dma_semaphore, #tpu.memory_space<semaphore_mem>>) src(%dma_wait3A_348 : memref<64xf32, #tpu.memory_space<hbm>>) dst(%dma_wait3A_346 : memref<64xf32, #tpu.memory_space<vmem>>)
          } else {
          }
          %broadcast_in_dim3A_274 = vector.broadcast %rem3A_264 : i32 to vector<16xi32>
          %add3A_275 = arith.constant 0 : i32
          %add3A_276 = vector.broadcast %add3A_275 : i32 to vector<16xi32>
          %add3A_277 = arith.addi %iota3A, %add3A_276 : vector<16xi32>
          %gather3A_278 = arith.constant 0 : i32
          %gather3A_279 = arith.constant 0 : i32
          %gather3A_280 = tpu.memref_slice %arg10[%and3A_169, %gather3A_278, %gather3A_279] : memref<2x64x640xf32, #tpu.memory_space<vmem>> -> memref<1x64x640xf32, #tpu.memory_space<vmem>>
          %gather3A_281 = tpu.memref_squeeze %gather3A_280 : memref<1x64x640xf32, #tpu.memory_space<vmem>> -> memref<64x640xf32, #tpu.memory_space<vmem>>
          %gather3A_282 = tpu.vector_load_idx %gather3A_281[%add3A_277, %broadcast_in_dim3A_274] : memref<64x640xf32, #tpu.memory_space<vmem>>[vector<16xi32>, vector<16xi32>], vector<16xf32>,
          %mul3A_283 = arith.constant 64 : i32
          %mul3A_284 = arith.muli %and3A_268, %mul3A_283 : i32
          %add3A_285 = arith.constant 0 : i32
          %add3A_286 = arith.addi %mul3A_284, %add3A_285 : i32
          %swap3A_287 = arith.index_cast %add3A_286 : i32 to index
          %swap3A_288 = tpu.vector_load %arg11[%swap3A_287] {strides = array<i32>} : memref<4096xf32, #tpu.memory_space<vmem>>, vector<16xf32>,
          tpu.vector_store %arg11[%swap3A_287], %gather3A_282 {strides = array<i32>} : memref<4096xf32, #tpu.memory_space<vmem>>, vector<16xf32>,
          %add3A_289 = arith.constant 16 : i32
          %add3A_290 = vector.broadcast %add3A_289 : i32 to vector<16xi32>
          %add3A_291 = arith.addi %iota3A, %add3A_290 : vector<16xi32>
          %gather3A_292 = arith.constant 0 : i32
          %gather3A_293 = arith.constant 0 : i32
          %gather3A_294 = tpu.memref_slice %arg10[%and3A_169, %gather3A_292, %gather3A_293] : memref<2x64x640xf32, #tpu.memory_space<vmem>> -> memref<1x64x640xf32, #tpu.memory_space<vmem>>
          %gather3A_295 = tpu.memref_squeeze %gather3A_294 : memref<1x64x640xf32, #tpu.memory_space<vmem>> -> memref<64x640xf32, #tpu.memory_space<vmem>>
          %gather3A_296 = tpu.vector_load_idx %gather3A_295[%add3A_291, %broadcast_in_dim3A_274] : memref<64x640xf32, #tpu.memory_space<vmem>>[vector<16xi32>, vector<16xi32>], vector<16xf32>,
          %mul3A_297 = arith.constant 64 : i32
          %mul3A_298 = arith.muli %and3A_268, %mul3A_297 : i32
          %add3A_299 = arith.constant 16 : i32
          %add3A_300 = arith.addi %mul3A_298, %add3A_299 : i32
          %swap3A_301 = arith.index_cast %add3A_300 : i32 to index
          %swap3A_302 = tpu.vector_load %arg11[%swap3A_301] {strides = array<i32>} : memref<4096xf32, #tpu.memory_space<vmem>>, vector<16xf32>,
          tpu.vector_store %arg11[%swap3A_301], %gather3A_296 {strides = array<i32>} : memref<4096xf32, #tpu.memory_space<vmem>>, vector<16xf32>,
          %add3A_303 = arith.constant 32 : i32
          %add3A_304 = vector.broadcast %add3A_303 : i32 to vector<16xi32>
          %add3A_305 = arith.addi %iota3A, %add3A_304 : vector<16xi32>
          %gather3A_306 = arith.constant 0 : i32
          %gather3A_307 = arith.constant 0 : i32
          %gather3A_308 = tpu.memref_slice %arg10[%and3A_169, %gather3A_306, %gather3A_307] : memref<2x64x640xf32, #tpu.memory_space<vmem>> -> memref<1x64x640xf32, #tpu.memory_space<vmem>>
          %gather3A_309 = tpu.memref_squeeze %gather3A_308 : memref<1x64x640xf32, #tpu.memory_space<vmem>> -> memref<64x640xf32, #tpu.memory_space<vmem>>
          %gather3A_310 = tpu.vector_load_idx %gather3A_309[%add3A_305, %broadcast_in_dim3A_274] : memref<64x640xf32, #tpu.memory_space<vmem>>[vector<16xi32>, vector<16xi32>], vector<16xf32>,
          %mul3A_311 = arith.constant 64 : i32
          %mul3A_312 = arith.muli %and3A_268, %mul3A_311 : i32
          %add3A_313 = arith.constant 32 : i32
          %add3A_314 = arith.addi %mul3A_312, %add3A_313 : i32
          %swap3A_315 = arith.index_cast %add3A_314 : i32 to index
          %swap3A_316 = tpu.vector_load %arg11[%swap3A_315] {strides = array<i32>} : memref<4096xf32, #tpu.memory_space<vmem>>, vector<16xf32>,
          tpu.vector_store %arg11[%swap3A_315], %gather3A_310 {strides = array<i32>} : memref<4096xf32, #tpu.memory_space<vmem>>, vector<16xf32>,
          %add3A_317 = arith.constant 48 : i32
          %add3A_318 = vector.broadcast %add3A_317 : i32 to vector<16xi32>
          %add3A_319 = arith.addi %iota3A, %add3A_318 : vector<16xi32>
          %gather3A_320 = arith.constant 0 : i32
          %gather3A_321 = arith.constant 0 : i32
          %gather3A_322 = tpu.memref_slice %arg10[%and3A_169, %gather3A_320, %gather3A_321] : memref<2x64x640xf32, #tpu.memory_space<vmem>> -> memref<1x64x640xf32, #tpu.memory_space<vmem>>
          %gather3A_323 = tpu.memref_squeeze %gather3A_322 : memref<1x64x640xf32, #tpu.memory_space<vmem>> -> memref<64x640xf32, #tpu.memory_space<vmem>>
          %gather3A_324 = tpu.vector_load_idx %gather3A_323[%add3A_319, %broadcast_in_dim3A_274] : memref<64x640xf32, #tpu.memory_space<vmem>>[vector<16xi32>, vector<16xi32>], vector<16xf32>,
          %mul3A_325 = arith.constant 64 : i32
          %mul3A_326 = arith.muli %and3A_268, %mul3A_325 : i32
          %add3A_327 = arith.constant 48 : i32
          %add3A_328 = arith.addi %mul3A_326, %add3A_327 : i32
          %swap3A_329 = arith.index_cast %add3A_328 : i32 to index
          %swap3A_330 = tpu.vector_load %arg11[%swap3A_329] {strides = array<i32>} : memref<4096xf32, #tpu.memory_space<vmem>>, vector<16xf32>,
          tpu.vector_store %arg11[%swap3A_329], %gather3A_324 {strides = array<i32>} : memref<4096xf32, #tpu.memory_space<vmem>>, vector<16xf32>,
          %mul3A_331 = arith.constant 64 : i32
          %mul3A_332 = arith.muli %div3A_266, %mul3A_331 : i32
          %multiple_of3A_333 = tpu.assume_multiple %mul3A_332, 8 : i32
          %mul3A_334 = arith.constant 64 : i32
          %mul3A_335 = arith.muli %and3A_268, %mul3A_334 : i32
          %dma_start3A_336 = tpu.memref_slice %arg11[%mul3A_335] : memref<4096xf32, #tpu.memory_space<vmem>> -> memref<64xf32, #tpu.memory_space<vmem>>
          %dma_start3A_337 = tpu.memref_slice %arg7[%multiple_of3A_333] : memref<1048576xf32, #tpu.memory_space<hbm>> -> memref<64xf32, #tpu.memory_space<hbm>>
          %dma_start3A_338 = tpu.memref_slice %arg7[%multiple_of3A_333] : memref<1048576xf32, #tpu.memory_space<hbm>> -> memref<64xf32, #tpu.memory_space<hbm>>
          %dma_start3A_339 = tpu.memref_slice %arg11[%mul3A_335] : memref<4096xf32, #tpu.memory_space<vmem>> -> memref<64xf32, #tpu.memory_space<vmem>>
          tpu.enqueue_dma source(%dma_start3A_339 : memref<64xf32, #tpu.memory_space<vmem>>) target(%dma_start3A_338 : memref<64xf32, #tpu.memory_space<hbm>>) target_semaphore(%arg13 : memref<!tpu.dma_semaphore, #tpu.memory_space<semaphore_mem>>)
          %add3A_340 = arith.constant 1 : i32
          %add3A_341 = arith.addi %while3A_258, %add3A_340 : i32
          scf.yield %add3A_341 : i32
        }
        scf.yield %while3A_256 : i32
      }
      %while3A_180 = arith.constant 1 : i32
      %while3A_181 = scf.for %while3A_194 = %while3A_177 to %while3A_173 step %while3A_180 iter_args(%while3A_195 = %while3A_179) -> (i32)  : i32 {
        %mul3A_196 = arith.constant 2 : i32
        %mul3A_197 = arith.muli %mul3A_196, %while3A_194 : i32
        %mul3A_198 = arith.constant 16 : i32
        %mul3A_199 = arith.muli %mul3A_197, %mul3A_198 : i32
        %get3A = arith.index_cast %mul3A_199 : i32 to index
        %get3A_200 = tpu.vector_load %arg9[%get3A] {strides = array<i32>} : memref<16416xi32, #tpu.memory_space<vmem>>, vector<16xi32>,
        %gather3A = tpu.vector_load_idx %arg8[%get3A_200] : memref<16384xi32, #tpu.memory_space<vmem>>[vector<16xi32>], vector<16xi32>,
        %ge3A = vector.broadcast %multiple_of3A_150 : i32 to vector<16xi32>
        %ge3A_201 = arith.cmpi sge, %gather3A, %ge3A : vector<16xi32>
        %add3A_202 = arith.constant 640 : i32
        %add3A_203 = arith.addi %multiple_of3A_150, %add3A_202 : i32
        %lt3A_204 = vector.broadcast %add3A_203 : i32 to vector<16xi32>
        %lt3A_205 = arith.cmpi slt, %gather3A, %lt3A_204 : vector<16xi32>
        %and3A_206 = arith.andi %ge3A_201, %lt3A_205 : vector<16xi1>
        %all_reduce_population_count3A = tpu.all_reduce %and3A_206 {dim = 0 : i64, kind = #tpu.reduction_kind<sum>} : vector<16xi1> -> vector<16xi32>
        %slice3A = vector.extract_strided_slice %all_reduce_population_count3A {offsets = [0], sizes = [1], strides = [1]} : vector<16xi32> to vector<1xi32>
        %squeeze3A = vector.extract %slice3A[0] : i32 from vector<1xi32>
        %gt3A = arith.constant 0 : i32
        %gt3A_207 = arith.cmpi sgt, %squeeze3A, %gt3A : i32
        %convert_element_type3A_208 = arith.extui %gt3A_207 : i1 to i32
        %cond3A_209 = arith.constant 0 : i32
        %cond3A_210 = arith.cmpi ne, %convert_element_type3A_208, %cond3A_209 : i32
        scf.if %cond3A_210 {
          %mul3A_257 = arith.constant 640 : i32
          %mul3A_258 = vector.broadcast %mul3A_257 : i32 to vector<16xi32>
          %mul3A_259 = arith.muli %get3A_200, %mul3A_258 : vector<16xi32>
          %sub3A_260 = vector.broadcast %multiple_of3A_150 : i32 to vector<16xi32>
          %sub3A_261 = arith.subi %gather3A, %sub3A_260 : vector<16xi32>
          %add3A_262 = arith.addi %mul3A_259, %sub3A_261 : vector<16xi32>
          %jit3A_263 = arith.constant 0 : i32
          %jit3A_264 = arith.constant 1 : i32
          %broadcast_in_dim3A_265 = vector.broadcast %jit3A_263 : i32 to vector<16xi32>
          %broadcast_in_dim3A_266 = vector.broadcast %jit3A_264 : i32 to vector<16xi32>
          %select_n3A_267 = arith.select %and3A_206, %broadcast_in_dim3A_265, %broadcast_in_dim3A_266 : vector<16xi1>, vector<16xi32>
          %masked_sort3A = arith.constant dense<true> : vector<16xi1>
          %masked_sort3A_268 = arith.constant -2147483648 : i32
          %masked_sort3A_269 = vector.broadcast %masked_sort3A_268 : i32 to vector<16xi32>
          %masked_sort3A_270 = arith.xori %select_n3A_267, %masked_sort3A_269 : vector<16xi32>
          %masked_sort3A_271, %masked_sort3A_272, %masked_sort3A_273 = tpu.sort %masked_sort3A_270, %add3A_262 masked %masked_sort3A : (vector<16xi32>, vector<16xi32>, vector<16xi1>) -> (vector<16xi1>, vector<16xi32>, vector<16xi32>)
          %masked_sort3A_274 = arith.xori %masked_sort3A_272, %masked_sort3A_269 : vector<16xi32>
          %swap3A_275 = arith.constant 0 : index
          %swap3A_276 = tpu.vector_load %arg12[%swap3A_275] {strides = array<i32>} : memref<32xi32, #tpu.memory_space<vmem>>, vector<16xi32>,
          tpu.vector_store %arg12[%swap3A_275], %masked_sort3A_273 {strides = array<i32>} : memref<32xi32, #tpu.memory_space<vmem>>, vector<16xi32>,
        } else {
        }
        %while3A_211 = arith.constant 0 : i32
        %while3A_212 = arith.subi %squeeze3A, %while3A_211 : i32
        %while3A_213 = arith.addi %while3A_211, %while3A_212 : i32
        %while3A_214 = arith.constant 1 : i32
        %while3A_215 = arith.divsi %while3A_212, %while3A_214 : i32
        %while3A_216 = arith.muli %while3A_215, %while3A_214 : i32
        %while3A_217 = arith.addi %while3A_211, %while3A_216 : i32
        %while3A_218 = arith.constant 1 : i32
        %while3A_219 = scf.for %while3A_257 = %while3A_211 to %while3A_217 step %while3A_218 iter_args(%while3A_258 = %while3A_195) -> (i32)  : i32 {
          %get3A_259 = arith.index_cast %while3A_257 : i32 to index
          %get3A_260 = tpu.vector_load %arg12[%get3A_259] {strides = array<i32>} : memref<32xi32, #tpu.memory_space<vmem>>, vector<16xi32>,
          %slice3A_261 = vector.extract_strided_slice %get3A_260 {offsets = [0], sizes = [1], strides = [1]} : vector<16xi32> to vector<1xi32>
          %squeeze3A_262 = vector.extract %slice3A_261[0] : i32 from vector<1xi32>
          %rem3A_263 = arith.constant 640 : i32
          %rem3A_264 = arith.remsi %squeeze3A_262, %rem3A_263 : i32
          %div3A_265 = arith.constant 640 : i32
          %div3A_266 = arith.divsi %squeeze3A_262, %div3A_265 : i32
          %and3A_267 = arith.constant 63 : i32
          %and3A_268 = arith.andi %while3A_258, %and3A_267 : i32
          %ge3A_269 = arith.constant 64 : i32
          %ge3A_270 = arith.cmpi sge, %while3A_258, %ge3A_269 : i32
          %convert_element_type3A_271 = arith.extui %ge3A_270 : i1 to i32
          %cond3A_272 = arith.constant 0 : i32
          %cond3A_273 = arith.cmpi ne, %convert_element_type3A_271, %cond3A_272 : i32
          scf.if %cond3A_273 {
            %dma_wait3A = arith.constant 0 : i32
            %dma_wait3A_342 = tpu.memref_slice %arg11[%dma_wait3A] : memref<4096xf32, #tpu.memory_space<vmem>> -> memref<64xf32, #tpu.memory_space<vmem>>
            %dma_wait3A_343 = arith.constant 0 : i32
            %dma_wait3A_344 = tpu.memref_slice %arg7[%dma_wait3A_343] : memref<1048576xf32, #tpu.memory_space<hbm>> -> memref<64xf32, #tpu.memory_space<hbm>>
            %dma_wait3A_345 = arith.constant 0 : i32
            %dma_wait3A_346 = tpu.memref_slice %arg11[%dma_wait3A_345] : memref<4096xf32, #tpu.memory_space<vmem>> -> memref<64xf32, #tpu.memory_space<vmem>>
            %dma_wait3A_347 = arith.constant 0 : i32
            %dma_wait3A_348 = tpu.memref_slice %arg7[%dma_wait3A_347] : memref<1048576xf32, #tpu.memory_space<hbm>> -> memref<64xf32, #tpu.memory_space<hbm>>
            tpu.wait_dma2 semaphore(%arg13 : memref<!tpu.dma_semaphore, #tpu.memory_space<semaphore_mem>>) src(%dma_wait3A_348 : memref<64xf32, #tpu.memory_space<hbm>>) dst(%dma_wait3A_346 : memref<64xf32, #tpu.memory_space<vmem>>)
          } else {
          }
          %broadcast_in_dim3A_274 = vector.broadcast %rem3A_264 : i32 to vector<16xi32>
          %add3A_275 = arith.constant 0 : i32
          %add3A_276 = vector.broadcast %add3A_275 : i32 to vector<16xi32>
          %add3A_277 = arith.addi %iota3A, %add3A_276 : vector<16xi32>
          %gather3A_278 = arith.constant 0 : i32
          %gather3A_279 = arith.constant 0 : i32
          %gather3A_280 = tpu.memref_slice %arg10[%and3A_169, %gather3A_278, %gather3A_279] : memref<2x64x640xf32, #tpu.memory_space<vmem>> -> memref<1x64x640xf32, #tpu.memory_space<vmem>>
          %gather3A_281 = tpu.memref_squeeze %gather3A_280 : memref<1x64x640xf32, #tpu.memory_space<vmem>> -> memref<64x640xf32, #tpu.memory_space<vmem>>
          %gather3A_282 = tpu.vector_load_idx %gather3A_281[%add3A_277, %broadcast_in_dim3A_274] : memref<64x640xf32, #tpu.memory_space<vmem>>[vector<16xi32>, vector<16xi32>], vector<16xf32>,
          %mul3A_283 = arith.constant 64 : i32
          %mul3A_284 = arith.muli %and3A_268, %mul3A_283 : i32
          %add3A_285 = arith.constant 0 : i32
          %add3A_286 = arith.addi %mul3A_284, %add3A_285 : i32
          %swap3A_287 = arith.index_cast %add3A_286 : i32 to index
          %swap3A_288 = tpu.vector_load %arg11[%swap3A_287] {strides = array<i32>} : memref<4096xf32, #tpu.memory_space<vmem>>, vector<16xf32>,
          tpu.vector_store %arg11[%swap3A_287], %gather3A_282 {strides = array<i32>} : memref<4096xf32, #tpu.memory_space<vmem>>, vector<16xf32>,
          %add3A_289 = arith.constant 16 : i32
          %add3A_290 = vector.broadcast %add3A_289 : i32 to vector<16xi32>
          %add3A_291 = arith.addi %iota3A, %add3A_290 : vector<16xi32>
          %gather3A_292 = arith.constant 0 : i32
          %gather3A_293 = arith.constant 0 : i32
          %gather3A_294 = tpu.memref_slice %arg10[%and3A_169, %gather3A_292, %gather3A_293] : memref<2x64x640xf32, #tpu.memory_space<vmem>> -> memref<1x64x640xf32, #tpu.memory_space<vmem>>
          %gather3A_295 = tpu.memref_squeeze %gather3A_294 : memref<1x64x640xf32, #tpu.memory_space<vmem>> -> memref<64x640xf32, #tpu.memory_space<vmem>>
          %gather3A_296 = tpu.vector_load_idx %gather3A_295[%add3A_291, %broadcast_in_dim3A_274] : memref<64x640xf32, #tpu.memory_space<vmem>>[vector<16xi32>, vector<16xi32>], vector<16xf32>,
          %mul3A_297 = arith.constant 64 : i32
          %mul3A_298 = arith.muli %and3A_268, %mul3A_297 : i32
          %add3A_299 = arith.constant 16 : i32
          %add3A_300 = arith.addi %mul3A_298, %add3A_299 : i32
          %swap3A_301 = arith.index_cast %add3A_300 : i32 to index
          %swap3A_302 = tpu.vector_load %arg11[%swap3A_301] {strides = array<i32>} : memref<4096xf32, #tpu.memory_space<vmem>>, vector<16xf32>,
          tpu.vector_store %arg11[%swap3A_301], %gather3A_296 {strides = array<i32>} : memref<4096xf32, #tpu.memory_space<vmem>>, vector<16xf32>,
          %add3A_303 = arith.constant 32 : i32
          %add3A_304 = vector.broadcast %add3A_303 : i32 to vector<16xi32>
          %add3A_305 = arith.addi %iota3A, %add3A_304 : vector<16xi32>
          %gather3A_306 = arith.constant 0 : i32
          %gather3A_307 = arith.constant 0 : i32
          %gather3A_308 = tpu.memref_slice %arg10[%and3A_169, %gather3A_306, %gather3A_307] : memref<2x64x640xf32, #tpu.memory_space<vmem>> -> memref<1x64x640xf32, #tpu.memory_space<vmem>>
          %gather3A_309 = tpu.memref_squeeze %gather3A_308 : memref<1x64x640xf32, #tpu.memory_space<vmem>> -> memref<64x640xf32, #tpu.memory_space<vmem>>
          %gather3A_310 = tpu.vector_load_idx %gather3A_309[%add3A_305, %broadcast_in_dim3A_274] : memref<64x640xf32, #tpu.memory_space<vmem>>[vector<16xi32>, vector<16xi32>], vector<16xf32>,
          %mul3A_311 = arith.constant 64 : i32
          %mul3A_312 = arith.muli %and3A_268, %mul3A_311 : i32
          %add3A_313 = arith.constant 32 : i32
          %add3A_314 = arith.addi %mul3A_312, %add3A_313 : i32
          %swap3A_315 = arith.index_cast %add3A_314 : i32 to index
          %swap3A_316 = tpu.vector_load %arg11[%swap3A_315] {strides = array<i32>} : memref<4096xf32, #tpu.memory_space<vmem>>, vector<16xf32>,
          tpu.vector_store %arg11[%swap3A_315], %gather3A_310 {strides = array<i32>} : memref<4096xf32, #tpu.memory_space<vmem>>, vector<16xf32>,
          %add3A_317 = arith.constant 48 : i32
          %add3A_318 = vector.broadcast %add3A_317 : i32 to vector<16xi32>
          %add3A_319 = arith.addi %iota3A, %add3A_318 : vector<16xi32>
          %gather3A_320 = arith.constant 0 : i32
          %gather3A_321 = arith.constant 0 : i32
          %gather3A_322 = tpu.memref_slice %arg10[%and3A_169, %gather3A_320, %gather3A_321] : memref<2x64x640xf32, #tpu.memory_space<vmem>> -> memref<1x64x640xf32, #tpu.memory_space<vmem>>
          %gather3A_323 = tpu.memref_squeeze %gather3A_322 : memref<1x64x640xf32, #tpu.memory_space<vmem>> -> memref<64x640xf32, #tpu.memory_space<vmem>>
          %gather3A_324 = tpu.vector_load_idx %gather3A_323[%add3A_319, %broadcast_in_dim3A_274] : memref<64x640xf32, #tpu.memory_space<vmem>>[vector<16xi32>, vector<16xi32>], vector<16xf32>,
          %mul3A_325 = arith.constant 64 : i32
          %mul3A_326 = arith.muli %and3A_268, %mul3A_325 : i32
          %add3A_327 = arith.constant 48 : i32
          %add3A_328 = arith.addi %mul3A_326, %add3A_327 : i32
          %swap3A_329 = arith.index_cast %add3A_328 : i32 to index
          %swap3A_330 = tpu.vector_load %arg11[%swap3A_329] {strides = array<i32>} : memref<4096xf32, #tpu.memory_space<vmem>>, vector<16xf32>,
          tpu.vector_store %arg11[%swap3A_329], %gather3A_324 {strides = array<i32>} : memref<4096xf32, #tpu.memory_space<vmem>>, vector<16xf32>,
          %mul3A_331 = arith.constant 64 : i32
          %mul3A_332 = arith.muli %div3A_266, %mul3A_331 : i32
          %multiple_of3A_333 = tpu.assume_multiple %mul3A_332, 8 : i32
          %mul3A_334 = arith.constant 64 : i32
          %mul3A_335 = arith.muli %and3A_268, %mul3A_334 : i32
          %dma_start3A_336 = tpu.memref_slice %arg11[%mul3A_335] : memref<4096xf32, #tpu.memory_space<vmem>> -> memref<64xf32, #tpu.memory_space<vmem>>
          %dma_start3A_337 = tpu.memref_slice %arg7[%multiple_of3A_333] : memref<1048576xf32, #tpu.memory_space<hbm>> -> memref<64xf32, #tpu.memory_space<hbm>>
          %dma_start3A_338 = tpu.memref_slice %arg7[%multiple_of3A_333] : memref<1048576xf32, #tpu.memory_space<hbm>> -> memref<64xf32, #tpu.memory_space<hbm>>
          %dma_start3A_339 = tpu.memref_slice %arg11[%mul3A_335] : memref<4096xf32, #tpu.memory_space<vmem>> -> memref<64xf32, #tpu.memory_space<vmem>>
          tpu.enqueue_dma source(%dma_start3A_339 : memref<64xf32, #tpu.memory_space<vmem>>) target(%dma_start3A_338 : memref<64xf32, #tpu.memory_space<hbm>>) target_semaphore(%arg13 : memref<!tpu.dma_semaphore, #tpu.memory_space<semaphore_mem>>)
          %add3A_340 = arith.constant 1 : i32
          %add3A_341 = arith.addi %while3A_258, %add3A_340 : i32
          scf.yield %add3A_341 : i32
        }
        %while3A_220 = arith.constant 1 : i32
        %while3A_221 = scf.for %while3A_257 = %while3A_217 to %while3A_213 step %while3A_220 iter_args(%while3A_258 = %while3A_219) -> (i32)  : i32 {
          %get3A_259 = arith.index_cast %while3A_257 : i32 to index
          %get3A_260 = tpu.vector_load %arg12[%get3A_259] {strides = array<i32>} : memref<32xi32, #tpu.memory_space<vmem>>, vector<16xi32>,
          %slice3A_261 = vector.extract_strided_slice %get3A_260 {offsets = [0], sizes = [1], strides = [1]} : vector<16xi32> to vector<1xi32>
          %squeeze3A_262 = vector.extract %slice3A_261[0] : i32 from vector<1xi32>
          %rem3A_263 = arith.constant 640 : i32
          %rem3A_264 = arith.remsi %squeeze3A_262, %rem3A_263 : i32
          %div3A_265 = arith.constant 640 : i32
          %div3A_266 = arith.divsi %squeeze3A_262, %div3A_265 : i32
          %and3A_267 = arith.constant 63 : i32
          %and3A_268 = arith.andi %while3A_258, %and3A_267 : i32
          %ge3A_269 = arith.constant 64 : i32
          %ge3A_270 = arith.cmpi sge, %while3A_258, %ge3A_269 : i32
          %convert_element_type3A_271 = arith.extui %ge3A_270 : i1 to i32
          %cond3A_272 = arith.constant 0 : i32
          %cond3A_273 = arith.cmpi ne, %convert_element_type3A_271, %cond3A_272 : i32
          scf.if %cond3A_273 {
            %dma_wait3A = arith.constant 0 : i32
            %dma_wait3A_342 = tpu.memref_slice %arg11[%dma_wait3A] : memref<4096xf32, #tpu.memory_space<vmem>> -> memref<64xf32, #tpu.memory_space<vmem>>
            %dma_wait3A_343 = arith.constant 0 : i32
            %dma_wait3A_344 = tpu.memref_slice %arg7[%dma_wait3A_343] : memref<1048576xf32, #tpu.memory_space<hbm>> -> memref<64xf32, #tpu.memory_space<hbm>>
            %dma_wait3A_345 = arith.constant 0 : i32
            %dma_wait3A_346 = tpu.memref_slice %arg11[%dma_wait3A_345] : memref<4096xf32, #tpu.memory_space<vmem>> -> memref<64xf32, #tpu.memory_space<vmem>>
            %dma_wait3A_347 = arith.constant 0 : i32
            %dma_wait3A_348 = tpu.memref_slice %arg7[%dma_wait3A_347] : memref<1048576xf32, #tpu.memory_space<hbm>> -> memref<64xf32, #tpu.memory_space<hbm>>
            tpu.wait_dma2 semaphore(%arg13 : memref<!tpu.dma_semaphore, #tpu.memory_space<semaphore_mem>>) src(%dma_wait3A_348 : memref<64xf32, #tpu.memory_space<hbm>>) dst(%dma_wait3A_346 : memref<64xf32, #tpu.memory_space<vmem>>)
          } else {
          }
          %broadcast_in_dim3A_274 = vector.broadcast %rem3A_264 : i32 to vector<16xi32>
          %add3A_275 = arith.constant 0 : i32
          %add3A_276 = vector.broadcast %add3A_275 : i32 to vector<16xi32>
          %add3A_277 = arith.addi %iota3A, %add3A_276 : vector<16xi32>
          %gather3A_278 = arith.constant 0 : i32
          %gather3A_279 = arith.constant 0 : i32
          %gather3A_280 = tpu.memref_slice %arg10[%and3A_169, %gather3A_278, %gather3A_279] : memref<2x64x640xf32, #tpu.memory_space<vmem>> -> memref<1x64x640xf32, #tpu.memory_space<vmem>>
          %gather3A_281 = tpu.memref_squeeze %gather3A_280 : memref<1x64x640xf32, #tpu.memory_space<vmem>> -> memref<64x640xf32, #tpu.memory_space<vmem>>
          %gather3A_282 = tpu.vector_load_idx %gather3A_281[%add3A_277, %broadcast_in_dim3A_274] : memref<64x640xf32, #tpu.memory_space<vmem>>[vector<16xi32>, vector<16xi32>], vector<16xf32>,
          %mul3A_283 = arith.constant 64 : i32
          %mul3A_284 = arith.muli %and3A_268, %mul3A_283 : i32
          %add3A_285 = arith.constant 0 : i32
          %add3A_286 = arith.addi %mul3A_284, %add3A_285 : i32
          %swap3A_287 = arith.index_cast %add3A_286 : i32 to index
          %swap3A_288 = tpu.vector_load %arg11[%swap3A_287] {strides = array<i32>} : memref<4096xf32, #tpu.memory_space<vmem>>, vector<16xf32>,
          tpu.vector_store %arg11[%swap3A_287], %gather3A_282 {strides = array<i32>} : memref<4096xf32, #tpu.memory_space<vmem>>, vector<16xf32>,
          %add3A_289 = arith.constant 16 : i32
          %add3A_290 = vector.broadcast %add3A_289 : i32 to vector<16xi32>
          %add3A_291 = arith.addi %iota3A, %add3A_290 : vector<16xi32>
          %gather3A_292 = arith.constant 0 : i32
          %gather3A_293 = arith.constant 0 : i32
          %gather3A_294 = tpu.memref_slice %arg10[%and3A_169, %gather3A_292, %gather3A_293] : memref<2x64x640xf32, #tpu.memory_space<vmem>> -> memref<1x64x640xf32, #tpu.memory_space<vmem>>
          %gather3A_295 = tpu.memref_squeeze %gather3A_294 : memref<1x64x640xf32, #tpu.memory_space<vmem>> -> memref<64x640xf32, #tpu.memory_space<vmem>>
          %gather3A_296 = tpu.vector_load_idx %gather3A_295[%add3A_291, %broadcast_in_dim3A_274] : memref<64x640xf32, #tpu.memory_space<vmem>>[vector<16xi32>, vector<16xi32>], vector<16xf32>,
          %mul3A_297 = arith.constant 64 : i32
          %mul3A_298 = arith.muli %and3A_268, %mul3A_297 : i32
          %add3A_299 = arith.constant 16 : i32
          %add3A_300 = arith.addi %mul3A_298, %add3A_299 : i32
          %swap3A_301 = arith.index_cast %add3A_300 : i32 to index
          %swap3A_302 = tpu.vector_load %arg11[%swap3A_301] {strides = array<i32>} : memref<4096xf32, #tpu.memory_space<vmem>>, vector<16xf32>,
          tpu.vector_store %arg11[%swap3A_301], %gather3A_296 {strides = array<i32>} : memref<4096xf32, #tpu.memory_space<vmem>>, vector<16xf32>,
          %add3A_303 = arith.constant 32 : i32
          %add3A_304 = vector.broadcast %add3A_303 : i32 to vector<16xi32>
          %add3A_305 = arith.addi %iota3A, %add3A_304 : vector<16xi32>
          %gather3A_306 = arith.constant 0 : i32
          %gather3A_307 = arith.constant 0 : i32
          %gather3A_308 = tpu.memref_slice %arg10[%and3A_169, %gather3A_306, %gather3A_307] : memref<2x64x640xf32, #tpu.memory_space<vmem>> -> memref<1x64x640xf32, #tpu.memory_space<vmem>>
          %gather3A_309 = tpu.memref_squeeze %gather3A_308 : memref<1x64x640xf32, #tpu.memory_space<vmem>> -> memref<64x640xf32, #tpu.memory_space<vmem>>
          %gather3A_310 = tpu.vector_load_idx %gather3A_309[%add3A_305, %broadcast_in_dim3A_274] : memref<64x640xf32, #tpu.memory_space<vmem>>[vector<16xi32>, vector<16xi32>], vector<16xf32>,
          %mul3A_311 = arith.constant 64 : i32
          %mul3A_312 = arith.muli %and3A_268, %mul3A_311 : i32
          %add3A_313 = arith.constant 32 : i32
          %add3A_314 = arith.addi %mul3A_312, %add3A_313 : i32
          %swap3A_315 = arith.index_cast %add3A_314 : i32 to index
          %swap3A_316 = tpu.vector_load %arg11[%swap3A_315] {strides = array<i32>} : memref<4096xf32, #tpu.memory_space<vmem>>, vector<16xf32>,
          tpu.vector_store %arg11[%swap3A_315], %gather3A_310 {strides = array<i32>} : memref<4096xf32, #tpu.memory_space<vmem>>, vector<16xf32>,
          %add3A_317 = arith.constant 48 : i32
          %add3A_318 = vector.broadcast %add3A_317 : i32 to vector<16xi32>
          %add3A_319 = arith.addi %iota3A, %add3A_318 : vector<16xi32>
          %gather3A_320 = arith.constant 0 : i32
          %gather3A_321 = arith.constant 0 : i32
          %gather3A_322 = tpu.memref_slice %arg10[%and3A_169, %gather3A_320, %gather3A_321] : memref<2x64x640xf32, #tpu.memory_space<vmem>> -> memref<1x64x640xf32, #tpu.memory_space<vmem>>
          %gather3A_323 = tpu.memref_squeeze %gather3A_322 : memref<1x64x640xf32, #tpu.memory_space<vmem>> -> memref<64x640xf32, #tpu.memory_space<vmem>>
          %gather3A_324 = tpu.vector_load_idx %gather3A_323[%add3A_319, %broadcast_in_dim3A_274] : memref<64x640xf32, #tpu.memory_space<vmem>>[vector<16xi32>, vector<16xi32>], vector<16xf32>,
          %mul3A_325 = arith.constant 64 : i32
          %mul3A_326 = arith.muli %and3A_268, %mul3A_325 : i32
          %add3A_327 = arith.constant 48 : i32
          %add3A_328 = arith.addi %mul3A_326, %add3A_327 : i32
          %swap3A_329 = arith.index_cast %add3A_328 : i32 to index
          %swap3A_330 = tpu.vector_load %arg11[%swap3A_329] {strides = array<i32>} : memref<4096xf32, #tpu.memory_space<vmem>>, vector<16xf32>,
          tpu.vector_store %arg11[%swap3A_329], %gather3A_324 {strides = array<i32>} : memref<4096xf32, #tpu.memory_space<vmem>>, vector<16xf32>,
          %mul3A_331 = arith.constant 64 : i32
          %mul3A_332 = arith.muli %div3A_266, %mul3A_331 : i32
          %multiple_of3A_333 = tpu.assume_multiple %mul3A_332, 8 : i32
          %mul3A_334 = arith.constant 64 : i32
          %mul3A_335 = arith.muli %and3A_268, %mul3A_334 : i32
          %dma_start3A_336 = tpu.memref_slice %arg11[%mul3A_335] : memref<4096xf32, #tpu.memory_space<vmem>> -> memref<64xf32, #tpu.memory_space<vmem>>
          %dma_start3A_337 = tpu.memref_slice %arg7[%multiple_of3A_333] : memref<1048576xf32, #tpu.memory_space<hbm>> -> memref<64xf32, #tpu.memory_space<hbm>>
          %dma_start3A_338 = tpu.memref_slice %arg7[%multiple_of3A_333] : memref<1048576xf32, #tpu.memory_space<hbm>> -> memref<64xf32, #tpu.memory_space<hbm>>
          %dma_start3A_339 = tpu.memref_slice %arg11[%mul3A_335] : memref<4096xf32, #tpu.memory_space<vmem>> -> memref<64xf32, #tpu.memory_space<vmem>>
          tpu.enqueue_dma source(%dma_start3A_339 : memref<64xf32, #tpu.memory_space<vmem>>) target(%dma_start3A_338 : memref<64xf32, #tpu.memory_space<hbm>>) target_semaphore(%arg13 : memref<!tpu.dma_semaphore, #tpu.memory_space<semaphore_mem>>)
          %add3A_340 = arith.constant 1 : i32
          %add3A_341 = arith.addi %while3A_258, %add3A_340 : i32
          scf.yield %add3A_341 : i32
        }
        %mul3A_222 = arith.constant 2 : i32
        %mul3A_223 = arith.muli %mul3A_222, %while3A_194 : i32
        %add3A_224 = arith.constant 1 : i32
        %add3A_225 = arith.addi %mul3A_223, %add3A_224 : i32
        %mul3A_226 = arith.constant 16 : i32
        %mul3A_227 = arith.muli %add3A_225, %mul3A_226 : i32
        %get3A_228 = arith.index_cast %mul3A_227 : i32 to index
        %get3A_229 = tpu.vector_load %arg9[%get3A_228] {strides = array<i32>} : memref<16416xi32, #tpu.memory_space<vmem>>, vector<16xi32>,
        %gather3A_230 = tpu.vector_load_idx %arg8[%get3A_229] : memref<16384xi32, #tpu.memory_space<vmem>>[vector<16xi32>], vector<16xi32>,
        %ge3A_231 = vector.broadcast %multiple_of3A_150 : i32 to vector<16xi32>
        %ge3A_232 = arith.cmpi sge, %gather3A_230, %ge3A_231 : vector<16xi32>
        %add3A_233 = arith.constant 640 : i32
        %add3A_234 = arith.addi %multiple_of3A_150, %add3A_233 : i32
        %lt3A_235 = vector.broadcast %add3A_234 : i32 to vector<16xi32>
        %lt3A_236 = arith.cmpi slt, %gather3A_230, %lt3A_235 : vector<16xi32>
        %and3A_237 = arith.andi %ge3A_232, %lt3A_236 : vector<16xi1>
        %all_reduce_population_count3A_238 = tpu.all_reduce %and3A_237 {dim = 0 : i64, kind = #tpu.reduction_kind<sum>} : vector<16xi1> -> vector<16xi32>
        %slice3A_239 = vector.extract_strided_slice %all_reduce_population_count3A_238 {offsets = [0], sizes = [1], strides = [1]} : vector<16xi32> to vector<1xi32>
        %squeeze3A_240 = vector.extract %slice3A_239[0] : i32 from vector<1xi32>
        %gt3A_241 = arith.constant 0 : i32
        %gt3A_242 = arith.cmpi sgt, %squeeze3A_240, %gt3A_241 : i32
        %convert_element_type3A_243 = arith.extui %gt3A_242 : i1 to i32
        %cond3A_244 = arith.constant 0 : i32
        %cond3A_245 = arith.cmpi ne, %convert_element_type3A_243, %cond3A_244 : i32
        scf.if %cond3A_245 {
          %mul3A_257 = arith.constant 640 : i32
          %mul3A_258 = vector.broadcast %mul3A_257 : i32 to vector<16xi32>
          %mul3A_259 = arith.muli %get3A_229, %mul3A_258 : vector<16xi32>
          %sub3A_260 = vector.broadcast %multiple_of3A_150 : i32 to vector<16xi32>
          %sub3A_261 = arith.subi %gather3A_230, %sub3A_260 : vector<16xi32>
          %add3A_262 = arith.addi %mul3A_259, %sub3A_261 : vector<16xi32>
          %jit3A_263 = arith.constant 0 : i32
          %jit3A_264 = arith.constant 1 : i32
          %broadcast_in_dim3A_265 = vector.broadcast %jit3A_263 : i32 to vector<16xi32>
          %broadcast_in_dim3A_266 = vector.broadcast %jit3A_264 : i32 to vector<16xi32>
          %select_n3A_267 = arith.select %and3A_237, %broadcast_in_dim3A_265, %broadcast_in_dim3A_266 : vector<16xi1>, vector<16xi32>
          %masked_sort3A = arith.constant dense<true> : vector<16xi1>
          %masked_sort3A_268 = arith.constant -2147483648 : i32
          %masked_sort3A_269 = vector.broadcast %masked_sort3A_268 : i32 to vector<16xi32>
          %masked_sort3A_270 = arith.xori %select_n3A_267, %masked_sort3A_269 : vector<16xi32>
          %masked_sort3A_271, %masked_sort3A_272, %masked_sort3A_273 = tpu.sort %masked_sort3A_270, %add3A_262 masked %masked_sort3A : (vector<16xi32>, vector<16xi32>, vector<16xi1>) -> (vector<16xi1>, vector<16xi32>, vector<16xi32>)
          %masked_sort3A_274 = arith.xori %masked_sort3A_272, %masked_sort3A_269 : vector<16xi32>
          %swap3A_275 = arith.constant 0 : index
          %swap3A_276 = tpu.vector_load %arg12[%swap3A_275] {strides = array<i32>} : memref<32xi32, #tpu.memory_space<vmem>>, vector<16xi32>,
          tpu.vector_store %arg12[%swap3A_275], %masked_sort3A_273 {strides = array<i32>} : memref<32xi32, #tpu.memory_space<vmem>>, vector<16xi32>,
        } else {
        }
        %while3A_246 = arith.constant 0 : i32
        %while3A_247 = arith.subi %squeeze3A_240, %while3A_246 : i32
        %while3A_248 = arith.addi %while3A_246, %while3A_247 : i32
        %while3A_249 = arith.constant 1 : i32
        %while3A_250 = arith.divsi %while3A_247, %while3A_249 : i32
        %while3A_251 = arith.muli %while3A_250, %while3A_249 : i32
        %while3A_252 = arith.addi %while3A_246, %while3A_251 : i32
        %while3A_253 = arith.constant 1 : i32
        %while3A_254 = scf.for %while3A_257 = %while3A_246 to %while3A_252 step %while3A_253 iter_args(%while3A_258 = %while3A_221) -> (i32)  : i32 {
          %get3A_259 = arith.index_cast %while3A_257 : i32 to index
          %get3A_260 = tpu.vector_load %arg12[%get3A_259] {strides = array<i32>} : memref<32xi32, #tpu.memory_space<vmem>>, vector<16xi32>,
          %slice3A_261 = vector.extract_strided_slice %get3A_260 {offsets = [0], sizes = [1], strides = [1]} : vector<16xi32> to vector<1xi32>
          %squeeze3A_262 = vector.extract %slice3A_261[0] : i32 from vector<1xi32>
          %rem3A_263 = arith.constant 640 : i32
          %rem3A_264 = arith.remsi %squeeze3A_262, %rem3A_263 : i32
          %div3A_265 = arith.constant 640 : i32
          %div3A_266 = arith.divsi %squeeze3A_262, %div3A_265 : i32
          %and3A_267 = arith.constant 63 : i32
          %and3A_268 = arith.andi %while3A_258, %and3A_267 : i32
          %ge3A_269 = arith.constant 64 : i32
          %ge3A_270 = arith.cmpi sge, %while3A_258, %ge3A_269 : i32
          %convert_element_type3A_271 = arith.extui %ge3A_270 : i1 to i32
          %cond3A_272 = arith.constant 0 : i32
          %cond3A_273 = arith.cmpi ne, %convert_element_type3A_271, %cond3A_272 : i32
          scf.if %cond3A_273 {
            %dma_wait3A = arith.constant 0 : i32
            %dma_wait3A_342 = tpu.memref_slice %arg11[%dma_wait3A] : memref<4096xf32, #tpu.memory_space<vmem>> -> memref<64xf32, #tpu.memory_space<vmem>>
            %dma_wait3A_343 = arith.constant 0 : i32
            %dma_wait3A_344 = tpu.memref_slice %arg7[%dma_wait3A_343] : memref<1048576xf32, #tpu.memory_space<hbm>> -> memref<64xf32, #tpu.memory_space<hbm>>
            %dma_wait3A_345 = arith.constant 0 : i32
            %dma_wait3A_346 = tpu.memref_slice %arg11[%dma_wait3A_345] : memref<4096xf32, #tpu.memory_space<vmem>> -> memref<64xf32, #tpu.memory_space<vmem>>
            %dma_wait3A_347 = arith.constant 0 : i32
            %dma_wait3A_348 = tpu.memref_slice %arg7[%dma_wait3A_347] : memref<1048576xf32, #tpu.memory_space<hbm>> -> memref<64xf32, #tpu.memory_space<hbm>>
            tpu.wait_dma2 semaphore(%arg13 : memref<!tpu.dma_semaphore, #tpu.memory_space<semaphore_mem>>) src(%dma_wait3A_348 : memref<64xf32, #tpu.memory_space<hbm>>) dst(%dma_wait3A_346 : memref<64xf32, #tpu.memory_space<vmem>>)
          } else {
          }
          %broadcast_in_dim3A_274 = vector.broadcast %rem3A_264 : i32 to vector<16xi32>
          %add3A_275 = arith.constant 0 : i32
          %add3A_276 = vector.broadcast %add3A_275 : i32 to vector<16xi32>
          %add3A_277 = arith.addi %iota3A, %add3A_276 : vector<16xi32>
          %gather3A_278 = arith.constant 0 : i32
          %gather3A_279 = arith.constant 0 : i32
          %gather3A_280 = tpu.memref_slice %arg10[%and3A_169, %gather3A_278, %gather3A_279] : memref<2x64x640xf32, #tpu.memory_space<vmem>> -> memref<1x64x640xf32, #tpu.memory_space<vmem>>
          %gather3A_281 = tpu.memref_squeeze %gather3A_280 : memref<1x64x640xf32, #tpu.memory_space<vmem>> -> memref<64x640xf32, #tpu.memory_space<vmem>>
          %gather3A_282 = tpu.vector_load_idx %gather3A_281[%add3A_277, %broadcast_in_dim3A_274] : memref<64x640xf32, #tpu.memory_space<vmem>>[vector<16xi32>, vector<16xi32>], vector<16xf32>,
          %mul3A_283 = arith.constant 64 : i32
          %mul3A_284 = arith.muli %and3A_268, %mul3A_283 : i32
          %add3A_285 = arith.constant 0 : i32
          %add3A_286 = arith.addi %mul3A_284, %add3A_285 : i32
          %swap3A_287 = arith.index_cast %add3A_286 : i32 to index
          %swap3A_288 = tpu.vector_load %arg11[%swap3A_287] {strides = array<i32>} : memref<4096xf32, #tpu.memory_space<vmem>>, vector<16xf32>,
          tpu.vector_store %arg11[%swap3A_287], %gather3A_282 {strides = array<i32>} : memref<4096xf32, #tpu.memory_space<vmem>>, vector<16xf32>,
          %add3A_289 = arith.constant 16 : i32
          %add3A_290 = vector.broadcast %add3A_289 : i32 to vector<16xi32>
          %add3A_291 = arith.addi %iota3A, %add3A_290 : vector<16xi32>
          %gather3A_292 = arith.constant 0 : i32
          %gather3A_293 = arith.constant 0 : i32
          %gather3A_294 = tpu.memref_slice %arg10[%and3A_169, %gather3A_292, %gather3A_293] : memref<2x64x640xf32, #tpu.memory_space<vmem>> -> memref<1x64x640xf32, #tpu.memory_space<vmem>>
          %gather3A_295 = tpu.memref_squeeze %gather3A_294 : memref<1x64x640xf32, #tpu.memory_space<vmem>> -> memref<64x640xf32, #tpu.memory_space<vmem>>
          %gather3A_296 = tpu.vector_load_idx %gather3A_295[%add3A_291, %broadcast_in_dim3A_274] : memref<64x640xf32, #tpu.memory_space<vmem>>[vector<16xi32>, vector<16xi32>], vector<16xf32>,
          %mul3A_297 = arith.constant 64 : i32
          %mul3A_298 = arith.muli %and3A_268, %mul3A_297 : i32
          %add3A_299 = arith.constant 16 : i32
          %add3A_300 = arith.addi %mul3A_298, %add3A_299 : i32
          %swap3A_301 = arith.index_cast %add3A_300 : i32 to index
          %swap3A_302 = tpu.vector_load %arg11[%swap3A_301] {strides = array<i32>} : memref<4096xf32, #tpu.memory_space<vmem>>, vector<16xf32>,
          tpu.vector_store %arg11[%swap3A_301], %gather3A_296 {strides = array<i32>} : memref<4096xf32, #tpu.memory_space<vmem>>, vector<16xf32>,
          %add3A_303 = arith.constant 32 : i32
          %add3A_304 = vector.broadcast %add3A_303 : i32 to vector<16xi32>
          %add3A_305 = arith.addi %iota3A, %add3A_304 : vector<16xi32>
          %gather3A_306 = arith.constant 0 : i32
          %gather3A_307 = arith.constant 0 : i32
          %gather3A_308 = tpu.memref_slice %arg10[%and3A_169, %gather3A_306, %gather3A_307] : memref<2x64x640xf32, #tpu.memory_space<vmem>> -> memref<1x64x640xf32, #tpu.memory_space<vmem>>
          %gather3A_309 = tpu.memref_squeeze %gather3A_308 : memref<1x64x640xf32, #tpu.memory_space<vmem>> -> memref<64x640xf32, #tpu.memory_space<vmem>>
          %gather3A_310 = tpu.vector_load_idx %gather3A_309[%add3A_305, %broadcast_in_dim3A_274] : memref<64x640xf32, #tpu.memory_space<vmem>>[vector<16xi32>, vector<16xi32>], vector<16xf32>,
          %mul3A_311 = arith.constant 64 : i32
          %mul3A_312 = arith.muli %and3A_268, %mul3A_311 : i32
          %add3A_313 = arith.constant 32 : i32
          %add3A_314 = arith.addi %mul3A_312, %add3A_313 : i32
          %swap3A_315 = arith.index_cast %add3A_314 : i32 to index
          %swap3A_316 = tpu.vector_load %arg11[%swap3A_315] {strides = array<i32>} : memref<4096xf32, #tpu.memory_space<vmem>>, vector<16xf32>,
          tpu.vector_store %arg11[%swap3A_315], %gather3A_310 {strides = array<i32>} : memref<4096xf32, #tpu.memory_space<vmem>>, vector<16xf32>,
          %add3A_317 = arith.constant 48 : i32
          %add3A_318 = vector.broadcast %add3A_317 : i32 to vector<16xi32>
          %add3A_319 = arith.addi %iota3A, %add3A_318 : vector<16xi32>
          %gather3A_320 = arith.constant 0 : i32
          %gather3A_321 = arith.constant 0 : i32
          %gather3A_322 = tpu.memref_slice %arg10[%and3A_169, %gather3A_320, %gather3A_321] : memref<2x64x640xf32, #tpu.memory_space<vmem>> -> memref<1x64x640xf32, #tpu.memory_space<vmem>>
          %gather3A_323 = tpu.memref_squeeze %gather3A_322 : memref<1x64x640xf32, #tpu.memory_space<vmem>> -> memref<64x640xf32, #tpu.memory_space<vmem>>
          %gather3A_324 = tpu.vector_load_idx %gather3A_323[%add3A_319, %broadcast_in_dim3A_274] : memref<64x640xf32, #tpu.memory_space<vmem>>[vector<16xi32>, vector<16xi32>], vector<16xf32>,
          %mul3A_325 = arith.constant 64 : i32
          %mul3A_326 = arith.muli %and3A_268, %mul3A_325 : i32
          %add3A_327 = arith.constant 48 : i32
          %add3A_328 = arith.addi %mul3A_326, %add3A_327 : i32
          %swap3A_329 = arith.index_cast %add3A_328 : i32 to index
          %swap3A_330 = tpu.vector_load %arg11[%swap3A_329] {strides = array<i32>} : memref<4096xf32, #tpu.memory_space<vmem>>, vector<16xf32>,
          tpu.vector_store %arg11[%swap3A_329], %gather3A_324 {strides = array<i32>} : memref<4096xf32, #tpu.memory_space<vmem>>, vector<16xf32>,
          %mul3A_331 = arith.constant 64 : i32
          %mul3A_332 = arith.muli %div3A_266, %mul3A_331 : i32
          %multiple_of3A_333 = tpu.assume_multiple %mul3A_332, 8 : i32
          %mul3A_334 = arith.constant 64 : i32
          %mul3A_335 = arith.muli %and3A_268, %mul3A_334 : i32
          %dma_start3A_336 = tpu.memref_slice %arg11[%mul3A_335] : memref<4096xf32, #tpu.memory_space<vmem>> -> memref<64xf32, #tpu.memory_space<vmem>>
          %dma_start3A_337 = tpu.memref_slice %arg7[%multiple_of3A_333] : memref<1048576xf32, #tpu.memory_space<hbm>> -> memref<64xf32, #tpu.memory_space<hbm>>
          %dma_start3A_338 = tpu.memref_slice %arg7[%multiple_of3A_333] : memref<1048576xf32, #tpu.memory_space<hbm>> -> memref<64xf32, #tpu.memory_space<hbm>>
          %dma_start3A_339 = tpu.memref_slice %arg11[%mul3A_335] : memref<4096xf32, #tpu.memory_space<vmem>> -> memref<64xf32, #tpu.memory_space<vmem>>
          tpu.enqueue_dma source(%dma_start3A_339 : memref<64xf32, #tpu.memory_space<vmem>>) target(%dma_start3A_338 : memref<64xf32, #tpu.memory_space<hbm>>) target_semaphore(%arg13 : memref<!tpu.dma_semaphore, #tpu.memory_space<semaphore_mem>>)
          %add3A_340 = arith.constant 1 : i32
          %add3A_341 = arith.addi %while3A_258, %add3A_340 : i32
          scf.yield %add3A_341 : i32
        }
        %while3A_255 = arith.constant 1 : i32
        %while3A_256 = scf.for %while3A_257 = %while3A_252 to %while3A_248 step %while3A_255 iter_args(%while3A_258 = %while3A_254) -> (i32)  : i32 {
          %get3A_259 = arith.index_cast %while3A_257 : i32 to index
          %get3A_260 = tpu.vector_load %arg12[%get3A_259] {strides = array<i32>} : memref<32xi32, #tpu.memory_space<vmem>>, vector<16xi32>,
          %slice3A_261 = vector.extract_strided_slice %get3A_260 {offsets = [0], sizes = [1], strides = [1]} : vector<16xi32> to vector<1xi32>
          %squeeze3A_262 = vector.extract %slice3A_261[0] : i32 from vector<1xi32>
          %rem3A_263 = arith.constant 640 : i32
          %rem3A_264 = arith.remsi %squeeze3A_262, %rem3A_263 : i32
          %div3A_265 = arith.constant 640 : i32
          %div3A_266 = arith.divsi %squeeze3A_262, %div3A_265 : i32
          %and3A_267 = arith.constant 63 : i32
          %and3A_268 = arith.andi %while3A_258, %and3A_267 : i32
          %ge3A_269 = arith.constant 64 : i32
          %ge3A_270 = arith.cmpi sge, %while3A_258, %ge3A_269 : i32
          %convert_element_type3A_271 = arith.extui %ge3A_270 : i1 to i32
          %cond3A_272 = arith.constant 0 : i32
          %cond3A_273 = arith.cmpi ne, %convert_element_type3A_271, %cond3A_272 : i32
          scf.if %cond3A_273 {
            %dma_wait3A = arith.constant 0 : i32
            %dma_wait3A_342 = tpu.memref_slice %arg11[%dma_wait3A] : memref<4096xf32, #tpu.memory_space<vmem>> -> memref<64xf32, #tpu.memory_space<vmem>>
            %dma_wait3A_343 = arith.constant 0 : i32
            %dma_wait3A_344 = tpu.memref_slice %arg7[%dma_wait3A_343] : memref<1048576xf32, #tpu.memory_space<hbm>> -> memref<64xf32, #tpu.memory_space<hbm>>
            %dma_wait3A_345 = arith.constant 0 : i32
            %dma_wait3A_346 = tpu.memref_slice %arg11[%dma_wait3A_345] : memref<4096xf32, #tpu.memory_space<vmem>> -> memref<64xf32, #tpu.memory_space<vmem>>
            %dma_wait3A_347 = arith.constant 0 : i32
            %dma_wait3A_348 = tpu.memref_slice %arg7[%dma_wait3A_347] : memref<1048576xf32, #tpu.memory_space<hbm>> -> memref<64xf32, #tpu.memory_space<hbm>>
            tpu.wait_dma2 semaphore(%arg13 : memref<!tpu.dma_semaphore, #tpu.memory_space<semaphore_mem>>) src(%dma_wait3A_348 : memref<64xf32, #tpu.memory_space<hbm>>) dst(%dma_wait3A_346 : memref<64xf32, #tpu.memory_space<vmem>>)
          } else {
          }
          %broadcast_in_dim3A_274 = vector.broadcast %rem3A_264 : i32 to vector<16xi32>
          %add3A_275 = arith.constant 0 : i32
          %add3A_276 = vector.broadcast %add3A_275 : i32 to vector<16xi32>
          %add3A_277 = arith.addi %iota3A, %add3A_276 : vector<16xi32>
          %gather3A_278 = arith.constant 0 : i32
          %gather3A_279 = arith.constant 0 : i32
          %gather3A_280 = tpu.memref_slice %arg10[%and3A_169, %gather3A_278, %gather3A_279] : memref<2x64x640xf32, #tpu.memory_space<vmem>> -> memref<1x64x640xf32, #tpu.memory_space<vmem>>
          %gather3A_281 = tpu.memref_squeeze %gather3A_280 : memref<1x64x640xf32, #tpu.memory_space<vmem>> -> memref<64x640xf32, #tpu.memory_space<vmem>>
          %gather3A_282 = tpu.vector_load_idx %gather3A_281[%add3A_277, %broadcast_in_dim3A_274] : memref<64x640xf32, #tpu.memory_space<vmem>>[vector<16xi32>, vector<16xi32>], vector<16xf32>,
          %mul3A_283 = arith.constant 64 : i32
          %mul3A_284 = arith.muli %and3A_268, %mul3A_283 : i32
          %add3A_285 = arith.constant 0 : i32
          %add3A_286 = arith.addi %mul3A_284, %add3A_285 : i32
          %swap3A_287 = arith.index_cast %add3A_286 : i32 to index
          %swap3A_288 = tpu.vector_load %arg11[%swap3A_287] {strides = array<i32>} : memref<4096xf32, #tpu.memory_space<vmem>>, vector<16xf32>,
          tpu.vector_store %arg11[%swap3A_287], %gather3A_282 {strides = array<i32>} : memref<4096xf32, #tpu.memory_space<vmem>>, vector<16xf32>,
          %add3A_289 = arith.constant 16 : i32
          %add3A_290 = vector.broadcast %add3A_289 : i32 to vector<16xi32>
          %add3A_291 = arith.addi %iota3A, %add3A_290 : vector<16xi32>
          %gather3A_292 = arith.constant 0 : i32
          %gather3A_293 = arith.constant 0 : i32
          %gather3A_294 = tpu.memref_slice %arg10[%and3A_169, %gather3A_292, %gather3A_293] : memref<2x64x640xf32, #tpu.memory_space<vmem>> -> memref<1x64x640xf32, #tpu.memory_space<vmem>>
          %gather3A_295 = tpu.memref_squeeze %gather3A_294 : memref<1x64x640xf32, #tpu.memory_space<vmem>> -> memref<64x640xf32, #tpu.memory_space<vmem>>
          %gather3A_296 = tpu.vector_load_idx %gather3A_295[%add3A_291, %broadcast_in_dim3A_274] : memref<64x640xf32, #tpu.memory_space<vmem>>[vector<16xi32>, vector<16xi32>], vector<16xf32>,
          %mul3A_297 = arith.constant 64 : i32
          %mul3A_298 = arith.muli %and3A_268, %mul3A_297 : i32
          %add3A_299 = arith.constant 16 : i32
          %add3A_300 = arith.addi %mul3A_298, %add3A_299 : i32
          %swap3A_301 = arith.index_cast %add3A_300 : i32 to index
          %swap3A_302 = tpu.vector_load %arg11[%swap3A_301] {strides = array<i32>} : memref<4096xf32, #tpu.memory_space<vmem>>, vector<16xf32>,
          tpu.vector_store %arg11[%swap3A_301], %gather3A_296 {strides = array<i32>} : memref<4096xf32, #tpu.memory_space<vmem>>, vector<16xf32>,
          %add3A_303 = arith.constant 32 : i32
          %add3A_304 = vector.broadcast %add3A_303 : i32 to vector<16xi32>
          %add3A_305 = arith.addi %iota3A, %add3A_304 : vector<16xi32>
          %gather3A_306 = arith.constant 0 : i32
          %gather3A_307 = arith.constant 0 : i32
          %gather3A_308 = tpu.memref_slice %arg10[%and3A_169, %gather3A_306, %gather3A_307] : memref<2x64x640xf32, #tpu.memory_space<vmem>> -> memref<1x64x640xf32, #tpu.memory_space<vmem>>
          %gather3A_309 = tpu.memref_squeeze %gather3A_308 : memref<1x64x640xf32, #tpu.memory_space<vmem>> -> memref<64x640xf32, #tpu.memory_space<vmem>>
          %gather3A_310 = tpu.vector_load_idx %gather3A_309[%add3A_305, %broadcast_in_dim3A_274] : memref<64x640xf32, #tpu.memory_space<vmem>>[vector<16xi32>, vector<16xi32>], vector<16xf32>,
          %mul3A_311 = arith.constant 64 : i32
          %mul3A_312 = arith.muli %and3A_268, %mul3A_311 : i32
          %add3A_313 = arith.constant 32 : i32
          %add3A_314 = arith.addi %mul3A_312, %add3A_313 : i32
          %swap3A_315 = arith.index_cast %add3A_314 : i32 to index
          %swap3A_316 = tpu.vector_load %arg11[%swap3A_315] {strides = array<i32>} : memref<4096xf32, #tpu.memory_space<vmem>>, vector<16xf32>,
          tpu.vector_store %arg11[%swap3A_315], %gather3A_310 {strides = array<i32>} : memref<4096xf32, #tpu.memory_space<vmem>>, vector<16xf32>,
          %add3A_317 = arith.constant 48 : i32
          %add3A_318 = vector.broadcast %add3A_317 : i32 to vector<16xi32>
          %add3A_319 = arith.addi %iota3A, %add3A_318 : vector<16xi32>
          %gather3A_320 = arith.constant 0 : i32
          %gather3A_321 = arith.constant 0 : i32
          %gather3A_322 = tpu.memref_slice %arg10[%and3A_169, %gather3A_320, %gather3A_321] : memref<2x64x640xf32, #tpu.memory_space<vmem>> -> memref<1x64x640xf32, #tpu.memory_space<vmem>>
          %gather3A_323 = tpu.memref_squeeze %gather3A_322 : memref<1x64x640xf32, #tpu.memory_space<vmem>> -> memref<64x640xf32, #tpu.memory_space<vmem>>
          %gather3A_324 = tpu.vector_load_idx %gather3A_323[%add3A_319, %broadcast_in_dim3A_274] : memref<64x640xf32, #tpu.memory_space<vmem>>[vector<16xi32>, vector<16xi32>], vector<16xf32>,
          %mul3A_325 = arith.constant 64 : i32
          %mul3A_326 = arith.muli %and3A_268, %mul3A_325 : i32
          %add3A_327 = arith.constant 48 : i32
          %add3A_328 = arith.addi %mul3A_326, %add3A_327 : i32
          %swap3A_329 = arith.index_cast %add3A_328 : i32 to index
          %swap3A_330 = tpu.vector_load %arg11[%swap3A_329] {strides = array<i32>} : memref<4096xf32, #tpu.memory_space<vmem>>, vector<16xf32>,
          tpu.vector_store %arg11[%swap3A_329], %gather3A_324 {strides = array<i32>} : memref<4096xf32, #tpu.memory_space<vmem>>, vector<16xf32>,
          %mul3A_331 = arith.constant 64 : i32
          %mul3A_332 = arith.muli %div3A_266, %mul3A_331 : i32
          %multiple_of3A_333 = tpu.assume_multiple %mul3A_332, 8 : i32
          %mul3A_334 = arith.constant 64 : i32
          %mul3A_335 = arith.muli %and3A_268, %mul3A_334 : i32
          %dma_start3A_336 = tpu.memref_slice %arg11[%mul3A_335] : memref<4096xf32, #tpu.memory_space<vmem>> -> memref<64xf32, #tpu.memory_space<vmem>>
          %dma_start3A_337 = tpu.memref_slice %arg7[%multiple_of3A_333] : memref<1048576xf32, #tpu.memory_space<hbm>> -> memref<64xf32, #tpu.memory_space<hbm>>
          %dma_start3A_338 = tpu.memref_slice %arg7[%multiple_of3A_333] : memref<1048576xf32, #tpu.memory_space<hbm>> -> memref<64xf32, #tpu.memory_space<hbm>>
          %dma_start3A_339 = tpu.memref_slice %arg11[%mul3A_335] : memref<4096xf32, #tpu.memory_space<vmem>> -> memref<64xf32, #tpu.memory_space<vmem>>
          tpu.enqueue_dma source(%dma_start3A_339 : memref<64xf32, #tpu.memory_space<vmem>>) target(%dma_start3A_338 : memref<64xf32, #tpu.memory_space<hbm>>) target_semaphore(%arg13 : memref<!tpu.dma_semaphore, #tpu.memory_space<semaphore_mem>>)
          %add3A_340 = arith.constant 1 : i32
          %add3A_341 = arith.addi %while3A_258, %add3A_340 : i32
          scf.yield %add3A_341 : i32
        }
        scf.yield %while3A_256 : i32
      }
      %min3A_182 = arith.constant 64 : i32
      %min3A_183 = arith.minsi %while3A_181, %min3A_182 : i32
      %while3A_184 = arith.constant 0 : i32
      %while3A_185 = arith.constant 0 : i32
      %while3A_186 = arith.subi %min3A_183, %while3A_185 : i32
      %while3A_187 = arith.addi %while3A_185, %while3A_186 : i32
      %while3A_188 = arith.constant 1 : i32
      %while3A_189 = arith.divsi %while3A_186, %while3A_188 : i32
      %while3A_190 = arith.muli %while3A_189, %while3A_188 : i32
      %while3A_191 = arith.addi %while3A_185, %while3A_190 : i32
      %while3A_192 = arith.constant 1 : i32
      scf.for %while3A_194 = %while3A_185 to %while3A_191 step %while3A_192  : i32 {
        %dma_wait3A = arith.constant 0 : i32
        %dma_wait3A_195 = tpu.memref_slice %arg11[%dma_wait3A] : memref<4096xf32, #tpu.memory_space<vmem>> -> memref<64xf32, #tpu.memory_space<vmem>>
        %dma_wait3A_196 = arith.constant 0 : i32
        %dma_wait3A_197 = tpu.memref_slice %arg7[%dma_wait3A_196] : memref<1048576xf32, #tpu.memory_space<hbm>> -> memref<64xf32, #tpu.memory_space<hbm>>
        %dma_wait3A_198 = arith.constant 0 : i32
        %dma_wait3A_199 = tpu.memref_slice %arg11[%dma_wait3A_198] : memref<4096xf32, #tpu.memory_space<vmem>> -> memref<64xf32, #tpu.memory_space<vmem>>
        %dma_wait3A_200 = arith.constant 0 : i32
        %dma_wait3A_201 = tpu.memref_slice %arg7[%dma_wait3A_200] : memref<1048576xf32, #tpu.memory_space<hbm>> -> memref<64xf32, #tpu.memory_space<hbm>>
        tpu.wait_dma2 semaphore(%arg13 : memref<!tpu.dma_semaphore, #tpu.memory_space<semaphore_mem>>) src(%dma_wait3A_201 : memref<64xf32, #tpu.memory_space<hbm>>) dst(%dma_wait3A_199 : memref<64xf32, #tpu.memory_space<vmem>>)
      }
      %while3A_193 = arith.constant 1 : i32
      scf.for %while3A_194 = %while3A_191 to %while3A_187 step %while3A_193  : i32 {
        %dma_wait3A = arith.constant 0 : i32
        %dma_wait3A_195 = tpu.memref_slice %arg11[%dma_wait3A] : memref<4096xf32, #tpu.memory_space<vmem>> -> memref<64xf32, #tpu.memory_space<vmem>>
        %dma_wait3A_196 = arith.constant 0 : i32
        %dma_wait3A_197 = tpu.memref_slice %arg7[%dma_wait3A_196] : memref<1048576xf32, #tpu.memory_space<hbm>> -> memref<64xf32, #tpu.memory_space<hbm>>
        %dma_wait3A_198 = arith.constant 0 : i32
        %dma_wait3A_199 = tpu.memref_slice %arg11[%dma_wait3A_198] : memref<4096xf32, #tpu.memory_space<vmem>> -> memref<64xf32, #tpu.memory_space<vmem>>
        %dma_wait3A_200 = arith.constant 0 : i32
        %dma_wait3A_201 = tpu.memref_slice %arg7[%dma_wait3A_200] : memref<1048576xf32, #tpu.memory_space<hbm>> -> memref<64xf32, #tpu.memory_space<hbm>>
        tpu.wait_dma2 semaphore(%arg13 : memref<!tpu.dma_semaphore, #tpu.memory_space<semaphore_mem>>) src(%dma_wait3A_201 : memref<64xf32, #tpu.memory_space<hbm>>) dst(%dma_wait3A_199 : memref<64xf32, #tpu.memory_space<vmem>>)
      }
    }
    return
  }
}

</mosaic_0001>

<sc_bundles>
// kernel: _sc_stage.3.cloned.1.call-start
scs
__scs_entry_jumppad:
0x0: {  	(pc) =	sbr.rel $0x88, $3  }
0x1: {  	(tag) =	ssettag $0x0;
	lr =	simm.s32 $0x1  }
0x2: {  	[smem:$0x3F9D] =	sst lr;
	_ =	strace $0xD0000000  }
0x3: {  	_ = 	snop  }
0x4: {  	_ = 	snop  }
0x5: {  	_ = 	snop  }
0x6: {  	_ = 	snop  }
0x7: {  	_ = 	snop  }
__scs_overlays_trampoline_lowered:
0x8: {  	[smem:$0x3FAC] =	sst s0  }
0x9: {  	[smem:$0x3FAD] =	sst s1  }
0xa: {  	[smem:$0x3FAE] =	sst s2  }
0xb: {  	[smem:$0x3FAF] =	sst s3  }
0xc: {  	[smem:$0x3FB0] =	sst s4  }
0xd: {  	[smem:$0x3FB1] =	sst s5  }
0xe: {  	[smem:$0x3FB2] =	sst s6  }
0xf: {  	[smem:$0x3FB3] =	sst s7  }
0x10: {  	[smem:$0x3FB4] =	sst s8  }
0x11: {  	[smem:$0x3FB5] =	sst s9;
	s0 =	simm.s32 @!p0 $0x0  }
0x12: {  	s1 =	sld [smem:$0x3F9B];
	s0 =	simm.s32 @p0 $0x1  }
0x13: {  	[smem:$0x3FB6] =	sst s0;
	s0 =	simm.s32 @!p1 $0x0  }
0x14: {  	s2 =	sld [smem:$0x3F9A];
	s0 =	simm.s32 @p1 $0x1  }
0x15: {  	[smem:$0x3FB7] =	sst s0;
	s0 =	simm.s32 @!p2 $0x0  }
0x16: {  	s3 =	sld [smem:$0x3FDB];
	s0 =	simm.s32 @p2 $0x1  }
0x17: {  	s4 =	simm.s32 $0x1BF5;
	[smem:$0x3FB9] =	sst s0  }
0x18: {  	s0 =	sld [smem:$0x3F9C];
	_ =	swait.ge [sflag:s4], $0x0  }
0x19: {  	s7 =	sld [smem:$0x3F9D]  }
0x1a: {  	s8 =	sadd.s32 $0xFFFFE003, lr  }
0x1b: {  	s9 =	sadd.s32 $0xFFFFFEF7, lr;
	s5 =	simm.s32 $0xFFFFFFFF;
	p2 =	slt.u32 s8, $0xFFFFF086  }
0x1c: {  	p1 =	slt.u32 s9, $0xF7A;
	s5 =	simm.s32 @!p2 $0x0  }
0x1d: {  	s5 =	simm.s32 @p1 $0x1;
	p0 =	seq.s32 s7, s2  }
0x1e: {  	s7 =	smul.u32 @!p0 $0xF7A, s2;
	p2 =	seq.s32 @!p0 s5, $0x0  }
0x1f: {  	s9 =	smul.u32 $0xF7A, s1;
	s8 =	simm.s32 @!p0 $0x1BF5;
	p2 =	por !p2, p0  }
0x20: {  	[sflag:s8] =	ssyncset.s32 @!p0 $0xFFFFF086;
	s6 =	sadd.s32 @!p0 s3, s7;
	s7 =	simm.s32 @!p0 $0x108  }
0x21: {  	s3 =	sadd.s32 s3, s9;
	s6 =	sadd.s32 @!p0 $0x88, s6;
	s7 =	simm.s32 @p2 $0x1082  }
0x22: {  	[simem:s7], [sflag:s8] =	dma.local @!p0 [hbm:s6], $0xF7A  }
0x23: {  	s9 =	sor.u32 $0xD0000000, s2;
	s6 =	simm.s32 $0x108;
	_ =	swait.ge @!p0 [sflag:s8], $0x0  }
0x24: {  	s3 =	sadd.s32 $0x88, s3;
	s6 =	simm.s32 @!p1 $0x1082;
	[sflag:s4] =	ssyncset.s32 $0xFFFFF086  }
0x25: {  	[simem:s6], [sflag:s4] =	dma.local [hbm:s3], $0xF7A  }
0x26: {  	[smem:$0x3F9D] =	sst s1;
	(tag) =	ssettag s2;
	_ =	strace s9  }
0x27: {  	s1 =	sld [smem:$0x3FAD]  }
0x28: {  	s2 =	sld [smem:$0x3FAE]  }
0x29: {  	s4 =	sld [smem:$0x3FB0]  }
0x2a: {  	p0 =	seq.s32 s5, $0x0;
	s5 =	sld [smem:$0x3FB1]  }
0x2b: {  	s6 =	sld [smem:$0x3FB2]  }
0x2c: {  	s7 =	sld [smem:$0x3FB3]  }
0x2d: {  	s3 =	simm.s32 $0x108;
	s8 =	sld [smem:$0x3FB4]  }
0x2e: {  	s3 =	simm.s32 @!p0 $0x1082;
	s9 =	sld [smem:$0x3FB5]  }
0x2f: {  	lr =	sadd.s32 s0, s3;
	s0 =	sld [smem:$0x3FAC]  }
0x30: {  	s3 =	sld [smem:$0x3FAF]  }
0x31: {  	[smem:$0x3FB8] =	sst s10  }
0x32: {  	s10 =	sld [smem:$0x3FB6];
	_ =	sdelay $0x3  }
0x33: {  	p0 =	seq.s32 s10, $0x1;
	s10 =	sld [smem:$0x3FB8];
	_ =	sdelay $0x3  }
0x34: {  	[smem:$0x3FB8] =	sst s10  }
0x35: {  	s10 =	sld [smem:$0x3FB7];
	_ =	sdelay $0x3  }
0x36: {  	p1 =	seq.s32 s10, $0x1;
	s10 =	sld [smem:$0x3FB8];
	_ =	sdelay $0x3  }
0x37: {  	[smem:$0x3FB8] =	sst s10  }
0x38: {  	s10 =	sld [smem:$0x3FB9]  }
0x39: {  	_ = 	snop;
	(pc) =	sbr.ind lr, $3  }
0x3a: {  	_ = 	snop  }
0x3b: {  	_ = 	snop  }
0x3c: {  	p2 =	seq.s32 s10, $0x1;
	s10 =	sld [smem:$0x3FB8]  }
0x3d: {  	_ =	shalt  }
0x3e: {  	_ =	shalt  }
0x3f: {  	_ =	shalt  }
0x40: {  	_ =	shalt  }
0x41: {  	_ =	shalt  }
0x42: {  	_ =	shalt  }
0x43: {  	_ =	shalt  }
0x44: {  	_ =	shalt  }
0x45: {  	_ =	shalt  }
0x46: {  	_ =	shalt  }
0x47: {  	_ =	shalt  }
0x48: {  	_ =	shalt  }
0x49: {  	_ =	shalt  }
0x4a: {  	_ =	shalt  }
0x4b: {  	_ =	shalt  }
0x4c: {  	_ =	shalt  }
0x4d: {  	_ =	shalt  }
0x4e: {  	_ =	shalt  }
0x4f: {  	_ =	shalt  }
0x50: {  	_ =	shalt  }
0x51: {  	_ =	shalt  }
0x52: {  	_ =	shalt  }
0x53: {  	_ =	shalt  }
0x54: {  	_ =	shalt  }
0x55: {  	_ =	shalt  }
0x56: {  	_ =	shalt  }
0x57: {  	_ =	shalt  }
0x58: {  	_ =	shalt  }
0x59: {  	_ =	shalt  }
0x5a: {  	_ =	shalt  }
0x5b: {  	_ =	shalt  }
0x5c: {  	_ =	shalt  }
0x5d: {  	_ =	shalt  }
0x5e: {  	_ =	shalt  }
0x5f: {  	_ =	shalt  }
0x60: {  	_ =	shalt  }
0x61: {  	_ =	shalt  }
0x62: {  	_ =	shalt  }
0x63: {  	_ =	shalt  }
0x64: {  	_ =	shalt  }
0x65: {  	_ =	shalt  }
0x66: {  	_ =	shalt  }
0x67: {  	_ =	shalt  }
0x68: {  	_ =	shalt  }
0x69: {  	_ =	shalt  }
0x6a: {  	_ =	shalt  }
0x6b: {  	_ =	shalt  }
0x6c: {  	_ =	shalt  }
0x6d: {  	_ =	shalt  }
0x6e: {  	_ =	shalt  }
0x6f: {  	_ =	shalt  }
0x70: {  	_ =	shalt  }
0x71: {  	_ =	shalt  }
0x72: {  	_ =	shalt  }
0x73: {  	_ =	shalt  }
0x74: {  	_ =	shalt  }
0x75: {  	_ =	shalt  }
0x76: {  	_ =	shalt  }
0x77: {  	_ =	shalt  }
0x78: {  	_ =	shalt  }
0x79: {  	_ =	shalt  }
0x7a: {  	_ =	shalt  }
0x7b: {  	_ =	shalt  }
0x7c: {  	_ =	shalt  }
0x7d: {  	_ =	shalt  }
0x7e: {  	_ =	shalt  }
0x7f: {  	_ =	shalt  }
0x80: {  	_ =	shalt  }
0x81: {  	_ =	shalt  }
0x82: {  	_ =	shalt  }
0x83: {  	_ =	shalt  }
0x84: {  	_ =	shalt  }
0x85: {  	_ =	shalt  }
0x86: {  	_ =	shalt  }
0x87: {  	_ =	shalt  }
.Lfunc_end0:
.L_simem_size_0:
called_computation_lowered:
.L_overlay_start_0:
0x88: {  	s2 =	sld [smem:$0x3FD9]  }
0x89: {  	s3 =	sld [smem:$0x3FFE];
	_ =	sdelay $0x1  }
0x8a: {  	s1 =	srdreg.scid  }
0x8b: {  	s0 =	sand.u32 $0x1, s1  }
0x8c: {  	s15 =	sshll.u32 s0, $0xA;
	s2 =	sadd.s32 s3, s2  }
0x8d: {  	s2 =	sadd.s32 s2, s15  }
0x8e: {  	[smem:$0x3FC4] =	sst s2  }
0x8f: {  	_ = 	snop  }
0x90: {  	s2 =	sld [smem:$0x3FC9]  }
0x91: {  	s16 =	sld [smem:$0x3FD0]  }
0x92: {  	s4 =	sld [smem:$0x3FC8]  }
0x93: {  	s5 =	sld [smem:$0x3FC7]  }
0x94: {  	s7 =	simm.s32 $0xA;
	s8 =	simm.s32 $0x10;
	s6 =	sld [smem:$0x3FC6]  }
0x95: {  	[smem:s8], [sflag:s7] =	dma.local [hbm:s16], $0x1  }
0x96: {  	_ =	swait.eq [sflag:s7], $0x1  }
0x97: {  	[sflag:s7] =	ssyncset.done $0x0  }
0x98: {  	s17 =	sld [smem:$0x10];
	[sflag:s7] =	ssyncadd.s32 $0xFFFFFFFF  }
0x99: {  	s18 =	sld [smem:$0x11];
	(tm) =	ssettm $0x1  }
0x9a: {  	s19 =	sld [smem:$0x3FFB];
	_ =	sdelay $0x3  }
0x9b: {  	_ =	strace s19  }
0x9c: {  	s8 =	sld [smem:$0x3FFC];
	_ =	sdelay $0x3  }
0x9d: {  	_ =	strace s8  }
0x9e: {  	s8 =	sld [smem:$0x3FFD];
	_ =	sdelay $0x3  }
0x9f: {  	_ =	strace s8  }
0xa0: {  	_ =	strace $0x8FFFFFFF  }
0xa1: {  	s20 =	sld [smem:$0x3FDB];
	_ =	sdelay $0x1  }
0xa2: {  	s9 =	simm.s32 $_scs_section_size  }
0xa3: {  	s10 =	simm.s32 $_size__tile_overlayer_lowered;
	s11 =	simm.s32 $_tile_overlayer_lowered  }
0xa4: {  	s23 =	simm.s32 $0x1BFF;
	s22 =	sshll.u32 s11, $0x1;
	s8 =	sadd.s32 s9, s20  }
0xa5: {  	s12 =	simm.s32 $0x0;
	s21 =	sshll.u32 s10, $0x1;
	s10 =	sadd.s32 s22, s8  }
0xa6: {  	[timem:s12], [sflag:s23] =	dma.local [hbm:s10], s21  }
0xa7: {  	_ =	swait.ge [sflag:s23], s21  }
0xa8: {  	s9 =	ssub.s32 $0x0, s21;
	[sflag:s23] =	ssyncset.done $0x0  }
0xa9: {  	[sflag:s23] =	ssyncadd.s32 s9;
	_ =	sdelay $0x1  }
0xaa: {  	s24 =	simm.s32 $0x1B8B  }
0xab: {  	_ =	swait.ge [sflag:s24], $0x1  }
0xac: {  	[sflag:s24] =	ssyncset.done $0x0  }
0xad: {  	s25 =	simm.s32 $0x1B8E;
	[sflag:s24] =	ssyncadd.s32 $0xFFFFFFFF  }
0xae: {  	s26 =	simm.s32 $execute0_lowered;
	[smem:$0x3FD2] =	sst s25  }
0xaf: {  	s9 =	sshll.u32 s26, $0x1;
	_ =	strace $0x80000046;
	[dreg:$0x1] =	wrdreg $0xFFFFFFFF  }
0xb0: {  	s28 =	simm.s32 $_size_execute0_lowered;
	s8 =	sadd.s32 s8, s9;
	[dreg:$0x0] =	wrdreg $0x0  }
0xb1: {  	s9 =	sshll.u32 s28, $0x1;
	[dreg:$0x2] =	wrdreg s8  }
0xb2: {  	[dreg:$0x3] =	wrdreg s9  }
0xb3: {  	[dreg:$0x4] =	wrdreg $0xC0  }
0xb4: {  	_ =	task [dreg:s12], $0x5FFFF  }
0xb5: {  	[dreg:$0x1] =	wrdreg $0xFFFFFFFF  }
0xb6: {  	[dreg:$0x0] =	wrdreg $0x60  }
0xb7: {  	[dreg:$0x2] =	wrdreg s2  }
0xb8: {  	[dreg:$0x3] =	wrdreg s4  }
0xb9: {  	[dreg:$0x4] =	wrdreg s5  }
0xba: {  	[dreg:$0x5] =	wrdreg s6  }
0xbb: {  	[dreg:$0x6] =	wrdreg s17  }
0xbc: {  	[dreg:$0x7] =	wrdreg s18  }
0xbd: {  	[dreg:$0x8] =	wrdreg $0x9  }
0xbe: {  	_ =	task.clear_ibuf [dreg:s12], $0x9FFFF;
	_ =	strace $0x90000046  }
0xbf: {  	s29 =	simm.s32 $0x9;
	_ =	strace $0x80000048  }
0xc0: {  	_ =	swait.ge [sflag:s29], $0x1  }
0xc1: {  	[sflag:s29] =	ssyncadd.s32 $0xFFFFFFFF  }
0xc2: {  	_ =	strace $0x90000048  }
0xc3: {  	_ =	sfence  }
0xc4: {  	s30 =	sld [smem:$0x0];
	_ =	sdelay $0x2  }
0xc5: {  	s31 =	sshll.u32 s1, $0xD;
	s1 =	sshrl.u32 s1, $0x2  }
0xc6: {  	s3 =	sand.u32 $0x4000, s31;
	s1 =	sadd.s32 s1, s30  }
0xc7: {  	s0 =	sor.u32 s3, s0;
	s1 =	sshll.u32 s1, $0x11  }
0xc8: {  	s0 =	sor.u32 s1, s0  }
0xc9: {  	s0 =	sadd.s32 $0x8F2B, s0  }
0xca: {  	[sflag:s0] =	ssyncadd.remote.s32 $0x1  }
0xcb: {  	_ =	sfence.sel $0xFFFF  }
0xcc: {  	[dreg:$0x0] =	wrdreg $0xFFFFFFFF;
	(pc) =	sbr.abs _section_cstart, $3  }
0xcd: {  	[dreg:$0x1] =	wrdreg $0xFFFFFFFF  }
0xce: {  	_ =	task.clear_ibuf [dreg:s12], $0x2FFFF;
	_ =	strace $0x9FFFFFFF  }
0xcf: {  	(tm) =	ssettm $0x7FFFFFFF  }
tec
execute0_lowered:
.L_overlay_start_1:
0x0: {  	(tag) =	ssettag $0x1  }
0x1: {  	v0 =	vimm.s32 $0x1780;
	vm14 =	vcmask $0x300  }
0x2: {  	vm13 =	vcmask $0x704;
	vm12 =	vcmask $0xB08;
	vm9 =	vcmask $0xF0C  }
0x3: {  	vm10 =	vcmask $0x1310;
	vm11 =	vcmask $0x1714;
	vm7 =	vcmask $0x1B18  }
0x4: {  	vm6 =	vcmask $0x1F1C;
	vm8 =	vcmask $0x2320;
	vm5 =	vcmask $0x2724  }
0x5: {  	vm4 =	vcmask $0x2B28;
	vm3 =	vcmask $0x2F2C;
	vm2 =	vcmask $0x3330  }
0x6: {  	vm1 =	vcmask $0x3734;
	vm0 =	vcmask $0x3B38;
	v3 =	vlaneseq.u32  }
0x7: {  	v5 =	vimm.s32 $0x3F80;
	v6 =	vimm.s32 $0x6780;
	v7 =	vimm.s32 $0x8F80  }
0x8: {  	v0 =	vsel vm14, $0x0, v0;
	v5 =	vsel vm14, $0x2800, v5;
	v6 =	vsel vm14, $0x5000, v6  }
0x9: {  	v7 =	vsel vm14, $0x7800, v7;
	v0 =	vsel vm13, $0x80, v0;
	v5 =	vsel vm13, $0x2880, v5  }
0xa: {  	v6 =	vsel vm13, $0x5080, v6;
	v7 =	vsel vm13, $0x7880, v7;
	v0 =	vsel vm12, $0x100, v0  }
0xb: {  	v5 =	vsel vm12, $0x2900, v5;
	v6 =	vsel vm12, $0x5100, v6;
	v7 =	vsel vm12, $0x7900, v7  }
0xc: {  	v0 =	vsel vm9, $0x180, v0;
	v5 =	vsel vm9, $0x2980, v5;
	v6 =	vsel vm9, $0x5180, v6  }
0xd: {  	v7 =	vsel vm9, $0x7980, v7;
	v0 =	vsel vm10, $0x200, v0;
	v5 =	vsel vm10, $0x2A00, v5  }
0xe: {  	s0 =	srdreg.scid;
	s4 =	stileid.u32;
	v6 =	vsel vm10, $0x5200, v6;
	v7 =	vsel vm10, $0x7A00, v7;
	v0 =	vsel vm11, $0x280, v0  }
0xf: {  	s0 =	sand.u32 $0x1, s0;
	s1 =	sshll.u32 s4, $0x1;
	v5 =	vsel vm11, $0x2A80, v5;
	v6 =	vsel vm11, $0x5280, v6;
	v7 =	vsel vm11, $0x7A80, v7  }
0x10: {  	s1 =	sor.u32 s0, s1;
	v0 =	vsel vm7, $0x300, v0;
	v5 =	vsel vm7, $0x2B00, v5;
	v6 =	vsel vm7, $0x5300, v6  }
0x11: {  	s2 =	smul.u32 $0x30, s1;
	v7 =	vsel vm7, $0x7B00, v7;
	v0 =	vsel vm6, $0x380, v0;
	v5 =	vsel vm6, $0x2B80, v5  }
0x12: {  	p0 =	slt.u32 s4, $0xD;
	s3 =	smin.u32 s1, $0x1A;
	s1 =	simm.s32 $0x31;
	v6 =	vsel vm6, $0x5380, v6;
	v7 =	vsel vm6, $0x7B80, v7;
	v0 =	vsel vm8, $0x1400, v0  }
0x13: {  	s1 =	simm.s32 @!p0 $0x30;
	s2 =	sadd.s32 s3, s2;
	v5 =	vsel vm8, $0x3C00, v5;
	v6 =	vsel vm8, $0x6400, v6;
	v7 =	vsel vm8, $0x8C00, v7  }
0x14: {  	s5 =	rddreg [dreg:$0x2];
	s8 =	smul.u32 $0x280, s2;
	s3 =	sadd.s32 s1, s2;
	v0 =	vsel vm5, $0x1480, v0;
	v5 =	vsel vm5, $0x3C80, v5;
	v6 =	vsel vm5, $0x6480, v6  }
0x15: {  	s6 =	rddreg [dreg:$0x3];
	s3 =	smul.u32 $0x280, s3;
	v7 =	vsel vm5, $0x8C80, v7;
	v0 =	vsel vm4, $0x1500, v0;
	v5 =	vsel vm4, $0x3D00, v5  }
0x16: {  	s7 =	rddreg [dreg:$0x4];
	v6 =	vsel vm4, $0x6500, v6;
	v7 =	vsel vm4, $0x8D00, v7;
	v1 =	vsel vm3, $0x1580, v0  }
0x17: {  	s9 =	rddreg [dreg:$0x5];
	s10 =	simm.s32 $0x0;
	s3 =	smin.u32 s3, $0xF4100;
	v0 =	vmov s8;
	v5 =	vsel vm3, $0x3D80, v5;
	v6 =	vsel vm3, $0x6580, v6  }
.Ltmp0:
0x18: {  	s14 =	simm.s32 $0x4;
	s15 =	simm.s32 $0x1;
	v7 =	vsel vm3, $0x8D80, v7;
	v2 =	vsel vm2, $0x1600, v1;
	v1 =	vmov s3;
	(pc) =	sbr.rel .LBB2_1-.Ltmp0, $4  }
0x19: {  	s16 =	simm.s32 $0x1400;
	s17 =	simm.s32 $0x7A1400;
	s0 =	ssub.s32 $0x2, s0;
	v5 =	vsel vm2, $0x3E00, v5;
	v6 =	vsel vm2, $0x6600, v6;
	v7 =	vsel vm2, $0x8E00, v7  }
0x1a: {  	s19 =	simm.s32 $0x12080;
	[smem:$0x7FF] =	sst s10;
	s31 =	sshrl.u32 s0, $0x1;
	v4 =	vsel vm1, $0x1680, v2;
	v2 =	vimm.s32 $0x0;
	v5 =	vsel vm1, $0x3E80, v5  }
0x1b: {  	s20 =	simm.s32 $0x0;
	_ =	strace $0x80000047;
	s0 =	ssub.s32 s0, s31;
	v6 =	vsel vm1, $0x6680, v6;
	v7 =	vsel vm1, $0x8E80, v7;
	v4 =	vsel vm0, $0x1700, v4  }
0x1c: {  	s13 =	smax.u32 s0, $0x1;
	s11 =	sadd.s32 s5, s8;
	s12 =	sadd.s32 s6, s8;
	v5 =	vsel vm0, $0x3F00, v5;
	v6 =	vsel vm0, $0x6700, v6;
	v7 =	vsel vm0, $0x8F00, v7  }
.LBB2_41:
0x1d: {  	s20 =	sadd.s32 $0x1, s20  }
0x1e: {  	p0 =	sne.s32 s20, s13  }
.Ltmp1:
0x1f: {  	_ = 	snop;
	(pc) =	sbr.rel @!p0 .LBB2_42-.Ltmp1, $1  }
0x20: {  	_ =	sdelay $0x3  }
.LBB2_1:
0x21: {  	s0 =	rddreg [dreg:$0x0]  }
0x22: {  	[tilespmem:s10], [sflag:$0x4] =	stream.linear.gather [hbm4b:s0+s10], $0x4000, $0x38;
	[tilespmem:$0x1D100] =	vst v63  }
0x23: {  	_ =	swait.ge [sflag:s14], $0x4000  }
0x24: {  	[sflag:s14] =	ssyncset.done $0x0  }
0x25: {  	s26 =	simm.s32 $0x20;
	[sflag:s14] =	ssyncadd.s32 $0xFFFFC000  }
0x26: {  	v8 =	vld [tilespmem:s26+$0xFFFFFFE0];
	_ =	sdelay $0x4  }
0x27: {  	vm0 =	vge.s32 v8, v0;
	vm1 =	vlt.s32 v8, v1  }
0x28: {  	vm0 =	vmand vm0, vm1  }
0x29: {  	v8 =	vsel vm0, $0x1, v2  }
0x2a: {  	v9 =	vor.u32 s10, v3;
	v8 =	vxor.u32 $0x80000001, v8  }
0x2b: {  	(xrf1) =	vsort.ascd.msk.u32 $0xffff, v8, v9;
	_ =	sdelay $0xd  }
0x2c: {  	_, v8, _ =	vpop (xrf1)  }
0x2d: {  	[tilespmem:s10+$0x4000] =	vst v8  }
0x2e: {  	v8 =	vld [tilespmem:s26+$0xFFFFFFF0];
	_ =	sdelay $0x4  }
0x2f: {  	v58 =	vmpcnt.ones.xlane vm0;
	vm10 =	vge.s32 v8, v0;
	vm11 =	vlt.s32 v8, v1  }
0x30: {  	vm0 =	vmand vm10, vm11  }
0x31: {  	s3 =	simm.s32 $0x10;
	(v2sf) =	vpush v58, $0x0;
	v8 =	vsel vm0, $0x1, v2  }
0x32: {  	v59 =	vor.u32 s3, v3;
	v8 =	vxor.u32 $0x80000001, v8  }
0x33: {  	(xrf1) =	vsort.ascd.msk.u32 $0xffff, v8, v59;
	_ =	sdelay $0xc  }
0x34: {  	s28 =	spop (v2sf)  }
0x35: {  	s3 =	sadd.s32 $0x0, s28;
	_, v8, _ =	vpop (xrf1)  }
0x36: {  	[tilespmem:s3+$0x4000] =	vst v8  }
0x37: {  	v8 =	vld [tilespmem:s26+$0x0];
	_ =	sdelay $0x4  }
0x38: {  	v60 =	vmpcnt.ones.xlane vm0;
	vm12 =	vge.s32 v8, v0;
	vm13 =	vlt.s32 v8, v1  }
0x39: {  	vm0 =	vmand vm12, vm13  }
0x3a: {  	s4 =	simm.s32 $0x20;
	(v2sf) =	vpush v60, $0x0;
	v8 =	vsel vm0, $0x1, v2  }
0x3b: {  	v61 =	vor.u32 s4, v3;
	v8 =	vxor.u32 $0x80000001, v8  }
0x3c: {  	(xrf1) =	vsort.ascd.msk.u32 $0xffff, v8, v61;
	_ =	sdelay $0xc  }
0x3d: {  	s29 =	spop (v2sf)  }
0x3e: {  	s3 =	sadd.s32 s3, s29;
	_, v8, _ =	vpop (xrf1)  }
0x3f: {  	[tilespmem:s3+$0x4000] =	vst v8  }
0x40: {  	v8 =	vld [tilespmem:s26+$0x10];
	_ =	sdelay $0x4  }
0x41: {  	v62 =	vmpcnt.ones.xlane vm0;
	vm14 =	vge.s32 v8, v0;
	vm15 =	vlt.s32 v8, v1  }
0x42: {  	vm0 =	vmand vm14, vm15  }
0x43: {  	s30 =	simm.s32 $0x30;
	(v2sf) =	vpush v62, $0x0;
	v8 =	vsel vm0, $0x1, v2;
	v63 =	vmpcnt.ones.xlane vm0  }
0x44: {  	v10 =	vor.u32 s30, v3;
	v8 =	vxor.u32 $0x80000001, v8  }
0x45: {  	(xrf1) =	vsort.ascd.msk.u32 $0xffff, v8, v10;
	(v2sf) =	vpush v63, $0x0;
	_ =	sdelay $0xc  }
0x46: {  	s31 =	spop (v2sf)  }
0x47: {  	s22 =	simm.s32 $0x4;
	s0 =	sadd.s32 s3, s31;
	_, v8, _ =	vpop (xrf1)  }
0x48: {  	s21 =	simm.s32 $0x60;
	s23 =	simm.s32 $0x0;
	[tilespmem:s0+$0x4000] =	vst v8;
	s3 =	spop (v2sf)  }
.LBB2_2:
0x49: {  	s22 =	sadd.s32 $0x4, s22;
	v8 =	vld [tilespmem:s21+$0xFFFFFFE0];
	s0 =	sadd.s32 s0, s3;
	s23 =	sadd.s32 $0x40, s23  }
0x4a: {  	p0 =	slt.u32 s22, $0x3FC;
	_ =	sdelay $0x3  }
0x4b: {  	vm0 =	vge.s32 v8, v0;
	vm1 =	vlt.s32 v8, v1  }
0x4c: {  	vm0 =	vmand vm0, vm1  }
0x4d: {  	v8 =	vsel vm0, $0x1, v2;
	v9 =	vmpcnt.ones.xlane vm0  }
0x4e: {  	v10 =	vor.u32 s23, v3;
	v8 =	vxor.u32 $0x80000001, v8  }
0x4f: {  	(xrf1) =	vsort.ascd.msk.u32 $0xffff, v8, v10;
	(v2sf) =	vpush v9, $0x0;
	_ =	sdelay $0xd  }
0x50: {  	_, v8, _ =	vpop (xrf1)  }
0x51: {  	[tilespmem:s0+$0x4000] =	vst v8;
	s3 =	spop (v2sf)  }
0x52: {  	v8 =	vld [tilespmem:s21+$0xFFFFFFF0];
	_ =	sdelay $0x4  }
0x53: {  	vm0 =	vge.s32 v8, v0;
	vm1 =	vlt.s32 v8, v1  }
0x54: {  	vm0 =	vmand vm0, vm1  }
0x55: {  	s4 =	sadd.s32 $0x10, s23;
	v8 =	vsel vm0, $0x1, v2;
	v9 =	vmpcnt.ones.xlane vm0  }
0x56: {  	v10 =	vor.u32 s4, v3;
	v8 =	vxor.u32 $0x80000001, v8  }
0x57: {  	(xrf1) =	vsort.ascd.msk.u32 $0xffff, v8, v10;
	(v2sf) =	vpush v9, $0x0;
	_ =	sdelay $0xd  }
0x58: {  	s0 =	sadd.s32 s0, s3;
	_, v8, _ =	vpop (xrf1)  }
0x59: {  	[tilespmem:s0+$0x4000] =	vst v8;
	s3 =	spop (v2sf)  }
0x5a: {  	s0 =	sadd.s32 s0, s3;
	v8 =	vld [tilespmem:s21+$0x0];
	_ =	sdelay $0x4  }
0x5b: {  	vm0 =	vge.s32 v8, v0;
	vm1 =	vlt.s32 v8, v1  }
0x5c: {  	vm0 =	vmand vm0, vm1  }
0x5d: {  	s3 =	sadd.s32 $0x20, s23;
	v8 =	vsel vm0, $0x1, v2;
	v9 =	vmpcnt.ones.xlane vm0  }
0x5e: {  	v10 =	vor.u32 s3, v3;
	v8 =	vxor.u32 $0x80000001, v8  }
0x5f: {  	(xrf1) =	vsort.ascd.msk.u32 $0xffff, v8, v10;
	(v2sf) =	vpush v9, $0x0;
	_ =	sdelay $0xd  }
0x60: {  	_, v8, _ =	vpop (xrf1)  }
0x61: {  	[tilespmem:s0+$0x4000] =	vst v8;
	s3 =	spop (v2sf)  }
0x62: {  	v8 =	vld [tilespmem:s21+$0x10];
	_ =	sdelay $0x4  }
0x63: {  	vm0 =	vge.s32 v8, v0;
	vm1 =	vlt.s32 v8, v1  }
0x64: {  	vm0 =	vmand vm0, vm1  }
0x65: {  	s4 =	sadd.s32 $0x30, s23;
	v8 =	vsel vm0, $0x1, v2;
	v9 =	vmpcnt.ones.xlane vm0  }
0x66: {  	v10 =	vor.u32 s4, v3;
	v8 =	vxor.u32 $0x80000001, v8  }
0x67: {  	(xrf1) =	vsort.ascd.msk.u32 $0xffff, v8, v10;
	(v2sf) =	vpush v9, $0x0;
	_ =	sdelay $0xa  }
.Ltmp2:
0x68: {  	(pc) =	sbr.rel @p0 .LBB2_2-.Ltmp2, $3  }
0x69: {  	_ =	sdelay $0x1  }
0x6a: {  	s0 =	sadd.s32 s0, s3;
	_, v8, _ =	vpop (xrf1)  }
0x6b: {  	s21 =	sadd.s32 $0x40, s21;
	[tilespmem:s0+$0x4000] =	vst v8;
	s3 =	spop (v2sf)  }
0x6c: {  	v8 =	vld [tilespmem:s21+$0xFFFFFFE0];
	_ =	sdelay $0x4  }
0x6d: {  	vm0 =	vge.s32 v8, v0;
	vm1 =	vlt.s32 v8, v1  }
0x6e: {  	vm0 =	vmand vm0, vm1  }
0x6f: {  	s4 =	sadd.s32 $0x40, s23;
	v8 =	vsel vm0, $0x1, v2  }
0x70: {  	v9 =	vor.u32 s4, v3;
	v8 =	vxor.u32 $0x80000001, v8  }
0x71: {  	(xrf1) =	vsort.ascd.msk.u32 $0xffff, v8, v9;
	_ =	sdelay $0xd  }
0x72: {  	s0 =	sadd.s32 s0, s3;
	_, v8, _ =	vpop (xrf1)  }
0x73: {  	[tilespmem:s0+$0x4000] =	vst v8  }
0x74: {  	v8 =	vld [tilespmem:s21+$0xFFFFFFF0];
	_ =	sdelay $0x4  }
0x75: {  	v58 =	vmpcnt.ones.xlane vm0;
	vm10 =	vge.s32 v8, v0;
	vm11 =	vlt.s32 v8, v1  }
0x76: {  	vm0 =	vmand vm10, vm11  }
0x77: {  	s8 =	sadd.s32 $0x10, s4;
	(v2sf) =	vpush v58, $0x0;
	v8 =	vsel vm0, $0x1, v2  }
0x78: {  	v59 =	vor.u32 s8, v3;
	v8 =	vxor.u32 $0x80000001, v8  }
0x79: {  	(xrf1) =	vsort.ascd.msk.u32 $0xffff, v8, v59;
	_ =	sdelay $0xc  }
0x7a: {  	s18 =	spop (v2sf)  }
0x7b: {  	s0 =	sadd.s32 s0, s18;
	_, v8, _ =	vpop (xrf1)  }
0x7c: {  	[tilespmem:s0+$0x4000] =	vst v8  }
0x7d: {  	v8 =	vld [tilespmem:s21+$0x0];
	_ =	sdelay $0x4  }
0x7e: {  	v60 =	vmpcnt.ones.xlane vm0;
	vm12 =	vge.s32 v8, v0;
	vm13 =	vlt.s32 v8, v1  }
0x7f: {  	vm0 =	vmand vm12, vm13  }
0x80: {  	s22 =	sadd.s32 $0x20, s4;
	(v2sf) =	vpush v60, $0x0;
	v8 =	vsel vm0, $0x1, v2  }
0x81: {  	v61 =	vor.u32 s22, v3;
	v8 =	vxor.u32 $0x80000001, v8  }
0x82: {  	(xrf1) =	vsort.ascd.msk.u32 $0xffff, v8, v61;
	_ =	sdelay $0xc  }
0x83: {  	s23 =	spop (v2sf)  }
0x84: {  	s0 =	sadd.s32 s0, s23;
	_, v8, _ =	vpop (xrf1)  }
0x85: {  	[tilespmem:s0+$0x4000] =	vst v8  }
0x86: {  	v8 =	vld [tilespmem:s21+$0x10];
	_ =	sdelay $0x4  }
0x87: {  	vm14 =	vge.s32 v8, v0;
	vm2 =	vlt.s32 v8, v1  }
0x88: {  	v8 =	vmpcnt.ones.xlane vm0;
	vm15 =	vmand vm14, vm2  }
0x89: {  	v62 =	vmpcnt.ones.xlane vm15  }
0x8a: {  	s24 =	sadd.s32 $0x30, s4;
	(v2sf) =	vpush v8, $0x0;
	v8 =	vsel vm15, $0x1, v2  }
0x8b: {  	v63 =	vor.u32 s24, v3;
	v8 =	vxor.u32 $0x80000001, v8;
	(v2sf) =	vpush v62, $0x0  }
0x8c: {  	(xrf1) =	vsort.ascd.msk.u32 $0xffff, v8, v63;
	_ =	sdelay $0xc  }
0x8d: {  	s25 =	spop (v2sf)  }
0x8e: {  	s0 =	sadd.s32 s0, s25;
	_, v8, _ =	vpop (xrf1);
	s26 =	spop (v2sf)  }
0x8f: {  	[tilespmem:s0+$0x4000] =	vst v8;
	s3 =	sadd.s32 s0, s26  }
0x90: {  	s28 =	sadd.s32 $0x1F, s3;
	[tilespmem:s3+$0x4000] =	vst v2  }
0x91: {  	s31 =	simm.s32 $0x8080;
	[tilespmem:s3+$0x4010] =	vst v2;
	s8 =	sand.u32 $0x1F, s28  }
0x92: {  	[tilespmem:s31], [sflag:$0x2] =	stream.strided.gather [hbm4b:s11+s16], $0xA000, s17, s16, $0x38;
	[tilespmem:$0x1D100] =	vst v63  }
0x93: {  	s29 =	sshra.s32 s28, $0x1F;
	p0 =	slt.s32 s28, $0x1;
	p1 =	sne.s32 s8, $0x0  }
.Ltmp3:
0x94: {  	s30 =	sshrl.u32 s29, $0x1B;
	p0 =	por !p0, !p1;
	(pc) =	sbr.rel .LBB2_5-.Ltmp3, $4  }
0x95: {  	s4 =	simm.s32 $0x1;
	s0 =	sadd.s32 s30, s28;
	p0 =	por !p0, !p0  }
0x96: {  	s0 =	sshra.s32 s0, $0x5;
	s4 =	simm.s32 @!p0 $0x0  }
0x97: {  	s21 =	ssub.s32 s0, s4  }
0x98: {  	s22 =	simm.s32 $0x0;
	p0 =	slt.s32 s21, $0x1  }
.LBB2_20:
0x99: {  	[sflag:s15] =	ssyncadd.s32 $0xFFFFFFC0  }
.LBB2_4:
0x9a: {  	p1 =	seq.s32 s22, s1  }
.Ltmp4:
0x9b: {  	_ = 	snop;
	(pc) =	sbr.rel @p1 .LBB2_21-.Ltmp4, $1  }
0x9c: {  	_ =	sdelay $0x3  }
.LBB2_5:
0x9d: {  	s3 =	smov.u32 s22;
	s0 =	sand.u32 $0x1, s22;
	s22 =	sadd.s32 $0x1, s22  }
0x9e: {  	s4 =	simm.s32 $0x3;
	p2 =	seq.s32 s0, $0x1;
	p1 =	sge.u32 s22, s1  }
0x9f: {  	s4 =	simm.s32 @!p2 $0x2;
	s8 =	sadd.s32 @!p1 s2, s22  }
0xa0: {  	s23 =	sand.u32 @!p1 $0x1, s22;
	_ =	swait.ge [sflag:s4], $0xA000;
	s8 =	smul.u32 @!p1 $0x280, s8  }
0xa1: {  	p2 =	seq.s32 @!p1 s23, $0x1;
	[sflag:s4] =	ssyncset.done $0x0  }
0xa2: {  	p3 =	por p2, p1;
	[sflag:s4] =	ssyncadd.s32 $0xFFFF6000;
	s4 =	sadd.s32 @!p1 s5, s8  }
0xa3: {  	s8 =	simm.s32 @!p3 $0x1400;
	s23 =	simm.s32 @!p3 $0x7A1400;
	s24 =	simm.s32 @!p3 $0x8080  }
0xa4: {  	[tilespmem:s24], [sflag:$0x2] =	stream.strided.gather @!p3 [hbm4b:s4+s8], $0xA000, s23, s8, $0x38;
	[tilespmem:$0x1D100] =	vst v63  }
.Ltmp5:
0xa5: {  	_ = 	snop;
	(pc) =	sbr.rel @p0 .LBB2_4-.Ltmp5, $4  }
0xa6: {  	p3 =	sne.s32 @!p3 s0, $0x0  }
0xa7: {  	p2 =	por @!p1 p2, !p3  }
0xa8: {  	p1 =	por p1, !p2  }
0xa9: {  	[tilespmem:s19], [sflag:$0x3] =	stream.strided.gather @!p1 [hbm4b:s4+s16], $0xA000, s17, s16, $0x38;
	[tilespmem:$0x1D100] =	vst v63  }
0xaa: {  	s0 =	smul.u32 $0x28000, s0  }
.Ltmp6:
0xab: {  	s3 =	sadd.s32 s2, s3;
	(pc) =	sbr.rel .LBB2_7-.Ltmp6, $3  }
0xac: {  	s3 =	smul.u32 $0x280, s3;
	_ =	sdelay $0x1  }
0xad: {  	s0 =	sshrl.u32 s0, $0x2;
	s4 =	sadd.s32 $0x280, s3  }
0xae: {  	s23 =	simm.s32 $0x0;
	s25 =	simm.s32 $0x0;
	v8 =	vmov s3;
	s24 =	sadd.s32 $0x8080, s0;
	v9 =	vmov s4  }
.LBB2_12:
0xaf: {  	s23 =	smov.u32 s28  }
.LBB2_16:
0xb0: {  	s25 =	sadd.s32 $0x1, s25  }
0xb1: {  	p1 =	sne.s32 s25, s21  }
.Ltmp7:
0xb2: {  	_ = 	snop;
	(pc) =	sbr.rel @!p1 .LBB2_17-.Ltmp7, $1  }
0xb3: {  	_ =	sdelay $0x3  }
.LBB2_7:
0xb4: {  	s0 =	sshll.u32 s25, $0x7  }
0xb5: {  	s29 =	sshra.s32 s0, $0x2  }
0xb6: {  	v10 =	vld [tilespmem:s29+$0x4000];
	_ =	sdelay $0x7  }
0xb7: {  	v11 =	vld.idx.msk [tilespmem:v10+s10+$0x0], $0xffff;
	_ =	sdelay $0x4  }
0xb8: {  	vm0 =	vge.s32 v11, v8;
	vm1 =	vlt.s32 v11, v9  }
0xb9: {  	vm0 =	vmand vm0, vm1  }
0xba: {  	v12 =	vmpcnt.ones.xlane vm0;
	_ =	sdelay $0x1  }
0xbb: {  	(v2sf) =	vpush v12, $0x0;
	_ =	sdelay $0xe  }
0xbc: {  	s26 =	spop (v2sf)  }
0xbd: {  	p1 =	slt.s32 s26, $0x1  }
.Ltmp8:
0xbe: {  	_ = 	snop;
	(pc) =	sbr.rel @p1 .LBB2_11-.Ltmp8, $2  }
0xbf: {  	_ =	sdelay $0x2  }
0xc0: {  	s28 =	smov.u32 s23  }
0xc1: {  	v10 =	vmul.u32 $0x280, v10  }
0xc2: {  	v11 =	vsub.s32 v11, v8;
	v12 =	vsel vm0, $0x1, v2  }
0xc3: {  	v10 =	vadd.s32 v10, v11;
	v11 =	vxor.u32 $0x80000001, v12  }
0xc4: {  	(xrf1) =	vsort.ascd.msk.u32 $0xffff, v11, v10;
	_ =	sdelay $0xd  }
0xc5: {  	_, v10, _ =	vpop (xrf1)  }
0xc6: {  	s0 =	simm.s32 $0x1D080;
	[tilespmem:$0x1D080] =	vst v10  }
0xc7: {  	v10 =	vld [tilespmem:s0+$0x0];
	_ =	sdelay $0x4  }
0xc8: {  	(v2sf) =	vpush v10, $0x0;
	_ =	sdelay $0xe  }
0xc9: {  	s18 =	spop (v2sf)  }
0xca: {  	s3 =	smulhi.u32 $0x66666667, s18;
	s4 =	sshra.s32 s18, $0x1F  }
0xcb: {  	s4 =	smul.u32 $0x66666667, s4;
	_ =	sdelay $0x1  }
0xcc: {  	s3 =	sadd.s32 s4, s3  }
0xcd: {  	s4 =	sshrl.u32 s3, $0x1F;
	s3 =	sshra.s32 s3, $0x8  }
0xce: {  	s3 =	sadd.s32 s4, s3  }
0xcf: {  	s4 =	smul.u32 $0xFFFFFD80, s3;
	_ =	sdelay $0x1  }
0xd0: {  	s0 =	sadd.s32 s18, s4  }
0xd1: {  	v10 =	vmov s0  }
0xd2: {  	v11 =	vshll.u32 v10, $0x3  }
0xd3: {  	v10 =	vand.u32 $0x7F, v10;
	v11 =	vand.u32 $0xFFFFFC00, v11  }
0xd4: {  	v10 =	vor.u32 v10, v11  }
0xd5: {  	p1 =	slt.s32 s23, $0x40;
	v11 =	vadd.s32 v4, v10  }
0xd6: {  	s0 =	simm.s32 @!p1 $0x1  }
0xd7: {  	_ =	swait.ge @!p1 [sflag:s0], $0x40  }
0xd8: {  	[sflag:s0] =	ssyncset.done @!p1 $0x0  }
0xd9: {  	[sflag:s0] =	ssyncadd.s32 @!p1 $0xFFFFFFC0  }
0xda: {  	v11 =	vld.idx.msk [tilespmem:v11+s24+$0x0], $0xffff  }
0xdb: {  	v62 =	vadd.s32 v5, v10;
	_ =	sdelay $0x1  }
0xdc: {  	s8 =	sshll.u32 s23, $0x6  }
0xdd: {  	s18 =	sand.u32 $0xFC0, s8  }
0xde: {  	[tilespmem:s18+$0x1C080] =	vst v11  }
0xdf: {  	v11 =	vld.idx.msk [tilespmem:v62+s24+$0x0], $0xffff  }
0xe0: {  	v63 =	vadd.s32 v6, v10;
	_ =	sdelay $0x3  }
0xe1: {  	[tilespmem:s18+$0x1C090] =	vst v11  }
0xe2: {  	v11 =	vld.idx.msk [tilespmem:v63+s24+$0x0], $0xffff  }
0xe3: {  	v10 =	vadd.s32 v7, v10;
	_ =	sdelay $0x3  }
0xe4: {  	s30 =	sadd.s32 $0xFFFFFFFF, s26;
	[tilespmem:s18+$0x1C0A0] =	vst v11  }
0xe5: {  	p1 =	sne.s32 s30, $0x0;
	v10 =	vld.idx.msk [tilespmem:v10+s24+$0x0], $0xffff  }
.Ltmp9:
0xe6: {  	_ = 	snop;
	(pc) =	sbr.rel @!p1 .LBB2_10-.Ltmp9, $4  }
0xe7: {  	_ = 	snop  }
0xe8: {  	s28 =	sadd.s32 s23, s26;
	s3 =	sshll.u32 s3, $0x3  }
0xe9: {  	s31 =	sadd.s32 $0x40, s8;
	s3 =	sand.u32 $0x1FFFFFF8, s3;
	s8 =	simm.s32 $0x1D081  }
0xea: {  	s3 =	sadd.s32 s7, s3;
	s4 =	sadd.s32 $0x1C080, s18;
	s0 =	sadd.s32 $0x1, s23;
	[tilespmem:s18+$0x1C0B0] =	vst v10  }
.LBB2_9:
0xeb: {  	[hbm4b:s3+s10] =	stream.linear.scatter [tilespmem:s4], [sflag:$0x1], $0x40, $0x38;
	[tilespmem:$0x1D100] =	vst v63  }
0xec: {  	s30 =	sadd.s32 $0xFFFFFFFF, s30;
	v10 =	vld [tilespmem:s8+$0x0]  }
0xed: {  	p1 =	sne.s32 s30, $0x0;
	_ =	sdelay $0x3  }
0xee: {  	(v2sf) =	vpush v10, $0x0;
	_ =	sdelay $0xe  }
0xef: {  	s4 =	spop (v2sf)  }
0xf0: {  	s3 =	smulhi.u32 $0x66666667, s4;
	s18 =	sshra.s32 s4, $0x1F  }
0xf1: {  	s18 =	smul.u32 $0x66666667, s18;
	_ =	sdelay $0x1  }
0xf2: {  	s3 =	sadd.s32 s18, s3  }
0xf3: {  	s18 =	sshrl.u32 s3, $0x1F;
	s3 =	sshra.s32 s3, $0x8  }
0xf4: {  	s3 =	sadd.s32 s18, s3  }
0xf5: {  	s18 =	smul.u32 $0xFFFFFD80, s3;
	s3 =	sshll.u32 s3, $0x3  }
0xf6: {  	s3 =	sand.u32 $0x1FFFFFF8, s3  }
0xf7: {  	s4 =	sadd.s32 s4, s18  }
0xf8: {  	v10 =	vmov s4  }
0xf9: {  	v11 =	vshll.u32 v10, $0x3  }
0xfa: {  	v10 =	vand.u32 $0x7F, v10;
	v11 =	vand.u32 $0xFFFFFC00, v11  }
0xfb: {  	v10 =	vor.u32 v10, v11  }
0xfc: {  	p2 =	slt.s32 s0, $0x40;
	v11 =	vadd.s32 v4, v10  }
0xfd: {  	s4 =	simm.s32 @!p2 $0x1  }
0xfe: {  	_ =	swait.ge @!p2 [sflag:s4], $0x40  }
0xff: {  	[sflag:s4] =	ssyncset.done @!p2 $0x0  }
0x100: {  	[sflag:s4] =	ssyncadd.s32 @!p2 $0xFFFFFFC0  }
0x101: {  	v11 =	vld.idx.msk [tilespmem:v11+s24+$0x0], $0xffff;
	_ =	sdelay $0x1  }
0x102: {  	v12 =	vadd.s32 v5, v10;
	_ =	sdelay $0x2  }
0x103: {  	s18 =	sand.u32 $0xFC0, s31  }
0x104: {  	[tilespmem:s18+$0x1C080] =	vst v11  }
0x105: {  	v11 =	vld.idx.msk [tilespmem:v12+s24+$0x0], $0xffff;
	_ =	sdelay $0x1  }
0x106: {  	v12 =	vadd.s32 v6, v10;
	_ =	sdelay $0x3  }
0x107: {  	[tilespmem:s18+$0x1C090] =	vst v11  }
0x108: {  	v11 =	vld.idx.msk [tilespmem:v12+s24+$0x0], $0xffff;
	_ =	sdelay $0x1  }
0x109: {  	v10 =	vadd.s32 v7, v10;
	_ =	sdelay $0x3  }
0x10a: {  	[tilespmem:s18+$0x1C0A0] =	vst v11  }
0x10b: {  	v10 =	vld.idx.msk [tilespmem:v10+s24+$0x0], $0xffff;
	_ =	sdelay $0x1  }
.Ltmp10:
0x10c: {  	(pc) =	sbr.rel @p1 .LBB2_9-.Ltmp10, $3  }
0x10d: {  	_ =	sdelay $0x1  }
0x10e: {  	s8 =	sadd.s32 $0x1, s8;
	s31 =	sadd.s32 $0x40, s31  }
0x10f: {  	s0 =	sadd.s32 $0x1, s0;
	s3 =	sadd.s32 s7, s3;
	s4 =	sadd.s32 $0x1C080, s18;
	[tilespmem:s18+$0x1C0B0] =	vst v10  }
.LBB2_10:
0x110: {  	[hbm4b:s3+s10] =	stream.linear.scatter [tilespmem:s4], [sflag:$0x1], $0x40, $0x38;
	[tilespmem:$0x1D100] =	vst v63  }
.LBB2_11:
0x111: {  	v10 =	vld [tilespmem:s29+$0x4010];
	_ =	sdelay $0x7  }
0x112: {  	v11 =	vld.idx.msk [tilespmem:v10+s10+$0x0], $0xffff;
	_ =	sdelay $0x4  }
0x113: {  	vm0 =	vge.s32 v11, v8;
	vm1 =	vlt.s32 v11, v9  }
0x114: {  	vm0 =	vmand vm0, vm1  }
0x115: {  	v12 =	vmpcnt.ones.xlane vm0;
	_ =	sdelay $0x1  }
0x116: {  	(v2sf) =	vpush v12, $0x0;
	_ =	sdelay $0xe  }
0x117: {  	s0 =	spop (v2sf)  }
0x118: {  	p1 =	slt.s32 s0, $0x1  }
.Ltmp11:
0x119: {  	_ = 	snop;
	(pc) =	sbr.rel @p1 .LBB2_12-.Ltmp11, $1  }
0x11a: {  	_ =	sdelay $0x3  }
0x11b: {  	v10 =	vmul.u32 $0x280, v10  }
0x11c: {  	v11 =	vsub.s32 v11, v8;
	v12 =	vsel vm0, $0x1, v2  }
0x11d: {  	v10 =	vadd.s32 v10, v11;
	v11 =	vxor.u32 $0x80000001, v12  }
0x11e: {  	(xrf1) =	vsort.ascd.msk.u32 $0xffff, v11, v10;
	_ =	sdelay $0xd  }
0x11f: {  	_, v10, _ =	vpop (xrf1)  }
0x120: {  	s3 =	simm.s32 $0x1D080;
	[tilespmem:$0x1D080] =	vst v10  }
0x121: {  	v10 =	vld [tilespmem:s3+$0x0];
	_ =	sdelay $0x4  }
0x122: {  	(v2sf) =	vpush v10, $0x0;
	_ =	sdelay $0xe  }
0x123: {  	s18 =	spop (v2sf)  }
0x124: {  	s4 =	smulhi.u32 $0x66666667, s18;
	s8 =	sshra.s32 s18, $0x1F  }
0x125: {  	s8 =	smul.u32 $0x66666667, s8;
	_ =	sdelay $0x1  }
0x126: {  	s4 =	sadd.s32 s8, s4  }
0x127: {  	s8 =	sshrl.u32 s4, $0x1F;
	s4 =	sshra.s32 s4, $0x8  }
0x128: {  	s4 =	sadd.s32 s8, s4  }
0x129: {  	s8 =	smul.u32 $0xFFFFFD80, s4;
	_ =	sdelay $0x1  }
0x12a: {  	s3 =	sadd.s32 s18, s8  }
0x12b: {  	v10 =	vmov s3  }
0x12c: {  	v11 =	vshll.u32 v10, $0x3  }
0x12d: {  	v10 =	vand.u32 $0x7F, v10;
	v11 =	vand.u32 $0xFFFFFC00, v11  }
0x12e: {  	v10 =	vor.u32 v10, v11  }
0x12f: {  	p1 =	slt.s32 s28, $0x40;
	v11 =	vadd.s32 v4, v10  }
0x130: {  	s3 =	simm.s32 @!p1 $0x1  }
0x131: {  	_ =	swait.ge @!p1 [sflag:s3], $0x40  }
0x132: {  	[sflag:s3] =	ssyncset.done @!p1 $0x0  }
0x133: {  	[sflag:s3] =	ssyncadd.s32 @!p1 $0xFFFFFFC0  }
0x134: {  	v11 =	vld.idx.msk [tilespmem:v11+s24+$0x0], $0xffff  }
0x135: {  	v62 =	vadd.s32 v5, v10;
	_ =	sdelay $0x1  }
0x136: {  	s3 =	sshll.u32 s28, $0x6  }
0x137: {  	s18 =	sand.u32 $0xFC0, s3  }
0x138: {  	[tilespmem:s18+$0x1C080] =	vst v11  }
0x139: {  	v11 =	vld.idx.msk [tilespmem:v62+s24+$0x0], $0xffff  }
0x13a: {  	v63 =	vadd.s32 v6, v10;
	_ =	sdelay $0x3  }
0x13b: {  	[tilespmem:s18+$0x1C090] =	vst v11  }
0x13c: {  	v11 =	vld.idx.msk [tilespmem:v63+s24+$0x0], $0xffff  }
0x13d: {  	v10 =	vadd.s32 v7, v10;
	_ =	sdelay $0x3  }
0x13e: {  	s29 =	sadd.s32 $0xFFFFFFFF, s0;
	p1 =	sgt.s32 s26, $0x0;
	[tilespmem:s18+$0x1C0A0] =	vst v11  }
0x13f: {  	s26 =	simm.s32 @!p1 $0x0;
	p1 =	sne.s32 s29, $0x0;
	v10 =	vld.idx.msk [tilespmem:v10+s24+$0x0], $0xffff  }
.Ltmp12:
0x140: {  	_ = 	snop;
	(pc) =	sbr.rel @!p1 .LBB2_15-.Ltmp12, $4  }
0x141: {  	s31 =	sshll.u32 s4, $0x3  }
0x142: {  	s30 =	sadd.s32 s23, s0;
	s0 =	sand.u32 $0x1FFFFFF8, s31  }
0x143: {  	s8 =	simm.s32 $0x1D081;
	s23 =	sadd.s32 s26, s30;
	s26 =	sadd.s32 $0x40, s3  }
0x144: {  	s4 =	sadd.s32 $0x1C080, s18;
	s3 =	sadd.s32 s7, s0;
	s0 =	sadd.s32 $0x1, s28;
	[tilespmem:s18+$0x1C0B0] =	vst v10  }
.LBB2_14:
0x145: {  	[hbm4b:s3+s10] =	stream.linear.scatter [tilespmem:s4], [sflag:$0x1], $0x40, $0x38;
	[tilespmem:$0x1D100] =	vst v63  }
0x146: {  	s29 =	sadd.s32 $0xFFFFFFFF, s29;
	v10 =	vld [tilespmem:s8+$0x0]  }
0x147: {  	p1 =	sne.s32 s29, $0x0;
	_ =	sdelay $0x3  }
0x148: {  	(v2sf) =	vpush v10, $0x0;
	_ =	sdelay $0xe  }
0x149: {  	s4 =	spop (v2sf)  }
0x14a: {  	s3 =	smulhi.u32 $0x66666667, s4;
	s18 =	sshra.s32 s4, $0x1F  }
0x14b: {  	s18 =	smul.u32 $0x66666667, s18;
	_ =	sdelay $0x1  }
0x14c: {  	s3 =	sadd.s32 s18, s3  }
0x14d: {  	s18 =	sshrl.u32 s3, $0x1F;
	s3 =	sshra.s32 s3, $0x8  }
0x14e: {  	s3 =	sadd.s32 s18, s3  }
0x14f: {  	s18 =	smul.u32 $0xFFFFFD80, s3;
	s3 =	sshll.u32 s3, $0x3  }
0x150: {  	s3 =	sand.u32 $0x1FFFFFF8, s3  }
0x151: {  	s4 =	sadd.s32 s4, s18  }
0x152: {  	v10 =	vmov s4  }
0x153: {  	v11 =	vshll.u32 v10, $0x3  }
0x154: {  	v10 =	vand.u32 $0x7F, v10;
	v11 =	vand.u32 $0xFFFFFC00, v11  }
0x155: {  	v10 =	vor.u32 v10, v11  }
0x156: {  	p2 =	slt.s32 s0, $0x40;
	v11 =	vadd.s32 v4, v10  }
0x157: {  	s4 =	simm.s32 @!p2 $0x1  }
0x158: {  	_ =	swait.ge @!p2 [sflag:s4], $0x40  }
0x159: {  	[sflag:s4] =	ssyncset.done @!p2 $0x0  }
0x15a: {  	[sflag:s4] =	ssyncadd.s32 @!p2 $0xFFFFFFC0  }
0x15b: {  	v11 =	vld.idx.msk [tilespmem:v11+s24+$0x0], $0xffff;
	_ =	sdelay $0x1  }
0x15c: {  	v12 =	vadd.s32 v5, v10;
	_ =	sdelay $0x2  }
0x15d: {  	s18 =	sand.u32 $0xFC0, s26  }
0x15e: {  	[tilespmem:s18+$0x1C080] =	vst v11  }
0x15f: {  	v11 =	vld.idx.msk [tilespmem:v12+s24+$0x0], $0xffff;
	_ =	sdelay $0x1  }
0x160: {  	v12 =	vadd.s32 v6, v10;
	_ =	sdelay $0x3  }
0x161: {  	[tilespmem:s18+$0x1C090] =	vst v11  }
0x162: {  	v11 =	vld.idx.msk [tilespmem:v12+s24+$0x0], $0xffff;
	_ =	sdelay $0x1  }
0x163: {  	v10 =	vadd.s32 v7, v10;
	_ =	sdelay $0x3  }
0x164: {  	[tilespmem:s18+$0x1C0A0] =	vst v11  }
0x165: {  	v10 =	vld.idx.msk [tilespmem:v10+s24+$0x0], $0xffff;
	_ =	sdelay $0x1  }
.Ltmp13:
0x166: {  	(pc) =	sbr.rel @p1 .LBB2_14-.Ltmp13, $3  }
0x167: {  	_ =	sdelay $0x1  }
0x168: {  	s8 =	sadd.s32 $0x1, s8;
	s26 =	sadd.s32 $0x40, s26  }
0x169: {  	s0 =	sadd.s32 $0x1, s0;
	s3 =	sadd.s32 s7, s3;
	s4 =	sadd.s32 $0x1C080, s18;
	[tilespmem:s18+$0x1C0B0] =	vst v10  }
.LBB2_15:
.Ltmp14:
0x16a: {  	(pc) =	sbr.rel .LBB2_16-.Ltmp14, $2  }
0x16b: {  	_ =	sdelay $0x2  }
0x16c: {  	[hbm4b:s3+s10] =	stream.linear.scatter [tilespmem:s4], [sflag:$0x1], $0x40, $0x38;
	[tilespmem:$0x1D100] =	vst v63  }
.LBB2_17:
0x16d: {  	p1 =	slt.s32 s23, $0x1  }
.Ltmp15:
0x16e: {  	_ = 	snop;
	(pc) =	sbr.rel @p1 .LBB2_4-.Ltmp15, $1  }
0x16f: {  	_ =	sdelay $0x3  }
0x170: {  	p1 =	slt.s32 s23, $0x40  }
0x171: {  	s23 =	simm.s32 @!p1 $0x40  }
0x172: {  	p1 =	seq.s32 s23, $0x1  }
.Ltmp16:
0x173: {  	_ = 	snop;
	(pc) =	sbr.rel @p1 .LBB2_20-.Ltmp16, $3  }
0x174: {  	_ =	sdelay $0x1  }
0x175: {  	_ =	swait.ge [sflag:s15], $0x40  }
0x176: {  	[sflag:s15] =	ssyncset.done $0x0;
	s0 =	sadd.s32 $0xFFFFFFFF, s23  }
.LBB2_19:
0x177: {  	p1 =	seq.s32 s0, $0x1;
	s0 =	sadd.s32 $0xFFFFFFFF, s0;
	[sflag:s15] =	ssyncadd.s32 $0xFFFFFFC0  }
.Ltmp17:
0x178: {  	(pc) =	sbr.rel @!p1 .LBB2_19-.Ltmp17, $3  }
0x179: {  	_ =	sdelay $0x1  }
0x17a: {  	_ =	swait.ge [sflag:s15], $0x40  }
0x17b: {  	[sflag:s15] =	ssyncset.done $0x0  }
.Ltmp18:
0x17c: {  	_ = 	snop;
	(pc) =	sbr.rel .LBB2_20-.Ltmp18, $1  }
0x17d: {  	_ =	sdelay $0x3  }
.LBB2_21:
0x17e: {  	s21 =	simm.s32 $0x0;
	s0 =	rddreg [dreg:$0x1]  }
0x17f: {  	[tilespmem:s21], [sflag:$0x4] =	stream.linear.gather [hbm4b:s0+s21], $0x4000, $0x38;
	[tilespmem:$0x1D100] =	vst v63  }
0x180: {  	_ =	swait.ge [sflag:s14], $0x4000  }
0x181: {  	[sflag:s14] =	ssyncset.done $0x0  }
0x182: {  	s26 =	simm.s32 $0x20;
	[sflag:s14] =	ssyncadd.s32 $0xFFFFC000  }
0x183: {  	v8 =	vld [tilespmem:s26+$0xFFFFFFE0];
	_ =	sdelay $0x4  }
0x184: {  	vm0 =	vge.s32 v8, v0;
	vm1 =	vlt.s32 v8, v1  }
0x185: {  	vm0 =	vmand vm0, vm1  }
0x186: {  	v8 =	vsel vm0, $0x1, v2  }
0x187: {  	v9 =	vor.u32 s21, v3;
	v8 =	vxor.u32 $0x80000001, v8  }
0x188: {  	(xrf1) =	vsort.ascd.msk.u32 $0xffff, v8, v9;
	_ =	sdelay $0xd  }
0x189: {  	_, v8, _ =	vpop (xrf1)  }
0x18a: {  	[tilespmem:s21+$0x4000] =	vst v8  }
0x18b: {  	v8 =	vld [tilespmem:s26+$0xFFFFFFF0];
	_ =	sdelay $0x4  }
0x18c: {  	v58 =	vmpcnt.ones.xlane vm0;
	vm10 =	vge.s32 v8, v0;
	vm11 =	vlt.s32 v8, v1  }
0x18d: {  	vm0 =	vmand vm10, vm11  }
0x18e: {  	s3 =	simm.s32 $0x10;
	(v2sf) =	vpush v58, $0x0;
	v8 =	vsel vm0, $0x1, v2  }
0x18f: {  	v59 =	vor.u32 s3, v3;
	v8 =	vxor.u32 $0x80000001, v8  }
0x190: {  	(xrf1) =	vsort.ascd.msk.u32 $0xffff, v8, v59;
	_ =	sdelay $0xc  }
0x191: {  	s28 =	spop (v2sf)  }
0x192: {  	s3 =	sadd.s32 $0x0, s28;
	_, v8, _ =	vpop (xrf1)  }
0x193: {  	[tilespmem:s3+$0x4000] =	vst v8  }
0x194: {  	v8 =	vld [tilespmem:s26+$0x0];
	_ =	sdelay $0x4  }
0x195: {  	v60 =	vmpcnt.ones.xlane vm0;
	vm12 =	vge.s32 v8, v0;
	vm13 =	vlt.s32 v8, v1  }
0x196: {  	vm0 =	vmand vm12, vm13  }
0x197: {  	s4 =	simm.s32 $0x20;
	(v2sf) =	vpush v60, $0x0;
	v8 =	vsel vm0, $0x1, v2  }
0x198: {  	v61 =	vor.u32 s4, v3;
	v8 =	vxor.u32 $0x80000001, v8  }
0x199: {  	(xrf1) =	vsort.ascd.msk.u32 $0xffff, v8, v61;
	_ =	sdelay $0xc  }
0x19a: {  	s29 =	spop (v2sf)  }
0x19b: {  	s3 =	sadd.s32 s3, s29;
	_, v8, _ =	vpop (xrf1)  }
0x19c: {  	[tilespmem:s3+$0x4000] =	vst v8  }
0x19d: {  	v8 =	vld [tilespmem:s26+$0x10];
	_ =	sdelay $0x4  }
0x19e: {  	v62 =	vmpcnt.ones.xlane vm0;
	vm14 =	vge.s32 v8, v0;
	vm15 =	vlt.s32 v8, v1  }
0x19f: {  	vm0 =	vmand vm14, vm15  }
0x1a0: {  	s30 =	simm.s32 $0x30;
	(v2sf) =	vpush v62, $0x0;
	v8 =	vsel vm0, $0x1, v2;
	v63 =	vmpcnt.ones.xlane vm0  }
0x1a1: {  	v10 =	vor.u32 s30, v3;
	v8 =	vxor.u32 $0x80000001, v8  }
0x1a2: {  	(xrf1) =	vsort.ascd.msk.u32 $0xffff, v8, v10;
	(v2sf) =	vpush v63, $0x0;
	_ =	sdelay $0xc  }
0x1a3: {  	s31 =	spop (v2sf)  }
0x1a4: {  	s0 =	sadd.s32 s3, s31;
	_, v8, _ =	vpop (xrf1)  }
0x1a5: {  	s23 =	simm.s32 $0x4;
	s22 =	simm.s32 $0x60;
	[tilespmem:s0+$0x4000] =	vst v8;
	s3 =	spop (v2sf)  }
.LBB2_22:
0x1a6: {  	s23 =	sadd.s32 $0x4, s23;
	v8 =	vld [tilespmem:s22+$0xFFFFFFE0];
	s0 =	sadd.s32 s0, s3;
	s21 =	sadd.s32 $0x40, s21  }
0x1a7: {  	p0 =	slt.u32 s23, $0x3FC;
	_ =	sdelay $0x3  }
0x1a8: {  	vm0 =	vge.s32 v8, v0;
	vm1 =	vlt.s32 v8, v1  }
0x1a9: {  	vm0 =	vmand vm0, vm1  }
0x1aa: {  	v8 =	vsel vm0, $0x1, v2;
	v9 =	vmpcnt.ones.xlane vm0  }
0x1ab: {  	v10 =	vor.u32 s21, v3;
	v8 =	vxor.u32 $0x80000001, v8  }
0x1ac: {  	(xrf1) =	vsort.ascd.msk.u32 $0xffff, v8, v10;
	(v2sf) =	vpush v9, $0x0;
	_ =	sdelay $0xd  }
0x1ad: {  	_, v8, _ =	vpop (xrf1)  }
0x1ae: {  	[tilespmem:s0+$0x4000] =	vst v8;
	s3 =	spop (v2sf)  }
0x1af: {  	v8 =	vld [tilespmem:s22+$0xFFFFFFF0];
	_ =	sdelay $0x4  }
0x1b0: {  	vm0 =	vge.s32 v8, v0;
	vm1 =	vlt.s32 v8, v1  }
0x1b1: {  	vm0 =	vmand vm0, vm1  }
0x1b2: {  	s4 =	sadd.s32 $0x10, s21;
	v8 =	vsel vm0, $0x1, v2;
	v9 =	vmpcnt.ones.xlane vm0  }
0x1b3: {  	v10 =	vor.u32 s4, v3;
	v8 =	vxor.u32 $0x80000001, v8  }
0x1b4: {  	(xrf1) =	vsort.ascd.msk.u32 $0xffff, v8, v10;
	(v2sf) =	vpush v9, $0x0;
	_ =	sdelay $0xd  }
0x1b5: {  	s0 =	sadd.s32 s0, s3;
	_, v8, _ =	vpop (xrf1)  }
0x1b6: {  	[tilespmem:s0+$0x4000] =	vst v8;
	s3 =	spop (v2sf)  }
0x1b7: {  	s0 =	sadd.s32 s0, s3;
	v8 =	vld [tilespmem:s22+$0x0];
	_ =	sdelay $0x4  }
0x1b8: {  	vm0 =	vge.s32 v8, v0;
	vm1 =	vlt.s32 v8, v1  }
0x1b9: {  	vm0 =	vmand vm0, vm1  }
0x1ba: {  	s3 =	sadd.s32 $0x20, s21;
	v8 =	vsel vm0, $0x1, v2;
	v9 =	vmpcnt.ones.xlane vm0  }
0x1bb: {  	v10 =	vor.u32 s3, v3;
	v8 =	vxor.u32 $0x80000001, v8  }
0x1bc: {  	(xrf1) =	vsort.ascd.msk.u32 $0xffff, v8, v10;
	(v2sf) =	vpush v9, $0x0;
	_ =	sdelay $0xd  }
0x1bd: {  	_, v8, _ =	vpop (xrf1)  }
0x1be: {  	[tilespmem:s0+$0x4000] =	vst v8;
	s3 =	spop (v2sf)  }
0x1bf: {  	v8 =	vld [tilespmem:s22+$0x10];
	_ =	sdelay $0x4  }
0x1c0: {  	vm0 =	vge.s32 v8, v0;
	vm1 =	vlt.s32 v8, v1  }
0x1c1: {  	vm0 =	vmand vm0, vm1  }
0x1c2: {  	s4 =	sadd.s32 $0x30, s21;
	v8 =	vsel vm0, $0x1, v2;
	v9 =	vmpcnt.ones.xlane vm0  }
0x1c3: {  	v10 =	vor.u32 s4, v3;
	v8 =	vxor.u32 $0x80000001, v8  }
0x1c4: {  	(xrf1) =	vsort.ascd.msk.u32 $0xffff, v8, v10;
	(v2sf) =	vpush v9, $0x0;
	_ =	sdelay $0xa  }
.Ltmp19:
0x1c5: {  	(pc) =	sbr.rel @p0 .LBB2_22-.Ltmp19, $3  }
0x1c6: {  	_ =	sdelay $0x1  }
0x1c7: {  	s0 =	sadd.s32 s0, s3;
	_, v8, _ =	vpop (xrf1)  }
0x1c8: {  	s22 =	sadd.s32 $0x40, s22;
	[tilespmem:s0+$0x4000] =	vst v8;
	s3 =	spop (v2sf)  }
0x1c9: {  	v8 =	vld [tilespmem:s22+$0xFFFFFFE0];
	_ =	sdelay $0x4  }
0x1ca: {  	vm0 =	vge.s32 v8, v0;
	vm1 =	vlt.s32 v8, v1  }
0x1cb: {  	vm0 =	vmand vm0, vm1  }
0x1cc: {  	s4 =	sadd.s32 $0x40, s21;
	v8 =	vsel vm0, $0x1, v2  }
0x1cd: {  	v9 =	vor.u32 s4, v3;
	v8 =	vxor.u32 $0x80000001, v8  }
0x1ce: {  	(xrf1) =	vsort.ascd.msk.u32 $0xffff, v8, v9;
	_ =	sdelay $0xd  }
0x1cf: {  	s0 =	sadd.s32 s0, s3;
	_, v8, _ =	vpop (xrf1)  }
0x1d0: {  	[tilespmem:s0+$0x4000] =	vst v8  }
0x1d1: {  	v8 =	vld [tilespmem:s22+$0xFFFFFFF0];
	_ =	sdelay $0x4  }
0x1d2: {  	v58 =	vmpcnt.ones.xlane vm0;
	vm10 =	vge.s32 v8, v0;
	vm11 =	vlt.s32 v8, v1  }
0x1d3: {  	vm0 =	vmand vm10, vm11  }
0x1d4: {  	s18 =	sadd.s32 $0x10, s4;
	(v2sf) =	vpush v58, $0x0;
	v8 =	vsel vm0, $0x1, v2  }
0x1d5: {  	v59 =	vor.u32 s18, v3;
	v8 =	vxor.u32 $0x80000001, v8  }
0x1d6: {  	(xrf1) =	vsort.ascd.msk.u32 $0xffff, v8, v59;
	_ =	sdelay $0xc  }
0x1d7: {  	s21 =	spop (v2sf)  }
0x1d8: {  	s0 =	sadd.s32 s0, s21;
	_, v8, _ =	vpop (xrf1)  }
0x1d9: {  	[tilespmem:s0+$0x4000] =	vst v8  }
0x1da: {  	v8 =	vld [tilespmem:s22+$0x0];
	_ =	sdelay $0x4  }
0x1db: {  	v60 =	vmpcnt.ones.xlane vm0;
	vm12 =	vge.s32 v8, v0;
	vm13 =	vlt.s32 v8, v1  }
0x1dc: {  	vm0 =	vmand vm12, vm13  }
0x1dd: {  	s23 =	sadd.s32 $0x20, s4;
	(v2sf) =	vpush v60, $0x0;
	v8 =	vsel vm0, $0x1, v2  }
0x1de: {  	v61 =	vor.u32 s23, v3;
	v8 =	vxor.u32 $0x80000001, v8  }
0x1df: {  	(xrf1) =	vsort.ascd.msk.u32 $0xffff, v8, v61;
	_ =	sdelay $0xc  }
0x1e0: {  	s24 =	spop (v2sf)  }
0x1e1: {  	s0 =	sadd.s32 s0, s24;
	_, v8, _ =	vpop (xrf1)  }
0x1e2: {  	[tilespmem:s0+$0x4000] =	vst v8  }
0x1e3: {  	v8 =	vld [tilespmem:s22+$0x10];
	_ =	sdelay $0x4  }
0x1e4: {  	vm14 =	vge.s32 v8, v0;
	vm2 =	vlt.s32 v8, v1  }
0x1e5: {  	v8 =	vmpcnt.ones.xlane vm0;
	vm15 =	vmand vm14, vm2  }
0x1e6: {  	v62 =	vmpcnt.ones.xlane vm15  }
0x1e7: {  	s25 =	sadd.s32 $0x30, s4;
	(v2sf) =	vpush v8, $0x0;
	v8 =	vsel vm15, $0x1, v2  }
0x1e8: {  	v63 =	vor.u32 s25, v3;
	v8 =	vxor.u32 $0x80000001, v8;
	(v2sf) =	vpush v62, $0x0  }
0x1e9: {  	(xrf1) =	vsort.ascd.msk.u32 $0xffff, v8, v63;
	_ =	sdelay $0xc  }
0x1ea: {  	s26 =	spop (v2sf)  }
0x1eb: {  	s0 =	sadd.s32 s0, s26;
	_, v8, _ =	vpop (xrf1);
	s28 =	spop (v2sf)  }
0x1ec: {  	[tilespmem:s0+$0x4000] =	vst v8;
	s3 =	sadd.s32 s0, s28  }
0x1ed: {  	s29 =	sadd.s32 $0x1F, s3;
	[tilespmem:s3+$0x4000] =	vst v2  }
0x1ee: {  	s31 =	simm.s32 $0x8080;
	[tilespmem:s3+$0x4010] =	vst v2;
	s8 =	sand.u32 $0x1F, s29  }
0x1ef: {  	[tilespmem:s31], [sflag:$0x2] =	stream.strided.gather [hbm4b:s12+s16], $0xA000, s17, s16, $0x38;
	[tilespmem:$0x1D100] =	vst v63  }
0x1f0: {  	s18 =	sshra.s32 s29, $0x1F;
	p0 =	slt.s32 s29, $0x1;
	p1 =	sne.s32 s8, $0x0  }
.Ltmp20:
0x1f1: {  	s30 =	sshrl.u32 s18, $0x1B;
	p0 =	por !p0, !p1;
	(pc) =	sbr.rel .LBB2_25-.Ltmp20, $4  }
0x1f2: {  	s4 =	simm.s32 $0x1;
	s0 =	sadd.s32 s30, s29;
	p0 =	por !p0, !p0  }
0x1f3: {  	s0 =	sshra.s32 s0, $0x5;
	s4 =	simm.s32 @!p0 $0x0  }
0x1f4: {  	s21 =	ssub.s32 s0, s4  }
0x1f5: {  	s22 =	simm.s32 $0x0;
	p0 =	slt.s32 s21, $0x1  }
.LBB2_40:
0x1f6: {  	[sflag:s15] =	ssyncadd.s32 $0xFFFFFFC0  }
.LBB2_24:
0x1f7: {  	p1 =	seq.s32 s22, s1  }
.Ltmp21:
0x1f8: {  	_ = 	snop;
	(pc) =	sbr.rel @p1 .LBB2_41-.Ltmp21, $1  }
0x1f9: {  	_ =	sdelay $0x3  }
.LBB2_25:
0x1fa: {  	s3 =	smov.u32 s22;
	s0 =	sand.u32 $0x1, s22;
	s22 =	sadd.s32 $0x1, s22  }
0x1fb: {  	s4 =	simm.s32 $0x3;
	p2 =	seq.s32 s0, $0x1;
	p1 =	sge.u32 s22, s1  }
0x1fc: {  	s4 =	simm.s32 @!p2 $0x2;
	s8 =	sadd.s32 @!p1 s2, s22  }
0x1fd: {  	s18 =	sand.u32 @!p1 $0x1, s22;
	_ =	swait.ge [sflag:s4], $0xA000;
	s8 =	smul.u32 @!p1 $0x280, s8  }
0x1fe: {  	p2 =	seq.s32 @!p1 s18, $0x1;
	[sflag:s4] =	ssyncset.done $0x0  }
0x1ff: {  	p3 =	por p2, p1;
	[sflag:s4] =	ssyncadd.s32 $0xFFFF6000;
	s4 =	sadd.s32 @!p1 s6, s8  }
0x200: {  	s8 =	simm.s32 @!p3 $0x1400;
	s18 =	simm.s32 @!p3 $0x7A1400;
	s23 =	simm.s32 @!p3 $0x8080  }
0x201: {  	[tilespmem:s23], [sflag:$0x2] =	stream.strided.gather @!p3 [hbm4b:s4+s8], $0xA000, s18, s8, $0x38;
	[tilespmem:$0x1D100] =	vst v63  }
.Ltmp22:
0x202: {  	_ = 	snop;
	(pc) =	sbr.rel @p0 .LBB2_24-.Ltmp22, $4  }
0x203: {  	p3 =	sne.s32 @!p3 s0, $0x0  }
0x204: {  	p2 =	por @!p1 p2, !p3  }
0x205: {  	p1 =	por p1, !p2  }
0x206: {  	[tilespmem:s19], [sflag:$0x3] =	stream.strided.gather @!p1 [hbm4b:s4+s16], $0xA000, s17, s16, $0x38;
	[tilespmem:$0x1D100] =	vst v63  }
0x207: {  	s0 =	smul.u32 $0x28000, s0  }
.Ltmp23:
0x208: {  	s3 =	sadd.s32 s2, s3;
	(pc) =	sbr.rel .LBB2_27-.Ltmp23, $3  }
0x209: {  	s3 =	smul.u32 $0x280, s3;
	_ =	sdelay $0x1  }
0x20a: {  	s0 =	sshrl.u32 s0, $0x2;
	s4 =	sadd.s32 $0x280, s3  }
0x20b: {  	s23 =	simm.s32 $0x0;
	s25 =	simm.s32 $0x0;
	v8 =	vmov s3;
	s24 =	sadd.s32 $0x8080, s0;
	v9 =	vmov s4  }
.LBB2_32:
0x20c: {  	s23 =	smov.u32 s28  }
.LBB2_36:
0x20d: {  	s25 =	sadd.s32 $0x1, s25  }
0x20e: {  	p1 =	sne.s32 s25, s21  }
.Ltmp24:
0x20f: {  	_ = 	snop;
	(pc) =	sbr.rel @!p1 .LBB2_37-.Ltmp24, $1  }
0x210: {  	_ =	sdelay $0x3  }
.LBB2_27:
0x211: {  	s0 =	sshll.u32 s25, $0x7  }
0x212: {  	s29 =	sshra.s32 s0, $0x2  }
0x213: {  	v10 =	vld [tilespmem:s29+$0x4000];
	_ =	sdelay $0x7  }
0x214: {  	v11 =	vld.idx.msk [tilespmem:v10+s10+$0x0], $0xffff;
	_ =	sdelay $0x4  }
0x215: {  	vm0 =	vge.s32 v11, v8;
	vm1 =	vlt.s32 v11, v9  }
0x216: {  	vm0 =	vmand vm0, vm1  }
0x217: {  	v12 =	vmpcnt.ones.xlane vm0;
	_ =	sdelay $0x1  }
0x218: {  	(v2sf) =	vpush v12, $0x0;
	_ =	sdelay $0xe  }
0x219: {  	s26 =	spop (v2sf)  }
0x21a: {  	p1 =	slt.s32 s26, $0x1  }
.Ltmp25:
0x21b: {  	_ = 	snop;
	(pc) =	sbr.rel @p1 .LBB2_31-.Ltmp25, $2  }
0x21c: {  	_ =	sdelay $0x2  }
0x21d: {  	s28 =	smov.u32 s23  }
0x21e: {  	v10 =	vmul.u32 $0x280, v10  }
0x21f: {  	v11 =	vsub.s32 v11, v8;
	v12 =	vsel vm0, $0x1, v2  }
0x220: {  	v10 =	vadd.s32 v10, v11;
	v11 =	vxor.u32 $0x80000001, v12  }
0x221: {  	(xrf1) =	vsort.ascd.msk.u32 $0xffff, v11, v10;
	_ =	sdelay $0xd  }
0x222: {  	_, v10, _ =	vpop (xrf1)  }
0x223: {  	s0 =	simm.s32 $0x1D080;
	[tilespmem:$0x1D080] =	vst v10  }
0x224: {  	v10 =	vld [tilespmem:s0+$0x0];
	_ =	sdelay $0x4  }
0x225: {  	(v2sf) =	vpush v10, $0x0;
	_ =	sdelay $0xe  }
0x226: {  	s18 =	spop (v2sf)  }
0x227: {  	s3 =	smulhi.u32 $0x66666667, s18;
	s4 =	sshra.s32 s18, $0x1F  }
0x228: {  	s4 =	smul.u32 $0x66666667, s4;
	_ =	sdelay $0x1  }
0x229: {  	s3 =	sadd.s32 s4, s3  }
0x22a: {  	s4 =	sshrl.u32 s3, $0x1F;
	s3 =	sshra.s32 s3, $0x8  }
0x22b: {  	s3 =	sadd.s32 s4, s3  }
0x22c: {  	s4 =	smul.u32 $0xFFFFFD80, s3;
	_ =	sdelay $0x1  }
0x22d: {  	s0 =	sadd.s32 s18, s4  }
0x22e: {  	v10 =	vmov s0  }
0x22f: {  	v11 =	vshll.u32 v10, $0x3  }
0x230: {  	v10 =	vand.u32 $0x7F, v10;
	v11 =	vand.u32 $0xFFFFFC00, v11  }
0x231: {  	v10 =	vor.u32 v10, v11  }
0x232: {  	p1 =	slt.s32 s23, $0x40;
	v11 =	vadd.s32 v4, v10  }
0x233: {  	s0 =	simm.s32 @!p1 $0x1  }
0x234: {  	_ =	swait.ge @!p1 [sflag:s0], $0x40  }
0x235: {  	[sflag:s0] =	ssyncset.done @!p1 $0x0  }
0x236: {  	[sflag:s0] =	ssyncadd.s32 @!p1 $0xFFFFFFC0  }
0x237: {  	v11 =	vld.idx.msk [tilespmem:v11+s24+$0x0], $0xffff  }
0x238: {  	v62 =	vadd.s32 v5, v10;
	_ =	sdelay $0x1  }
0x239: {  	s8 =	sshll.u32 s23, $0x6  }
0x23a: {  	s18 =	sand.u32 $0xFC0, s8  }
0x23b: {  	[tilespmem:s18+$0x1C080] =	vst v11  }
0x23c: {  	v11 =	vld.idx.msk [tilespmem:v62+s24+$0x0], $0xffff  }
0x23d: {  	v63 =	vadd.s32 v6, v10;
	_ =	sdelay $0x3  }
0x23e: {  	[tilespmem:s18+$0x1C090] =	vst v11  }
0x23f: {  	v11 =	vld.idx.msk [tilespmem:v63+s24+$0x0], $0xffff  }
0x240: {  	v10 =	vadd.s32 v7, v10;
	_ =	sdelay $0x3  }
0x241: {  	s30 =	sadd.s32 $0xFFFFFFFF, s26;
	[tilespmem:s18+$0x1C0A0] =	vst v11  }
0x242: {  	p1 =	sne.s32 s30, $0x0;
	v10 =	vld.idx.msk [tilespmem:v10+s24+$0x0], $0xffff  }
.Ltmp26:
0x243: {  	_ = 	snop;
	(pc) =	sbr.rel @!p1 .LBB2_30-.Ltmp26, $4  }
0x244: {  	_ = 	snop  }
0x245: {  	s28 =	sadd.s32 s23, s26;
	s3 =	sshll.u32 s3, $0x3  }
0x246: {  	s31 =	sadd.s32 $0x40, s8;
	s3 =	sand.u32 $0x1FFFFFF8, s3;
	s8 =	simm.s32 $0x1D081  }
0x247: {  	s3 =	sadd.s32 s9, s3;
	s4 =	sadd.s32 $0x1C080, s18;
	s0 =	sadd.s32 $0x1, s23;
	[tilespmem:s18+$0x1C0B0] =	vst v10  }
.LBB2_29:
0x248: {  	[hbm4b:s3+s10] =	stream.linear.scatter [tilespmem:s4], [sflag:$0x1], $0x40, $0x38;
	[tilespmem:$0x1D100] =	vst v63  }
0x249: {  	s30 =	sadd.s32 $0xFFFFFFFF, s30;
	v10 =	vld [tilespmem:s8+$0x0]  }
0x24a: {  	p1 =	sne.s32 s30, $0x0;
	_ =	sdelay $0x3  }
0x24b: {  	(v2sf) =	vpush v10, $0x0;
	_ =	sdelay $0xe  }
0x24c: {  	s4 =	spop (v2sf)  }
0x24d: {  	s3 =	smulhi.u32 $0x66666667, s4;
	s18 =	sshra.s32 s4, $0x1F  }
0x24e: {  	s18 =	smul.u32 $0x66666667, s18;
	_ =	sdelay $0x1  }
0x24f: {  	s3 =	sadd.s32 s18, s3  }
0x250: {  	s18 =	sshrl.u32 s3, $0x1F;
	s3 =	sshra.s32 s3, $0x8  }
0x251: {  	s3 =	sadd.s32 s18, s3  }
0x252: {  	s18 =	smul.u32 $0xFFFFFD80, s3;
	s3 =	sshll.u32 s3, $0x3  }
0x253: {  	s3 =	sand.u32 $0x1FFFFFF8, s3  }
0x254: {  	s4 =	sadd.s32 s4, s18  }
0x255: {  	v10 =	vmov s4  }
0x256: {  	v11 =	vshll.u32 v10, $0x3  }
0x257: {  	v10 =	vand.u32 $0x7F, v10;
	v11 =	vand.u32 $0xFFFFFC00, v11  }
0x258: {  	v10 =	vor.u32 v10, v11  }
0x259: {  	p2 =	slt.s32 s0, $0x40;
	v11 =	vadd.s32 v4, v10  }
0x25a: {  	s4 =	simm.s32 @!p2 $0x1  }
0x25b: {  	_ =	swait.ge @!p2 [sflag:s4], $0x40  }
0x25c: {  	[sflag:s4] =	ssyncset.done @!p2 $0x0  }
0x25d: {  	[sflag:s4] =	ssyncadd.s32 @!p2 $0xFFFFFFC0  }
0x25e: {  	v11 =	vld.idx.msk [tilespmem:v11+s24+$0x0], $0xffff;
	_ =	sdelay $0x1  }
0x25f: {  	v12 =	vadd.s32 v5, v10;
	_ =	sdelay $0x2  }
0x260: {  	s18 =	sand.u32 $0xFC0, s31  }
0x261: {  	[tilespmem:s18+$0x1C080] =	vst v11  }
0x262: {  	v11 =	vld.idx.msk [tilespmem:v12+s24+$0x0], $0xffff;
	_ =	sdelay $0x1  }
0x263: {  	v12 =	vadd.s32 v6, v10;
	_ =	sdelay $0x3  }
0x264: {  	[tilespmem:s18+$0x1C090] =	vst v11  }
0x265: {  	v11 =	vld.idx.msk [tilespmem:v12+s24+$0x0], $0xffff;
	_ =	sdelay $0x1  }
0x266: {  	v10 =	vadd.s32 v7, v10;
	_ =	sdelay $0x3  }
0x267: {  	[tilespmem:s18+$0x1C0A0] =	vst v11  }
0x268: {  	v10 =	vld.idx.msk [tilespmem:v10+s24+$0x0], $0xffff;
	_ =	sdelay $0x1  }
.Ltmp27:
0x269: {  	(pc) =	sbr.rel @p1 .LBB2_29-.Ltmp27, $3  }
0x26a: {  	_ =	sdelay $0x1  }
0x26b: {  	s8 =	sadd.s32 $0x1, s8;
	s31 =	sadd.s32 $0x40, s31  }
0x26c: {  	s0 =	sadd.s32 $0x1, s0;
	s3 =	sadd.s32 s9, s3;
	s4 =	sadd.s32 $0x1C080, s18;
	[tilespmem:s18+$0x1C0B0] =	vst v10  }
.LBB2_30:
0x26d: {  	[hbm4b:s3+s10] =	stream.linear.scatter [tilespmem:s4], [sflag:$0x1], $0x40, $0x38;
	[tilespmem:$0x1D100] =	vst v63  }
.LBB2_31:
0x26e: {  	v10 =	vld [tilespmem:s29+$0x4010];
	_ =	sdelay $0x7  }
0x26f: {  	v11 =	vld.idx.msk [tilespmem:v10+s10+$0x0], $0xffff;
	_ =	sdelay $0x4  }
0x270: {  	vm0 =	vge.s32 v11, v8;
	vm1 =	vlt.s32 v11, v9  }
0x271: {  	vm0 =	vmand vm0, vm1  }
0x272: {  	v12 =	vmpcnt.ones.xlane vm0;
	_ =	sdelay $0x1  }
0x273: {  	(v2sf) =	vpush v12, $0x0;
	_ =	sdelay $0xe  }
0x274: {  	s0 =	spop (v2sf)  }
0x275: {  	p1 =	slt.s32 s0, $0x1  }
.Ltmp28:
0x276: {  	_ = 	snop;
	(pc) =	sbr.rel @p1 .LBB2_32-.Ltmp28, $1  }
0x277: {  	_ =	sdelay $0x3  }
0x278: {  	v10 =	vmul.u32 $0x280, v10  }
0x279: {  	v11 =	vsub.s32 v11, v8;
	v12 =	vsel vm0, $0x1, v2  }
0x27a: {  	v10 =	vadd.s32 v10, v11;
	v11 =	vxor.u32 $0x80000001, v12  }
0x27b: {  	(xrf1) =	vsort.ascd.msk.u32 $0xffff, v11, v10;
	_ =	sdelay $0xd  }
0x27c: {  	_, v10, _ =	vpop (xrf1)  }
0x27d: {  	s3 =	simm.s32 $0x1D080;
	[tilespmem:$0x1D080] =	vst v10  }
0x27e: {  	v10 =	vld [tilespmem:s3+$0x0];
	_ =	sdelay $0x4  }
0x27f: {  	(v2sf) =	vpush v10, $0x0;
	_ =	sdelay $0xe  }
0x280: {  	s18 =	spop (v2sf)  }
0x281: {  	s4 =	smulhi.u32 $0x66666667, s18;
	s8 =	sshra.s32 s18, $0x1F  }
0x282: {  	s8 =	smul.u32 $0x66666667, s8;
	_ =	sdelay $0x1  }
0x283: {  	s4 =	sadd.s32 s8, s4  }
0x284: {  	s8 =	sshrl.u32 s4, $0x1F;
	s4 =	sshra.s32 s4, $0x8  }
0x285: {  	s4 =	sadd.s32 s8, s4  }
0x286: {  	s8 =	smul.u32 $0xFFFFFD80, s4;
	_ =	sdelay $0x1  }
0x287: {  	s3 =	sadd.s32 s18, s8  }
0x288: {  	v10 =	vmov s3  }
0x289: {  	v11 =	vshll.u32 v10, $0x3  }
0x28a: {  	v10 =	vand.u32 $0x7F, v10;
	v11 =	vand.u32 $0xFFFFFC00, v11  }
0x28b: {  	v10 =	vor.u32 v10, v11  }
0x28c: {  	p1 =	slt.s32 s28, $0x40;
	v11 =	vadd.s32 v4, v10  }
0x28d: {  	s3 =	simm.s32 @!p1 $0x1  }
0x28e: {  	_ =	swait.ge @!p1 [sflag:s3], $0x40  }
0x28f: {  	[sflag:s3] =	ssyncset.done @!p1 $0x0  }
0x290: {  	[sflag:s3] =	ssyncadd.s32 @!p1 $0xFFFFFFC0  }
0x291: {  	v11 =	vld.idx.msk [tilespmem:v11+s24+$0x0], $0xffff  }
0x292: {  	v62 =	vadd.s32 v5, v10;
	_ =	sdelay $0x1  }
0x293: {  	s3 =	sshll.u32 s28, $0x6  }
0x294: {  	s18 =	sand.u32 $0xFC0, s3  }
0x295: {  	[tilespmem:s18+$0x1C080] =	vst v11  }
0x296: {  	v11 =	vld.idx.msk [tilespmem:v62+s24+$0x0], $0xffff  }
0x297: {  	v63 =	vadd.s32 v6, v10;
	_ =	sdelay $0x3  }
0x298: {  	[tilespmem:s18+$0x1C090] =	vst v11  }
0x299: {  	v11 =	vld.idx.msk [tilespmem:v63+s24+$0x0], $0xffff  }
0x29a: {  	v10 =	vadd.s32 v7, v10;
	_ =	sdelay $0x3  }
0x29b: {  	s29 =	sadd.s32 $0xFFFFFFFF, s0;
	p1 =	sgt.s32 s26, $0x0;
	[tilespmem:s18+$0x1C0A0] =	vst v11  }
0x29c: {  	s26 =	simm.s32 @!p1 $0x0;
	p1 =	sne.s32 s29, $0x0;
	v10 =	vld.idx.msk [tilespmem:v10+s24+$0x0], $0xffff  }
.Ltmp29:
0x29d: {  	_ = 	snop;
	(pc) =	sbr.rel @!p1 .LBB2_35-.Ltmp29, $4  }
0x29e: {  	s31 =	sshll.u32 s4, $0x3  }
0x29f: {  	s30 =	sadd.s32 s23, s0;
	s0 =	sand.u32 $0x1FFFFFF8, s31  }
0x2a0: {  	s8 =	simm.s32 $0x1D081;
	s23 =	sadd.s32 s26, s30;
	s26 =	sadd.s32 $0x40, s3  }
0x2a1: {  	s4 =	sadd.s32 $0x1C080, s18;
	s3 =	sadd.s32 s9, s0;
	s0 =	sadd.s32 $0x1, s28;
	[tilespmem:s18+$0x1C0B0] =	vst v10  }
.LBB2_34:
0x2a2: {  	[hbm4b:s3+s10] =	stream.linear.scatter [tilespmem:s4], [sflag:$0x1], $0x40, $0x38;
	[tilespmem:$0x1D100] =	vst v63  }
0x2a3: {  	s29 =	sadd.s32 $0xFFFFFFFF, s29;
	v10 =	vld [tilespmem:s8+$0x0]  }
0x2a4: {  	p1 =	sne.s32 s29, $0x0;
	_ =	sdelay $0x3  }
0x2a5: {  	(v2sf) =	vpush v10, $0x0;
	_ =	sdelay $0xe  }
0x2a6: {  	s4 =	spop (v2sf)  }
0x2a7: {  	s3 =	smulhi.u32 $0x66666667, s4;
	s18 =	sshra.s32 s4, $0x1F  }
0x2a8: {  	s18 =	smul.u32 $0x66666667, s18;
	_ =	sdelay $0x1  }
0x2a9: {  	s3 =	sadd.s32 s18, s3  }
0x2aa: {  	s18 =	sshrl.u32 s3, $0x1F;
	s3 =	sshra.s32 s3, $0x8  }
0x2ab: {  	s3 =	sadd.s32 s18, s3  }
0x2ac: {  	s18 =	smul.u32 $0xFFFFFD80, s3;
	s3 =	sshll.u32 s3, $0x3  }
0x2ad: {  	s3 =	sand.u32 $0x1FFFFFF8, s3  }
0x2ae: {  	s4 =	sadd.s32 s4, s18  }
0x2af: {  	v10 =	vmov s4  }
0x2b0: {  	v11 =	vshll.u32 v10, $0x3  }
0x2b1: {  	v10 =	vand.u32 $0x7F, v10;
	v11 =	vand.u32 $0xFFFFFC00, v11  }
0x2b2: {  	v10 =	vor.u32 v10, v11  }
0x2b3: {  	p2 =	slt.s32 s0, $0x40;
	v11 =	vadd.s32 v4, v10  }
0x2b4: {  	s4 =	simm.s32 @!p2 $0x1  }
0x2b5: {  	_ =	swait.ge @!p2 [sflag:s4], $0x40  }
0x2b6: {  	[sflag:s4] =	ssyncset.done @!p2 $0x0  }
0x2b7: {  	[sflag:s4] =	ssyncadd.s32 @!p2 $0xFFFFFFC0  }
0x2b8: {  	v11 =	vld.idx.msk [tilespmem:v11+s24+$0x0], $0xffff;
	_ =	sdelay $0x1  }
0x2b9: {  	v12 =	vadd.s32 v5, v10;
	_ =	sdelay $0x2  }
0x2ba: {  	s18 =	sand.u32 $0xFC0, s26  }
0x2bb: {  	[tilespmem:s18+$0x1C080] =	vst v11  }
0x2bc: {  	v11 =	vld.idx.msk [tilespmem:v12+s24+$0x0], $0xffff;
	_ =	sdelay $0x1  }
0x2bd: {  	v12 =	vadd.s32 v6, v10;
	_ =	sdelay $0x3  }
0x2be: {  	[tilespmem:s18+$0x1C090] =	vst v11  }
0x2bf: {  	v11 =	vld.idx.msk [tilespmem:v12+s24+$0x0], $0xffff;
	_ =	sdelay $0x1  }
0x2c0: {  	v10 =	vadd.s32 v7, v10;
	_ =	sdelay $0x3  }
0x2c1: {  	[tilespmem:s18+$0x1C0A0] =	vst v11  }
0x2c2: {  	v10 =	vld.idx.msk [tilespmem:v10+s24+$0x0], $0xffff;
	_ =	sdelay $0x1  }
.Ltmp30:
0x2c3: {  	(pc) =	sbr.rel @p1 .LBB2_34-.Ltmp30, $3  }
0x2c4: {  	_ =	sdelay $0x1  }
0x2c5: {  	s8 =	sadd.s32 $0x1, s8;
	s26 =	sadd.s32 $0x40, s26  }
0x2c6: {  	s0 =	sadd.s32 $0x1, s0;
	s3 =	sadd.s32 s9, s3;
	s4 =	sadd.s32 $0x1C080, s18;
	[tilespmem:s18+$0x1C0B0] =	vst v10  }
.LBB2_35:
.Ltmp31:
0x2c7: {  	(pc) =	sbr.rel .LBB2_36-.Ltmp31, $2  }
0x2c8: {  	_ =	sdelay $0x2  }
0x2c9: {  	[hbm4b:s3+s10] =	stream.linear.scatter [tilespmem:s4], [sflag:$0x1], $0x40, $0x38;
	[tilespmem:$0x1D100] =	vst v63  }
.LBB2_37:
0x2ca: {  	p1 =	slt.s32 s23, $0x1  }
.Ltmp32:
0x2cb: {  	_ = 	snop;
	(pc) =	sbr.rel @p1 .LBB2_24-.Ltmp32, $1  }
0x2cc: {  	_ =	sdelay $0x3  }
0x2cd: {  	p1 =	slt.s32 s23, $0x40  }
0x2ce: {  	s23 =	simm.s32 @!p1 $0x40  }
0x2cf: {  	p1 =	seq.s32 s23, $0x1  }
.Ltmp33:
0x2d0: {  	_ = 	snop;
	(pc) =	sbr.rel @p1 .LBB2_40-.Ltmp33, $3  }
0x2d1: {  	_ =	sdelay $0x1  }
0x2d2: {  	_ =	swait.ge [sflag:s15], $0x40  }
0x2d3: {  	[sflag:s15] =	ssyncset.done $0x0;
	s0 =	sadd.s32 $0xFFFFFFFF, s23  }
.LBB2_39:
0x2d4: {  	p1 =	seq.s32 s0, $0x1;
	s0 =	sadd.s32 $0xFFFFFFFF, s0;
	[sflag:s15] =	ssyncadd.s32 $0xFFFFFFC0  }
.Ltmp34:
0x2d5: {  	(pc) =	sbr.rel @!p1 .LBB2_39-.Ltmp34, $3  }
0x2d6: {  	_ =	sdelay $0x1  }
0x2d7: {  	_ =	swait.ge [sflag:s15], $0x40  }
0x2d8: {  	[sflag:s15] =	ssyncset.done $0x0  }
.Ltmp35:
0x2d9: {  	_ = 	snop;
	(pc) =	sbr.rel .LBB2_40-.Ltmp35, $1  }
0x2da: {  	_ =	sdelay $0x3  }
.LBB2_42:
0x2db: {  	_ =	sfence.sel $0x180000  }
0x2dc: {  	[bflag:$0x0] =	sbarrier.arrive $0xFFFF  }
0x2dd: {  	_ =	strace $0x90000047  }
0x2de: {  	s0 =	stileid.u32;
	[bflag:$0x2] =	sbarrier.arrive $0xFFFF  }
0x2df: {  	p0 =	sne.s32 s0, $0x0;
	s0 =	rddreg [dreg:$0x6]  }
0x2e0: {  	s0 =	sadd.s32 @!p0 $0x100000, s0  }
0x2e1: {  	[sflag:s0] =	ssyncadd.tile.s32 @!p0 $0x1;
	_ =	shalt  }
.Lfunc_end2:
_tile_overlayer_lowered:
.L_overlay_start_2:
0x2e2: {  	(tag) =	ssettag $0x2  }
0x2e3: {  	s0 =	rddreg [dreg:$0x0];
	s2 =	stileid.u32  }
0x2e4: {  	s1 =	rddreg [dreg:$0x1];
	p0 =	sne.s32 s2, $0x0  }
0x2e5: {  	s3 =	rddreg [dreg:$0x2];
	[bflag:$0x3] =	sbarrier.arrive $0xFFFF;
	s2 =	simm.s32 @!p0 $0x1C04  }
0x2e6: {  	[timem:s3], [sflag:s2] =	dma.local @!p0 [hbm:s0], s1  }
0x2e7: {  	s0 =	simm.s32 @!p0 $0x4  }
0x2e8: {  	_ =	swait.ge @!p0 [sflag:s0], s1  }
0x2e9: {  	s1 =	ssub.s32 @!p0 $0x0, s1;
	[sflag:s0] =	ssyncset.done @!p0 $0x0  }
0x2ea: {  	[sflag:s0] =	ssyncadd.s32 @!p0 s1  }
0x2eb: {  	[bflag:$0x3] =	sbarrier.arrive $0xFFFF  }
0x2ec: {  	_ =	shalt  }

</sc_bundles>
